<compile_context>
chip_gen: v7x
topology: tpu7x:2x2x1
jax: 0.10.2.dev20260603
libtpu: 0.0.44.dev20260713+nightly
codegen_flags: <defaults>
</compile_context>

<pallas_src>
import jax
import jax.numpy as jnp
from jax import lax
from jax.experimental import pallas as pl
from jax.experimental.pallas import tpu as pltpu
from jax.experimental.pallas import tpu_sc as plsc

K_ACTIVE = 512
ROWS = 64
N = 8192
LANES = 16
NCHUNK = N // LANES
NBINS = 256
HISTW = NBINS * LANES
TSTRIDE = 17
NSTATIC = 2
INT_MIN = -2147483648
LOW31 = 2147483647


def _encode(xv):
    b = lax.bitcast_convert_type(xv, jnp.int32)
    e = b ^ (lax.shift_right_arithmetic(b, 31) & LOW31)
    return e ^ INT_MIN


def _decode(eu):
    e = eu ^ INT_MIN
    b = e ^ (lax.shift_right_arithmetic(e, 31) & LOW31)
    return lax.bitcast_convert_type(b, jnp.float32)


def _suffix_sum(v):
    r = lax.rev(v, (0,))
    return lax.rev(plsc.cumsum(r), (0,))


def _bin1(xv):
    y = jnp.clip(xv * 8.0 + 1152.0, 1024.0, 1024.0 + NBINS)
    return jnp.clip(lax.convert_element_type(y, jnp.int32) - 1024,
                    0, NBINS - 1)


def _bin2(xv, lov):
    y = jnp.clip((xv - lov) * 2048.0, 0.0, float(NBINS))
    return jnp.clip(lax.convert_element_type(y, jnp.int32), 0, NBINS - 1)


def _kwta_sc_body(x_hbm, h_hbm, o_hbm, xrow, comb, hist, totbuf, orow, hbuf):
    wid = lax.axis_index("s") * 2 + lax.axis_index("c")
    pltpu.sync_copy(h_hbm, hbuf)
    lane = lax.iota(jnp.int32, LANES)
    ones = jnp.ones((LANES,), jnp.int32)

    def splat(s, dtype=jnp.int32):
        return jnp.broadcast_to(jnp.asarray(s, dtype), (LANES,))

    def rank_locate(kv, binofs):
        tch = jnp.zeros((LANES,), jnp.int32)
        for l in range(LANES):
            tch = tch + plsc.load_gather(
                totbuf, [(binofs + lane * LANES + l) * TSTRIDE + lane])
        st = _suffix_sum(tch)
        cs = plsc.all_reduce_population_count(st > kv) - 1
        agt = splat(jnp.sum(jnp.where(lane == cs, st - tch, 0)))
        tot_c = plsc.load_gather(
            totbuf, [(binofs + cs * LANES + lane) * TSTRIDE])
        s2 = _suffix_sum(tot_c)
        inb = plsc.all_reduce_population_count((agt + s2) > kv) - 1
        dv = cs * LANES + inb
        above = agt + splat(jnp.sum(jnp.where(lane == inb, s2 - tot_c, 0)))
        return dv, above

    def rank_locate2(kva, kvb, binofs):
        tch = jnp.zeros((LANES,), jnp.int32)
        for l in range(LANES):
            tch = tch + plsc.load_gather(
                totbuf, [(binofs + lane * LANES + l) * TSTRIDE + lane])
        st = _suffix_sum(tch)

        def one(kv):
            cs = plsc.all_reduce_population_count(st > kv) - 1
            agt = splat(jnp.sum(jnp.where(lane == cs, st - tch, 0)))
            tot_c = plsc.load_gather(
                totbuf, [(binofs + cs * LANES + lane) * TSTRIDE])
            s2 = _suffix_sum(tot_c)
            inb = plsc.all_reduce_population_count((agt + s2) > kv) - 1
            dv = cs * LANES + inb
            above = agt + splat(
                jnp.sum(jnp.where(lane == inb, s2 - tot_c, 0)))
            return dv, above

        dva, aa = one(kva)
        dvb, ab = one(kvb)
        return dva, aa, dvb, ab

    pltpu.sync_copy(x_hbm.at[pl.ds(wid * 2 * N, 2 * N)], xrow)
    for r in range(2):
        rb = r * N

        def zbody(i):
            hist[pl.ds(i * LANES, LANES)] = jnp.zeros((LANES,), jnp.int32)

        plsc.parallel_loop(0, 3 * NBINS, unroll=8)(zbody)

        def p1body(i):
            xv = xrow[pl.ds(rb + i * LANES, LANES)]
            idx = _bin1(xv) * LANES + lane
            plsc.addupdate_scatter(hist, [idx], ones)

        plsc.parallel_loop(0, NCHUNK, unroll=8)(p1body)

        def t1body(i):
            h = hist[pl.ds(i * LANES, LANES)]
            totbuf[pl.ds(i * TSTRIDE, LANES)] = splat(jnp.sum(h))

        plsc.parallel_loop(0, NBINS, unroll=8)(t1body)

        d1v, a1v, d2v, a2v = rank_locate2(
            splat(K_ACTIVE), splat(K_ACTIVE + 1), 0)
        samebin = d1v == d2v
        lo1 = lax.convert_element_type(d1v, jnp.float32) * 0.125 - 16.0
        lo2 = lax.convert_element_type(d2v, jnp.float32) * 0.125 - 16.0

        def p2body(i):
            xv = xrow[pl.ds(rb + i * LANES, LANES)]
            b1 = _bin1(xv)
            mA = b1 == d1v
            mB = b1 == d2v
            m = jnp.logical_or(mA, mB)
            b2 = jnp.where(mA, _bin2(xv, lo1), _bin2(xv, lo2))
            sel = jnp.where(mA, HISTW, 2 * HISTW)
            idx = sel + b2 * LANES + lane
            plsc.addupdate_scatter(hist, [idx], ones, mask=m)

        plsc.parallel_loop(0, NCHUNK, unroll=8)(p2body)

        def t2body(i):
            h = hist[pl.ds(HISTW + i * LANES, LANES)]
            totbuf[pl.ds((NBINS + i) * TSTRIDE, LANES)] = splat(jnp.sum(h))

        plsc.parallel_loop(0, 2 * NBINS, unroll=8)(t2body)

        e1v, ab1v = rank_locate(splat(K_ACTIVE) - a1v, splat(NBINS))
        regB = jnp.where(samebin, splat(NBINS), splat(2 * NBINS))
        kB = jnp.where(samebin, splat(K_ACTIVE + 1) - a1v,
                       splat(K_ACTIVE + 1) - a2v)
        e2v, _ = rank_locate(kB, regB)
        above = a1v + ab1v

        def p3body(i, off):
            xv = xrow[pl.ds(rb + i * LANES, LANES)]
            b1 = _bin1(xv)
            mA = jnp.logical_and(b1 == d1v, _bin2(xv, lo1) == e1v)
            mB = jnp.logical_and(b1 == d2v, _bin2(xv, lo2) == e2v)
            m = jnp.logical_or(mA, mB)
            mi = m.astype(jnp.int32)
            idx = off + plsc.cumsum(mi) - mi
            plsc.store_scatter(comb, [idx], _encode(xv), mask=m)
            return off + plsc.all_reduce_population_count(m)

        offv = plsc.parallel_loop(
            0, NCHUNK, unroll=4,
            carry=jnp.zeros((LANES,), jnp.int32))(p3body)
        cnt = offv[0]
        nch = (cnt + LANES - 1) // LANES

        def make_bsbody(with_tail):
            def bsbody(t, carry):
                p1v, k1v, p2v, k2v = carry
                iv = splat(31) - splat(t)
                bitv = lax.shift_left(ones, iv)
                mhv = lax.shift_left(splat(-1), iv)
                t1v = p1v | bitv
                t2v = p2v | bitv

                def cbody(jj, cc):
                    c1, c2 = cc
                    v = comb[pl.ds(jj * LANES, LANES)]
                    valid = (jj * LANES + lane) < offv
                    vm = v & mhv
                    m1 = jnp.logical_and(vm == t1v, valid)
                    m2 = jnp.logical_and(vm == t2v, valid)
                    return (c1 + plsc.all_reduce_population_count(m1),
                            c2 + plsc.all_reduce_population_count(m2))

                zv = jnp.zeros((LANES,), jnp.int32)
                cc = (zv, zv)
                for jj in range(NSTATIC):
                    cc = cbody(jj, cc)
                if with_tail:
                    cc = lax.fori_loop(NSTATIC, nch, cbody, cc)
                c1, c2 = cc
                take1 = k1v < c1
                p1v = jnp.where(take1, t1v, p1v)
                k1v = jnp.where(take1, k1v, k1v - c1)
                take2 = k2v < c2
                p2v = jnp.where(take2, t2v, p2v)
                k2v = jnp.where(take2, k2v, k2v - c2)
                return p1v, k1v, p2v, k2v
            return bsbody

        zv = jnp.zeros((LANES,), jnp.int32)
        bs_init = (zv, splat(K_ACTIVE) - above,
                   zv, splat(K_ACTIVE + 1) - above)
        p1v, _, p2v, _ = lax.cond(
            cnt <= NSTATIC * LANES,
            lambda: lax.fori_loop(0, 32, make_bsbody(False), bs_init),
            lambda: lax.fori_loop(0, 32, make_bsbody(True), bs_init))

        thr = (_decode(p1v) + _decode(p2v)) * 0.5
        hv = hbuf[...]

        def sgbody(i):
            xv = xrow[pl.ds(rb + i * LANES, LANES)]
            zz = hv * (xv - thr)
            orow[pl.ds(rb + i * LANES, LANES)] = 1.0 / (1.0 + jnp.exp(-zz))

        plsc.parallel_loop(0, NCHUNK, unroll=8)(sgbody)
    pltpu.sync_copy(orow, o_hbm.at[pl.ds(wid * 2 * N, 2 * N)])


@jax.jit
def _kwta_sc(x_flat, h_vec):
    mesh = plsc.VectorSubcoreMesh(
        core_axis_name="c", subcore_axis_name="s", num_cores=2,
        num_subcores=16)
    f = pl.kernel(
        _kwta_sc_body,
        out_type=jax.ShapeDtypeStruct((ROWS * N,), jnp.float32),
        mesh=mesh,
        scratch_types=[
            pltpu.VMEM((2 * N,), jnp.float32),
            pltpu.VMEM((N + LANES,), jnp.int32),
            pltpu.VMEM((3 * HISTW,), jnp.int32),
            pltpu.VMEM((3 * NBINS * TSTRIDE + LANES,), jnp.int32),
            pltpu.VMEM((2 * N,), jnp.float32),
            pltpu.VMEM((LANES,), jnp.float32),
        ],
        compiler_params=pltpu.CompilerParams(needs_layout_passes=False),
    )
    return f(x_flat, h_vec)


def kernel(x, hardness):
    x_flat = jnp.reshape(x, (ROWS * N,))
    h_vec = jnp.full((LANES,), hardness, jnp.float32)
    out = _kwta_sc(x_flat, h_vec)
    return jnp.reshape(out, (ROWS, N))

# --- scband reference (transcript-rebuilt; emitter-appended) ---
"""Pipeline reference for scband-kwinners-take-all-soft-12223476924648 (READ-ONLY COPY).

The authoritative reference and input builder live on the scoring server;
editing this copy changes nothing except your own understanding.
"""

import math
import jax, jax.numpy as jnp
import numpy as np

SPARSITY = 0.0625
HARDNESS = 10.0

def setup_inputs(seed: int = 0) -> dict:
    key = jax.random.key(seed)
    k1, _ = jax.random.split(key)
    x = jax.random.normal(k1, (64, 8192), dtype=jnp.float32)
    hardness = jnp.asarray(HARDNESS, dtype=jnp.float32)
    return {"x": x, "hardness": hardness}

def reference(x, hardness):
    # KWinnersTakeAllSoft.forward in training mode (the differentiable soft path)
    batch_size, embedding_size = x.shape
    # descending sort indices (torch: x.sort(dim=1, descending=True))
    argsort = jnp.argsort(-x, axis=1)
    k_active = math.ceil(SPARSITY * embedding_size)
    # kth_element = x[range_idx, argsort[:, k_active]]
    kth_element = jnp.take_along_axis(x, argsort[:, k_active:k_active + 1], axis=1)
    if k_active < embedding_size:
        kth_next = jnp.take_along_axis(x, argsort[:, k_active + 1:k_active + 2], axis=1)
        threshold = (kth_element + kth_next) / 2.0
    else:
        threshold = kth_element
    x_scaled = hardness * (x - threshold)
    return jax.nn.sigmoid(x_scaled)

if __name__ == "__main__":
    import jax
    _d = setup_inputs()
    print(jax.jit(kernel)(*tuple(_d.values())))

</pallas_src>

<mosaic_0001>
#map = affine_map<(d0, d1) -> (0)>
module attributes {stable_mosaic.version = 14 : i64} {
  func.func @_kwta_sc_body(%arg0: i32, %arg1: i32, %arg2: memref<524288xf32, #tpu.memory_space<hbm>>, %arg3: memref<16xf32, #tpu.memory_space<hbm>>, %arg4: memref<524288xf32, #tpu.memory_space<hbm>>, %arg5: memref<16384xf32, #tpu.memory_space<vmem>>, %arg6: memref<8208xi32, #tpu.memory_space<vmem>>, %arg7: memref<12288xi32, #tpu.memory_space<vmem>>, %arg8: memref<13072xi32, #tpu.memory_space<vmem>>, %arg9: memref<16384xf32, #tpu.memory_space<vmem>>, %arg10: memref<16xf32, #tpu.memory_space<vmem>>) attributes {dimension_semantics = [#tpu.dimension_semantics<core_parallel>, #tpu.dimension_semantics<subcore_parallel>], iteration_bounds = array<i64: 2, 16>, scalar_prefetch = 0 : i64, scratch_operands = 6 : i64, tpu.core_type = #tpu.core_type<sc_vector_subcore>, window_params = [{transform_indices = #map}, {transform_indices = #map}, {transform_indices = #map}]} {
    %mul3A = arith.constant 2 : i32
    %mul3A_0 = arith.muli %arg1, %mul3A : i32
    %add3A = arith.addi %mul3A_0, %arg0 : i32
    "tpu.region"() ({
      %run_scoped3A = tpu.sem_alloc : memref<!tpu.dma_semaphore, #tpu.memory_space<semaphore_mem>>
      tpu.enqueue_dma source(%arg3 : memref<16xf32, #tpu.memory_space<hbm>>) target(%arg10 : memref<16xf32, #tpu.memory_space<vmem>>) target_semaphore(%run_scoped3A : memref<!tpu.dma_semaphore, #tpu.memory_space<semaphore_mem>>)
      tpu.wait_dma2 semaphore(%run_scoped3A : memref<!tpu.dma_semaphore, #tpu.memory_space<semaphore_mem>>) src(%arg3 : memref<16xf32, #tpu.memory_space<hbm>>) dst(%arg10 : memref<16xf32, #tpu.memory_space<vmem>>)
      tpu.yield
    }) : () -> ()
    %iota3A = tpu.iota {dimensions = array<i32: 0>} : vector<16xi32>
    %broadcast_in_dim3A = arith.constant 1 : i32
    %broadcast_in_dim3A_1 = vector.broadcast %broadcast_in_dim3A : i32 to vector<16xi32>
    %mul3A_2 = arith.constant 2 : i32
    %mul3A_3 = arith.muli %add3A, %mul3A_2 : i32
    %mul3A_4 = arith.constant 8192 : i32
    %mul3A_5 = arith.muli %mul3A_3, %mul3A_4 : i32
    "tpu.region"() ({
      %run_scoped3A = tpu.sem_alloc : memref<!tpu.dma_semaphore, #tpu.memory_space<semaphore_mem>>
      %dma_start3A = tpu.memref_slice %arg2[%mul3A_5] : memref<524288xf32, #tpu.memory_space<hbm>> -> memref<16384xf32, #tpu.memory_space<hbm>>
      %dma_start3A_2125 = tpu.memref_slice %arg2[%mul3A_5] : memref<524288xf32, #tpu.memory_space<hbm>> -> memref<16384xf32, #tpu.memory_space<hbm>>
      tpu.enqueue_dma source(%dma_start3A_2125 : memref<16384xf32, #tpu.memory_space<hbm>>) target(%arg5 : memref<16384xf32, #tpu.memory_space<vmem>>) target_semaphore(%run_scoped3A : memref<!tpu.dma_semaphore, #tpu.memory_space<semaphore_mem>>)
      %dma_wait3A = tpu.memref_slice %arg2[%mul3A_5] : memref<524288xf32, #tpu.memory_space<hbm>> -> memref<16384xf32, #tpu.memory_space<hbm>>
      %dma_wait3A_2126 = tpu.memref_slice %arg2[%mul3A_5] : memref<524288xf32, #tpu.memory_space<hbm>> -> memref<16384xf32, #tpu.memory_space<hbm>>
      tpu.wait_dma2 semaphore(%run_scoped3A : memref<!tpu.dma_semaphore, #tpu.memory_space<semaphore_mem>>) src(%dma_wait3A_2126 : memref<16384xf32, #tpu.memory_space<hbm>>) dst(%arg5 : memref<16384xf32, #tpu.memory_space<vmem>>)
      tpu.yield
    }) : () -> ()
    %parallel_loop3A = arith.constant 0 : i32
    %parallel_loop3A_6 = arith.constant 768 : i32
    %parallel_loop3A_7 = arith.constant 1 : i32
    scf.for %parallel_loop3A_2125 = %parallel_loop3A to %parallel_loop3A_6 step %parallel_loop3A_7  : i32 {
      %parallel_loop3A_2126 = arith.constant 0 : i32
      %parallel_loop3A_2127 = vector.broadcast %parallel_loop3A_2126 : i32 to vector<16xi32>
      %parallel_loop3A_2128 = arith.constant 16 : i32
      %parallel_loop3A_2129 = arith.muli %parallel_loop3A_2125, %parallel_loop3A_2128 : i32
      %parallel_loop3A_2130 = arith.index_cast %parallel_loop3A_2129 : i32 to index
      %parallel_loop3A_2131 = tpu.vector_load %arg7[%parallel_loop3A_2130] {strides = array<i32>} : memref<12288xi32, #tpu.memory_space<vmem>>, vector<16xi32>,
      tpu.vector_store %arg7[%parallel_loop3A_2130], %parallel_loop3A_2127 {strides = array<i32>} : memref<12288xi32, #tpu.memory_space<vmem>>, vector<16xi32>,
    } {sc.loop_unroll_factor = 8 : i64, sc.parallel_access}
    %parallel_loop3A_8 = arith.constant 0 : i32
    %parallel_loop3A_9 = arith.constant 512 : i32
    %parallel_loop3A_10 = arith.constant 1 : i32
    scf.for %parallel_loop3A_2125 = %parallel_loop3A_8 to %parallel_loop3A_9 step %parallel_loop3A_10  : i32 {
      %parallel_loop3A_2126 = arith.constant 16 : i32
      %parallel_loop3A_2127 = arith.muli %parallel_loop3A_2125, %parallel_loop3A_2126 : i32
      %parallel_loop3A_2128 = arith.constant 0 : i32
      %parallel_loop3A_2129 = arith.addi %parallel_loop3A_2128, %parallel_loop3A_2127 : i32
      %parallel_loop3A_2130 = arith.index_cast %parallel_loop3A_2129 : i32 to index
      %parallel_loop3A_2131 = tpu.vector_load %arg5[%parallel_loop3A_2130] {strides = array<i32>} : memref<16384xf32, #tpu.memory_space<vmem>>, vector<16xf32>,
      %parallel_loop3A_2132 = arith.constant 8.000000e+00 : f32
      %parallel_loop3A_2133 = vector.broadcast %parallel_loop3A_2132 : f32 to vector<16xf32>
      %parallel_loop3A_2134 = arith.mulf %parallel_loop3A_2131, %parallel_loop3A_2133 : vector<16xf32>
      %parallel_loop3A_2135 = arith.constant 1.152000e+03 : f32
      %parallel_loop3A_2136 = vector.broadcast %parallel_loop3A_2135 : f32 to vector<16xf32>
      %parallel_loop3A_2137 = arith.addf %parallel_loop3A_2134, %parallel_loop3A_2136 : vector<16xf32>
      %parallel_loop3A_2138 = arith.constant 1.024000e+03 : f32
      %parallel_loop3A_2139 = arith.constant 1.280000e+03 : f32
      %parallel_loop3A_2140 = vector.broadcast %parallel_loop3A_2138 : f32 to vector<16xf32>
      %parallel_loop3A_2141 = arith.maximumf %parallel_loop3A_2140, %parallel_loop3A_2137 : vector<16xf32>
      %parallel_loop3A_2142 = vector.broadcast %parallel_loop3A_2139 : f32 to vector<16xf32>
      %parallel_loop3A_2143 = arith.minimumf %parallel_loop3A_2142, %parallel_loop3A_2141 : vector<16xf32>
      %parallel_loop3A_2144 = arith.fptosi %parallel_loop3A_2143 : vector<16xf32> to vector<16xi32>
      %parallel_loop3A_2145 = arith.constant 1024 : i32
      %parallel_loop3A_2146 = vector.broadcast %parallel_loop3A_2145 : i32 to vector<16xi32>
      %parallel_loop3A_2147 = arith.subi %parallel_loop3A_2144, %parallel_loop3A_2146 : vector<16xi32>
      %parallel_loop3A_2148 = arith.constant 0 : i32
      %parallel_loop3A_2149 = arith.constant 255 : i32
      %parallel_loop3A_2150 = vector.broadcast %parallel_loop3A_2148 : i32 to vector<16xi32>
      %parallel_loop3A_2151 = arith.maxsi %parallel_loop3A_2150, %parallel_loop3A_2147 : vector<16xi32>
      %parallel_loop3A_2152 = vector.broadcast %parallel_loop3A_2149 : i32 to vector<16xi32>
      %parallel_loop3A_2153 = arith.minsi %parallel_loop3A_2152, %parallel_loop3A_2151 : vector<16xi32>
      %parallel_loop3A_2154 = arith.constant 16 : i32
      %parallel_loop3A_2155 = vector.broadcast %parallel_loop3A_2154 : i32 to vector<16xi32>
      %parallel_loop3A_2156 = arith.muli %parallel_loop3A_2153, %parallel_loop3A_2155 : vector<16xi32>
      %parallel_loop3A_2157 = arith.addi %parallel_loop3A_2156, %iota3A : vector<16xi32>
      tpu.vector_store_idx %arg7[%parallel_loop3A_2157], %broadcast_in_dim3A_1 {add = true} : memref<12288xi32, #tpu.memory_space<vmem>>[vector<16xi32>], vector<16xi32>,
    } {sc.loop_unroll_factor = 8 : i64, sc.parallel_access}
    %parallel_loop3A_11 = arith.constant 0 : i32
    %parallel_loop3A_12 = arith.constant 256 : i32
    %parallel_loop3A_13 = arith.constant 1 : i32
    scf.for %parallel_loop3A_2125 = %parallel_loop3A_11 to %parallel_loop3A_12 step %parallel_loop3A_13  : i32 {
      %parallel_loop3A_2126 = arith.constant 16 : i32
      %parallel_loop3A_2127 = arith.muli %parallel_loop3A_2125, %parallel_loop3A_2126 : i32
      %parallel_loop3A_2128 = arith.index_cast %parallel_loop3A_2127 : i32 to index
      %parallel_loop3A_2129 = tpu.vector_load %arg7[%parallel_loop3A_2128] {strides = array<i32>} : memref<12288xi32, #tpu.memory_space<vmem>>, vector<16xi32>,
      %parallel_loop3A_2130 = arith.constant true
      %parallel_loop3A_2131 = vector.broadcast %parallel_loop3A_2130 : i1 to vector<16xi1>
      %parallel_loop3A_2132 = tpu.scan <sum>, %parallel_loop3A_2129 masked %parallel_loop3A_2131 : vector<16xi32>, vector<16xi1> -> vector<16xi32>
      %parallel_loop3A_2133 = vector.extract %parallel_loop3A_2132[15] : i32 from vector<16xi32>
      %parallel_loop3A_2134 = vector.broadcast %parallel_loop3A_2133 : i32 to vector<16xi32>
      %parallel_loop3A_2135 = arith.constant 17 : i32
      %parallel_loop3A_2136 = arith.muli %parallel_loop3A_2125, %parallel_loop3A_2135 : i32
      %parallel_loop3A_2137 = arith.index_cast %parallel_loop3A_2136 : i32 to index
      %parallel_loop3A_2138 = tpu.vector_load %arg8[%parallel_loop3A_2137] {strides = array<i32>} : memref<13072xi32, #tpu.memory_space<vmem>>, vector<16xi32>,
      tpu.vector_store %arg8[%parallel_loop3A_2137], %parallel_loop3A_2134 {strides = array<i32>} : memref<13072xi32, #tpu.memory_space<vmem>>, vector<16xi32>,
    } {sc.loop_unroll_factor = 8 : i64, sc.parallel_access}
    %broadcast_in_dim3A_14 = arith.constant 512 : i32
    %broadcast_in_dim3A_15 = vector.broadcast %broadcast_in_dim3A_14 : i32 to vector<16xi32>
    %broadcast_in_dim3A_16 = arith.constant 513 : i32
    %broadcast_in_dim3A_17 = vector.broadcast %broadcast_in_dim3A_16 : i32 to vector<16xi32>
    %broadcast_in_dim3A_18 = arith.constant 0 : i32
    %broadcast_in_dim3A_19 = vector.broadcast %broadcast_in_dim3A_18 : i32 to vector<16xi32>
    %mul3A_20 = arith.constant 16 : i32
    %mul3A_21 = vector.broadcast %mul3A_20 : i32 to vector<16xi32>
    %mul3A_22 = arith.muli %iota3A, %mul3A_21 : vector<16xi32>
    %add3A_23 = arith.constant 0 : i32
    %add3A_24 = vector.broadcast %add3A_23 : i32 to vector<16xi32>
    %add3A_25 = arith.addi %add3A_24, %mul3A_22 : vector<16xi32>
    %add3A_26 = arith.constant 0 : i32
    %add3A_27 = vector.broadcast %add3A_26 : i32 to vector<16xi32>
    %add3A_28 = arith.addi %add3A_25, %add3A_27 : vector<16xi32>
    %mul3A_29 = arith.constant 17 : i32
    %mul3A_30 = vector.broadcast %mul3A_29 : i32 to vector<16xi32>
    %mul3A_31 = arith.muli %add3A_28, %mul3A_30 : vector<16xi32>
    %add3A_32 = arith.addi %mul3A_31, %iota3A : vector<16xi32>
    %gather3A = tpu.vector_load_idx %arg8[%add3A_32] : memref<13072xi32, #tpu.memory_space<vmem>>[vector<16xi32>], vector<16xi32>,
    %add3A_33 = arith.addi %broadcast_in_dim3A_19, %gather3A : vector<16xi32>
    %mul3A_34 = arith.constant 16 : i32
    %mul3A_35 = vector.broadcast %mul3A_34 : i32 to vector<16xi32>
    %mul3A_36 = arith.muli %iota3A, %mul3A_35 : vector<16xi32>
    %add3A_37 = arith.constant 0 : i32
    %add3A_38 = vector.broadcast %add3A_37 : i32 to vector<16xi32>
    %add3A_39 = arith.addi %add3A_38, %mul3A_36 : vector<16xi32>
    %add3A_40 = arith.constant 1 : i32
    %add3A_41 = vector.broadcast %add3A_40 : i32 to vector<16xi32>
    %add3A_42 = arith.addi %add3A_39, %add3A_41 : vector<16xi32>
    %mul3A_43 = arith.constant 17 : i32
    %mul3A_44 = vector.broadcast %mul3A_43 : i32 to vector<16xi32>
    %mul3A_45 = arith.muli %add3A_42, %mul3A_44 : vector<16xi32>
    %add3A_46 = arith.addi %mul3A_45, %iota3A : vector<16xi32>
    %gather3A_47 = tpu.vector_load_idx %arg8[%add3A_46] : memref<13072xi32, #tpu.memory_space<vmem>>[vector<16xi32>], vector<16xi32>,
    %add3A_48 = arith.addi %add3A_33, %gather3A_47 : vector<16xi32>
    %mul3A_49 = arith.constant 16 : i32
    %mul3A_50 = vector.broadcast %mul3A_49 : i32 to vector<16xi32>
    %mul3A_51 = arith.muli %iota3A, %mul3A_50 : vector<16xi32>
    %add3A_52 = arith.constant 0 : i32
    %add3A_53 = vector.broadcast %add3A_52 : i32 to vector<16xi32>
    %add3A_54 = arith.addi %add3A_53, %mul3A_51 : vector<16xi32>
    %add3A_55 = arith.constant 2 : i32
    %add3A_56 = vector.broadcast %add3A_55 : i32 to vector<16xi32>
    %add3A_57 = arith.addi %add3A_54, %add3A_56 : vector<16xi32>
    %mul3A_58 = arith.constant 17 : i32
    %mul3A_59 = vector.broadcast %mul3A_58 : i32 to vector<16xi32>
    %mul3A_60 = arith.muli %add3A_57, %mul3A_59 : vector<16xi32>
    %add3A_61 = arith.addi %mul3A_60, %iota3A : vector<16xi32>
    %gather3A_62 = tpu.vector_load_idx %arg8[%add3A_61] : memref<13072xi32, #tpu.memory_space<vmem>>[vector<16xi32>], vector<16xi32>,
    %add3A_63 = arith.addi %add3A_48, %gather3A_62 : vector<16xi32>
    %mul3A_64 = arith.constant 16 : i32
    %mul3A_65 = vector.broadcast %mul3A_64 : i32 to vector<16xi32>
    %mul3A_66 = arith.muli %iota3A, %mul3A_65 : vector<16xi32>
    %add3A_67 = arith.constant 0 : i32
    %add3A_68 = vector.broadcast %add3A_67 : i32 to vector<16xi32>
    %add3A_69 = arith.addi %add3A_68, %mul3A_66 : vector<16xi32>
    %add3A_70 = arith.constant 3 : i32
    %add3A_71 = vector.broadcast %add3A_70 : i32 to vector<16xi32>
    %add3A_72 = arith.addi %add3A_69, %add3A_71 : vector<16xi32>
    %mul3A_73 = arith.constant 17 : i32
    %mul3A_74 = vector.broadcast %mul3A_73 : i32 to vector<16xi32>
    %mul3A_75 = arith.muli %add3A_72, %mul3A_74 : vector<16xi32>
    %add3A_76 = arith.addi %mul3A_75, %iota3A : vector<16xi32>
    %gather3A_77 = tpu.vector_load_idx %arg8[%add3A_76] : memref<13072xi32, #tpu.memory_space<vmem>>[vector<16xi32>], vector<16xi32>,
    %add3A_78 = arith.addi %add3A_63, %gather3A_77 : vector<16xi32>
    %mul3A_79 = arith.constant 16 : i32
    %mul3A_80 = vector.broadcast %mul3A_79 : i32 to vector<16xi32>
    %mul3A_81 = arith.muli %iota3A, %mul3A_80 : vector<16xi32>
    %add3A_82 = arith.constant 0 : i32
    %add3A_83 = vector.broadcast %add3A_82 : i32 to vector<16xi32>
    %add3A_84 = arith.addi %add3A_83, %mul3A_81 : vector<16xi32>
    %add3A_85 = arith.constant 4 : i32
    %add3A_86 = vector.broadcast %add3A_85 : i32 to vector<16xi32>
    %add3A_87 = arith.addi %add3A_84, %add3A_86 : vector<16xi32>
    %mul3A_88 = arith.constant 17 : i32
    %mul3A_89 = vector.broadcast %mul3A_88 : i32 to vector<16xi32>
    %mul3A_90 = arith.muli %add3A_87, %mul3A_89 : vector<16xi32>
    %add3A_91 = arith.addi %mul3A_90, %iota3A : vector<16xi32>
    %gather3A_92 = tpu.vector_load_idx %arg8[%add3A_91] : memref<13072xi32, #tpu.memory_space<vmem>>[vector<16xi32>], vector<16xi32>,
    %add3A_93 = arith.addi %add3A_78, %gather3A_92 : vector<16xi32>
    %mul3A_94 = arith.constant 16 : i32
    %mul3A_95 = vector.broadcast %mul3A_94 : i32 to vector<16xi32>
    %mul3A_96 = arith.muli %iota3A, %mul3A_95 : vector<16xi32>
    %add3A_97 = arith.constant 0 : i32
    %add3A_98 = vector.broadcast %add3A_97 : i32 to vector<16xi32>
    %add3A_99 = arith.addi %add3A_98, %mul3A_96 : vector<16xi32>
    %add3A_100 = arith.constant 5 : i32
    %add3A_101 = vector.broadcast %add3A_100 : i32 to vector<16xi32>
    %add3A_102 = arith.addi %add3A_99, %add3A_101 : vector<16xi32>
    %mul3A_103 = arith.constant 17 : i32
    %mul3A_104 = vector.broadcast %mul3A_103 : i32 to vector<16xi32>
    %mul3A_105 = arith.muli %add3A_102, %mul3A_104 : vector<16xi32>
    %add3A_106 = arith.addi %mul3A_105, %iota3A : vector<16xi32>
    %gather3A_107 = tpu.vector_load_idx %arg8[%add3A_106] : memref<13072xi32, #tpu.memory_space<vmem>>[vector<16xi32>], vector<16xi32>,
    %add3A_108 = arith.addi %add3A_93, %gather3A_107 : vector<16xi32>
    %mul3A_109 = arith.constant 16 : i32
    %mul3A_110 = vector.broadcast %mul3A_109 : i32 to vector<16xi32>
    %mul3A_111 = arith.muli %iota3A, %mul3A_110 : vector<16xi32>
    %add3A_112 = arith.constant 0 : i32
    %add3A_113 = vector.broadcast %add3A_112 : i32 to vector<16xi32>
    %add3A_114 = arith.addi %add3A_113, %mul3A_111 : vector<16xi32>
    %add3A_115 = arith.constant 6 : i32
    %add3A_116 = vector.broadcast %add3A_115 : i32 to vector<16xi32>
    %add3A_117 = arith.addi %add3A_114, %add3A_116 : vector<16xi32>
    %mul3A_118 = arith.constant 17 : i32
    %mul3A_119 = vector.broadcast %mul3A_118 : i32 to vector<16xi32>
    %mul3A_120 = arith.muli %add3A_117, %mul3A_119 : vector<16xi32>
    %add3A_121 = arith.addi %mul3A_120, %iota3A : vector<16xi32>
    %gather3A_122 = tpu.vector_load_idx %arg8[%add3A_121] : memref<13072xi32, #tpu.memory_space<vmem>>[vector<16xi32>], vector<16xi32>,
    %add3A_123 = arith.addi %add3A_108, %gather3A_122 : vector<16xi32>
    %mul3A_124 = arith.constant 16 : i32
    %mul3A_125 = vector.broadcast %mul3A_124 : i32 to vector<16xi32>
    %mul3A_126 = arith.muli %iota3A, %mul3A_125 : vector<16xi32>
    %add3A_127 = arith.constant 0 : i32
    %add3A_128 = vector.broadcast %add3A_127 : i32 to vector<16xi32>
    %add3A_129 = arith.addi %add3A_128, %mul3A_126 : vector<16xi32>
    %add3A_130 = arith.constant 7 : i32
    %add3A_131 = vector.broadcast %add3A_130 : i32 to vector<16xi32>
    %add3A_132 = arith.addi %add3A_129, %add3A_131 : vector<16xi32>
    %mul3A_133 = arith.constant 17 : i32
    %mul3A_134 = vector.broadcast %mul3A_133 : i32 to vector<16xi32>
    %mul3A_135 = arith.muli %add3A_132, %mul3A_134 : vector<16xi32>
    %add3A_136 = arith.addi %mul3A_135, %iota3A : vector<16xi32>
    %gather3A_137 = tpu.vector_load_idx %arg8[%add3A_136] : memref<13072xi32, #tpu.memory_space<vmem>>[vector<16xi32>], vector<16xi32>,
    %add3A_138 = arith.addi %add3A_123, %gather3A_137 : vector<16xi32>
    %mul3A_139 = arith.constant 16 : i32
    %mul3A_140 = vector.broadcast %mul3A_139 : i32 to vector<16xi32>
    %mul3A_141 = arith.muli %iota3A, %mul3A_140 : vector<16xi32>
    %add3A_142 = arith.constant 0 : i32
    %add3A_143 = vector.broadcast %add3A_142 : i32 to vector<16xi32>
    %add3A_144 = arith.addi %add3A_143, %mul3A_141 : vector<16xi32>
    %add3A_145 = arith.constant 8 : i32
    %add3A_146 = vector.broadcast %add3A_145 : i32 to vector<16xi32>
    %add3A_147 = arith.addi %add3A_144, %add3A_146 : vector<16xi32>
    %mul3A_148 = arith.constant 17 : i32
    %mul3A_149 = vector.broadcast %mul3A_148 : i32 to vector<16xi32>
    %mul3A_150 = arith.muli %add3A_147, %mul3A_149 : vector<16xi32>
    %add3A_151 = arith.addi %mul3A_150, %iota3A : vector<16xi32>
    %gather3A_152 = tpu.vector_load_idx %arg8[%add3A_151] : memref<13072xi32, #tpu.memory_space<vmem>>[vector<16xi32>], vector<16xi32>,
    %add3A_153 = arith.addi %add3A_138, %gather3A_152 : vector<16xi32>
    %mul3A_154 = arith.constant 16 : i32
    %mul3A_155 = vector.broadcast %mul3A_154 : i32 to vector<16xi32>
    %mul3A_156 = arith.muli %iota3A, %mul3A_155 : vector<16xi32>
    %add3A_157 = arith.constant 0 : i32
    %add3A_158 = vector.broadcast %add3A_157 : i32 to vector<16xi32>
    %add3A_159 = arith.addi %add3A_158, %mul3A_156 : vector<16xi32>
    %add3A_160 = arith.constant 9 : i32
    %add3A_161 = vector.broadcast %add3A_160 : i32 to vector<16xi32>
    %add3A_162 = arith.addi %add3A_159, %add3A_161 : vector<16xi32>
    %mul3A_163 = arith.constant 17 : i32
    %mul3A_164 = vector.broadcast %mul3A_163 : i32 to vector<16xi32>
    %mul3A_165 = arith.muli %add3A_162, %mul3A_164 : vector<16xi32>
    %add3A_166 = arith.addi %mul3A_165, %iota3A : vector<16xi32>
    %gather3A_167 = tpu.vector_load_idx %arg8[%add3A_166] : memref<13072xi32, #tpu.memory_space<vmem>>[vector<16xi32>], vector<16xi32>,
    %add3A_168 = arith.addi %add3A_153, %gather3A_167 : vector<16xi32>
    %mul3A_169 = arith.constant 16 : i32
    %mul3A_170 = vector.broadcast %mul3A_169 : i32 to vector<16xi32>
    %mul3A_171 = arith.muli %iota3A, %mul3A_170 : vector<16xi32>
    %add3A_172 = arith.constant 0 : i32
    %add3A_173 = vector.broadcast %add3A_172 : i32 to vector<16xi32>
    %add3A_174 = arith.addi %add3A_173, %mul3A_171 : vector<16xi32>
    %add3A_175 = arith.constant 10 : i32
    %add3A_176 = vector.broadcast %add3A_175 : i32 to vector<16xi32>
    %add3A_177 = arith.addi %add3A_174, %add3A_176 : vector<16xi32>
    %mul3A_178 = arith.constant 17 : i32
    %mul3A_179 = vector.broadcast %mul3A_178 : i32 to vector<16xi32>
    %mul3A_180 = arith.muli %add3A_177, %mul3A_179 : vector<16xi32>
    %add3A_181 = arith.addi %mul3A_180, %iota3A : vector<16xi32>
    %gather3A_182 = tpu.vector_load_idx %arg8[%add3A_181] : memref<13072xi32, #tpu.memory_space<vmem>>[vector<16xi32>], vector<16xi32>,
    %add3A_183 = arith.addi %add3A_168, %gather3A_182 : vector<16xi32>
    %mul3A_184 = arith.constant 16 : i32
    %mul3A_185 = vector.broadcast %mul3A_184 : i32 to vector<16xi32>
    %mul3A_186 = arith.muli %iota3A, %mul3A_185 : vector<16xi32>
    %add3A_187 = arith.constant 0 : i32
    %add3A_188 = vector.broadcast %add3A_187 : i32 to vector<16xi32>
    %add3A_189 = arith.addi %add3A_188, %mul3A_186 : vector<16xi32>
    %add3A_190 = arith.constant 11 : i32
    %add3A_191 = vector.broadcast %add3A_190 : i32 to vector<16xi32>
    %add3A_192 = arith.addi %add3A_189, %add3A_191 : vector<16xi32>
    %mul3A_193 = arith.constant 17 : i32
    %mul3A_194 = vector.broadcast %mul3A_193 : i32 to vector<16xi32>
    %mul3A_195 = arith.muli %add3A_192, %mul3A_194 : vector<16xi32>
    %add3A_196 = arith.addi %mul3A_195, %iota3A : vector<16xi32>
    %gather3A_197 = tpu.vector_load_idx %arg8[%add3A_196] : memref<13072xi32, #tpu.memory_space<vmem>>[vector<16xi32>], vector<16xi32>,
    %add3A_198 = arith.addi %add3A_183, %gather3A_197 : vector<16xi32>
    %mul3A_199 = arith.constant 16 : i32
    %mul3A_200 = vector.broadcast %mul3A_199 : i32 to vector<16xi32>
    %mul3A_201 = arith.muli %iota3A, %mul3A_200 : vector<16xi32>
    %add3A_202 = arith.constant 0 : i32
    %add3A_203 = vector.broadcast %add3A_202 : i32 to vector<16xi32>
    %add3A_204 = arith.addi %add3A_203, %mul3A_201 : vector<16xi32>
    %add3A_205 = arith.constant 12 : i32
    %add3A_206 = vector.broadcast %add3A_205 : i32 to vector<16xi32>
    %add3A_207 = arith.addi %add3A_204, %add3A_206 : vector<16xi32>
    %mul3A_208 = arith.constant 17 : i32
    %mul3A_209 = vector.broadcast %mul3A_208 : i32 to vector<16xi32>
    %mul3A_210 = arith.muli %add3A_207, %mul3A_209 : vector<16xi32>
    %add3A_211 = arith.addi %mul3A_210, %iota3A : vector<16xi32>
    %gather3A_212 = tpu.vector_load_idx %arg8[%add3A_211] : memref<13072xi32, #tpu.memory_space<vmem>>[vector<16xi32>], vector<16xi32>,
    %add3A_213 = arith.addi %add3A_198, %gather3A_212 : vector<16xi32>
    %mul3A_214 = arith.constant 16 : i32
    %mul3A_215 = vector.broadcast %mul3A_214 : i32 to vector<16xi32>
    %mul3A_216 = arith.muli %iota3A, %mul3A_215 : vector<16xi32>
    %add3A_217 = arith.constant 0 : i32
    %add3A_218 = vector.broadcast %add3A_217 : i32 to vector<16xi32>
    %add3A_219 = arith.addi %add3A_218, %mul3A_216 : vector<16xi32>
    %add3A_220 = arith.constant 13 : i32
    %add3A_221 = vector.broadcast %add3A_220 : i32 to vector<16xi32>
    %add3A_222 = arith.addi %add3A_219, %add3A_221 : vector<16xi32>
    %mul3A_223 = arith.constant 17 : i32
    %mul3A_224 = vector.broadcast %mul3A_223 : i32 to vector<16xi32>
    %mul3A_225 = arith.muli %add3A_222, %mul3A_224 : vector<16xi32>
    %add3A_226 = arith.addi %mul3A_225, %iota3A : vector<16xi32>
    %gather3A_227 = tpu.vector_load_idx %arg8[%add3A_226] : memref<13072xi32, #tpu.memory_space<vmem>>[vector<16xi32>], vector<16xi32>,
    %add3A_228 = arith.addi %add3A_213, %gather3A_227 : vector<16xi32>
    %mul3A_229 = arith.constant 16 : i32
    %mul3A_230 = vector.broadcast %mul3A_229 : i32 to vector<16xi32>
    %mul3A_231 = arith.muli %iota3A, %mul3A_230 : vector<16xi32>
    %add3A_232 = arith.constant 0 : i32
    %add3A_233 = vector.broadcast %add3A_232 : i32 to vector<16xi32>
    %add3A_234 = arith.addi %add3A_233, %mul3A_231 : vector<16xi32>
    %add3A_235 = arith.constant 14 : i32
    %add3A_236 = vector.broadcast %add3A_235 : i32 to vector<16xi32>
    %add3A_237 = arith.addi %add3A_234, %add3A_236 : vector<16xi32>
    %mul3A_238 = arith.constant 17 : i32
    %mul3A_239 = vector.broadcast %mul3A_238 : i32 to vector<16xi32>
    %mul3A_240 = arith.muli %add3A_237, %mul3A_239 : vector<16xi32>
    %add3A_241 = arith.addi %mul3A_240, %iota3A : vector<16xi32>
    %gather3A_242 = tpu.vector_load_idx %arg8[%add3A_241] : memref<13072xi32, #tpu.memory_space<vmem>>[vector<16xi32>], vector<16xi32>,
    %add3A_243 = arith.addi %add3A_228, %gather3A_242 : vector<16xi32>
    %mul3A_244 = arith.constant 16 : i32
    %mul3A_245 = vector.broadcast %mul3A_244 : i32 to vector<16xi32>
    %mul3A_246 = arith.muli %iota3A, %mul3A_245 : vector<16xi32>
    %add3A_247 = arith.constant 0 : i32
    %add3A_248 = vector.broadcast %add3A_247 : i32 to vector<16xi32>
    %add3A_249 = arith.addi %add3A_248, %mul3A_246 : vector<16xi32>
    %add3A_250 = arith.constant 15 : i32
    %add3A_251 = vector.broadcast %add3A_250 : i32 to vector<16xi32>
    %add3A_252 = arith.addi %add3A_249, %add3A_251 : vector<16xi32>
    %mul3A_253 = arith.constant 17 : i32
    %mul3A_254 = vector.broadcast %mul3A_253 : i32 to vector<16xi32>
    %mul3A_255 = arith.muli %add3A_252, %mul3A_254 : vector<16xi32>
    %add3A_256 = arith.addi %mul3A_255, %iota3A : vector<16xi32>
    %gather3A_257 = tpu.vector_load_idx %arg8[%add3A_256] : memref<13072xi32, #tpu.memory_space<vmem>>[vector<16xi32>], vector<16xi32>,
    %add3A_258 = arith.addi %add3A_243, %gather3A_257 : vector<16xi32>
    %rev3A = arith.constant 15 : i32
    %rev3A_259 = vector.broadcast %rev3A : i32 to vector<16xi32>
    %rev3A_260 = tpu.iota {dimensions = array<i32: 0>} : vector<16xi32>
    %rev3A_261 = arith.subi %rev3A_259, %rev3A_260 : vector<16xi32>
    %rev3A_262 = tpu.dynamic_gather %add3A_258[%rev3A_261] in [0] : vector<16xi32>, vector<16xi32> -> vector<16xi32>
    %broadcast_in_dim3A_263 = arith.constant true
    %broadcast_in_dim3A_264 = vector.broadcast %broadcast_in_dim3A_263 : i1 to vector<16xi1>
    %masked_cumsum3A = tpu.scan <sum>, %rev3A_262 masked %broadcast_in_dim3A_264 : vector<16xi32>, vector<16xi1> -> vector<16xi32>
    %rev3A_265 = arith.constant 15 : i32
    %rev3A_266 = vector.broadcast %rev3A_265 : i32 to vector<16xi32>
    %rev3A_267 = tpu.iota {dimensions = array<i32: 0>} : vector<16xi32>
    %rev3A_268 = arith.subi %rev3A_266, %rev3A_267 : vector<16xi32>
    %rev3A_269 = tpu.dynamic_gather %masked_cumsum3A[%rev3A_268] in [0] : vector<16xi32>, vector<16xi32> -> vector<16xi32>
    %gt3A = arith.cmpi sgt, %rev3A_269, %broadcast_in_dim3A_15 : vector<16xi32>
    %all_reduce_population_count3A = tpu.all_reduce %gt3A {dim = 0 : i64, kind = #tpu.reduction_kind<sum>} : vector<16xi1> -> vector<16xi32>
    %sub3A = arith.constant 1 : i32
    %sub3A_270 = vector.broadcast %sub3A : i32 to vector<16xi32>
    %sub3A_271 = arith.subi %all_reduce_population_count3A, %sub3A_270 : vector<16xi32>
    %eq3A = arith.cmpi eq, %iota3A, %sub3A_271 : vector<16xi32>
    %sub3A_272 = arith.subi %rev3A_269, %add3A_258 : vector<16xi32>
    %jit3A = arith.constant 0 : i32
    %broadcast_in_dim3A_273 = vector.broadcast %jit3A : i32 to vector<16xi32>
    %select_n3A = arith.select %eq3A, %sub3A_272, %broadcast_in_dim3A_273 : vector<16xi1>, vector<16xi32>
    %reduce_sum3A = arith.constant true
    %reduce_sum3A_274 = vector.broadcast %reduce_sum3A : i1 to vector<16xi1>
    %reduce_sum3A_275 = tpu.scan <sum>, %select_n3A masked %reduce_sum3A_274 : vector<16xi32>, vector<16xi1> -> vector<16xi32>
    %reduce_sum3A_276 = vector.extract %reduce_sum3A_275[15] : i32 from vector<16xi32>
    %broadcast_in_dim3A_277 = vector.broadcast %reduce_sum3A_276 : i32 to vector<16xi32>
    %mul3A_278 = arith.constant 16 : i32
    %mul3A_279 = vector.broadcast %mul3A_278 : i32 to vector<16xi32>
    %mul3A_280 = arith.muli %sub3A_271, %mul3A_279 : vector<16xi32>
    %add3A_281 = arith.constant 0 : i32
    %add3A_282 = vector.broadcast %add3A_281 : i32 to vector<16xi32>
    %add3A_283 = arith.addi %add3A_282, %mul3A_280 : vector<16xi32>
    %add3A_284 = arith.addi %add3A_283, %iota3A : vector<16xi32>
    %mul3A_285 = arith.constant 17 : i32
    %mul3A_286 = vector.broadcast %mul3A_285 : i32 to vector<16xi32>
    %mul3A_287 = arith.muli %add3A_284, %mul3A_286 : vector<16xi32>
    %gather3A_288 = tpu.vector_load_idx %arg8[%mul3A_287] : memref<13072xi32, #tpu.memory_space<vmem>>[vector<16xi32>], vector<16xi32>,
    %rev3A_289 = arith.constant 15 : i32
    %rev3A_290 = vector.broadcast %rev3A_289 : i32 to vector<16xi32>
    %rev3A_291 = tpu.iota {dimensions = array<i32: 0>} : vector<16xi32>
    %rev3A_292 = arith.subi %rev3A_290, %rev3A_291 : vector<16xi32>
    %rev3A_293 = tpu.dynamic_gather %gather3A_288[%rev3A_292] in [0] : vector<16xi32>, vector<16xi32> -> vector<16xi32>
    %broadcast_in_dim3A_294 = arith.constant true
    %broadcast_in_dim3A_295 = vector.broadcast %broadcast_in_dim3A_294 : i1 to vector<16xi1>
    %masked_cumsum3A_296 = tpu.scan <sum>, %rev3A_293 masked %broadcast_in_dim3A_295 : vector<16xi32>, vector<16xi1> -> vector<16xi32>
    %rev3A_297 = arith.constant 15 : i32
    %rev3A_298 = vector.broadcast %rev3A_297 : i32 to vector<16xi32>
    %rev3A_299 = tpu.iota {dimensions = array<i32: 0>} : vector<16xi32>
    %rev3A_300 = arith.subi %rev3A_298, %rev3A_299 : vector<16xi32>
    %rev3A_301 = tpu.dynamic_gather %masked_cumsum3A_296[%rev3A_300] in [0] : vector<16xi32>, vector<16xi32> -> vector<16xi32>
    %add3A_302 = arith.addi %broadcast_in_dim3A_277, %rev3A_301 : vector<16xi32>
    %gt3A_303 = arith.cmpi sgt, %add3A_302, %broadcast_in_dim3A_15 : vector<16xi32>
    %all_reduce_population_count3A_304 = tpu.all_reduce %gt3A_303 {dim = 0 : i64, kind = #tpu.reduction_kind<sum>} : vector<16xi1> -> vector<16xi32>
    %sub3A_305 = arith.constant 1 : i32
    %sub3A_306 = vector.broadcast %sub3A_305 : i32 to vector<16xi32>
    %sub3A_307 = arith.subi %all_reduce_population_count3A_304, %sub3A_306 : vector<16xi32>
    %mul3A_308 = arith.constant 16 : i32
    %mul3A_309 = vector.broadcast %mul3A_308 : i32 to vector<16xi32>
    %mul3A_310 = arith.muli %sub3A_271, %mul3A_309 : vector<16xi32>
    %add3A_311 = arith.addi %mul3A_310, %sub3A_307 : vector<16xi32>
    %eq3A_312 = arith.cmpi eq, %iota3A, %sub3A_307 : vector<16xi32>
    %sub3A_313 = arith.subi %rev3A_301, %gather3A_288 : vector<16xi32>
    %jit3A_314 = arith.constant 0 : i32
    %broadcast_in_dim3A_315 = vector.broadcast %jit3A_314 : i32 to vector<16xi32>
    %select_n3A_316 = arith.select %eq3A_312, %sub3A_313, %broadcast_in_dim3A_315 : vector<16xi1>, vector<16xi32>
    %reduce_sum3A_317 = arith.constant true
    %reduce_sum3A_318 = vector.broadcast %reduce_sum3A_317 : i1 to vector<16xi1>
    %reduce_sum3A_319 = tpu.scan <sum>, %select_n3A_316 masked %reduce_sum3A_318 : vector<16xi32>, vector<16xi1> -> vector<16xi32>
    %reduce_sum3A_320 = vector.extract %reduce_sum3A_319[15] : i32 from vector<16xi32>
    %broadcast_in_dim3A_321 = vector.broadcast %reduce_sum3A_320 : i32 to vector<16xi32>
    %add3A_322 = arith.addi %broadcast_in_dim3A_277, %broadcast_in_dim3A_321 : vector<16xi32>
    %gt3A_323 = arith.cmpi sgt, %rev3A_269, %broadcast_in_dim3A_17 : vector<16xi32>
    %all_reduce_population_count3A_324 = tpu.all_reduce %gt3A_323 {dim = 0 : i64, kind = #tpu.reduction_kind<sum>} : vector<16xi1> -> vector<16xi32>
    %sub3A_325 = arith.constant 1 : i32
    %sub3A_326 = vector.broadcast %sub3A_325 : i32 to vector<16xi32>
    %sub3A_327 = arith.subi %all_reduce_population_count3A_324, %sub3A_326 : vector<16xi32>
    %eq3A_328 = arith.cmpi eq, %iota3A, %sub3A_327 : vector<16xi32>
    %sub3A_329 = arith.subi %rev3A_269, %add3A_258 : vector<16xi32>
    %jit3A_330 = arith.constant 0 : i32
    %broadcast_in_dim3A_331 = vector.broadcast %jit3A_330 : i32 to vector<16xi32>
    %select_n3A_332 = arith.select %eq3A_328, %sub3A_329, %broadcast_in_dim3A_331 : vector<16xi1>, vector<16xi32>
    %reduce_sum3A_333 = arith.constant true
    %reduce_sum3A_334 = vector.broadcast %reduce_sum3A_333 : i1 to vector<16xi1>
    %reduce_sum3A_335 = tpu.scan <sum>, %select_n3A_332 masked %reduce_sum3A_334 : vector<16xi32>, vector<16xi1> -> vector<16xi32>
    %reduce_sum3A_336 = vector.extract %reduce_sum3A_335[15] : i32 from vector<16xi32>
    %broadcast_in_dim3A_337 = vector.broadcast %reduce_sum3A_336 : i32 to vector<16xi32>
    %mul3A_338 = arith.constant 16 : i32
    %mul3A_339 = vector.broadcast %mul3A_338 : i32 to vector<16xi32>
    %mul3A_340 = arith.muli %sub3A_327, %mul3A_339 : vector<16xi32>
    %add3A_341 = arith.constant 0 : i32
    %add3A_342 = vector.broadcast %add3A_341 : i32 to vector<16xi32>
    %add3A_343 = arith.addi %add3A_342, %mul3A_340 : vector<16xi32>
    %add3A_344 = arith.addi %add3A_343, %iota3A : vector<16xi32>
    %mul3A_345 = arith.constant 17 : i32
    %mul3A_346 = vector.broadcast %mul3A_345 : i32 to vector<16xi32>
    %mul3A_347 = arith.muli %add3A_344, %mul3A_346 : vector<16xi32>
    %gather3A_348 = tpu.vector_load_idx %arg8[%mul3A_347] : memref<13072xi32, #tpu.memory_space<vmem>>[vector<16xi32>], vector<16xi32>,
    %rev3A_349 = arith.constant 15 : i32
    %rev3A_350 = vector.broadcast %rev3A_349 : i32 to vector<16xi32>
    %rev3A_351 = tpu.iota {dimensions = array<i32: 0>} : vector<16xi32>
    %rev3A_352 = arith.subi %rev3A_350, %rev3A_351 : vector<16xi32>
    %rev3A_353 = tpu.dynamic_gather %gather3A_348[%rev3A_352] in [0] : vector<16xi32>, vector<16xi32> -> vector<16xi32>
    %broadcast_in_dim3A_354 = arith.constant true
    %broadcast_in_dim3A_355 = vector.broadcast %broadcast_in_dim3A_354 : i1 to vector<16xi1>
    %masked_cumsum3A_356 = tpu.scan <sum>, %rev3A_353 masked %broadcast_in_dim3A_355 : vector<16xi32>, vector<16xi1> -> vector<16xi32>
    %rev3A_357 = arith.constant 15 : i32
    %rev3A_358 = vector.broadcast %rev3A_357 : i32 to vector<16xi32>
    %rev3A_359 = tpu.iota {dimensions = array<i32: 0>} : vector<16xi32>
    %rev3A_360 = arith.subi %rev3A_358, %rev3A_359 : vector<16xi32>
    %rev3A_361 = tpu.dynamic_gather %masked_cumsum3A_356[%rev3A_360] in [0] : vector<16xi32>, vector<16xi32> -> vector<16xi32>
    %add3A_362 = arith.addi %broadcast_in_dim3A_337, %rev3A_361 : vector<16xi32>
    %gt3A_363 = arith.cmpi sgt, %add3A_362, %broadcast_in_dim3A_17 : vector<16xi32>
    %all_reduce_population_count3A_364 = tpu.all_reduce %gt3A_363 {dim = 0 : i64, kind = #tpu.reduction_kind<sum>} : vector<16xi1> -> vector<16xi32>
    %sub3A_365 = arith.constant 1 : i32
    %sub3A_366 = vector.broadcast %sub3A_365 : i32 to vector<16xi32>
    %sub3A_367 = arith.subi %all_reduce_population_count3A_364, %sub3A_366 : vector<16xi32>
    %mul3A_368 = arith.constant 16 : i32
    %mul3A_369 = vector.broadcast %mul3A_368 : i32 to vector<16xi32>
    %mul3A_370 = arith.muli %sub3A_327, %mul3A_369 : vector<16xi32>
    %add3A_371 = arith.addi %mul3A_370, %sub3A_367 : vector<16xi32>
    %eq3A_372 = arith.cmpi eq, %iota3A, %sub3A_367 : vector<16xi32>
    %sub3A_373 = arith.subi %rev3A_361, %gather3A_348 : vector<16xi32>
    %jit3A_374 = arith.constant 0 : i32
    %broadcast_in_dim3A_375 = vector.broadcast %jit3A_374 : i32 to vector<16xi32>
    %select_n3A_376 = arith.select %eq3A_372, %sub3A_373, %broadcast_in_dim3A_375 : vector<16xi1>, vector<16xi32>
    %reduce_sum3A_377 = arith.constant true
    %reduce_sum3A_378 = vector.broadcast %reduce_sum3A_377 : i1 to vector<16xi1>
    %reduce_sum3A_379 = tpu.scan <sum>, %select_n3A_376 masked %reduce_sum3A_378 : vector<16xi32>, vector<16xi1> -> vector<16xi32>
    %reduce_sum3A_380 = vector.extract %reduce_sum3A_379[15] : i32 from vector<16xi32>
    %broadcast_in_dim3A_381 = vector.broadcast %reduce_sum3A_380 : i32 to vector<16xi32>
    %add3A_382 = arith.addi %broadcast_in_dim3A_337, %broadcast_in_dim3A_381 : vector<16xi32>
    %eq3A_383 = arith.cmpi eq, %add3A_311, %add3A_371 : vector<16xi32>
    %convert_element_type3A = arith.sitofp %add3A_311 : vector<16xi32> to vector<16xf32>
    %mul3A_384 = arith.constant 1.250000e-01 : f32
    %mul3A_385 = vector.broadcast %mul3A_384 : f32 to vector<16xf32>
    %mul3A_386 = arith.mulf %convert_element_type3A, %mul3A_385 : vector<16xf32>
    %sub3A_387 = arith.constant 1.600000e+01 : f32
    %sub3A_388 = vector.broadcast %sub3A_387 : f32 to vector<16xf32>
    %sub3A_389 = arith.subf %mul3A_386, %sub3A_388 : vector<16xf32>
    %convert_element_type3A_390 = arith.sitofp %add3A_371 : vector<16xi32> to vector<16xf32>
    %mul3A_391 = arith.constant 1.250000e-01 : f32
    %mul3A_392 = vector.broadcast %mul3A_391 : f32 to vector<16xf32>
    %mul3A_393 = arith.mulf %convert_element_type3A_390, %mul3A_392 : vector<16xf32>
    %sub3A_394 = arith.constant 1.600000e+01 : f32
    %sub3A_395 = vector.broadcast %sub3A_394 : f32 to vector<16xf32>
    %sub3A_396 = arith.subf %mul3A_393, %sub3A_395 : vector<16xf32>
    %parallel_loop3A_397 = arith.constant 0 : i32
    %parallel_loop3A_398 = arith.constant 512 : i32
    %parallel_loop3A_399 = arith.constant 1 : i32
    scf.for %parallel_loop3A_2125 = %parallel_loop3A_397 to %parallel_loop3A_398 step %parallel_loop3A_399  : i32 {
      %parallel_loop3A_2126 = arith.constant 16 : i32
      %parallel_loop3A_2127 = arith.muli %parallel_loop3A_2125, %parallel_loop3A_2126 : i32
      %parallel_loop3A_2128 = arith.constant 0 : i32
      %parallel_loop3A_2129 = arith.addi %parallel_loop3A_2128, %parallel_loop3A_2127 : i32
      %parallel_loop3A_2130 = arith.index_cast %parallel_loop3A_2129 : i32 to index
      %parallel_loop3A_2131 = tpu.vector_load %arg5[%parallel_loop3A_2130] {strides = array<i32>} : memref<16384xf32, #tpu.memory_space<vmem>>, vector<16xf32>,
      %parallel_loop3A_2132 = arith.constant 8.000000e+00 : f32
      %parallel_loop3A_2133 = vector.broadcast %parallel_loop3A_2132 : f32 to vector<16xf32>
      %parallel_loop3A_2134 = arith.mulf %parallel_loop3A_2131, %parallel_loop3A_2133 : vector<16xf32>
      %parallel_loop3A_2135 = arith.constant 1.152000e+03 : f32
      %parallel_loop3A_2136 = vector.broadcast %parallel_loop3A_2135 : f32 to vector<16xf32>
      %parallel_loop3A_2137 = arith.addf %parallel_loop3A_2134, %parallel_loop3A_2136 : vector<16xf32>
      %parallel_loop3A_2138 = arith.constant 1.024000e+03 : f32
      %parallel_loop3A_2139 = arith.constant 1.280000e+03 : f32
      %parallel_loop3A_2140 = vector.broadcast %parallel_loop3A_2138 : f32 to vector<16xf32>
      %parallel_loop3A_2141 = arith.maximumf %parallel_loop3A_2140, %parallel_loop3A_2137 : vector<16xf32>
      %parallel_loop3A_2142 = vector.broadcast %parallel_loop3A_2139 : f32 to vector<16xf32>
      %parallel_loop3A_2143 = arith.minimumf %parallel_loop3A_2142, %parallel_loop3A_2141 : vector<16xf32>
      %parallel_loop3A_2144 = arith.fptosi %parallel_loop3A_2143 : vector<16xf32> to vector<16xi32>
      %parallel_loop3A_2145 = arith.constant 1024 : i32
      %parallel_loop3A_2146 = vector.broadcast %parallel_loop3A_2145 : i32 to vector<16xi32>
      %parallel_loop3A_2147 = arith.subi %parallel_loop3A_2144, %parallel_loop3A_2146 : vector<16xi32>
      %parallel_loop3A_2148 = arith.constant 0 : i32
      %parallel_loop3A_2149 = arith.constant 255 : i32
      %parallel_loop3A_2150 = vector.broadcast %parallel_loop3A_2148 : i32 to vector<16xi32>
      %parallel_loop3A_2151 = arith.maxsi %parallel_loop3A_2150, %parallel_loop3A_2147 : vector<16xi32>
      %parallel_loop3A_2152 = vector.broadcast %parallel_loop3A_2149 : i32 to vector<16xi32>
      %parallel_loop3A_2153 = arith.minsi %parallel_loop3A_2152, %parallel_loop3A_2151 : vector<16xi32>
      %parallel_loop3A_2154 = arith.cmpi eq, %parallel_loop3A_2153, %add3A_311 : vector<16xi32>
      %parallel_loop3A_2155 = arith.cmpi eq, %parallel_loop3A_2153, %add3A_371 : vector<16xi32>
      %parallel_loop3A_2156 = arith.ori %parallel_loop3A_2154, %parallel_loop3A_2155 : vector<16xi1>
      %parallel_loop3A_2157 = arith.subf %parallel_loop3A_2131, %sub3A_389 : vector<16xf32>
      %parallel_loop3A_2158 = arith.constant 2.048000e+03 : f32
      %parallel_loop3A_2159 = vector.broadcast %parallel_loop3A_2158 : f32 to vector<16xf32>
      %parallel_loop3A_2160 = arith.mulf %parallel_loop3A_2157, %parallel_loop3A_2159 : vector<16xf32>
      %parallel_loop3A_2161 = arith.constant 0.000000e+00 : f32
      %parallel_loop3A_2162 = arith.constant 2.560000e+02 : f32
      %parallel_loop3A_2163 = vector.broadcast %parallel_loop3A_2161 : f32 to vector<16xf32>
      %parallel_loop3A_2164 = arith.maximumf %parallel_loop3A_2163, %parallel_loop3A_2160 : vector<16xf32>
      %parallel_loop3A_2165 = vector.broadcast %parallel_loop3A_2162 : f32 to vector<16xf32>
      %parallel_loop3A_2166 = arith.minimumf %parallel_loop3A_2165, %parallel_loop3A_2164 : vector<16xf32>
      %parallel_loop3A_2167 = arith.fptosi %parallel_loop3A_2166 : vector<16xf32> to vector<16xi32>
      %parallel_loop3A_2168 = arith.constant 0 : i32
      %parallel_loop3A_2169 = arith.constant 255 : i32
      %parallel_loop3A_2170 = vector.broadcast %parallel_loop3A_2168 : i32 to vector<16xi32>
      %parallel_loop3A_2171 = arith.maxsi %parallel_loop3A_2170, %parallel_loop3A_2167 : vector<16xi32>
      %parallel_loop3A_2172 = vector.broadcast %parallel_loop3A_2169 : i32 to vector<16xi32>
      %parallel_loop3A_2173 = arith.minsi %parallel_loop3A_2172, %parallel_loop3A_2171 : vector<16xi32>
      %parallel_loop3A_2174 = arith.subf %parallel_loop3A_2131, %sub3A_396 : vector<16xf32>
      %parallel_loop3A_2175 = arith.constant 2.048000e+03 : f32
      %parallel_loop3A_2176 = vector.broadcast %parallel_loop3A_2175 : f32 to vector<16xf32>
      %parallel_loop3A_2177 = arith.mulf %parallel_loop3A_2174, %parallel_loop3A_2176 : vector<16xf32>
      %parallel_loop3A_2178 = arith.constant 0.000000e+00 : f32
      %parallel_loop3A_2179 = arith.constant 2.560000e+02 : f32
      %parallel_loop3A_2180 = vector.broadcast %parallel_loop3A_2178 : f32 to vector<16xf32>
      %parallel_loop3A_2181 = arith.maximumf %parallel_loop3A_2180, %parallel_loop3A_2177 : vector<16xf32>
      %parallel_loop3A_2182 = vector.broadcast %parallel_loop3A_2179 : f32 to vector<16xf32>
      %parallel_loop3A_2183 = arith.minimumf %parallel_loop3A_2182, %parallel_loop3A_2181 : vector<16xf32>
      %parallel_loop3A_2184 = arith.fptosi %parallel_loop3A_2183 : vector<16xf32> to vector<16xi32>
      %parallel_loop3A_2185 = arith.constant 0 : i32
      %parallel_loop3A_2186 = arith.constant 255 : i32
      %parallel_loop3A_2187 = vector.broadcast %parallel_loop3A_2185 : i32 to vector<16xi32>
      %parallel_loop3A_2188 = arith.maxsi %parallel_loop3A_2187, %parallel_loop3A_2184 : vector<16xi32>
      %parallel_loop3A_2189 = vector.broadcast %parallel_loop3A_2186 : i32 to vector<16xi32>
      %parallel_loop3A_2190 = arith.minsi %parallel_loop3A_2189, %parallel_loop3A_2188 : vector<16xi32>
      %parallel_loop3A_2191 = arith.select %parallel_loop3A_2154, %parallel_loop3A_2173, %parallel_loop3A_2190 : vector<16xi1>, vector<16xi32>
      %parallel_loop3A_2192 = arith.constant 4096 : i32
      %parallel_loop3A_2193 = arith.constant 8192 : i32
      %parallel_loop3A_2194 = vector.broadcast %parallel_loop3A_2192 : i32 to vector<16xi32>
      %parallel_loop3A_2195 = vector.broadcast %parallel_loop3A_2193 : i32 to vector<16xi32>
      %parallel_loop3A_2196 = arith.select %parallel_loop3A_2154, %parallel_loop3A_2194, %parallel_loop3A_2195 : vector<16xi1>, vector<16xi32>
      %parallel_loop3A_2197 = arith.constant 16 : i32
      %parallel_loop3A_2198 = vector.broadcast %parallel_loop3A_2197 : i32 to vector<16xi32>
      %parallel_loop3A_2199 = arith.muli %parallel_loop3A_2191, %parallel_loop3A_2198 : vector<16xi32>
      %parallel_loop3A_2200 = arith.addi %parallel_loop3A_2196, %parallel_loop3A_2199 : vector<16xi32>
      %parallel_loop3A_2201 = arith.addi %parallel_loop3A_2200, %iota3A : vector<16xi32>
      tpu.vector_store_idx %arg7[%parallel_loop3A_2201], %broadcast_in_dim3A_1 masked %parallel_loop3A_2156 {add = true} : memref<12288xi32, #tpu.memory_space<vmem>>[vector<16xi32>], vector<16xi32>, vector<16xi1>
    } {sc.loop_unroll_factor = 8 : i64, sc.parallel_access}
    %parallel_loop3A_400 = arith.constant 0 : i32
    %parallel_loop3A_401 = arith.constant 512 : i32
    %parallel_loop3A_402 = arith.constant 1 : i32
    scf.for %parallel_loop3A_2125 = %parallel_loop3A_400 to %parallel_loop3A_401 step %parallel_loop3A_402  : i32 {
      %parallel_loop3A_2126 = arith.constant 16 : i32
      %parallel_loop3A_2127 = arith.muli %parallel_loop3A_2125, %parallel_loop3A_2126 : i32
      %parallel_loop3A_2128 = arith.constant 4096 : i32
      %parallel_loop3A_2129 = arith.addi %parallel_loop3A_2128, %parallel_loop3A_2127 : i32
      %parallel_loop3A_2130 = arith.index_cast %parallel_loop3A_2129 : i32 to index
      %parallel_loop3A_2131 = tpu.vector_load %arg7[%parallel_loop3A_2130] {strides = array<i32>} : memref<12288xi32, #tpu.memory_space<vmem>>, vector<16xi32>,
      %parallel_loop3A_2132 = arith.constant true
      %parallel_loop3A_2133 = vector.broadcast %parallel_loop3A_2132 : i1 to vector<16xi1>
      %parallel_loop3A_2134 = tpu.scan <sum>, %parallel_loop3A_2131 masked %parallel_loop3A_2133 : vector<16xi32>, vector<16xi1> -> vector<16xi32>
      %parallel_loop3A_2135 = vector.extract %parallel_loop3A_2134[15] : i32 from vector<16xi32>
      %parallel_loop3A_2136 = vector.broadcast %parallel_loop3A_2135 : i32 to vector<16xi32>
      %parallel_loop3A_2137 = arith.constant 256 : i32
      %parallel_loop3A_2138 = arith.addi %parallel_loop3A_2137, %parallel_loop3A_2125 : i32
      %parallel_loop3A_2139 = arith.constant 17 : i32
      %parallel_loop3A_2140 = arith.muli %parallel_loop3A_2138, %parallel_loop3A_2139 : i32
      %parallel_loop3A_2141 = arith.index_cast %parallel_loop3A_2140 : i32 to index
      %parallel_loop3A_2142 = tpu.vector_load %arg8[%parallel_loop3A_2141] {strides = array<i32>} : memref<13072xi32, #tpu.memory_space<vmem>>, vector<16xi32>,
      tpu.vector_store %arg8[%parallel_loop3A_2141], %parallel_loop3A_2136 {strides = array<i32>} : memref<13072xi32, #tpu.memory_space<vmem>>, vector<16xi32>,
    } {sc.loop_unroll_factor = 8 : i64, sc.parallel_access}
    %broadcast_in_dim3A_403 = arith.constant 512 : i32
    %broadcast_in_dim3A_404 = vector.broadcast %broadcast_in_dim3A_403 : i32 to vector<16xi32>
    %sub3A_405 = arith.subi %broadcast_in_dim3A_404, %add3A_322 : vector<16xi32>
    %broadcast_in_dim3A_406 = arith.constant 256 : i32
    %broadcast_in_dim3A_407 = vector.broadcast %broadcast_in_dim3A_406 : i32 to vector<16xi32>
    %broadcast_in_dim3A_408 = arith.constant 0 : i32
    %broadcast_in_dim3A_409 = vector.broadcast %broadcast_in_dim3A_408 : i32 to vector<16xi32>
    %mul3A_410 = arith.constant 16 : i32
    %mul3A_411 = vector.broadcast %mul3A_410 : i32 to vector<16xi32>
    %mul3A_412 = arith.muli %iota3A, %mul3A_411 : vector<16xi32>
    %add3A_413 = arith.addi %broadcast_in_dim3A_407, %mul3A_412 : vector<16xi32>
    %add3A_414 = arith.constant 0 : i32
    %add3A_415 = vector.broadcast %add3A_414 : i32 to vector<16xi32>
    %add3A_416 = arith.addi %add3A_413, %add3A_415 : vector<16xi32>
    %mul3A_417 = arith.constant 17 : i32
    %mul3A_418 = vector.broadcast %mul3A_417 : i32 to vector<16xi32>
    %mul3A_419 = arith.muli %add3A_416, %mul3A_418 : vector<16xi32>
    %add3A_420 = arith.addi %mul3A_419, %iota3A : vector<16xi32>
    %gather3A_421 = tpu.vector_load_idx %arg8[%add3A_420] : memref<13072xi32, #tpu.memory_space<vmem>>[vector<16xi32>], vector<16xi32>,
    %add3A_422 = arith.addi %broadcast_in_dim3A_409, %gather3A_421 : vector<16xi32>
    %mul3A_423 = arith.constant 16 : i32
    %mul3A_424 = vector.broadcast %mul3A_423 : i32 to vector<16xi32>
    %mul3A_425 = arith.muli %iota3A, %mul3A_424 : vector<16xi32>
    %add3A_426 = arith.addi %broadcast_in_dim3A_407, %mul3A_425 : vector<16xi32>
    %add3A_427 = arith.constant 1 : i32
    %add3A_428 = vector.broadcast %add3A_427 : i32 to vector<16xi32>
    %add3A_429 = arith.addi %add3A_426, %add3A_428 : vector<16xi32>
    %mul3A_430 = arith.constant 17 : i32
    %mul3A_431 = vector.broadcast %mul3A_430 : i32 to vector<16xi32>
    %mul3A_432 = arith.muli %add3A_429, %mul3A_431 : vector<16xi32>
    %add3A_433 = arith.addi %mul3A_432, %iota3A : vector<16xi32>
    %gather3A_434 = tpu.vector_load_idx %arg8[%add3A_433] : memref<13072xi32, #tpu.memory_space<vmem>>[vector<16xi32>], vector<16xi32>,
    %add3A_435 = arith.addi %add3A_422, %gather3A_434 : vector<16xi32>
    %mul3A_436 = arith.constant 16 : i32
    %mul3A_437 = vector.broadcast %mul3A_436 : i32 to vector<16xi32>
    %mul3A_438 = arith.muli %iota3A, %mul3A_437 : vector<16xi32>
    %add3A_439 = arith.addi %broadcast_in_dim3A_407, %mul3A_438 : vector<16xi32>
    %add3A_440 = arith.constant 2 : i32
    %add3A_441 = vector.broadcast %add3A_440 : i32 to vector<16xi32>
    %add3A_442 = arith.addi %add3A_439, %add3A_441 : vector<16xi32>
    %mul3A_443 = arith.constant 17 : i32
    %mul3A_444 = vector.broadcast %mul3A_443 : i32 to vector<16xi32>
    %mul3A_445 = arith.muli %add3A_442, %mul3A_444 : vector<16xi32>
    %add3A_446 = arith.addi %mul3A_445, %iota3A : vector<16xi32>
    %gather3A_447 = tpu.vector_load_idx %arg8[%add3A_446] : memref<13072xi32, #tpu.memory_space<vmem>>[vector<16xi32>], vector<16xi32>,
    %add3A_448 = arith.addi %add3A_435, %gather3A_447 : vector<16xi32>
    %mul3A_449 = arith.constant 16 : i32
    %mul3A_450 = vector.broadcast %mul3A_449 : i32 to vector<16xi32>
    %mul3A_451 = arith.muli %iota3A, %mul3A_450 : vector<16xi32>
    %add3A_452 = arith.addi %broadcast_in_dim3A_407, %mul3A_451 : vector<16xi32>
    %add3A_453 = arith.constant 3 : i32
    %add3A_454 = vector.broadcast %add3A_453 : i32 to vector<16xi32>
    %add3A_455 = arith.addi %add3A_452, %add3A_454 : vector<16xi32>
    %mul3A_456 = arith.constant 17 : i32
    %mul3A_457 = vector.broadcast %mul3A_456 : i32 to vector<16xi32>
    %mul3A_458 = arith.muli %add3A_455, %mul3A_457 : vector<16xi32>
    %add3A_459 = arith.addi %mul3A_458, %iota3A : vector<16xi32>
    %gather3A_460 = tpu.vector_load_idx %arg8[%add3A_459] : memref<13072xi32, #tpu.memory_space<vmem>>[vector<16xi32>], vector<16xi32>,
    %add3A_461 = arith.addi %add3A_448, %gather3A_460 : vector<16xi32>
    %mul3A_462 = arith.constant 16 : i32
    %mul3A_463 = vector.broadcast %mul3A_462 : i32 to vector<16xi32>
    %mul3A_464 = arith.muli %iota3A, %mul3A_463 : vector<16xi32>
    %add3A_465 = arith.addi %broadcast_in_dim3A_407, %mul3A_464 : vector<16xi32>
    %add3A_466 = arith.constant 4 : i32
    %add3A_467 = vector.broadcast %add3A_466 : i32 to vector<16xi32>
    %add3A_468 = arith.addi %add3A_465, %add3A_467 : vector<16xi32>
    %mul3A_469 = arith.constant 17 : i32
    %mul3A_470 = vector.broadcast %mul3A_469 : i32 to vector<16xi32>
    %mul3A_471 = arith.muli %add3A_468, %mul3A_470 : vector<16xi32>
    %add3A_472 = arith.addi %mul3A_471, %iota3A : vector<16xi32>
    %gather3A_473 = tpu.vector_load_idx %arg8[%add3A_472] : memref<13072xi32, #tpu.memory_space<vmem>>[vector<16xi32>], vector<16xi32>,
    %add3A_474 = arith.addi %add3A_461, %gather3A_473 : vector<16xi32>
    %mul3A_475 = arith.constant 16 : i32
    %mul3A_476 = vector.broadcast %mul3A_475 : i32 to vector<16xi32>
    %mul3A_477 = arith.muli %iota3A, %mul3A_476 : vector<16xi32>
    %add3A_478 = arith.addi %broadcast_in_dim3A_407, %mul3A_477 : vector<16xi32>
    %add3A_479 = arith.constant 5 : i32
    %add3A_480 = vector.broadcast %add3A_479 : i32 to vector<16xi32>
    %add3A_481 = arith.addi %add3A_478, %add3A_480 : vector<16xi32>
    %mul3A_482 = arith.constant 17 : i32
    %mul3A_483 = vector.broadcast %mul3A_482 : i32 to vector<16xi32>
    %mul3A_484 = arith.muli %add3A_481, %mul3A_483 : vector<16xi32>
    %add3A_485 = arith.addi %mul3A_484, %iota3A : vector<16xi32>
    %gather3A_486 = tpu.vector_load_idx %arg8[%add3A_485] : memref<13072xi32, #tpu.memory_space<vmem>>[vector<16xi32>], vector<16xi32>,
    %add3A_487 = arith.addi %add3A_474, %gather3A_486 : vector<16xi32>
    %mul3A_488 = arith.constant 16 : i32
    %mul3A_489 = vector.broadcast %mul3A_488 : i32 to vector<16xi32>
    %mul3A_490 = arith.muli %iota3A, %mul3A_489 : vector<16xi32>
    %add3A_491 = arith.addi %broadcast_in_dim3A_407, %mul3A_490 : vector<16xi32>
    %add3A_492 = arith.constant 6 : i32
    %add3A_493 = vector.broadcast %add3A_492 : i32 to vector<16xi32>
    %add3A_494 = arith.addi %add3A_491, %add3A_493 : vector<16xi32>
    %mul3A_495 = arith.constant 17 : i32
    %mul3A_496 = vector.broadcast %mul3A_495 : i32 to vector<16xi32>
    %mul3A_497 = arith.muli %add3A_494, %mul3A_496 : vector<16xi32>
    %add3A_498 = arith.addi %mul3A_497, %iota3A : vector<16xi32>
    %gather3A_499 = tpu.vector_load_idx %arg8[%add3A_498] : memref<13072xi32, #tpu.memory_space<vmem>>[vector<16xi32>], vector<16xi32>,
    %add3A_500 = arith.addi %add3A_487, %gather3A_499 : vector<16xi32>
    %mul3A_501 = arith.constant 16 : i32
    %mul3A_502 = vector.broadcast %mul3A_501 : i32 to vector<16xi32>
    %mul3A_503 = arith.muli %iota3A, %mul3A_502 : vector<16xi32>
    %add3A_504 = arith.addi %broadcast_in_dim3A_407, %mul3A_503 : vector<16xi32>
    %add3A_505 = arith.constant 7 : i32
    %add3A_506 = vector.broadcast %add3A_505 : i32 to vector<16xi32>
    %add3A_507 = arith.addi %add3A_504, %add3A_506 : vector<16xi32>
    %mul3A_508 = arith.constant 17 : i32
    %mul3A_509 = vector.broadcast %mul3A_508 : i32 to vector<16xi32>
    %mul3A_510 = arith.muli %add3A_507, %mul3A_509 : vector<16xi32>
    %add3A_511 = arith.addi %mul3A_510, %iota3A : vector<16xi32>
    %gather3A_512 = tpu.vector_load_idx %arg8[%add3A_511] : memref<13072xi32, #tpu.memory_space<vmem>>[vector<16xi32>], vector<16xi32>,
    %add3A_513 = arith.addi %add3A_500, %gather3A_512 : vector<16xi32>
    %mul3A_514 = arith.constant 16 : i32
    %mul3A_515 = vector.broadcast %mul3A_514 : i32 to vector<16xi32>
    %mul3A_516 = arith.muli %iota3A, %mul3A_515 : vector<16xi32>
    %add3A_517 = arith.addi %broadcast_in_dim3A_407, %mul3A_516 : vector<16xi32>
    %add3A_518 = arith.constant 8 : i32
    %add3A_519 = vector.broadcast %add3A_518 : i32 to vector<16xi32>
    %add3A_520 = arith.addi %add3A_517, %add3A_519 : vector<16xi32>
    %mul3A_521 = arith.constant 17 : i32
    %mul3A_522 = vector.broadcast %mul3A_521 : i32 to vector<16xi32>
    %mul3A_523 = arith.muli %add3A_520, %mul3A_522 : vector<16xi32>
    %add3A_524 = arith.addi %mul3A_523, %iota3A : vector<16xi32>
    %gather3A_525 = tpu.vector_load_idx %arg8[%add3A_524] : memref<13072xi32, #tpu.memory_space<vmem>>[vector<16xi32>], vector<16xi32>,
    %add3A_526 = arith.addi %add3A_513, %gather3A_525 : vector<16xi32>
    %mul3A_527 = arith.constant 16 : i32
    %mul3A_528 = vector.broadcast %mul3A_527 : i32 to vector<16xi32>
    %mul3A_529 = arith.muli %iota3A, %mul3A_528 : vector<16xi32>
    %add3A_530 = arith.addi %broadcast_in_dim3A_407, %mul3A_529 : vector<16xi32>
    %add3A_531 = arith.constant 9 : i32
    %add3A_532 = vector.broadcast %add3A_531 : i32 to vector<16xi32>
    %add3A_533 = arith.addi %add3A_530, %add3A_532 : vector<16xi32>
    %mul3A_534 = arith.constant 17 : i32
    %mul3A_535 = vector.broadcast %mul3A_534 : i32 to vector<16xi32>
    %mul3A_536 = arith.muli %add3A_533, %mul3A_535 : vector<16xi32>
    %add3A_537 = arith.addi %mul3A_536, %iota3A : vector<16xi32>
    %gather3A_538 = tpu.vector_load_idx %arg8[%add3A_537] : memref<13072xi32, #tpu.memory_space<vmem>>[vector<16xi32>], vector<16xi32>,
    %add3A_539 = arith.addi %add3A_526, %gather3A_538 : vector<16xi32>
    %mul3A_540 = arith.constant 16 : i32
    %mul3A_541 = vector.broadcast %mul3A_540 : i32 to vector<16xi32>
    %mul3A_542 = arith.muli %iota3A, %mul3A_541 : vector<16xi32>
    %add3A_543 = arith.addi %broadcast_in_dim3A_407, %mul3A_542 : vector<16xi32>
    %add3A_544 = arith.constant 10 : i32
    %add3A_545 = vector.broadcast %add3A_544 : i32 to vector<16xi32>
    %add3A_546 = arith.addi %add3A_543, %add3A_545 : vector<16xi32>
    %mul3A_547 = arith.constant 17 : i32
    %mul3A_548 = vector.broadcast %mul3A_547 : i32 to vector<16xi32>
    %mul3A_549 = arith.muli %add3A_546, %mul3A_548 : vector<16xi32>
    %add3A_550 = arith.addi %mul3A_549, %iota3A : vector<16xi32>
    %gather3A_551 = tpu.vector_load_idx %arg8[%add3A_550] : memref<13072xi32, #tpu.memory_space<vmem>>[vector<16xi32>], vector<16xi32>,
    %add3A_552 = arith.addi %add3A_539, %gather3A_551 : vector<16xi32>
    %mul3A_553 = arith.constant 16 : i32
    %mul3A_554 = vector.broadcast %mul3A_553 : i32 to vector<16xi32>
    %mul3A_555 = arith.muli %iota3A, %mul3A_554 : vector<16xi32>
    %add3A_556 = arith.addi %broadcast_in_dim3A_407, %mul3A_555 : vector<16xi32>
    %add3A_557 = arith.constant 11 : i32
    %add3A_558 = vector.broadcast %add3A_557 : i32 to vector<16xi32>
    %add3A_559 = arith.addi %add3A_556, %add3A_558 : vector<16xi32>
    %mul3A_560 = arith.constant 17 : i32
    %mul3A_561 = vector.broadcast %mul3A_560 : i32 to vector<16xi32>
    %mul3A_562 = arith.muli %add3A_559, %mul3A_561 : vector<16xi32>
    %add3A_563 = arith.addi %mul3A_562, %iota3A : vector<16xi32>
    %gather3A_564 = tpu.vector_load_idx %arg8[%add3A_563] : memref<13072xi32, #tpu.memory_space<vmem>>[vector<16xi32>], vector<16xi32>,
    %add3A_565 = arith.addi %add3A_552, %gather3A_564 : vector<16xi32>
    %mul3A_566 = arith.constant 16 : i32
    %mul3A_567 = vector.broadcast %mul3A_566 : i32 to vector<16xi32>
    %mul3A_568 = arith.muli %iota3A, %mul3A_567 : vector<16xi32>
    %add3A_569 = arith.addi %broadcast_in_dim3A_407, %mul3A_568 : vector<16xi32>
    %add3A_570 = arith.constant 12 : i32
    %add3A_571 = vector.broadcast %add3A_570 : i32 to vector<16xi32>
    %add3A_572 = arith.addi %add3A_569, %add3A_571 : vector<16xi32>
    %mul3A_573 = arith.constant 17 : i32
    %mul3A_574 = vector.broadcast %mul3A_573 : i32 to vector<16xi32>
    %mul3A_575 = arith.muli %add3A_572, %mul3A_574 : vector<16xi32>
    %add3A_576 = arith.addi %mul3A_575, %iota3A : vector<16xi32>
    %gather3A_577 = tpu.vector_load_idx %arg8[%add3A_576] : memref<13072xi32, #tpu.memory_space<vmem>>[vector<16xi32>], vector<16xi32>,
    %add3A_578 = arith.addi %add3A_565, %gather3A_577 : vector<16xi32>
    %mul3A_579 = arith.constant 16 : i32
    %mul3A_580 = vector.broadcast %mul3A_579 : i32 to vector<16xi32>
    %mul3A_581 = arith.muli %iota3A, %mul3A_580 : vector<16xi32>
    %add3A_582 = arith.addi %broadcast_in_dim3A_407, %mul3A_581 : vector<16xi32>
    %add3A_583 = arith.constant 13 : i32
    %add3A_584 = vector.broadcast %add3A_583 : i32 to vector<16xi32>
    %add3A_585 = arith.addi %add3A_582, %add3A_584 : vector<16xi32>
    %mul3A_586 = arith.constant 17 : i32
    %mul3A_587 = vector.broadcast %mul3A_586 : i32 to vector<16xi32>
    %mul3A_588 = arith.muli %add3A_585, %mul3A_587 : vector<16xi32>
    %add3A_589 = arith.addi %mul3A_588, %iota3A : vector<16xi32>
    %gather3A_590 = tpu.vector_load_idx %arg8[%add3A_589] : memref<13072xi32, #tpu.memory_space<vmem>>[vector<16xi32>], vector<16xi32>,
    %add3A_591 = arith.addi %add3A_578, %gather3A_590 : vector<16xi32>
    %mul3A_592 = arith.constant 16 : i32
    %mul3A_593 = vector.broadcast %mul3A_592 : i32 to vector<16xi32>
    %mul3A_594 = arith.muli %iota3A, %mul3A_593 : vector<16xi32>
    %add3A_595 = arith.addi %broadcast_in_dim3A_407, %mul3A_594 : vector<16xi32>
    %add3A_596 = arith.constant 14 : i32
    %add3A_597 = vector.broadcast %add3A_596 : i32 to vector<16xi32>
    %add3A_598 = arith.addi %add3A_595, %add3A_597 : vector<16xi32>
    %mul3A_599 = arith.constant 17 : i32
    %mul3A_600 = vector.broadcast %mul3A_599 : i32 to vector<16xi32>
    %mul3A_601 = arith.muli %add3A_598, %mul3A_600 : vector<16xi32>
    %add3A_602 = arith.addi %mul3A_601, %iota3A : vector<16xi32>
    %gather3A_603 = tpu.vector_load_idx %arg8[%add3A_602] : memref<13072xi32, #tpu.memory_space<vmem>>[vector<16xi32>], vector<16xi32>,
    %add3A_604 = arith.addi %add3A_591, %gather3A_603 : vector<16xi32>
    %mul3A_605 = arith.constant 16 : i32
    %mul3A_606 = vector.broadcast %mul3A_605 : i32 to vector<16xi32>
    %mul3A_607 = arith.muli %iota3A, %mul3A_606 : vector<16xi32>
    %add3A_608 = arith.addi %broadcast_in_dim3A_407, %mul3A_607 : vector<16xi32>
    %add3A_609 = arith.constant 15 : i32
    %add3A_610 = vector.broadcast %add3A_609 : i32 to vector<16xi32>
    %add3A_611 = arith.addi %add3A_608, %add3A_610 : vector<16xi32>
    %mul3A_612 = arith.constant 17 : i32
    %mul3A_613 = vector.broadcast %mul3A_612 : i32 to vector<16xi32>
    %mul3A_614 = arith.muli %add3A_611, %mul3A_613 : vector<16xi32>
    %add3A_615 = arith.addi %mul3A_614, %iota3A : vector<16xi32>
    %gather3A_616 = tpu.vector_load_idx %arg8[%add3A_615] : memref<13072xi32, #tpu.memory_space<vmem>>[vector<16xi32>], vector<16xi32>,
    %add3A_617 = arith.addi %add3A_604, %gather3A_616 : vector<16xi32>
    %rev3A_618 = arith.constant 15 : i32
    %rev3A_619 = vector.broadcast %rev3A_618 : i32 to vector<16xi32>
    %rev3A_620 = tpu.iota {dimensions = array<i32: 0>} : vector<16xi32>
    %rev3A_621 = arith.subi %rev3A_619, %rev3A_620 : vector<16xi32>
    %rev3A_622 = tpu.dynamic_gather %add3A_617[%rev3A_621] in [0] : vector<16xi32>, vector<16xi32> -> vector<16xi32>
    %broadcast_in_dim3A_623 = arith.constant true
    %broadcast_in_dim3A_624 = vector.broadcast %broadcast_in_dim3A_623 : i1 to vector<16xi1>
    %masked_cumsum3A_625 = tpu.scan <sum>, %rev3A_622 masked %broadcast_in_dim3A_624 : vector<16xi32>, vector<16xi1> -> vector<16xi32>
    %rev3A_626 = arith.constant 15 : i32
    %rev3A_627 = vector.broadcast %rev3A_626 : i32 to vector<16xi32>
    %rev3A_628 = tpu.iota {dimensions = array<i32: 0>} : vector<16xi32>
    %rev3A_629 = arith.subi %rev3A_627, %rev3A_628 : vector<16xi32>
    %rev3A_630 = tpu.dynamic_gather %masked_cumsum3A_625[%rev3A_629] in [0] : vector<16xi32>, vector<16xi32> -> vector<16xi32>
    %gt3A_631 = arith.cmpi sgt, %rev3A_630, %sub3A_405 : vector<16xi32>
    %all_reduce_population_count3A_632 = tpu.all_reduce %gt3A_631 {dim = 0 : i64, kind = #tpu.reduction_kind<sum>} : vector<16xi1> -> vector<16xi32>
    %sub3A_633 = arith.constant 1 : i32
    %sub3A_634 = vector.broadcast %sub3A_633 : i32 to vector<16xi32>
    %sub3A_635 = arith.subi %all_reduce_population_count3A_632, %sub3A_634 : vector<16xi32>
    %eq3A_636 = arith.cmpi eq, %iota3A, %sub3A_635 : vector<16xi32>
    %sub3A_637 = arith.subi %rev3A_630, %add3A_617 : vector<16xi32>
    %jit3A_638 = arith.constant 0 : i32
    %broadcast_in_dim3A_639 = vector.broadcast %jit3A_638 : i32 to vector<16xi32>
    %select_n3A_640 = arith.select %eq3A_636, %sub3A_637, %broadcast_in_dim3A_639 : vector<16xi1>, vector<16xi32>
    %reduce_sum3A_641 = arith.constant true
    %reduce_sum3A_642 = vector.broadcast %reduce_sum3A_641 : i1 to vector<16xi1>
    %reduce_sum3A_643 = tpu.scan <sum>, %select_n3A_640 masked %reduce_sum3A_642 : vector<16xi32>, vector<16xi1> -> vector<16xi32>
    %reduce_sum3A_644 = vector.extract %reduce_sum3A_643[15] : i32 from vector<16xi32>
    %broadcast_in_dim3A_645 = vector.broadcast %reduce_sum3A_644 : i32 to vector<16xi32>
    %mul3A_646 = arith.constant 16 : i32
    %mul3A_647 = vector.broadcast %mul3A_646 : i32 to vector<16xi32>
    %mul3A_648 = arith.muli %sub3A_635, %mul3A_647 : vector<16xi32>
    %add3A_649 = arith.addi %broadcast_in_dim3A_407, %mul3A_648 : vector<16xi32>
    %add3A_650 = arith.addi %add3A_649, %iota3A : vector<16xi32>
    %mul3A_651 = arith.constant 17 : i32
    %mul3A_652 = vector.broadcast %mul3A_651 : i32 to vector<16xi32>
    %mul3A_653 = arith.muli %add3A_650, %mul3A_652 : vector<16xi32>
    %gather3A_654 = tpu.vector_load_idx %arg8[%mul3A_653] : memref<13072xi32, #tpu.memory_space<vmem>>[vector<16xi32>], vector<16xi32>,
    %rev3A_655 = arith.constant 15 : i32
    %rev3A_656 = vector.broadcast %rev3A_655 : i32 to vector<16xi32>
    %rev3A_657 = tpu.iota {dimensions = array<i32: 0>} : vector<16xi32>
    %rev3A_658 = arith.subi %rev3A_656, %rev3A_657 : vector<16xi32>
    %rev3A_659 = tpu.dynamic_gather %gather3A_654[%rev3A_658] in [0] : vector<16xi32>, vector<16xi32> -> vector<16xi32>
    %broadcast_in_dim3A_660 = arith.constant true
    %broadcast_in_dim3A_661 = vector.broadcast %broadcast_in_dim3A_660 : i1 to vector<16xi1>
    %masked_cumsum3A_662 = tpu.scan <sum>, %rev3A_659 masked %broadcast_in_dim3A_661 : vector<16xi32>, vector<16xi1> -> vector<16xi32>
    %rev3A_663 = arith.constant 15 : i32
    %rev3A_664 = vector.broadcast %rev3A_663 : i32 to vector<16xi32>
    %rev3A_665 = tpu.iota {dimensions = array<i32: 0>} : vector<16xi32>
    %rev3A_666 = arith.subi %rev3A_664, %rev3A_665 : vector<16xi32>
    %rev3A_667 = tpu.dynamic_gather %masked_cumsum3A_662[%rev3A_666] in [0] : vector<16xi32>, vector<16xi32> -> vector<16xi32>
    %add3A_668 = arith.addi %broadcast_in_dim3A_645, %rev3A_667 : vector<16xi32>
    %gt3A_669 = arith.cmpi sgt, %add3A_668, %sub3A_405 : vector<16xi32>
    %all_reduce_population_count3A_670 = tpu.all_reduce %gt3A_669 {dim = 0 : i64, kind = #tpu.reduction_kind<sum>} : vector<16xi1> -> vector<16xi32>
    %sub3A_671 = arith.constant 1 : i32
    %sub3A_672 = vector.broadcast %sub3A_671 : i32 to vector<16xi32>
    %sub3A_673 = arith.subi %all_reduce_population_count3A_670, %sub3A_672 : vector<16xi32>
    %mul3A_674 = arith.constant 16 : i32
    %mul3A_675 = vector.broadcast %mul3A_674 : i32 to vector<16xi32>
    %mul3A_676 = arith.muli %sub3A_635, %mul3A_675 : vector<16xi32>
    %add3A_677 = arith.addi %mul3A_676, %sub3A_673 : vector<16xi32>
    %eq3A_678 = arith.cmpi eq, %iota3A, %sub3A_673 : vector<16xi32>
    %sub3A_679 = arith.subi %rev3A_667, %gather3A_654 : vector<16xi32>
    %jit3A_680 = arith.constant 0 : i32
    %broadcast_in_dim3A_681 = vector.broadcast %jit3A_680 : i32 to vector<16xi32>
    %select_n3A_682 = arith.select %eq3A_678, %sub3A_679, %broadcast_in_dim3A_681 : vector<16xi1>, vector<16xi32>
    %reduce_sum3A_683 = arith.constant true
    %reduce_sum3A_684 = vector.broadcast %reduce_sum3A_683 : i1 to vector<16xi1>
    %reduce_sum3A_685 = tpu.scan <sum>, %select_n3A_682 masked %reduce_sum3A_684 : vector<16xi32>, vector<16xi1> -> vector<16xi32>
    %reduce_sum3A_686 = vector.extract %reduce_sum3A_685[15] : i32 from vector<16xi32>
    %broadcast_in_dim3A_687 = vector.broadcast %reduce_sum3A_686 : i32 to vector<16xi32>
    %add3A_688 = arith.addi %broadcast_in_dim3A_645, %broadcast_in_dim3A_687 : vector<16xi32>
    %broadcast_in_dim3A_689 = arith.constant 256 : i32
    %broadcast_in_dim3A_690 = vector.broadcast %broadcast_in_dim3A_689 : i32 to vector<16xi32>
    %broadcast_in_dim3A_691 = arith.constant 512 : i32
    %broadcast_in_dim3A_692 = vector.broadcast %broadcast_in_dim3A_691 : i32 to vector<16xi32>
    %select_n3A_693 = arith.select %eq3A_383, %broadcast_in_dim3A_690, %broadcast_in_dim3A_692 : vector<16xi1>, vector<16xi32>
    %broadcast_in_dim3A_694 = arith.constant 513 : i32
    %broadcast_in_dim3A_695 = vector.broadcast %broadcast_in_dim3A_694 : i32 to vector<16xi32>
    %sub3A_696 = arith.subi %broadcast_in_dim3A_695, %add3A_322 : vector<16xi32>
    %broadcast_in_dim3A_697 = arith.constant 513 : i32
    %broadcast_in_dim3A_698 = vector.broadcast %broadcast_in_dim3A_697 : i32 to vector<16xi32>
    %sub3A_699 = arith.subi %broadcast_in_dim3A_698, %add3A_382 : vector<16xi32>
    %select_n3A_700 = arith.select %eq3A_383, %sub3A_696, %sub3A_699 : vector<16xi1>, vector<16xi32>
    %broadcast_in_dim3A_701 = arith.constant 0 : i32
    %broadcast_in_dim3A_702 = vector.broadcast %broadcast_in_dim3A_701 : i32 to vector<16xi32>
    %mul3A_703 = arith.constant 16 : i32
    %mul3A_704 = vector.broadcast %mul3A_703 : i32 to vector<16xi32>
    %mul3A_705 = arith.muli %iota3A, %mul3A_704 : vector<16xi32>
    %add3A_706 = arith.addi %select_n3A_693, %mul3A_705 : vector<16xi32>
    %add3A_707 = arith.constant 0 : i32
    %add3A_708 = vector.broadcast %add3A_707 : i32 to vector<16xi32>
    %add3A_709 = arith.addi %add3A_706, %add3A_708 : vector<16xi32>
    %mul3A_710 = arith.constant 17 : i32
    %mul3A_711 = vector.broadcast %mul3A_710 : i32 to vector<16xi32>
    %mul3A_712 = arith.muli %add3A_709, %mul3A_711 : vector<16xi32>
    %add3A_713 = arith.addi %mul3A_712, %iota3A : vector<16xi32>
    %gather3A_714 = tpu.vector_load_idx %arg8[%add3A_713] : memref<13072xi32, #tpu.memory_space<vmem>>[vector<16xi32>], vector<16xi32>,
    %add3A_715 = arith.addi %broadcast_in_dim3A_702, %gather3A_714 : vector<16xi32>
    %mul3A_716 = arith.constant 16 : i32
    %mul3A_717 = vector.broadcast %mul3A_716 : i32 to vector<16xi32>
    %mul3A_718 = arith.muli %iota3A, %mul3A_717 : vector<16xi32>
    %add3A_719 = arith.addi %select_n3A_693, %mul3A_718 : vector<16xi32>
    %add3A_720 = arith.constant 1 : i32
    %add3A_721 = vector.broadcast %add3A_720 : i32 to vector<16xi32>
    %add3A_722 = arith.addi %add3A_719, %add3A_721 : vector<16xi32>
    %mul3A_723 = arith.constant 17 : i32
    %mul3A_724 = vector.broadcast %mul3A_723 : i32 to vector<16xi32>
    %mul3A_725 = arith.muli %add3A_722, %mul3A_724 : vector<16xi32>
    %add3A_726 = arith.addi %mul3A_725, %iota3A : vector<16xi32>
    %gather3A_727 = tpu.vector_load_idx %arg8[%add3A_726] : memref<13072xi32, #tpu.memory_space<vmem>>[vector<16xi32>], vector<16xi32>,
    %add3A_728 = arith.addi %add3A_715, %gather3A_727 : vector<16xi32>
    %mul3A_729 = arith.constant 16 : i32
    %mul3A_730 = vector.broadcast %mul3A_729 : i32 to vector<16xi32>
    %mul3A_731 = arith.muli %iota3A, %mul3A_730 : vector<16xi32>
    %add3A_732 = arith.addi %select_n3A_693, %mul3A_731 : vector<16xi32>
    %add3A_733 = arith.constant 2 : i32
    %add3A_734 = vector.broadcast %add3A_733 : i32 to vector<16xi32>
    %add3A_735 = arith.addi %add3A_732, %add3A_734 : vector<16xi32>
    %mul3A_736 = arith.constant 17 : i32
    %mul3A_737 = vector.broadcast %mul3A_736 : i32 to vector<16xi32>
    %mul3A_738 = arith.muli %add3A_735, %mul3A_737 : vector<16xi32>
    %add3A_739 = arith.addi %mul3A_738, %iota3A : vector<16xi32>
    %gather3A_740 = tpu.vector_load_idx %arg8[%add3A_739] : memref<13072xi32, #tpu.memory_space<vmem>>[vector<16xi32>], vector<16xi32>,
    %add3A_741 = arith.addi %add3A_728, %gather3A_740 : vector<16xi32>
    %mul3A_742 = arith.constant 16 : i32
    %mul3A_743 = vector.broadcast %mul3A_742 : i32 to vector<16xi32>
    %mul3A_744 = arith.muli %iota3A, %mul3A_743 : vector<16xi32>
    %add3A_745 = arith.addi %select_n3A_693, %mul3A_744 : vector<16xi32>
    %add3A_746 = arith.constant 3 : i32
    %add3A_747 = vector.broadcast %add3A_746 : i32 to vector<16xi32>
    %add3A_748 = arith.addi %add3A_745, %add3A_747 : vector<16xi32>
    %mul3A_749 = arith.constant 17 : i32
    %mul3A_750 = vector.broadcast %mul3A_749 : i32 to vector<16xi32>
    %mul3A_751 = arith.muli %add3A_748, %mul3A_750 : vector<16xi32>
    %add3A_752 = arith.addi %mul3A_751, %iota3A : vector<16xi32>
    %gather3A_753 = tpu.vector_load_idx %arg8[%add3A_752] : memref<13072xi32, #tpu.memory_space<vmem>>[vector<16xi32>], vector<16xi32>,
    %add3A_754 = arith.addi %add3A_741, %gather3A_753 : vector<16xi32>
    %mul3A_755 = arith.constant 16 : i32
    %mul3A_756 = vector.broadcast %mul3A_755 : i32 to vector<16xi32>
    %mul3A_757 = arith.muli %iota3A, %mul3A_756 : vector<16xi32>
    %add3A_758 = arith.addi %select_n3A_693, %mul3A_757 : vector<16xi32>
    %add3A_759 = arith.constant 4 : i32
    %add3A_760 = vector.broadcast %add3A_759 : i32 to vector<16xi32>
    %add3A_761 = arith.addi %add3A_758, %add3A_760 : vector<16xi32>
    %mul3A_762 = arith.constant 17 : i32
    %mul3A_763 = vector.broadcast %mul3A_762 : i32 to vector<16xi32>
    %mul3A_764 = arith.muli %add3A_761, %mul3A_763 : vector<16xi32>
    %add3A_765 = arith.addi %mul3A_764, %iota3A : vector<16xi32>
    %gather3A_766 = tpu.vector_load_idx %arg8[%add3A_765] : memref<13072xi32, #tpu.memory_space<vmem>>[vector<16xi32>], vector<16xi32>,
    %add3A_767 = arith.addi %add3A_754, %gather3A_766 : vector<16xi32>
    %mul3A_768 = arith.constant 16 : i32
    %mul3A_769 = vector.broadcast %mul3A_768 : i32 to vector<16xi32>
    %mul3A_770 = arith.muli %iota3A, %mul3A_769 : vector<16xi32>
    %add3A_771 = arith.addi %select_n3A_693, %mul3A_770 : vector<16xi32>
    %add3A_772 = arith.constant 5 : i32
    %add3A_773 = vector.broadcast %add3A_772 : i32 to vector<16xi32>
    %add3A_774 = arith.addi %add3A_771, %add3A_773 : vector<16xi32>
    %mul3A_775 = arith.constant 17 : i32
    %mul3A_776 = vector.broadcast %mul3A_775 : i32 to vector<16xi32>
    %mul3A_777 = arith.muli %add3A_774, %mul3A_776 : vector<16xi32>
    %add3A_778 = arith.addi %mul3A_777, %iota3A : vector<16xi32>
    %gather3A_779 = tpu.vector_load_idx %arg8[%add3A_778] : memref<13072xi32, #tpu.memory_space<vmem>>[vector<16xi32>], vector<16xi32>,
    %add3A_780 = arith.addi %add3A_767, %gather3A_779 : vector<16xi32>
    %mul3A_781 = arith.constant 16 : i32
    %mul3A_782 = vector.broadcast %mul3A_781 : i32 to vector<16xi32>
    %mul3A_783 = arith.muli %iota3A, %mul3A_782 : vector<16xi32>
    %add3A_784 = arith.addi %select_n3A_693, %mul3A_783 : vector<16xi32>
    %add3A_785 = arith.constant 6 : i32
    %add3A_786 = vector.broadcast %add3A_785 : i32 to vector<16xi32>
    %add3A_787 = arith.addi %add3A_784, %add3A_786 : vector<16xi32>
    %mul3A_788 = arith.constant 17 : i32
    %mul3A_789 = vector.broadcast %mul3A_788 : i32 to vector<16xi32>
    %mul3A_790 = arith.muli %add3A_787, %mul3A_789 : vector<16xi32>
    %add3A_791 = arith.addi %mul3A_790, %iota3A : vector<16xi32>
    %gather3A_792 = tpu.vector_load_idx %arg8[%add3A_791] : memref<13072xi32, #tpu.memory_space<vmem>>[vector<16xi32>], vector<16xi32>,
    %add3A_793 = arith.addi %add3A_780, %gather3A_792 : vector<16xi32>
    %mul3A_794 = arith.constant 16 : i32
    %mul3A_795 = vector.broadcast %mul3A_794 : i32 to vector<16xi32>
    %mul3A_796 = arith.muli %iota3A, %mul3A_795 : vector<16xi32>
    %add3A_797 = arith.addi %select_n3A_693, %mul3A_796 : vector<16xi32>
    %add3A_798 = arith.constant 7 : i32
    %add3A_799 = vector.broadcast %add3A_798 : i32 to vector<16xi32>
    %add3A_800 = arith.addi %add3A_797, %add3A_799 : vector<16xi32>
    %mul3A_801 = arith.constant 17 : i32
    %mul3A_802 = vector.broadcast %mul3A_801 : i32 to vector<16xi32>
    %mul3A_803 = arith.muli %add3A_800, %mul3A_802 : vector<16xi32>
    %add3A_804 = arith.addi %mul3A_803, %iota3A : vector<16xi32>
    %gather3A_805 = tpu.vector_load_idx %arg8[%add3A_804] : memref<13072xi32, #tpu.memory_space<vmem>>[vector<16xi32>], vector<16xi32>,
    %add3A_806 = arith.addi %add3A_793, %gather3A_805 : vector<16xi32>
    %mul3A_807 = arith.constant 16 : i32
    %mul3A_808 = vector.broadcast %mul3A_807 : i32 to vector<16xi32>
    %mul3A_809 = arith.muli %iota3A, %mul3A_808 : vector<16xi32>
    %add3A_810 = arith.addi %select_n3A_693, %mul3A_809 : vector<16xi32>
    %add3A_811 = arith.constant 8 : i32
    %add3A_812 = vector.broadcast %add3A_811 : i32 to vector<16xi32>
    %add3A_813 = arith.addi %add3A_810, %add3A_812 : vector<16xi32>
    %mul3A_814 = arith.constant 17 : i32
    %mul3A_815 = vector.broadcast %mul3A_814 : i32 to vector<16xi32>
    %mul3A_816 = arith.muli %add3A_813, %mul3A_815 : vector<16xi32>
    %add3A_817 = arith.addi %mul3A_816, %iota3A : vector<16xi32>
    %gather3A_818 = tpu.vector_load_idx %arg8[%add3A_817] : memref<13072xi32, #tpu.memory_space<vmem>>[vector<16xi32>], vector<16xi32>,
    %add3A_819 = arith.addi %add3A_806, %gather3A_818 : vector<16xi32>
    %mul3A_820 = arith.constant 16 : i32
    %mul3A_821 = vector.broadcast %mul3A_820 : i32 to vector<16xi32>
    %mul3A_822 = arith.muli %iota3A, %mul3A_821 : vector<16xi32>
    %add3A_823 = arith.addi %select_n3A_693, %mul3A_822 : vector<16xi32>
    %add3A_824 = arith.constant 9 : i32
    %add3A_825 = vector.broadcast %add3A_824 : i32 to vector<16xi32>
    %add3A_826 = arith.addi %add3A_823, %add3A_825 : vector<16xi32>
    %mul3A_827 = arith.constant 17 : i32
    %mul3A_828 = vector.broadcast %mul3A_827 : i32 to vector<16xi32>
    %mul3A_829 = arith.muli %add3A_826, %mul3A_828 : vector<16xi32>
    %add3A_830 = arith.addi %mul3A_829, %iota3A : vector<16xi32>
    %gather3A_831 = tpu.vector_load_idx %arg8[%add3A_830] : memref<13072xi32, #tpu.memory_space<vmem>>[vector<16xi32>], vector<16xi32>,
    %add3A_832 = arith.addi %add3A_819, %gather3A_831 : vector<16xi32>
    %mul3A_833 = arith.constant 16 : i32
    %mul3A_834 = vector.broadcast %mul3A_833 : i32 to vector<16xi32>
    %mul3A_835 = arith.muli %iota3A, %mul3A_834 : vector<16xi32>
    %add3A_836 = arith.addi %select_n3A_693, %mul3A_835 : vector<16xi32>
    %add3A_837 = arith.constant 10 : i32
    %add3A_838 = vector.broadcast %add3A_837 : i32 to vector<16xi32>
    %add3A_839 = arith.addi %add3A_836, %add3A_838 : vector<16xi32>
    %mul3A_840 = arith.constant 17 : i32
    %mul3A_841 = vector.broadcast %mul3A_840 : i32 to vector<16xi32>
    %mul3A_842 = arith.muli %add3A_839, %mul3A_841 : vector<16xi32>
    %add3A_843 = arith.addi %mul3A_842, %iota3A : vector<16xi32>
    %gather3A_844 = tpu.vector_load_idx %arg8[%add3A_843] : memref<13072xi32, #tpu.memory_space<vmem>>[vector<16xi32>], vector<16xi32>,
    %add3A_845 = arith.addi %add3A_832, %gather3A_844 : vector<16xi32>
    %mul3A_846 = arith.constant 16 : i32
    %mul3A_847 = vector.broadcast %mul3A_846 : i32 to vector<16xi32>
    %mul3A_848 = arith.muli %iota3A, %mul3A_847 : vector<16xi32>
    %add3A_849 = arith.addi %select_n3A_693, %mul3A_848 : vector<16xi32>
    %add3A_850 = arith.constant 11 : i32
    %add3A_851 = vector.broadcast %add3A_850 : i32 to vector<16xi32>
    %add3A_852 = arith.addi %add3A_849, %add3A_851 : vector<16xi32>
    %mul3A_853 = arith.constant 17 : i32
    %mul3A_854 = vector.broadcast %mul3A_853 : i32 to vector<16xi32>
    %mul3A_855 = arith.muli %add3A_852, %mul3A_854 : vector<16xi32>
    %add3A_856 = arith.addi %mul3A_855, %iota3A : vector<16xi32>
    %gather3A_857 = tpu.vector_load_idx %arg8[%add3A_856] : memref<13072xi32, #tpu.memory_space<vmem>>[vector<16xi32>], vector<16xi32>,
    %add3A_858 = arith.addi %add3A_845, %gather3A_857 : vector<16xi32>
    %mul3A_859 = arith.constant 16 : i32
    %mul3A_860 = vector.broadcast %mul3A_859 : i32 to vector<16xi32>
    %mul3A_861 = arith.muli %iota3A, %mul3A_860 : vector<16xi32>
    %add3A_862 = arith.addi %select_n3A_693, %mul3A_861 : vector<16xi32>
    %add3A_863 = arith.constant 12 : i32
    %add3A_864 = vector.broadcast %add3A_863 : i32 to vector<16xi32>
    %add3A_865 = arith.addi %add3A_862, %add3A_864 : vector<16xi32>
    %mul3A_866 = arith.constant 17 : i32
    %mul3A_867 = vector.broadcast %mul3A_866 : i32 to vector<16xi32>
    %mul3A_868 = arith.muli %add3A_865, %mul3A_867 : vector<16xi32>
    %add3A_869 = arith.addi %mul3A_868, %iota3A : vector<16xi32>
    %gather3A_870 = tpu.vector_load_idx %arg8[%add3A_869] : memref<13072xi32, #tpu.memory_space<vmem>>[vector<16xi32>], vector<16xi32>,
    %add3A_871 = arith.addi %add3A_858, %gather3A_870 : vector<16xi32>
    %mul3A_872 = arith.constant 16 : i32
    %mul3A_873 = vector.broadcast %mul3A_872 : i32 to vector<16xi32>
    %mul3A_874 = arith.muli %iota3A, %mul3A_873 : vector<16xi32>
    %add3A_875 = arith.addi %select_n3A_693, %mul3A_874 : vector<16xi32>
    %add3A_876 = arith.constant 13 : i32
    %add3A_877 = vector.broadcast %add3A_876 : i32 to vector<16xi32>
    %add3A_878 = arith.addi %add3A_875, %add3A_877 : vector<16xi32>
    %mul3A_879 = arith.constant 17 : i32
    %mul3A_880 = vector.broadcast %mul3A_879 : i32 to vector<16xi32>
    %mul3A_881 = arith.muli %add3A_878, %mul3A_880 : vector<16xi32>
    %add3A_882 = arith.addi %mul3A_881, %iota3A : vector<16xi32>
    %gather3A_883 = tpu.vector_load_idx %arg8[%add3A_882] : memref<13072xi32, #tpu.memory_space<vmem>>[vector<16xi32>], vector<16xi32>,
    %add3A_884 = arith.addi %add3A_871, %gather3A_883 : vector<16xi32>
    %mul3A_885 = arith.constant 16 : i32
    %mul3A_886 = vector.broadcast %mul3A_885 : i32 to vector<16xi32>
    %mul3A_887 = arith.muli %iota3A, %mul3A_886 : vector<16xi32>
    %add3A_888 = arith.addi %select_n3A_693, %mul3A_887 : vector<16xi32>
    %add3A_889 = arith.constant 14 : i32
    %add3A_890 = vector.broadcast %add3A_889 : i32 to vector<16xi32>
    %add3A_891 = arith.addi %add3A_888, %add3A_890 : vector<16xi32>
    %mul3A_892 = arith.constant 17 : i32
    %mul3A_893 = vector.broadcast %mul3A_892 : i32 to vector<16xi32>
    %mul3A_894 = arith.muli %add3A_891, %mul3A_893 : vector<16xi32>
    %add3A_895 = arith.addi %mul3A_894, %iota3A : vector<16xi32>
    %gather3A_896 = tpu.vector_load_idx %arg8[%add3A_895] : memref<13072xi32, #tpu.memory_space<vmem>>[vector<16xi32>], vector<16xi32>,
    %add3A_897 = arith.addi %add3A_884, %gather3A_896 : vector<16xi32>
    %mul3A_898 = arith.constant 16 : i32
    %mul3A_899 = vector.broadcast %mul3A_898 : i32 to vector<16xi32>
    %mul3A_900 = arith.muli %iota3A, %mul3A_899 : vector<16xi32>
    %add3A_901 = arith.addi %select_n3A_693, %mul3A_900 : vector<16xi32>
    %add3A_902 = arith.constant 15 : i32
    %add3A_903 = vector.broadcast %add3A_902 : i32 to vector<16xi32>
    %add3A_904 = arith.addi %add3A_901, %add3A_903 : vector<16xi32>
    %mul3A_905 = arith.constant 17 : i32
    %mul3A_906 = vector.broadcast %mul3A_905 : i32 to vector<16xi32>
    %mul3A_907 = arith.muli %add3A_904, %mul3A_906 : vector<16xi32>
    %add3A_908 = arith.addi %mul3A_907, %iota3A : vector<16xi32>
    %gather3A_909 = tpu.vector_load_idx %arg8[%add3A_908] : memref<13072xi32, #tpu.memory_space<vmem>>[vector<16xi32>], vector<16xi32>,
    %add3A_910 = arith.addi %add3A_897, %gather3A_909 : vector<16xi32>
    %rev3A_911 = arith.constant 15 : i32
    %rev3A_912 = vector.broadcast %rev3A_911 : i32 to vector<16xi32>
    %rev3A_913 = tpu.iota {dimensions = array<i32: 0>} : vector<16xi32>
    %rev3A_914 = arith.subi %rev3A_912, %rev3A_913 : vector<16xi32>
    %rev3A_915 = tpu.dynamic_gather %add3A_910[%rev3A_914] in [0] : vector<16xi32>, vector<16xi32> -> vector<16xi32>
    %broadcast_in_dim3A_916 = arith.constant true
    %broadcast_in_dim3A_917 = vector.broadcast %broadcast_in_dim3A_916 : i1 to vector<16xi1>
    %masked_cumsum3A_918 = tpu.scan <sum>, %rev3A_915 masked %broadcast_in_dim3A_917 : vector<16xi32>, vector<16xi1> -> vector<16xi32>
    %rev3A_919 = arith.constant 15 : i32
    %rev3A_920 = vector.broadcast %rev3A_919 : i32 to vector<16xi32>
    %rev3A_921 = tpu.iota {dimensions = array<i32: 0>} : vector<16xi32>
    %rev3A_922 = arith.subi %rev3A_920, %rev3A_921 : vector<16xi32>
    %rev3A_923 = tpu.dynamic_gather %masked_cumsum3A_918[%rev3A_922] in [0] : vector<16xi32>, vector<16xi32> -> vector<16xi32>
    %gt3A_924 = arith.cmpi sgt, %rev3A_923, %select_n3A_700 : vector<16xi32>
    %all_reduce_population_count3A_925 = tpu.all_reduce %gt3A_924 {dim = 0 : i64, kind = #tpu.reduction_kind<sum>} : vector<16xi1> -> vector<16xi32>
    %sub3A_926 = arith.constant 1 : i32
    %sub3A_927 = vector.broadcast %sub3A_926 : i32 to vector<16xi32>
    %sub3A_928 = arith.subi %all_reduce_population_count3A_925, %sub3A_927 : vector<16xi32>
    %eq3A_929 = arith.cmpi eq, %iota3A, %sub3A_928 : vector<16xi32>
    %sub3A_930 = arith.subi %rev3A_923, %add3A_910 : vector<16xi32>
    %jit3A_931 = arith.constant 0 : i32
    %broadcast_in_dim3A_932 = vector.broadcast %jit3A_931 : i32 to vector<16xi32>
    %select_n3A_933 = arith.select %eq3A_929, %sub3A_930, %broadcast_in_dim3A_932 : vector<16xi1>, vector<16xi32>
    %reduce_sum3A_934 = arith.constant true
    %reduce_sum3A_935 = vector.broadcast %reduce_sum3A_934 : i1 to vector<16xi1>
    %reduce_sum3A_936 = tpu.scan <sum>, %select_n3A_933 masked %reduce_sum3A_935 : vector<16xi32>, vector<16xi1> -> vector<16xi32>
    %reduce_sum3A_937 = vector.extract %reduce_sum3A_936[15] : i32 from vector<16xi32>
    %broadcast_in_dim3A_938 = vector.broadcast %reduce_sum3A_937 : i32 to vector<16xi32>
    %mul3A_939 = arith.constant 16 : i32
    %mul3A_940 = vector.broadcast %mul3A_939 : i32 to vector<16xi32>
    %mul3A_941 = arith.muli %sub3A_928, %mul3A_940 : vector<16xi32>
    %add3A_942 = arith.addi %select_n3A_693, %mul3A_941 : vector<16xi32>
    %add3A_943 = arith.addi %add3A_942, %iota3A : vector<16xi32>
    %mul3A_944 = arith.constant 17 : i32
    %mul3A_945 = vector.broadcast %mul3A_944 : i32 to vector<16xi32>
    %mul3A_946 = arith.muli %add3A_943, %mul3A_945 : vector<16xi32>
    %gather3A_947 = tpu.vector_load_idx %arg8[%mul3A_946] : memref<13072xi32, #tpu.memory_space<vmem>>[vector<16xi32>], vector<16xi32>,
    %rev3A_948 = arith.constant 15 : i32
    %rev3A_949 = vector.broadcast %rev3A_948 : i32 to vector<16xi32>
    %rev3A_950 = tpu.iota {dimensions = array<i32: 0>} : vector<16xi32>
    %rev3A_951 = arith.subi %rev3A_949, %rev3A_950 : vector<16xi32>
    %rev3A_952 = tpu.dynamic_gather %gather3A_947[%rev3A_951] in [0] : vector<16xi32>, vector<16xi32> -> vector<16xi32>
    %broadcast_in_dim3A_953 = arith.constant true
    %broadcast_in_dim3A_954 = vector.broadcast %broadcast_in_dim3A_953 : i1 to vector<16xi1>
    %masked_cumsum3A_955 = tpu.scan <sum>, %rev3A_952 masked %broadcast_in_dim3A_954 : vector<16xi32>, vector<16xi1> -> vector<16xi32>
    %rev3A_956 = arith.constant 15 : i32
    %rev3A_957 = vector.broadcast %rev3A_956 : i32 to vector<16xi32>
    %rev3A_958 = tpu.iota {dimensions = array<i32: 0>} : vector<16xi32>
    %rev3A_959 = arith.subi %rev3A_957, %rev3A_958 : vector<16xi32>
    %rev3A_960 = tpu.dynamic_gather %masked_cumsum3A_955[%rev3A_959] in [0] : vector<16xi32>, vector<16xi32> -> vector<16xi32>
    %add3A_961 = arith.addi %broadcast_in_dim3A_938, %rev3A_960 : vector<16xi32>
    %gt3A_962 = arith.cmpi sgt, %add3A_961, %select_n3A_700 : vector<16xi32>
    %all_reduce_population_count3A_963 = tpu.all_reduce %gt3A_962 {dim = 0 : i64, kind = #tpu.reduction_kind<sum>} : vector<16xi1> -> vector<16xi32>
    %sub3A_964 = arith.constant 1 : i32
    %sub3A_965 = vector.broadcast %sub3A_964 : i32 to vector<16xi32>
    %sub3A_966 = arith.subi %all_reduce_population_count3A_963, %sub3A_965 : vector<16xi32>
    %mul3A_967 = arith.constant 16 : i32
    %mul3A_968 = vector.broadcast %mul3A_967 : i32 to vector<16xi32>
    %mul3A_969 = arith.muli %sub3A_928, %mul3A_968 : vector<16xi32>
    %add3A_970 = arith.addi %mul3A_969, %sub3A_966 : vector<16xi32>
    %eq3A_971 = arith.cmpi eq, %iota3A, %sub3A_966 : vector<16xi32>
    %sub3A_972 = arith.subi %rev3A_960, %gather3A_947 : vector<16xi32>
    %jit3A_973 = arith.constant 0 : i32
    %broadcast_in_dim3A_974 = vector.broadcast %jit3A_973 : i32 to vector<16xi32>
    %select_n3A_975 = arith.select %eq3A_971, %sub3A_972, %broadcast_in_dim3A_974 : vector<16xi1>, vector<16xi32>
    %reduce_sum3A_976 = arith.constant true
    %reduce_sum3A_977 = vector.broadcast %reduce_sum3A_976 : i1 to vector<16xi1>
    %reduce_sum3A_978 = tpu.scan <sum>, %select_n3A_975 masked %reduce_sum3A_977 : vector<16xi32>, vector<16xi1> -> vector<16xi32>
    %reduce_sum3A_979 = vector.extract %reduce_sum3A_978[15] : i32 from vector<16xi32>
    %broadcast_in_dim3A_980 = vector.broadcast %reduce_sum3A_979 : i32 to vector<16xi32>
    %add3A_981 = arith.addi %broadcast_in_dim3A_938, %broadcast_in_dim3A_980 : vector<16xi32>
    %add3A_982 = arith.addi %add3A_322, %add3A_688 : vector<16xi32>
    %broadcast_in_dim3A_983 = arith.constant 0 : i32
    %broadcast_in_dim3A_984 = vector.broadcast %broadcast_in_dim3A_983 : i32 to vector<16xi32>
    %parallel_loop3A_985 = arith.constant 0 : i32
    %parallel_loop3A_986 = arith.constant 512 : i32
    %parallel_loop3A_987 = arith.constant 1 : i32
    %parallel_loop3A_988 = scf.for %parallel_loop3A_2125 = %parallel_loop3A_985 to %parallel_loop3A_986 step %parallel_loop3A_987 iter_args(%parallel_loop3A_2126 = %broadcast_in_dim3A_984) -> (vector<16xi32>)  : i32 {
      %parallel_loop3A_2127 = arith.constant 16 : i32
      %parallel_loop3A_2128 = arith.muli %parallel_loop3A_2125, %parallel_loop3A_2127 : i32
      %parallel_loop3A_2129 = arith.constant 0 : i32
      %parallel_loop3A_2130 = arith.addi %parallel_loop3A_2129, %parallel_loop3A_2128 : i32
      %parallel_loop3A_2131 = arith.index_cast %parallel_loop3A_2130 : i32 to index
      %parallel_loop3A_2132 = tpu.vector_load %arg5[%parallel_loop3A_2131] {strides = array<i32>} : memref<16384xf32, #tpu.memory_space<vmem>>, vector<16xf32>,
      %parallel_loop3A_2133 = arith.constant 8.000000e+00 : f32
      %parallel_loop3A_2134 = vector.broadcast %parallel_loop3A_2133 : f32 to vector<16xf32>
      %parallel_loop3A_2135 = arith.mulf %parallel_loop3A_2132, %parallel_loop3A_2134 : vector<16xf32>
      %parallel_loop3A_2136 = arith.constant 1.152000e+03 : f32
      %parallel_loop3A_2137 = vector.broadcast %parallel_loop3A_2136 : f32 to vector<16xf32>
      %parallel_loop3A_2138 = arith.addf %parallel_loop3A_2135, %parallel_loop3A_2137 : vector<16xf32>
      %parallel_loop3A_2139 = arith.constant 1.024000e+03 : f32
      %parallel_loop3A_2140 = arith.constant 1.280000e+03 : f32
      %parallel_loop3A_2141 = vector.broadcast %parallel_loop3A_2139 : f32 to vector<16xf32>
      %parallel_loop3A_2142 = arith.maximumf %parallel_loop3A_2141, %parallel_loop3A_2138 : vector<16xf32>
      %parallel_loop3A_2143 = vector.broadcast %parallel_loop3A_2140 : f32 to vector<16xf32>
      %parallel_loop3A_2144 = arith.minimumf %parallel_loop3A_2143, %parallel_loop3A_2142 : vector<16xf32>
      %parallel_loop3A_2145 = arith.fptosi %parallel_loop3A_2144 : vector<16xf32> to vector<16xi32>
      %parallel_loop3A_2146 = arith.constant 1024 : i32
      %parallel_loop3A_2147 = vector.broadcast %parallel_loop3A_2146 : i32 to vector<16xi32>
      %parallel_loop3A_2148 = arith.subi %parallel_loop3A_2145, %parallel_loop3A_2147 : vector<16xi32>
      %parallel_loop3A_2149 = arith.constant 0 : i32
      %parallel_loop3A_2150 = arith.constant 255 : i32
      %parallel_loop3A_2151 = vector.broadcast %parallel_loop3A_2149 : i32 to vector<16xi32>
      %parallel_loop3A_2152 = arith.maxsi %parallel_loop3A_2151, %parallel_loop3A_2148 : vector<16xi32>
      %parallel_loop3A_2153 = vector.broadcast %parallel_loop3A_2150 : i32 to vector<16xi32>
      %parallel_loop3A_2154 = arith.minsi %parallel_loop3A_2153, %parallel_loop3A_2152 : vector<16xi32>
      %parallel_loop3A_2155 = arith.cmpi eq, %parallel_loop3A_2154, %add3A_311 : vector<16xi32>
      %parallel_loop3A_2156 = arith.subf %parallel_loop3A_2132, %sub3A_389 : vector<16xf32>
      %parallel_loop3A_2157 = arith.constant 2.048000e+03 : f32
      %parallel_loop3A_2158 = vector.broadcast %parallel_loop3A_2157 : f32 to vector<16xf32>
      %parallel_loop3A_2159 = arith.mulf %parallel_loop3A_2156, %parallel_loop3A_2158 : vector<16xf32>
      %parallel_loop3A_2160 = arith.constant 0.000000e+00 : f32
      %parallel_loop3A_2161 = arith.constant 2.560000e+02 : f32
      %parallel_loop3A_2162 = vector.broadcast %parallel_loop3A_2160 : f32 to vector<16xf32>
      %parallel_loop3A_2163 = arith.maximumf %parallel_loop3A_2162, %parallel_loop3A_2159 : vector<16xf32>
      %parallel_loop3A_2164 = vector.broadcast %parallel_loop3A_2161 : f32 to vector<16xf32>
      %parallel_loop3A_2165 = arith.minimumf %parallel_loop3A_2164, %parallel_loop3A_2163 : vector<16xf32>
      %parallel_loop3A_2166 = arith.fptosi %parallel_loop3A_2165 : vector<16xf32> to vector<16xi32>
      %parallel_loop3A_2167 = arith.constant 0 : i32
      %parallel_loop3A_2168 = arith.constant 255 : i32
      %parallel_loop3A_2169 = vector.broadcast %parallel_loop3A_2167 : i32 to vector<16xi32>
      %parallel_loop3A_2170 = arith.maxsi %parallel_loop3A_2169, %parallel_loop3A_2166 : vector<16xi32>
      %parallel_loop3A_2171 = vector.broadcast %parallel_loop3A_2168 : i32 to vector<16xi32>
      %parallel_loop3A_2172 = arith.minsi %parallel_loop3A_2171, %parallel_loop3A_2170 : vector<16xi32>
      %parallel_loop3A_2173 = arith.cmpi eq, %parallel_loop3A_2172, %add3A_677 : vector<16xi32>
      %parallel_loop3A_2174 = arith.andi %parallel_loop3A_2155, %parallel_loop3A_2173 : vector<16xi1>
      %parallel_loop3A_2175 = arith.cmpi eq, %parallel_loop3A_2154, %add3A_371 : vector<16xi32>
      %parallel_loop3A_2176 = arith.subf %parallel_loop3A_2132, %sub3A_396 : vector<16xf32>
      %parallel_loop3A_2177 = arith.constant 2.048000e+03 : f32
      %parallel_loop3A_2178 = vector.broadcast %parallel_loop3A_2177 : f32 to vector<16xf32>
      %parallel_loop3A_2179 = arith.mulf %parallel_loop3A_2176, %parallel_loop3A_2178 : vector<16xf32>
      %parallel_loop3A_2180 = arith.constant 0.000000e+00 : f32
      %parallel_loop3A_2181 = arith.constant 2.560000e+02 : f32
      %parallel_loop3A_2182 = vector.broadcast %parallel_loop3A_2180 : f32 to vector<16xf32>
      %parallel_loop3A_2183 = arith.maximumf %parallel_loop3A_2182, %parallel_loop3A_2179 : vector<16xf32>
      %parallel_loop3A_2184 = vector.broadcast %parallel_loop3A_2181 : f32 to vector<16xf32>
      %parallel_loop3A_2185 = arith.minimumf %parallel_loop3A_2184, %parallel_loop3A_2183 : vector<16xf32>
      %parallel_loop3A_2186 = arith.fptosi %parallel_loop3A_2185 : vector<16xf32> to vector<16xi32>
      %parallel_loop3A_2187 = arith.constant 0 : i32
      %parallel_loop3A_2188 = arith.constant 255 : i32
      %parallel_loop3A_2189 = vector.broadcast %parallel_loop3A_2187 : i32 to vector<16xi32>
      %parallel_loop3A_2190 = arith.maxsi %parallel_loop3A_2189, %parallel_loop3A_2186 : vector<16xi32>
      %parallel_loop3A_2191 = vector.broadcast %parallel_loop3A_2188 : i32 to vector<16xi32>
      %parallel_loop3A_2192 = arith.minsi %parallel_loop3A_2191, %parallel_loop3A_2190 : vector<16xi32>
      %parallel_loop3A_2193 = arith.cmpi eq, %parallel_loop3A_2192, %add3A_970 : vector<16xi32>
      %parallel_loop3A_2194 = arith.andi %parallel_loop3A_2175, %parallel_loop3A_2193 : vector<16xi1>
      %parallel_loop3A_2195 = arith.ori %parallel_loop3A_2174, %parallel_loop3A_2194 : vector<16xi1>
      %parallel_loop3A_2196 = arith.extui %parallel_loop3A_2195 : vector<16xi1> to vector<16xi32>
      %parallel_loop3A_2197 = arith.constant true
      %parallel_loop3A_2198 = vector.broadcast %parallel_loop3A_2197 : i1 to vector<16xi1>
      %parallel_loop3A_2199 = tpu.scan <sum>, %parallel_loop3A_2196 masked %parallel_loop3A_2198 : vector<16xi32>, vector<16xi1> -> vector<16xi32>
      %parallel_loop3A_2200 = arith.addi %parallel_loop3A_2126, %parallel_loop3A_2199 : vector<16xi32>
      %parallel_loop3A_2201 = arith.subi %parallel_loop3A_2200, %parallel_loop3A_2196 : vector<16xi32>
      %parallel_loop3A_2202 = tpu.bitcast %parallel_loop3A_2132 : vector<16xf32> -> vector<16xi32>
      %parallel_loop3A_2203 = arith.constant 31 : i32
      %parallel_loop3A_2204 = vector.broadcast %parallel_loop3A_2203 : i32 to vector<16xi32>
      %parallel_loop3A_2205 = arith.shrsi %parallel_loop3A_2202, %parallel_loop3A_2204 : vector<16xi32>
      %parallel_loop3A_2206 = arith.constant 2147483647 : i32
      %parallel_loop3A_2207 = vector.broadcast %parallel_loop3A_2206 : i32 to vector<16xi32>
      %parallel_loop3A_2208 = arith.andi %parallel_loop3A_2205, %parallel_loop3A_2207 : vector<16xi32>
      %parallel_loop3A_2209 = arith.xori %parallel_loop3A_2202, %parallel_loop3A_2208 : vector<16xi32>
      %parallel_loop3A_2210 = arith.constant -2147483648 : i32
      %parallel_loop3A_2211 = vector.broadcast %parallel_loop3A_2210 : i32 to vector<16xi32>
      %parallel_loop3A_2212 = arith.xori %parallel_loop3A_2209, %parallel_loop3A_2211 : vector<16xi32>
      tpu.vector_store_idx %arg6[%parallel_loop3A_2201], %parallel_loop3A_2212 masked %parallel_loop3A_2195 : memref<8208xi32, #tpu.memory_space<vmem>>[vector<16xi32>], vector<16xi32>, vector<16xi1>
      %parallel_loop3A_2213 = tpu.all_reduce %parallel_loop3A_2195 {dim = 0 : i64, kind = #tpu.reduction_kind<sum>} : vector<16xi1> -> vector<16xi32>
      %parallel_loop3A_2214 = arith.addi %parallel_loop3A_2126, %parallel_loop3A_2213 : vector<16xi32>
      scf.yield %parallel_loop3A_2214 : vector<16xi32>
    } {sc.loop_unroll_factor = 4 : i64, sc.parallel_access}
    %slice3A = vector.extract_strided_slice %parallel_loop3A_988 {offsets = [0], sizes = [1], strides = [1]} : vector<16xi32> to vector<1xi32>
    %squeeze3A = vector.extract %slice3A[0] : i32 from vector<1xi32>
    %add3A_989 = arith.constant 16 : i32
    %add3A_990 = arith.addi %squeeze3A, %add3A_989 : i32
    %sub3A_991 = arith.constant 1 : i32
    %sub3A_992 = arith.subi %add3A_990, %sub3A_991 : i32
    %jit3A_993 = arith.constant 16 : i32
    %div3A = arith.divsi %sub3A_992, %jit3A_993 : i32
    %sign3A = arith.constant 0 : i32
    %sign3A_994 = arith.cmpi sgt, %sub3A_992, %sign3A : i32
    %sign3A_995 = arith.extui %sign3A_994 : i1 to i32
    %sign3A_996 = arith.constant 0 : i32
    %sign3A_997 = arith.cmpi slt, %sub3A_992, %sign3A_996 : i32
    %sign3A_998 = arith.extui %sign3A_997 : i1 to i32
    %sign3A_999 = arith.subi %sign3A_995, %sign3A_998 : i32
    %sign3A_1000 = arith.constant 0 : i32
    %sign3A_1001 = arith.cmpi sgt, %jit3A_993, %sign3A_1000 : i32
    %sign3A_1002 = arith.extui %sign3A_1001 : i1 to i32
    %sign3A_1003 = arith.constant 0 : i32
    %sign3A_1004 = arith.cmpi slt, %jit3A_993, %sign3A_1003 : i32
    %sign3A_1005 = arith.extui %sign3A_1004 : i1 to i32
    %sign3A_1006 = arith.subi %sign3A_1002, %sign3A_1005 : i32
    %ne3A = arith.cmpi ne, %sign3A_999, %sign3A_1006 : i32
    %rem3A = arith.remsi %sub3A_992, %jit3A_993 : i32
    %ne3A_1007 = arith.constant 0 : i32
    %ne3A_1008 = arith.cmpi ne, %rem3A, %ne3A_1007 : i32
    %and3A = arith.andi %ne3A, %ne3A_1008 : i1
    %sub3A_1009 = arith.constant 1 : i32
    %sub3A_1010 = arith.subi %div3A, %sub3A_1009 : i32
    %select_n3A_1011 = arith.select %and3A, %sub3A_1010, %div3A : i32
    %broadcast_in_dim3A_1012 = arith.constant 0 : i32
    %broadcast_in_dim3A_1013 = vector.broadcast %broadcast_in_dim3A_1012 : i32 to vector<16xi32>
    %broadcast_in_dim3A_1014 = arith.constant 512 : i32
    %broadcast_in_dim3A_1015 = vector.broadcast %broadcast_in_dim3A_1014 : i32 to vector<16xi32>
    %sub3A_1016 = arith.subi %broadcast_in_dim3A_1015, %add3A_982 : vector<16xi32>
    %broadcast_in_dim3A_1017 = arith.constant 513 : i32
    %broadcast_in_dim3A_1018 = vector.broadcast %broadcast_in_dim3A_1017 : i32 to vector<16xi32>
    %sub3A_1019 = arith.subi %broadcast_in_dim3A_1018, %add3A_982 : vector<16xi32>
    %le3A = arith.constant 32 : i32
    %le3A_1020 = arith.cmpi sle, %squeeze3A, %le3A : i32
    %convert_element_type3A_1021 = arith.extui %le3A_1020 : i1 to i32
    %cond3A = arith.constant 0 : i32
    %cond3A_1022 = arith.cmpi ne, %convert_element_type3A_1021, %cond3A : i32
    %cond3A_1023:4 = scf.if %cond3A_1022 -> (vector<16xi32>, vector<16xi32>, vector<16xi32>, vector<16xi32>) {
      %scan3A = arith.constant 0 : i32
      %scan3A_2125 = arith.constant 32 : i32
      %scan3A_2126 = arith.addi %scan3A, %scan3A_2125 : i32
      %scan3A_2127 = arith.constant 1 : i32
      %scan3A_2128:4 = scf.for %scan3A_2130 = %scan3A to %scan3A_2126 step %scan3A_2127 iter_args(%scan3A_2131 = %broadcast_in_dim3A_1013, %scan3A_2132 = %sub3A_1016, %scan3A_2133 = %broadcast_in_dim3A_1013, %scan3A_2134 = %sub3A_1019) -> (vector<16xi32>, vector<16xi32>, vector<16xi32>, vector<16xi32>)  : i32 {
        %broadcast_in_dim3A_2135 = arith.constant 31 : i32
        %broadcast_in_dim3A_2136 = vector.broadcast %broadcast_in_dim3A_2135 : i32 to vector<16xi32>
        %broadcast_in_dim3A_2137 = vector.broadcast %scan3A_2130 : i32 to vector<16xi32>
        %sub3A_2138 = arith.subi %broadcast_in_dim3A_2136, %broadcast_in_dim3A_2137 : vector<16xi32>
        %shift_left3A = arith.shli %broadcast_in_dim3A_1, %sub3A_2138 : vector<16xi32>
        %broadcast_in_dim3A_2139 = arith.constant -1 : i32
        %broadcast_in_dim3A_2140 = vector.broadcast %broadcast_in_dim3A_2139 : i32 to vector<16xi32>
        %shift_left3A_2141 = arith.shli %broadcast_in_dim3A_2140, %sub3A_2138 : vector<16xi32>
        %or3A = arith.ori %scan3A_2131, %shift_left3A : vector<16xi32>
        %or3A_2142 = arith.ori %scan3A_2133, %shift_left3A : vector<16xi32>
        %broadcast_in_dim3A_2143 = arith.constant 0 : i32
        %broadcast_in_dim3A_2144 = vector.broadcast %broadcast_in_dim3A_2143 : i32 to vector<16xi32>
        %get3A_2145 = arith.constant 0 : index
        %get3A_2146 = tpu.vector_load %arg6[%get3A_2145] {strides = array<i32>} : memref<8208xi32, #tpu.memory_space<vmem>>, vector<16xi32>,
        %add3A_2147 = arith.constant 0 : i32
        %add3A_2148 = vector.broadcast %add3A_2147 : i32 to vector<16xi32>
        %add3A_2149 = arith.addi %add3A_2148, %iota3A : vector<16xi32>
        %lt3A = arith.cmpi slt, %add3A_2149, %parallel_loop3A_988 : vector<16xi32>
        %and3A_2150 = arith.andi %get3A_2146, %shift_left3A_2141 : vector<16xi32>
        %eq3A_2151 = arith.cmpi eq, %and3A_2150, %or3A : vector<16xi32>
        %and3A_2152 = arith.andi %eq3A_2151, %lt3A : vector<16xi1>
        %eq3A_2153 = arith.cmpi eq, %and3A_2150, %or3A_2142 : vector<16xi32>
        %and3A_2154 = arith.andi %eq3A_2153, %lt3A : vector<16xi1>
        %all_reduce_population_count3A_2155 = tpu.all_reduce %and3A_2152 {dim = 0 : i64, kind = #tpu.reduction_kind<sum>} : vector<16xi1> -> vector<16xi32>
        %add3A_2156 = arith.addi %broadcast_in_dim3A_2144, %all_reduce_population_count3A_2155 : vector<16xi32>
        %all_reduce_population_count3A_2157 = tpu.all_reduce %and3A_2154 {dim = 0 : i64, kind = #tpu.reduction_kind<sum>} : vector<16xi1> -> vector<16xi32>
        %add3A_2158 = arith.addi %broadcast_in_dim3A_2144, %all_reduce_population_count3A_2157 : vector<16xi32>
        %get3A_2159 = arith.constant 16 : index
        %get3A_2160 = tpu.vector_load %arg6[%get3A_2159] {strides = array<i32>} : memref<8208xi32, #tpu.memory_space<vmem>>, vector<16xi32>,
        %add3A_2161 = arith.constant 16 : i32
        %add3A_2162 = vector.broadcast %add3A_2161 : i32 to vector<16xi32>
        %add3A_2163 = arith.addi %add3A_2162, %iota3A : vector<16xi32>
        %lt3A_2164 = arith.cmpi slt, %add3A_2163, %parallel_loop3A_988 : vector<16xi32>
        %and3A_2165 = arith.andi %get3A_2160, %shift_left3A_2141 : vector<16xi32>
        %eq3A_2166 = arith.cmpi eq, %and3A_2165, %or3A : vector<16xi32>
        %and3A_2167 = arith.andi %eq3A_2166, %lt3A_2164 : vector<16xi1>
        %eq3A_2168 = arith.cmpi eq, %and3A_2165, %or3A_2142 : vector<16xi32>
        %and3A_2169 = arith.andi %eq3A_2168, %lt3A_2164 : vector<16xi1>
        %all_reduce_population_count3A_2170 = tpu.all_reduce %and3A_2167 {dim = 0 : i64, kind = #tpu.reduction_kind<sum>} : vector<16xi1> -> vector<16xi32>
        %add3A_2171 = arith.addi %add3A_2156, %all_reduce_population_count3A_2170 : vector<16xi32>
        %all_reduce_population_count3A_2172 = tpu.all_reduce %and3A_2169 {dim = 0 : i64, kind = #tpu.reduction_kind<sum>} : vector<16xi1> -> vector<16xi32>
        %add3A_2173 = arith.addi %add3A_2158, %all_reduce_population_count3A_2172 : vector<16xi32>
        %lt3A_2174 = arith.cmpi slt, %scan3A_2132, %add3A_2171 : vector<16xi32>
        %select_n3A_2175 = arith.select %lt3A_2174, %or3A, %scan3A_2131 : vector<16xi1>, vector<16xi32>
        %sub3A_2176 = arith.subi %scan3A_2132, %add3A_2171 : vector<16xi32>
        %select_n3A_2177 = arith.select %lt3A_2174, %scan3A_2132, %sub3A_2176 : vector<16xi1>, vector<16xi32>
        %lt3A_2178 = arith.cmpi slt, %scan3A_2134, %add3A_2173 : vector<16xi32>
        %select_n3A_2179 = arith.select %lt3A_2178, %or3A_2142, %scan3A_2133 : vector<16xi1>, vector<16xi32>
        %sub3A_2180 = arith.subi %scan3A_2134, %add3A_2173 : vector<16xi32>
        %select_n3A_2181 = arith.select %lt3A_2178, %scan3A_2134, %sub3A_2180 : vector<16xi1>, vector<16xi32>
        scf.yield %select_n3A_2175, %select_n3A_2177, %select_n3A_2179, %select_n3A_2181 : vector<16xi32>, vector<16xi32>, vector<16xi32>, vector<16xi32>
      }
      %scan3A_2129 = arith.constant 32 : i32
      scf.yield %scan3A_2128#0, %scan3A_2128#1, %scan3A_2128#2, %scan3A_2128#3 : vector<16xi32>, vector<16xi32>, vector<16xi32>, vector<16xi32>
    } else {
      %scan3A = arith.constant 0 : i32
      %scan3A_2125 = arith.constant 32 : i32
      %scan3A_2126 = arith.addi %scan3A, %scan3A_2125 : i32
      %scan3A_2127 = arith.constant 1 : i32
      %scan3A_2128:4 = scf.for %scan3A_2130 = %scan3A to %scan3A_2126 step %scan3A_2127 iter_args(%scan3A_2131 = %broadcast_in_dim3A_1013, %scan3A_2132 = %sub3A_1016, %scan3A_2133 = %broadcast_in_dim3A_1013, %scan3A_2134 = %sub3A_1019) -> (vector<16xi32>, vector<16xi32>, vector<16xi32>, vector<16xi32>)  : i32 {
        %broadcast_in_dim3A_2135 = arith.constant 31 : i32
        %broadcast_in_dim3A_2136 = vector.broadcast %broadcast_in_dim3A_2135 : i32 to vector<16xi32>
        %broadcast_in_dim3A_2137 = vector.broadcast %scan3A_2130 : i32 to vector<16xi32>
        %sub3A_2138 = arith.subi %broadcast_in_dim3A_2136, %broadcast_in_dim3A_2137 : vector<16xi32>
        %shift_left3A = arith.shli %broadcast_in_dim3A_1, %sub3A_2138 : vector<16xi32>
        %broadcast_in_dim3A_2139 = arith.constant -1 : i32
        %broadcast_in_dim3A_2140 = vector.broadcast %broadcast_in_dim3A_2139 : i32 to vector<16xi32>
        %shift_left3A_2141 = arith.shli %broadcast_in_dim3A_2140, %sub3A_2138 : vector<16xi32>
        %or3A = arith.ori %scan3A_2131, %shift_left3A : vector<16xi32>
        %or3A_2142 = arith.ori %scan3A_2133, %shift_left3A : vector<16xi32>
        %broadcast_in_dim3A_2143 = arith.constant 0 : i32
        %broadcast_in_dim3A_2144 = vector.broadcast %broadcast_in_dim3A_2143 : i32 to vector<16xi32>
        %get3A_2145 = arith.constant 0 : index
        %get3A_2146 = tpu.vector_load %arg6[%get3A_2145] {strides = array<i32>} : memref<8208xi32, #tpu.memory_space<vmem>>, vector<16xi32>,
        %add3A_2147 = arith.constant 0 : i32
        %add3A_2148 = vector.broadcast %add3A_2147 : i32 to vector<16xi32>
        %add3A_2149 = arith.addi %add3A_2148, %iota3A : vector<16xi32>
        %lt3A = arith.cmpi slt, %add3A_2149, %parallel_loop3A_988 : vector<16xi32>
        %and3A_2150 = arith.andi %get3A_2146, %shift_left3A_2141 : vector<16xi32>
        %eq3A_2151 = arith.cmpi eq, %and3A_2150, %or3A : vector<16xi32>
        %and3A_2152 = arith.andi %eq3A_2151, %lt3A : vector<16xi1>
        %eq3A_2153 = arith.cmpi eq, %and3A_2150, %or3A_2142 : vector<16xi32>
        %and3A_2154 = arith.andi %eq3A_2153, %lt3A : vector<16xi1>
        %all_reduce_population_count3A_2155 = tpu.all_reduce %and3A_2152 {dim = 0 : i64, kind = #tpu.reduction_kind<sum>} : vector<16xi1> -> vector<16xi32>
        %add3A_2156 = arith.addi %broadcast_in_dim3A_2144, %all_reduce_population_count3A_2155 : vector<16xi32>
        %all_reduce_population_count3A_2157 = tpu.all_reduce %and3A_2154 {dim = 0 : i64, kind = #tpu.reduction_kind<sum>} : vector<16xi1> -> vector<16xi32>
        %add3A_2158 = arith.addi %broadcast_in_dim3A_2144, %all_reduce_population_count3A_2157 : vector<16xi32>
        %get3A_2159 = arith.constant 16 : index
        %get3A_2160 = tpu.vector_load %arg6[%get3A_2159] {strides = array<i32>} : memref<8208xi32, #tpu.memory_space<vmem>>, vector<16xi32>,
        %add3A_2161 = arith.constant 16 : i32
        %add3A_2162 = vector.broadcast %add3A_2161 : i32 to vector<16xi32>
        %add3A_2163 = arith.addi %add3A_2162, %iota3A : vector<16xi32>
        %lt3A_2164 = arith.cmpi slt, %add3A_2163, %parallel_loop3A_988 : vector<16xi32>
        %and3A_2165 = arith.andi %get3A_2160, %shift_left3A_2141 : vector<16xi32>
        %eq3A_2166 = arith.cmpi eq, %and3A_2165, %or3A : vector<16xi32>
        %and3A_2167 = arith.andi %eq3A_2166, %lt3A_2164 : vector<16xi1>
        %eq3A_2168 = arith.cmpi eq, %and3A_2165, %or3A_2142 : vector<16xi32>
        %and3A_2169 = arith.andi %eq3A_2168, %lt3A_2164 : vector<16xi1>
        %all_reduce_population_count3A_2170 = tpu.all_reduce %and3A_2167 {dim = 0 : i64, kind = #tpu.reduction_kind<sum>} : vector<16xi1> -> vector<16xi32>
        %add3A_2171 = arith.addi %add3A_2156, %all_reduce_population_count3A_2170 : vector<16xi32>
        %all_reduce_population_count3A_2172 = tpu.all_reduce %and3A_2169 {dim = 0 : i64, kind = #tpu.reduction_kind<sum>} : vector<16xi1> -> vector<16xi32>
        %add3A_2173 = arith.addi %add3A_2158, %all_reduce_population_count3A_2172 : vector<16xi32>
        %while3A = arith.constant 2 : i32
        %while3A_2174 = arith.subi %select_n3A_1011, %while3A : i32
        %while3A_2175 = arith.addi %while3A, %while3A_2174 : i32
        %while3A_2176 = arith.constant 1 : i32
        %while3A_2177 = arith.divsi %while3A_2174, %while3A_2176 : i32
        %while3A_2178 = arith.muli %while3A_2177, %while3A_2176 : i32
        %while3A_2179 = arith.addi %while3A, %while3A_2178 : i32
        %while3A_2180 = arith.constant 1 : i32
        %while3A_2181:2 = scf.for %while3A_2192 = %while3A to %while3A_2179 step %while3A_2180 iter_args(%while3A_2193 = %add3A_2171, %while3A_2194 = %add3A_2173) -> (vector<16xi32>, vector<16xi32>)  : i32 {
          %mul3A_2195 = arith.constant 16 : i32
          %mul3A_2196 = arith.muli %while3A_2192, %mul3A_2195 : i32
          %get3A_2197 = arith.index_cast %mul3A_2196 : i32 to index
          %get3A_2198 = tpu.vector_load %arg6[%get3A_2197] {strides = array<i32>} : memref<8208xi32, #tpu.memory_space<vmem>>, vector<16xi32>,
          %mul3A_2199 = arith.constant 16 : i32
          %mul3A_2200 = arith.muli %while3A_2192, %mul3A_2199 : i32
          %add3A_2201 = vector.broadcast %mul3A_2200 : i32 to vector<16xi32>
          %add3A_2202 = arith.addi %add3A_2201, %iota3A : vector<16xi32>
          %lt3A_2203 = arith.cmpi slt, %add3A_2202, %parallel_loop3A_988 : vector<16xi32>
          %and3A_2204 = arith.andi %get3A_2198, %shift_left3A_2141 : vector<16xi32>
          %eq3A_2205 = arith.cmpi eq, %and3A_2204, %or3A : vector<16xi32>
          %and3A_2206 = arith.andi %eq3A_2205, %lt3A_2203 : vector<16xi1>
          %eq3A_2207 = arith.cmpi eq, %and3A_2204, %or3A_2142 : vector<16xi32>
          %and3A_2208 = arith.andi %eq3A_2207, %lt3A_2203 : vector<16xi1>
          %all_reduce_population_count3A_2209 = tpu.all_reduce %and3A_2206 {dim = 0 : i64, kind = #tpu.reduction_kind<sum>} : vector<16xi1> -> vector<16xi32>
          %add3A_2210 = arith.addi %while3A_2193, %all_reduce_population_count3A_2209 : vector<16xi32>
          %all_reduce_population_count3A_2211 = tpu.all_reduce %and3A_2208 {dim = 0 : i64, kind = #tpu.reduction_kind<sum>} : vector<16xi1> -> vector<16xi32>
          %add3A_2212 = arith.addi %while3A_2194, %all_reduce_population_count3A_2211 : vector<16xi32>
          scf.yield %add3A_2210, %add3A_2212 : vector<16xi32>, vector<16xi32>
        }
        %while3A_2182 = arith.constant 1 : i32
        %while3A_2183:2 = scf.for %while3A_2192 = %while3A_2179 to %while3A_2175 step %while3A_2182 iter_args(%while3A_2193 = %while3A_2181#0, %while3A_2194 = %while3A_2181#1) -> (vector<16xi32>, vector<16xi32>)  : i32 {
          %mul3A_2195 = arith.constant 16 : i32
          %mul3A_2196 = arith.muli %while3A_2192, %mul3A_2195 : i32
          %get3A_2197 = arith.index_cast %mul3A_2196 : i32 to index
          %get3A_2198 = tpu.vector_load %arg6[%get3A_2197] {strides = array<i32>} : memref<8208xi32, #tpu.memory_space<vmem>>, vector<16xi32>,
          %mul3A_2199 = arith.constant 16 : i32
          %mul3A_2200 = arith.muli %while3A_2192, %mul3A_2199 : i32
          %add3A_2201 = vector.broadcast %mul3A_2200 : i32 to vector<16xi32>
          %add3A_2202 = arith.addi %add3A_2201, %iota3A : vector<16xi32>
          %lt3A_2203 = arith.cmpi slt, %add3A_2202, %parallel_loop3A_988 : vector<16xi32>
          %and3A_2204 = arith.andi %get3A_2198, %shift_left3A_2141 : vector<16xi32>
          %eq3A_2205 = arith.cmpi eq, %and3A_2204, %or3A : vector<16xi32>
          %and3A_2206 = arith.andi %eq3A_2205, %lt3A_2203 : vector<16xi1>
          %eq3A_2207 = arith.cmpi eq, %and3A_2204, %or3A_2142 : vector<16xi32>
          %and3A_2208 = arith.andi %eq3A_2207, %lt3A_2203 : vector<16xi1>
          %all_reduce_population_count3A_2209 = tpu.all_reduce %and3A_2206 {dim = 0 : i64, kind = #tpu.reduction_kind<sum>} : vector<16xi1> -> vector<16xi32>
          %add3A_2210 = arith.addi %while3A_2193, %all_reduce_population_count3A_2209 : vector<16xi32>
          %all_reduce_population_count3A_2211 = tpu.all_reduce %and3A_2208 {dim = 0 : i64, kind = #tpu.reduction_kind<sum>} : vector<16xi1> -> vector<16xi32>
          %add3A_2212 = arith.addi %while3A_2194, %all_reduce_population_count3A_2211 : vector<16xi32>
          scf.yield %add3A_2210, %add3A_2212 : vector<16xi32>, vector<16xi32>
        }
        %lt3A_2184 = arith.cmpi slt, %scan3A_2132, %while3A_2183#0 : vector<16xi32>
        %select_n3A_2185 = arith.select %lt3A_2184, %or3A, %scan3A_2131 : vector<16xi1>, vector<16xi32>
        %sub3A_2186 = arith.subi %scan3A_2132, %while3A_2183#0 : vector<16xi32>
        %select_n3A_2187 = arith.select %lt3A_2184, %scan3A_2132, %sub3A_2186 : vector<16xi1>, vector<16xi32>
        %lt3A_2188 = arith.cmpi slt, %scan3A_2134, %while3A_2183#1 : vector<16xi32>
        %select_n3A_2189 = arith.select %lt3A_2188, %or3A_2142, %scan3A_2133 : vector<16xi1>, vector<16xi32>
        %sub3A_2190 = arith.subi %scan3A_2134, %while3A_2183#1 : vector<16xi32>
        %select_n3A_2191 = arith.select %lt3A_2188, %scan3A_2134, %sub3A_2190 : vector<16xi1>, vector<16xi32>
        scf.yield %select_n3A_2185, %select_n3A_2187, %select_n3A_2189, %select_n3A_2191 : vector<16xi32>, vector<16xi32>, vector<16xi32>, vector<16xi32>
      }
      %scan3A_2129 = arith.constant 32 : i32
      scf.yield %scan3A_2128#0, %scan3A_2128#1, %scan3A_2128#2, %scan3A_2128#3 : vector<16xi32>, vector<16xi32>, vector<16xi32>, vector<16xi32>
    }
    %xor3A = arith.constant -2147483648 : i32
    %xor3A_1024 = vector.broadcast %xor3A : i32 to vector<16xi32>
    %xor3A_1025 = arith.xori %cond3A_1023#0, %xor3A_1024 : vector<16xi32>
    %shift_right_arithmetic3A = arith.constant 31 : i32
    %shift_right_arithmetic3A_1026 = vector.broadcast %shift_right_arithmetic3A : i32 to vector<16xi32>
    %shift_right_arithmetic3A_1027 = arith.shrsi %xor3A_1025, %shift_right_arithmetic3A_1026 : vector<16xi32>
    %and3A_1028 = arith.constant 2147483647 : i32
    %and3A_1029 = vector.broadcast %and3A_1028 : i32 to vector<16xi32>
    %and3A_1030 = arith.andi %shift_right_arithmetic3A_1027, %and3A_1029 : vector<16xi32>
    %xor3A_1031 = arith.xori %xor3A_1025, %and3A_1030 : vector<16xi32>
    %bitcast_convert_type3A = tpu.bitcast %xor3A_1031 : vector<16xi32> -> vector<16xf32>
    %xor3A_1032 = arith.constant -2147483648 : i32
    %xor3A_1033 = vector.broadcast %xor3A_1032 : i32 to vector<16xi32>
    %xor3A_1034 = arith.xori %cond3A_1023#2, %xor3A_1033 : vector<16xi32>
    %shift_right_arithmetic3A_1035 = arith.constant 31 : i32
    %shift_right_arithmetic3A_1036 = vector.broadcast %shift_right_arithmetic3A_1035 : i32 to vector<16xi32>
    %shift_right_arithmetic3A_1037 = arith.shrsi %xor3A_1034, %shift_right_arithmetic3A_1036 : vector<16xi32>
    %and3A_1038 = arith.constant 2147483647 : i32
    %and3A_1039 = vector.broadcast %and3A_1038 : i32 to vector<16xi32>
    %and3A_1040 = arith.andi %shift_right_arithmetic3A_1037, %and3A_1039 : vector<16xi32>
    %xor3A_1041 = arith.xori %xor3A_1034, %and3A_1040 : vector<16xi32>
    %bitcast_convert_type3A_1042 = tpu.bitcast %xor3A_1041 : vector<16xi32> -> vector<16xf32>
    %add3A_1043 = arith.addf %bitcast_convert_type3A, %bitcast_convert_type3A_1042 : vector<16xf32>
    %mul3A_1044 = arith.constant 5.000000e-01 : f32
    %mul3A_1045 = vector.broadcast %mul3A_1044 : f32 to vector<16xf32>
    %mul3A_1046 = arith.mulf %add3A_1043, %mul3A_1045 : vector<16xf32>
    %get3A = arith.constant 0 : index
    %get3A_1047 = tpu.vector_load %arg10[%get3A] {strides = array<i32>} : memref<16xf32, #tpu.memory_space<vmem>>, vector<16xf32>,
    %parallel_loop3A_1048 = arith.constant 0 : i32
    %parallel_loop3A_1049 = arith.constant 512 : i32
    %parallel_loop3A_1050 = arith.constant 1 : i32
    scf.for %parallel_loop3A_2125 = %parallel_loop3A_1048 to %parallel_loop3A_1049 step %parallel_loop3A_1050  : i32 {
      %parallel_loop3A_2126 = arith.constant 16 : i32
      %parallel_loop3A_2127 = arith.muli %parallel_loop3A_2125, %parallel_loop3A_2126 : i32
      %parallel_loop3A_2128 = arith.constant 0 : i32
      %parallel_loop3A_2129 = arith.addi %parallel_loop3A_2128, %parallel_loop3A_2127 : i32
      %parallel_loop3A_2130 = arith.index_cast %parallel_loop3A_2129 : i32 to index
      %parallel_loop3A_2131 = tpu.vector_load %arg5[%parallel_loop3A_2130] {strides = array<i32>} : memref<16384xf32, #tpu.memory_space<vmem>>, vector<16xf32>,
      %parallel_loop3A_2132 = arith.subf %parallel_loop3A_2131, %mul3A_1046 : vector<16xf32>
      %parallel_loop3A_2133 = arith.mulf %get3A_1047, %parallel_loop3A_2132 : vector<16xf32>
      %parallel_loop3A_2134 = arith.constant 0.000000e+00 : f32
      %parallel_loop3A_2135 = vector.broadcast %parallel_loop3A_2134 : f32 to vector<16xf32>
      %parallel_loop3A_2136 = arith.subf %parallel_loop3A_2135, %parallel_loop3A_2133 : vector<16xf32>
      %parallel_loop3A_2137 = math.exp %parallel_loop3A_2136 : vector<16xf32>
      %parallel_loop3A_2138 = arith.constant 1.000000e+00 : f32
      %parallel_loop3A_2139 = vector.broadcast %parallel_loop3A_2138 : f32 to vector<16xf32>
      %parallel_loop3A_2140 = arith.addf %parallel_loop3A_2139, %parallel_loop3A_2137 : vector<16xf32>
      %parallel_loop3A_2141 = arith.constant 1.000000e+00 : f32
      %parallel_loop3A_2142 = vector.broadcast %parallel_loop3A_2141 : f32 to vector<16xf32>
      %parallel_loop3A_2143 = arith.divf %parallel_loop3A_2142, %parallel_loop3A_2140 : vector<16xf32>
      %parallel_loop3A_2144 = arith.constant 16 : i32
      %parallel_loop3A_2145 = arith.muli %parallel_loop3A_2125, %parallel_loop3A_2144 : i32
      %parallel_loop3A_2146 = arith.constant 0 : i32
      %parallel_loop3A_2147 = arith.addi %parallel_loop3A_2146, %parallel_loop3A_2145 : i32
      %parallel_loop3A_2148 = arith.index_cast %parallel_loop3A_2147 : i32 to index
      %parallel_loop3A_2149 = tpu.vector_load %arg9[%parallel_loop3A_2148] {strides = array<i32>} : memref<16384xf32, #tpu.memory_space<vmem>>, vector<16xf32>,
      tpu.vector_store %arg9[%parallel_loop3A_2148], %parallel_loop3A_2143 {strides = array<i32>} : memref<16384xf32, #tpu.memory_space<vmem>>, vector<16xf32>,
    } {sc.loop_unroll_factor = 8 : i64, sc.parallel_access}
    %parallel_loop3A_1051 = arith.constant 0 : i32
    %parallel_loop3A_1052 = arith.constant 768 : i32
    %parallel_loop3A_1053 = arith.constant 1 : i32
    scf.for %parallel_loop3A_2125 = %parallel_loop3A_1051 to %parallel_loop3A_1052 step %parallel_loop3A_1053  : i32 {
      %parallel_loop3A_2126 = arith.constant 0 : i32
      %parallel_loop3A_2127 = vector.broadcast %parallel_loop3A_2126 : i32 to vector<16xi32>
      %parallel_loop3A_2128 = arith.constant 16 : i32
      %parallel_loop3A_2129 = arith.muli %parallel_loop3A_2125, %parallel_loop3A_2128 : i32
      %parallel_loop3A_2130 = arith.index_cast %parallel_loop3A_2129 : i32 to index
      %parallel_loop3A_2131 = tpu.vector_load %arg7[%parallel_loop3A_2130] {strides = array<i32>} : memref<12288xi32, #tpu.memory_space<vmem>>, vector<16xi32>,
      tpu.vector_store %arg7[%parallel_loop3A_2130], %parallel_loop3A_2127 {strides = array<i32>} : memref<12288xi32, #tpu.memory_space<vmem>>, vector<16xi32>,
    } {sc.loop_unroll_factor = 8 : i64, sc.parallel_access}
    %parallel_loop3A_1054 = arith.constant 0 : i32
    %parallel_loop3A_1055 = arith.constant 512 : i32
    %parallel_loop3A_1056 = arith.constant 1 : i32
    scf.for %parallel_loop3A_2125 = %parallel_loop3A_1054 to %parallel_loop3A_1055 step %parallel_loop3A_1056  : i32 {
      %parallel_loop3A_2126 = arith.constant 16 : i32
      %parallel_loop3A_2127 = arith.muli %parallel_loop3A_2125, %parallel_loop3A_2126 : i32
      %parallel_loop3A_2128 = arith.constant 8192 : i32
      %parallel_loop3A_2129 = arith.addi %parallel_loop3A_2128, %parallel_loop3A_2127 : i32
      %parallel_loop3A_2130 = arith.index_cast %parallel_loop3A_2129 : i32 to index
      %parallel_loop3A_2131 = tpu.vector_load %arg5[%parallel_loop3A_2130] {strides = array<i32>} : memref<16384xf32, #tpu.memory_space<vmem>>, vector<16xf32>,
      %parallel_loop3A_2132 = arith.constant 8.000000e+00 : f32
      %parallel_loop3A_2133 = vector.broadcast %parallel_loop3A_2132 : f32 to vector<16xf32>
      %parallel_loop3A_2134 = arith.mulf %parallel_loop3A_2131, %parallel_loop3A_2133 : vector<16xf32>
      %parallel_loop3A_2135 = arith.constant 1.152000e+03 : f32
      %parallel_loop3A_2136 = vector.broadcast %parallel_loop3A_2135 : f32 to vector<16xf32>
      %parallel_loop3A_2137 = arith.addf %parallel_loop3A_2134, %parallel_loop3A_2136 : vector<16xf32>
      %parallel_loop3A_2138 = arith.constant 1.024000e+03 : f32
      %parallel_loop3A_2139 = arith.constant 1.280000e+03 : f32
      %parallel_loop3A_2140 = vector.broadcast %parallel_loop3A_2138 : f32 to vector<16xf32>
      %parallel_loop3A_2141 = arith.maximumf %parallel_loop3A_2140, %parallel_loop3A_2137 : vector<16xf32>
      %parallel_loop3A_2142 = vector.broadcast %parallel_loop3A_2139 : f32 to vector<16xf32>
      %parallel_loop3A_2143 = arith.minimumf %parallel_loop3A_2142, %parallel_loop3A_2141 : vector<16xf32>
      %parallel_loop3A_2144 = arith.fptosi %parallel_loop3A_2143 : vector<16xf32> to vector<16xi32>
      %parallel_loop3A_2145 = arith.constant 1024 : i32
      %parallel_loop3A_2146 = vector.broadcast %parallel_loop3A_2145 : i32 to vector<16xi32>
      %parallel_loop3A_2147 = arith.subi %parallel_loop3A_2144, %parallel_loop3A_2146 : vector<16xi32>
      %parallel_loop3A_2148 = arith.constant 0 : i32
      %parallel_loop3A_2149 = arith.constant 255 : i32
      %parallel_loop3A_2150 = vector.broadcast %parallel_loop3A_2148 : i32 to vector<16xi32>
      %parallel_loop3A_2151 = arith.maxsi %parallel_loop3A_2150, %parallel_loop3A_2147 : vector<16xi32>
      %parallel_loop3A_2152 = vector.broadcast %parallel_loop3A_2149 : i32 to vector<16xi32>
      %parallel_loop3A_2153 = arith.minsi %parallel_loop3A_2152, %parallel_loop3A_2151 : vector<16xi32>
      %parallel_loop3A_2154 = arith.constant 16 : i32
      %parallel_loop3A_2155 = vector.broadcast %parallel_loop3A_2154 : i32 to vector<16xi32>
      %parallel_loop3A_2156 = arith.muli %parallel_loop3A_2153, %parallel_loop3A_2155 : vector<16xi32>
      %parallel_loop3A_2157 = arith.addi %parallel_loop3A_2156, %iota3A : vector<16xi32>
      tpu.vector_store_idx %arg7[%parallel_loop3A_2157], %broadcast_in_dim3A_1 {add = true} : memref<12288xi32, #tpu.memory_space<vmem>>[vector<16xi32>], vector<16xi32>,
    } {sc.loop_unroll_factor = 8 : i64, sc.parallel_access}
    %parallel_loop3A_1057 = arith.constant 0 : i32
    %parallel_loop3A_1058 = arith.constant 256 : i32
    %parallel_loop3A_1059 = arith.constant 1 : i32
    scf.for %parallel_loop3A_2125 = %parallel_loop3A_1057 to %parallel_loop3A_1058 step %parallel_loop3A_1059  : i32 {
      %parallel_loop3A_2126 = arith.constant 16 : i32
      %parallel_loop3A_2127 = arith.muli %parallel_loop3A_2125, %parallel_loop3A_2126 : i32
      %parallel_loop3A_2128 = arith.index_cast %parallel_loop3A_2127 : i32 to index
      %parallel_loop3A_2129 = tpu.vector_load %arg7[%parallel_loop3A_2128] {strides = array<i32>} : memref<12288xi32, #tpu.memory_space<vmem>>, vector<16xi32>,
      %parallel_loop3A_2130 = arith.constant true
      %parallel_loop3A_2131 = vector.broadcast %parallel_loop3A_2130 : i1 to vector<16xi1>
      %parallel_loop3A_2132 = tpu.scan <sum>, %parallel_loop3A_2129 masked %parallel_loop3A_2131 : vector<16xi32>, vector<16xi1> -> vector<16xi32>
      %parallel_loop3A_2133 = vector.extract %parallel_loop3A_2132[15] : i32 from vector<16xi32>
      %parallel_loop3A_2134 = vector.broadcast %parallel_loop3A_2133 : i32 to vector<16xi32>
      %parallel_loop3A_2135 = arith.constant 17 : i32
      %parallel_loop3A_2136 = arith.muli %parallel_loop3A_2125, %parallel_loop3A_2135 : i32
      %parallel_loop3A_2137 = arith.index_cast %parallel_loop3A_2136 : i32 to index
      %parallel_loop3A_2138 = tpu.vector_load %arg8[%parallel_loop3A_2137] {strides = array<i32>} : memref<13072xi32, #tpu.memory_space<vmem>>, vector<16xi32>,
      tpu.vector_store %arg8[%parallel_loop3A_2137], %parallel_loop3A_2134 {strides = array<i32>} : memref<13072xi32, #tpu.memory_space<vmem>>, vector<16xi32>,
    } {sc.loop_unroll_factor = 8 : i64, sc.parallel_access}
    %broadcast_in_dim3A_1060 = arith.constant 512 : i32
    %broadcast_in_dim3A_1061 = vector.broadcast %broadcast_in_dim3A_1060 : i32 to vector<16xi32>
    %broadcast_in_dim3A_1062 = arith.constant 513 : i32
    %broadcast_in_dim3A_1063 = vector.broadcast %broadcast_in_dim3A_1062 : i32 to vector<16xi32>
    %broadcast_in_dim3A_1064 = arith.constant 0 : i32
    %broadcast_in_dim3A_1065 = vector.broadcast %broadcast_in_dim3A_1064 : i32 to vector<16xi32>
    %mul3A_1066 = arith.constant 16 : i32
    %mul3A_1067 = vector.broadcast %mul3A_1066 : i32 to vector<16xi32>
    %mul3A_1068 = arith.muli %iota3A, %mul3A_1067 : vector<16xi32>
    %add3A_1069 = arith.constant 0 : i32
    %add3A_1070 = vector.broadcast %add3A_1069 : i32 to vector<16xi32>
    %add3A_1071 = arith.addi %add3A_1070, %mul3A_1068 : vector<16xi32>
    %add3A_1072 = arith.constant 0 : i32
    %add3A_1073 = vector.broadcast %add3A_1072 : i32 to vector<16xi32>
    %add3A_1074 = arith.addi %add3A_1071, %add3A_1073 : vector<16xi32>
    %mul3A_1075 = arith.constant 17 : i32
    %mul3A_1076 = vector.broadcast %mul3A_1075 : i32 to vector<16xi32>
    %mul3A_1077 = arith.muli %add3A_1074, %mul3A_1076 : vector<16xi32>
    %add3A_1078 = arith.addi %mul3A_1077, %iota3A : vector<16xi32>
    %gather3A_1079 = tpu.vector_load_idx %arg8[%add3A_1078] : memref<13072xi32, #tpu.memory_space<vmem>>[vector<16xi32>], vector<16xi32>,
    %add3A_1080 = arith.addi %broadcast_in_dim3A_1065, %gather3A_1079 : vector<16xi32>
    %mul3A_1081 = arith.constant 16 : i32
    %mul3A_1082 = vector.broadcast %mul3A_1081 : i32 to vector<16xi32>
    %mul3A_1083 = arith.muli %iota3A, %mul3A_1082 : vector<16xi32>
    %add3A_1084 = arith.constant 0 : i32
    %add3A_1085 = vector.broadcast %add3A_1084 : i32 to vector<16xi32>
    %add3A_1086 = arith.addi %add3A_1085, %mul3A_1083 : vector<16xi32>
    %add3A_1087 = arith.constant 1 : i32
    %add3A_1088 = vector.broadcast %add3A_1087 : i32 to vector<16xi32>
    %add3A_1089 = arith.addi %add3A_1086, %add3A_1088 : vector<16xi32>
    %mul3A_1090 = arith.constant 17 : i32
    %mul3A_1091 = vector.broadcast %mul3A_1090 : i32 to vector<16xi32>
    %mul3A_1092 = arith.muli %add3A_1089, %mul3A_1091 : vector<16xi32>
    %add3A_1093 = arith.addi %mul3A_1092, %iota3A : vector<16xi32>
    %gather3A_1094 = tpu.vector_load_idx %arg8[%add3A_1093] : memref<13072xi32, #tpu.memory_space<vmem>>[vector<16xi32>], vector<16xi32>,
    %add3A_1095 = arith.addi %add3A_1080, %gather3A_1094 : vector<16xi32>
    %mul3A_1096 = arith.constant 16 : i32
    %mul3A_1097 = vector.broadcast %mul3A_1096 : i32 to vector<16xi32>
    %mul3A_1098 = arith.muli %iota3A, %mul3A_1097 : vector<16xi32>
    %add3A_1099 = arith.constant 0 : i32
    %add3A_1100 = vector.broadcast %add3A_1099 : i32 to vector<16xi32>
    %add3A_1101 = arith.addi %add3A_1100, %mul3A_1098 : vector<16xi32>
    %add3A_1102 = arith.constant 2 : i32
    %add3A_1103 = vector.broadcast %add3A_1102 : i32 to vector<16xi32>
    %add3A_1104 = arith.addi %add3A_1101, %add3A_1103 : vector<16xi32>
    %mul3A_1105 = arith.constant 17 : i32
    %mul3A_1106 = vector.broadcast %mul3A_1105 : i32 to vector<16xi32>
    %mul3A_1107 = arith.muli %add3A_1104, %mul3A_1106 : vector<16xi32>
    %add3A_1108 = arith.addi %mul3A_1107, %iota3A : vector<16xi32>
    %gather3A_1109 = tpu.vector_load_idx %arg8[%add3A_1108] : memref<13072xi32, #tpu.memory_space<vmem>>[vector<16xi32>], vector<16xi32>,
    %add3A_1110 = arith.addi %add3A_1095, %gather3A_1109 : vector<16xi32>
    %mul3A_1111 = arith.constant 16 : i32
    %mul3A_1112 = vector.broadcast %mul3A_1111 : i32 to vector<16xi32>
    %mul3A_1113 = arith.muli %iota3A, %mul3A_1112 : vector<16xi32>
    %add3A_1114 = arith.constant 0 : i32
    %add3A_1115 = vector.broadcast %add3A_1114 : i32 to vector<16xi32>
    %add3A_1116 = arith.addi %add3A_1115, %mul3A_1113 : vector<16xi32>
    %add3A_1117 = arith.constant 3 : i32
    %add3A_1118 = vector.broadcast %add3A_1117 : i32 to vector<16xi32>
    %add3A_1119 = arith.addi %add3A_1116, %add3A_1118 : vector<16xi32>
    %mul3A_1120 = arith.constant 17 : i32
    %mul3A_1121 = vector.broadcast %mul3A_1120 : i32 to vector<16xi32>
    %mul3A_1122 = arith.muli %add3A_1119, %mul3A_1121 : vector<16xi32>
    %add3A_1123 = arith.addi %mul3A_1122, %iota3A : vector<16xi32>
    %gather3A_1124 = tpu.vector_load_idx %arg8[%add3A_1123] : memref<13072xi32, #tpu.memory_space<vmem>>[vector<16xi32>], vector<16xi32>,
    %add3A_1125 = arith.addi %add3A_1110, %gather3A_1124 : vector<16xi32>
    %mul3A_1126 = arith.constant 16 : i32
    %mul3A_1127 = vector.broadcast %mul3A_1126 : i32 to vector<16xi32>
    %mul3A_1128 = arith.muli %iota3A, %mul3A_1127 : vector<16xi32>
    %add3A_1129 = arith.constant 0 : i32
    %add3A_1130 = vector.broadcast %add3A_1129 : i32 to vector<16xi32>
    %add3A_1131 = arith.addi %add3A_1130, %mul3A_1128 : vector<16xi32>
    %add3A_1132 = arith.constant 4 : i32
    %add3A_1133 = vector.broadcast %add3A_1132 : i32 to vector<16xi32>
    %add3A_1134 = arith.addi %add3A_1131, %add3A_1133 : vector<16xi32>
    %mul3A_1135 = arith.constant 17 : i32
    %mul3A_1136 = vector.broadcast %mul3A_1135 : i32 to vector<16xi32>
    %mul3A_1137 = arith.muli %add3A_1134, %mul3A_1136 : vector<16xi32>
    %add3A_1138 = arith.addi %mul3A_1137, %iota3A : vector<16xi32>
    %gather3A_1139 = tpu.vector_load_idx %arg8[%add3A_1138] : memref<13072xi32, #tpu.memory_space<vmem>>[vector<16xi32>], vector<16xi32>,
    %add3A_1140 = arith.addi %add3A_1125, %gather3A_1139 : vector<16xi32>
    %mul3A_1141 = arith.constant 16 : i32
    %mul3A_1142 = vector.broadcast %mul3A_1141 : i32 to vector<16xi32>
    %mul3A_1143 = arith.muli %iota3A, %mul3A_1142 : vector<16xi32>
    %add3A_1144 = arith.constant 0 : i32
    %add3A_1145 = vector.broadcast %add3A_1144 : i32 to vector<16xi32>
    %add3A_1146 = arith.addi %add3A_1145, %mul3A_1143 : vector<16xi32>
    %add3A_1147 = arith.constant 5 : i32
    %add3A_1148 = vector.broadcast %add3A_1147 : i32 to vector<16xi32>
    %add3A_1149 = arith.addi %add3A_1146, %add3A_1148 : vector<16xi32>
    %mul3A_1150 = arith.constant 17 : i32
    %mul3A_1151 = vector.broadcast %mul3A_1150 : i32 to vector<16xi32>
    %mul3A_1152 = arith.muli %add3A_1149, %mul3A_1151 : vector<16xi32>
    %add3A_1153 = arith.addi %mul3A_1152, %iota3A : vector<16xi32>
    %gather3A_1154 = tpu.vector_load_idx %arg8[%add3A_1153] : memref<13072xi32, #tpu.memory_space<vmem>>[vector<16xi32>], vector<16xi32>,
    %add3A_1155 = arith.addi %add3A_1140, %gather3A_1154 : vector<16xi32>
    %mul3A_1156 = arith.constant 16 : i32
    %mul3A_1157 = vector.broadcast %mul3A_1156 : i32 to vector<16xi32>
    %mul3A_1158 = arith.muli %iota3A, %mul3A_1157 : vector<16xi32>
    %add3A_1159 = arith.constant 0 : i32
    %add3A_1160 = vector.broadcast %add3A_1159 : i32 to vector<16xi32>
    %add3A_1161 = arith.addi %add3A_1160, %mul3A_1158 : vector<16xi32>
    %add3A_1162 = arith.constant 6 : i32
    %add3A_1163 = vector.broadcast %add3A_1162 : i32 to vector<16xi32>
    %add3A_1164 = arith.addi %add3A_1161, %add3A_1163 : vector<16xi32>
    %mul3A_1165 = arith.constant 17 : i32
    %mul3A_1166 = vector.broadcast %mul3A_1165 : i32 to vector<16xi32>
    %mul3A_1167 = arith.muli %add3A_1164, %mul3A_1166 : vector<16xi32>
    %add3A_1168 = arith.addi %mul3A_1167, %iota3A : vector<16xi32>
    %gather3A_1169 = tpu.vector_load_idx %arg8[%add3A_1168] : memref<13072xi32, #tpu.memory_space<vmem>>[vector<16xi32>], vector<16xi32>,
    %add3A_1170 = arith.addi %add3A_1155, %gather3A_1169 : vector<16xi32>
    %mul3A_1171 = arith.constant 16 : i32
    %mul3A_1172 = vector.broadcast %mul3A_1171 : i32 to vector<16xi32>
    %mul3A_1173 = arith.muli %iota3A, %mul3A_1172 : vector<16xi32>
    %add3A_1174 = arith.constant 0 : i32
    %add3A_1175 = vector.broadcast %add3A_1174 : i32 to vector<16xi32>
    %add3A_1176 = arith.addi %add3A_1175, %mul3A_1173 : vector<16xi32>
    %add3A_1177 = arith.constant 7 : i32
    %add3A_1178 = vector.broadcast %add3A_1177 : i32 to vector<16xi32>
    %add3A_1179 = arith.addi %add3A_1176, %add3A_1178 : vector<16xi32>
    %mul3A_1180 = arith.constant 17 : i32
    %mul3A_1181 = vector.broadcast %mul3A_1180 : i32 to vector<16xi32>
    %mul3A_1182 = arith.muli %add3A_1179, %mul3A_1181 : vector<16xi32>
    %add3A_1183 = arith.addi %mul3A_1182, %iota3A : vector<16xi32>
    %gather3A_1184 = tpu.vector_load_idx %arg8[%add3A_1183] : memref<13072xi32, #tpu.memory_space<vmem>>[vector<16xi32>], vector<16xi32>,
    %add3A_1185 = arith.addi %add3A_1170, %gather3A_1184 : vector<16xi32>
    %mul3A_1186 = arith.constant 16 : i32
    %mul3A_1187 = vector.broadcast %mul3A_1186 : i32 to vector<16xi32>
    %mul3A_1188 = arith.muli %iota3A, %mul3A_1187 : vector<16xi32>
    %add3A_1189 = arith.constant 0 : i32
    %add3A_1190 = vector.broadcast %add3A_1189 : i32 to vector<16xi32>
    %add3A_1191 = arith.addi %add3A_1190, %mul3A_1188 : vector<16xi32>
    %add3A_1192 = arith.constant 8 : i32
    %add3A_1193 = vector.broadcast %add3A_1192 : i32 to vector<16xi32>
    %add3A_1194 = arith.addi %add3A_1191, %add3A_1193 : vector<16xi32>
    %mul3A_1195 = arith.constant 17 : i32
    %mul3A_1196 = vector.broadcast %mul3A_1195 : i32 to vector<16xi32>
    %mul3A_1197 = arith.muli %add3A_1194, %mul3A_1196 : vector<16xi32>
    %add3A_1198 = arith.addi %mul3A_1197, %iota3A : vector<16xi32>
    %gather3A_1199 = tpu.vector_load_idx %arg8[%add3A_1198] : memref<13072xi32, #tpu.memory_space<vmem>>[vector<16xi32>], vector<16xi32>,
    %add3A_1200 = arith.addi %add3A_1185, %gather3A_1199 : vector<16xi32>
    %mul3A_1201 = arith.constant 16 : i32
    %mul3A_1202 = vector.broadcast %mul3A_1201 : i32 to vector<16xi32>
    %mul3A_1203 = arith.muli %iota3A, %mul3A_1202 : vector<16xi32>
    %add3A_1204 = arith.constant 0 : i32
    %add3A_1205 = vector.broadcast %add3A_1204 : i32 to vector<16xi32>
    %add3A_1206 = arith.addi %add3A_1205, %mul3A_1203 : vector<16xi32>
    %add3A_1207 = arith.constant 9 : i32
    %add3A_1208 = vector.broadcast %add3A_1207 : i32 to vector<16xi32>
    %add3A_1209 = arith.addi %add3A_1206, %add3A_1208 : vector<16xi32>
    %mul3A_1210 = arith.constant 17 : i32
    %mul3A_1211 = vector.broadcast %mul3A_1210 : i32 to vector<16xi32>
    %mul3A_1212 = arith.muli %add3A_1209, %mul3A_1211 : vector<16xi32>
    %add3A_1213 = arith.addi %mul3A_1212, %iota3A : vector<16xi32>
    %gather3A_1214 = tpu.vector_load_idx %arg8[%add3A_1213] : memref<13072xi32, #tpu.memory_space<vmem>>[vector<16xi32>], vector<16xi32>,
    %add3A_1215 = arith.addi %add3A_1200, %gather3A_1214 : vector<16xi32>
    %mul3A_1216 = arith.constant 16 : i32
    %mul3A_1217 = vector.broadcast %mul3A_1216 : i32 to vector<16xi32>
    %mul3A_1218 = arith.muli %iota3A, %mul3A_1217 : vector<16xi32>
    %add3A_1219 = arith.constant 0 : i32
    %add3A_1220 = vector.broadcast %add3A_1219 : i32 to vector<16xi32>
    %add3A_1221 = arith.addi %add3A_1220, %mul3A_1218 : vector<16xi32>
    %add3A_1222 = arith.constant 10 : i32
    %add3A_1223 = vector.broadcast %add3A_1222 : i32 to vector<16xi32>
    %add3A_1224 = arith.addi %add3A_1221, %add3A_1223 : vector<16xi32>
    %mul3A_1225 = arith.constant 17 : i32
    %mul3A_1226 = vector.broadcast %mul3A_1225 : i32 to vector<16xi32>
    %mul3A_1227 = arith.muli %add3A_1224, %mul3A_1226 : vector<16xi32>
    %add3A_1228 = arith.addi %mul3A_1227, %iota3A : vector<16xi32>
    %gather3A_1229 = tpu.vector_load_idx %arg8[%add3A_1228] : memref<13072xi32, #tpu.memory_space<vmem>>[vector<16xi32>], vector<16xi32>,
    %add3A_1230 = arith.addi %add3A_1215, %gather3A_1229 : vector<16xi32>
    %mul3A_1231 = arith.constant 16 : i32
    %mul3A_1232 = vector.broadcast %mul3A_1231 : i32 to vector<16xi32>
    %mul3A_1233 = arith.muli %iota3A, %mul3A_1232 : vector<16xi32>
    %add3A_1234 = arith.constant 0 : i32
    %add3A_1235 = vector.broadcast %add3A_1234 : i32 to vector<16xi32>
    %add3A_1236 = arith.addi %add3A_1235, %mul3A_1233 : vector<16xi32>
    %add3A_1237 = arith.constant 11 : i32
    %add3A_1238 = vector.broadcast %add3A_1237 : i32 to vector<16xi32>
    %add3A_1239 = arith.addi %add3A_1236, %add3A_1238 : vector<16xi32>
    %mul3A_1240 = arith.constant 17 : i32
    %mul3A_1241 = vector.broadcast %mul3A_1240 : i32 to vector<16xi32>
    %mul3A_1242 = arith.muli %add3A_1239, %mul3A_1241 : vector<16xi32>
    %add3A_1243 = arith.addi %mul3A_1242, %iota3A : vector<16xi32>
    %gather3A_1244 = tpu.vector_load_idx %arg8[%add3A_1243] : memref<13072xi32, #tpu.memory_space<vmem>>[vector<16xi32>], vector<16xi32>,
    %add3A_1245 = arith.addi %add3A_1230, %gather3A_1244 : vector<16xi32>
    %mul3A_1246 = arith.constant 16 : i32
    %mul3A_1247 = vector.broadcast %mul3A_1246 : i32 to vector<16xi32>
    %mul3A_1248 = arith.muli %iota3A, %mul3A_1247 : vector<16xi32>
    %add3A_1249 = arith.constant 0 : i32
    %add3A_1250 = vector.broadcast %add3A_1249 : i32 to vector<16xi32>
    %add3A_1251 = arith.addi %add3A_1250, %mul3A_1248 : vector<16xi32>
    %add3A_1252 = arith.constant 12 : i32
    %add3A_1253 = vector.broadcast %add3A_1252 : i32 to vector<16xi32>
    %add3A_1254 = arith.addi %add3A_1251, %add3A_1253 : vector<16xi32>
    %mul3A_1255 = arith.constant 17 : i32
    %mul3A_1256 = vector.broadcast %mul3A_1255 : i32 to vector<16xi32>
    %mul3A_1257 = arith.muli %add3A_1254, %mul3A_1256 : vector<16xi32>
    %add3A_1258 = arith.addi %mul3A_1257, %iota3A : vector<16xi32>
    %gather3A_1259 = tpu.vector_load_idx %arg8[%add3A_1258] : memref<13072xi32, #tpu.memory_space<vmem>>[vector<16xi32>], vector<16xi32>,
    %add3A_1260 = arith.addi %add3A_1245, %gather3A_1259 : vector<16xi32>
    %mul3A_1261 = arith.constant 16 : i32
    %mul3A_1262 = vector.broadcast %mul3A_1261 : i32 to vector<16xi32>
    %mul3A_1263 = arith.muli %iota3A, %mul3A_1262 : vector<16xi32>
    %add3A_1264 = arith.constant 0 : i32
    %add3A_1265 = vector.broadcast %add3A_1264 : i32 to vector<16xi32>
    %add3A_1266 = arith.addi %add3A_1265, %mul3A_1263 : vector<16xi32>
    %add3A_1267 = arith.constant 13 : i32
    %add3A_1268 = vector.broadcast %add3A_1267 : i32 to vector<16xi32>
    %add3A_1269 = arith.addi %add3A_1266, %add3A_1268 : vector<16xi32>
    %mul3A_1270 = arith.constant 17 : i32
    %mul3A_1271 = vector.broadcast %mul3A_1270 : i32 to vector<16xi32>
    %mul3A_1272 = arith.muli %add3A_1269, %mul3A_1271 : vector<16xi32>
    %add3A_1273 = arith.addi %mul3A_1272, %iota3A : vector<16xi32>
    %gather3A_1274 = tpu.vector_load_idx %arg8[%add3A_1273] : memref<13072xi32, #tpu.memory_space<vmem>>[vector<16xi32>], vector<16xi32>,
    %add3A_1275 = arith.addi %add3A_1260, %gather3A_1274 : vector<16xi32>
    %mul3A_1276 = arith.constant 16 : i32
    %mul3A_1277 = vector.broadcast %mul3A_1276 : i32 to vector<16xi32>
    %mul3A_1278 = arith.muli %iota3A, %mul3A_1277 : vector<16xi32>
    %add3A_1279 = arith.constant 0 : i32
    %add3A_1280 = vector.broadcast %add3A_1279 : i32 to vector<16xi32>
    %add3A_1281 = arith.addi %add3A_1280, %mul3A_1278 : vector<16xi32>
    %add3A_1282 = arith.constant 14 : i32
    %add3A_1283 = vector.broadcast %add3A_1282 : i32 to vector<16xi32>
    %add3A_1284 = arith.addi %add3A_1281, %add3A_1283 : vector<16xi32>
    %mul3A_1285 = arith.constant 17 : i32
    %mul3A_1286 = vector.broadcast %mul3A_1285 : i32 to vector<16xi32>
    %mul3A_1287 = arith.muli %add3A_1284, %mul3A_1286 : vector<16xi32>
    %add3A_1288 = arith.addi %mul3A_1287, %iota3A : vector<16xi32>
    %gather3A_1289 = tpu.vector_load_idx %arg8[%add3A_1288] : memref<13072xi32, #tpu.memory_space<vmem>>[vector<16xi32>], vector<16xi32>,
    %add3A_1290 = arith.addi %add3A_1275, %gather3A_1289 : vector<16xi32>
    %mul3A_1291 = arith.constant 16 : i32
    %mul3A_1292 = vector.broadcast %mul3A_1291 : i32 to vector<16xi32>
    %mul3A_1293 = arith.muli %iota3A, %mul3A_1292 : vector<16xi32>
    %add3A_1294 = arith.constant 0 : i32
    %add3A_1295 = vector.broadcast %add3A_1294 : i32 to vector<16xi32>
    %add3A_1296 = arith.addi %add3A_1295, %mul3A_1293 : vector<16xi32>
    %add3A_1297 = arith.constant 15 : i32
    %add3A_1298 = vector.broadcast %add3A_1297 : i32 to vector<16xi32>
    %add3A_1299 = arith.addi %add3A_1296, %add3A_1298 : vector<16xi32>
    %mul3A_1300 = arith.constant 17 : i32
    %mul3A_1301 = vector.broadcast %mul3A_1300 : i32 to vector<16xi32>
    %mul3A_1302 = arith.muli %add3A_1299, %mul3A_1301 : vector<16xi32>
    %add3A_1303 = arith.addi %mul3A_1302, %iota3A : vector<16xi32>
    %gather3A_1304 = tpu.vector_load_idx %arg8[%add3A_1303] : memref<13072xi32, #tpu.memory_space<vmem>>[vector<16xi32>], vector<16xi32>,
    %add3A_1305 = arith.addi %add3A_1290, %gather3A_1304 : vector<16xi32>
    %rev3A_1306 = arith.constant 15 : i32
    %rev3A_1307 = vector.broadcast %rev3A_1306 : i32 to vector<16xi32>
    %rev3A_1308 = tpu.iota {dimensions = array<i32: 0>} : vector<16xi32>
    %rev3A_1309 = arith.subi %rev3A_1307, %rev3A_1308 : vector<16xi32>
    %rev3A_1310 = tpu.dynamic_gather %add3A_1305[%rev3A_1309] in [0] : vector<16xi32>, vector<16xi32> -> vector<16xi32>
    %broadcast_in_dim3A_1311 = arith.constant true
    %broadcast_in_dim3A_1312 = vector.broadcast %broadcast_in_dim3A_1311 : i1 to vector<16xi1>
    %masked_cumsum3A_1313 = tpu.scan <sum>, %rev3A_1310 masked %broadcast_in_dim3A_1312 : vector<16xi32>, vector<16xi1> -> vector<16xi32>
    %rev3A_1314 = arith.constant 15 : i32
    %rev3A_1315 = vector.broadcast %rev3A_1314 : i32 to vector<16xi32>
    %rev3A_1316 = tpu.iota {dimensions = array<i32: 0>} : vector<16xi32>
    %rev3A_1317 = arith.subi %rev3A_1315, %rev3A_1316 : vector<16xi32>
    %rev3A_1318 = tpu.dynamic_gather %masked_cumsum3A_1313[%rev3A_1317] in [0] : vector<16xi32>, vector<16xi32> -> vector<16xi32>
    %gt3A_1319 = arith.cmpi sgt, %rev3A_1318, %broadcast_in_dim3A_1061 : vector<16xi32>
    %all_reduce_population_count3A_1320 = tpu.all_reduce %gt3A_1319 {dim = 0 : i64, kind = #tpu.reduction_kind<sum>} : vector<16xi1> -> vector<16xi32>
    %sub3A_1321 = arith.constant 1 : i32
    %sub3A_1322 = vector.broadcast %sub3A_1321 : i32 to vector<16xi32>
    %sub3A_1323 = arith.subi %all_reduce_population_count3A_1320, %sub3A_1322 : vector<16xi32>
    %eq3A_1324 = arith.cmpi eq, %iota3A, %sub3A_1323 : vector<16xi32>
    %sub3A_1325 = arith.subi %rev3A_1318, %add3A_1305 : vector<16xi32>
    %jit3A_1326 = arith.constant 0 : i32
    %broadcast_in_dim3A_1327 = vector.broadcast %jit3A_1326 : i32 to vector<16xi32>
    %select_n3A_1328 = arith.select %eq3A_1324, %sub3A_1325, %broadcast_in_dim3A_1327 : vector<16xi1>, vector<16xi32>
    %reduce_sum3A_1329 = arith.constant true
    %reduce_sum3A_1330 = vector.broadcast %reduce_sum3A_1329 : i1 to vector<16xi1>
    %reduce_sum3A_1331 = tpu.scan <sum>, %select_n3A_1328 masked %reduce_sum3A_1330 : vector<16xi32>, vector<16xi1> -> vector<16xi32>
    %reduce_sum3A_1332 = vector.extract %reduce_sum3A_1331[15] : i32 from vector<16xi32>
    %broadcast_in_dim3A_1333 = vector.broadcast %reduce_sum3A_1332 : i32 to vector<16xi32>
    %mul3A_1334 = arith.constant 16 : i32
    %mul3A_1335 = vector.broadcast %mul3A_1334 : i32 to vector<16xi32>
    %mul3A_1336 = arith.muli %sub3A_1323, %mul3A_1335 : vector<16xi32>
    %add3A_1337 = arith.constant 0 : i32
    %add3A_1338 = vector.broadcast %add3A_1337 : i32 to vector<16xi32>
    %add3A_1339 = arith.addi %add3A_1338, %mul3A_1336 : vector<16xi32>
    %add3A_1340 = arith.addi %add3A_1339, %iota3A : vector<16xi32>
    %mul3A_1341 = arith.constant 17 : i32
    %mul3A_1342 = vector.broadcast %mul3A_1341 : i32 to vector<16xi32>
    %mul3A_1343 = arith.muli %add3A_1340, %mul3A_1342 : vector<16xi32>
    %gather3A_1344 = tpu.vector_load_idx %arg8[%mul3A_1343] : memref<13072xi32, #tpu.memory_space<vmem>>[vector<16xi32>], vector<16xi32>,
    %rev3A_1345 = arith.constant 15 : i32
    %rev3A_1346 = vector.broadcast %rev3A_1345 : i32 to vector<16xi32>
    %rev3A_1347 = tpu.iota {dimensions = array<i32: 0>} : vector<16xi32>
    %rev3A_1348 = arith.subi %rev3A_1346, %rev3A_1347 : vector<16xi32>
    %rev3A_1349 = tpu.dynamic_gather %gather3A_1344[%rev3A_1348] in [0] : vector<16xi32>, vector<16xi32> -> vector<16xi32>
    %broadcast_in_dim3A_1350 = arith.constant true
    %broadcast_in_dim3A_1351 = vector.broadcast %broadcast_in_dim3A_1350 : i1 to vector<16xi1>
    %masked_cumsum3A_1352 = tpu.scan <sum>, %rev3A_1349 masked %broadcast_in_dim3A_1351 : vector<16xi32>, vector<16xi1> -> vector<16xi32>
    %rev3A_1353 = arith.constant 15 : i32
    %rev3A_1354 = vector.broadcast %rev3A_1353 : i32 to vector<16xi32>
    %rev3A_1355 = tpu.iota {dimensions = array<i32: 0>} : vector<16xi32>
    %rev3A_1356 = arith.subi %rev3A_1354, %rev3A_1355 : vector<16xi32>
    %rev3A_1357 = tpu.dynamic_gather %masked_cumsum3A_1352[%rev3A_1356] in [0] : vector<16xi32>, vector<16xi32> -> vector<16xi32>
    %add3A_1358 = arith.addi %broadcast_in_dim3A_1333, %rev3A_1357 : vector<16xi32>
    %gt3A_1359 = arith.cmpi sgt, %add3A_1358, %broadcast_in_dim3A_1061 : vector<16xi32>
    %all_reduce_population_count3A_1360 = tpu.all_reduce %gt3A_1359 {dim = 0 : i64, kind = #tpu.reduction_kind<sum>} : vector<16xi1> -> vector<16xi32>
    %sub3A_1361 = arith.constant 1 : i32
    %sub3A_1362 = vector.broadcast %sub3A_1361 : i32 to vector<16xi32>
    %sub3A_1363 = arith.subi %all_reduce_population_count3A_1360, %sub3A_1362 : vector<16xi32>
    %mul3A_1364 = arith.constant 16 : i32
    %mul3A_1365 = vector.broadcast %mul3A_1364 : i32 to vector<16xi32>
    %mul3A_1366 = arith.muli %sub3A_1323, %mul3A_1365 : vector<16xi32>
    %add3A_1367 = arith.addi %mul3A_1366, %sub3A_1363 : vector<16xi32>
    %eq3A_1368 = arith.cmpi eq, %iota3A, %sub3A_1363 : vector<16xi32>
    %sub3A_1369 = arith.subi %rev3A_1357, %gather3A_1344 : vector<16xi32>
    %jit3A_1370 = arith.constant 0 : i32
    %broadcast_in_dim3A_1371 = vector.broadcast %jit3A_1370 : i32 to vector<16xi32>
    %select_n3A_1372 = arith.select %eq3A_1368, %sub3A_1369, %broadcast_in_dim3A_1371 : vector<16xi1>, vector<16xi32>
    %reduce_sum3A_1373 = arith.constant true
    %reduce_sum3A_1374 = vector.broadcast %reduce_sum3A_1373 : i1 to vector<16xi1>
    %reduce_sum3A_1375 = tpu.scan <sum>, %select_n3A_1372 masked %reduce_sum3A_1374 : vector<16xi32>, vector<16xi1> -> vector<16xi32>
    %reduce_sum3A_1376 = vector.extract %reduce_sum3A_1375[15] : i32 from vector<16xi32>
    %broadcast_in_dim3A_1377 = vector.broadcast %reduce_sum3A_1376 : i32 to vector<16xi32>
    %add3A_1378 = arith.addi %broadcast_in_dim3A_1333, %broadcast_in_dim3A_1377 : vector<16xi32>
    %gt3A_1379 = arith.cmpi sgt, %rev3A_1318, %broadcast_in_dim3A_1063 : vector<16xi32>
    %all_reduce_population_count3A_1380 = tpu.all_reduce %gt3A_1379 {dim = 0 : i64, kind = #tpu.reduction_kind<sum>} : vector<16xi1> -> vector<16xi32>
    %sub3A_1381 = arith.constant 1 : i32
    %sub3A_1382 = vector.broadcast %sub3A_1381 : i32 to vector<16xi32>
    %sub3A_1383 = arith.subi %all_reduce_population_count3A_1380, %sub3A_1382 : vector<16xi32>
    %eq3A_1384 = arith.cmpi eq, %iota3A, %sub3A_1383 : vector<16xi32>
    %sub3A_1385 = arith.subi %rev3A_1318, %add3A_1305 : vector<16xi32>
    %jit3A_1386 = arith.constant 0 : i32
    %broadcast_in_dim3A_1387 = vector.broadcast %jit3A_1386 : i32 to vector<16xi32>
    %select_n3A_1388 = arith.select %eq3A_1384, %sub3A_1385, %broadcast_in_dim3A_1387 : vector<16xi1>, vector<16xi32>
    %reduce_sum3A_1389 = arith.constant true
    %reduce_sum3A_1390 = vector.broadcast %reduce_sum3A_1389 : i1 to vector<16xi1>
    %reduce_sum3A_1391 = tpu.scan <sum>, %select_n3A_1388 masked %reduce_sum3A_1390 : vector<16xi32>, vector<16xi1> -> vector<16xi32>
    %reduce_sum3A_1392 = vector.extract %reduce_sum3A_1391[15] : i32 from vector<16xi32>
    %broadcast_in_dim3A_1393 = vector.broadcast %reduce_sum3A_1392 : i32 to vector<16xi32>
    %mul3A_1394 = arith.constant 16 : i32
    %mul3A_1395 = vector.broadcast %mul3A_1394 : i32 to vector<16xi32>
    %mul3A_1396 = arith.muli %sub3A_1383, %mul3A_1395 : vector<16xi32>
    %add3A_1397 = arith.constant 0 : i32
    %add3A_1398 = vector.broadcast %add3A_1397 : i32 to vector<16xi32>
    %add3A_1399 = arith.addi %add3A_1398, %mul3A_1396 : vector<16xi32>
    %add3A_1400 = arith.addi %add3A_1399, %iota3A : vector<16xi32>
    %mul3A_1401 = arith.constant 17 : i32
    %mul3A_1402 = vector.broadcast %mul3A_1401 : i32 to vector<16xi32>
    %mul3A_1403 = arith.muli %add3A_1400, %mul3A_1402 : vector<16xi32>
    %gather3A_1404 = tpu.vector_load_idx %arg8[%mul3A_1403] : memref<13072xi32, #tpu.memory_space<vmem>>[vector<16xi32>], vector<16xi32>,
    %rev3A_1405 = arith.constant 15 : i32
    %rev3A_1406 = vector.broadcast %rev3A_1405 : i32 to vector<16xi32>
    %rev3A_1407 = tpu.iota {dimensions = array<i32: 0>} : vector<16xi32>
    %rev3A_1408 = arith.subi %rev3A_1406, %rev3A_1407 : vector<16xi32>
    %rev3A_1409 = tpu.dynamic_gather %gather3A_1404[%rev3A_1408] in [0] : vector<16xi32>, vector<16xi32> -> vector<16xi32>
    %broadcast_in_dim3A_1410 = arith.constant true
    %broadcast_in_dim3A_1411 = vector.broadcast %broadcast_in_dim3A_1410 : i1 to vector<16xi1>
    %masked_cumsum3A_1412 = tpu.scan <sum>, %rev3A_1409 masked %broadcast_in_dim3A_1411 : vector<16xi32>, vector<16xi1> -> vector<16xi32>
    %rev3A_1413 = arith.constant 15 : i32
    %rev3A_1414 = vector.broadcast %rev3A_1413 : i32 to vector<16xi32>
    %rev3A_1415 = tpu.iota {dimensions = array<i32: 0>} : vector<16xi32>
    %rev3A_1416 = arith.subi %rev3A_1414, %rev3A_1415 : vector<16xi32>
    %rev3A_1417 = tpu.dynamic_gather %masked_cumsum3A_1412[%rev3A_1416] in [0] : vector<16xi32>, vector<16xi32> -> vector<16xi32>
    %add3A_1418 = arith.addi %broadcast_in_dim3A_1393, %rev3A_1417 : vector<16xi32>
    %gt3A_1419 = arith.cmpi sgt, %add3A_1418, %broadcast_in_dim3A_1063 : vector<16xi32>
    %all_reduce_population_count3A_1420 = tpu.all_reduce %gt3A_1419 {dim = 0 : i64, kind = #tpu.reduction_kind<sum>} : vector<16xi1> -> vector<16xi32>
    %sub3A_1421 = arith.constant 1 : i32
    %sub3A_1422 = vector.broadcast %sub3A_1421 : i32 to vector<16xi32>
    %sub3A_1423 = arith.subi %all_reduce_population_count3A_1420, %sub3A_1422 : vector<16xi32>
    %mul3A_1424 = arith.constant 16 : i32
    %mul3A_1425 = vector.broadcast %mul3A_1424 : i32 to vector<16xi32>
    %mul3A_1426 = arith.muli %sub3A_1383, %mul3A_1425 : vector<16xi32>
    %add3A_1427 = arith.addi %mul3A_1426, %sub3A_1423 : vector<16xi32>
    %eq3A_1428 = arith.cmpi eq, %iota3A, %sub3A_1423 : vector<16xi32>
    %sub3A_1429 = arith.subi %rev3A_1417, %gather3A_1404 : vector<16xi32>
    %jit3A_1430 = arith.constant 0 : i32
    %broadcast_in_dim3A_1431 = vector.broadcast %jit3A_1430 : i32 to vector<16xi32>
    %select_n3A_1432 = arith.select %eq3A_1428, %sub3A_1429, %broadcast_in_dim3A_1431 : vector<16xi1>, vector<16xi32>
    %reduce_sum3A_1433 = arith.constant true
    %reduce_sum3A_1434 = vector.broadcast %reduce_sum3A_1433 : i1 to vector<16xi1>
    %reduce_sum3A_1435 = tpu.scan <sum>, %select_n3A_1432 masked %reduce_sum3A_1434 : vector<16xi32>, vector<16xi1> -> vector<16xi32>
    %reduce_sum3A_1436 = vector.extract %reduce_sum3A_1435[15] : i32 from vector<16xi32>
    %broadcast_in_dim3A_1437 = vector.broadcast %reduce_sum3A_1436 : i32 to vector<16xi32>
    %add3A_1438 = arith.addi %broadcast_in_dim3A_1393, %broadcast_in_dim3A_1437 : vector<16xi32>
    %eq3A_1439 = arith.cmpi eq, %add3A_1367, %add3A_1427 : vector<16xi32>
    %convert_element_type3A_1440 = arith.sitofp %add3A_1367 : vector<16xi32> to vector<16xf32>
    %mul3A_1441 = arith.constant 1.250000e-01 : f32
    %mul3A_1442 = vector.broadcast %mul3A_1441 : f32 to vector<16xf32>
    %mul3A_1443 = arith.mulf %convert_element_type3A_1440, %mul3A_1442 : vector<16xf32>
    %sub3A_1444 = arith.constant 1.600000e+01 : f32
    %sub3A_1445 = vector.broadcast %sub3A_1444 : f32 to vector<16xf32>
    %sub3A_1446 = arith.subf %mul3A_1443, %sub3A_1445 : vector<16xf32>
    %convert_element_type3A_1447 = arith.sitofp %add3A_1427 : vector<16xi32> to vector<16xf32>
    %mul3A_1448 = arith.constant 1.250000e-01 : f32
    %mul3A_1449 = vector.broadcast %mul3A_1448 : f32 to vector<16xf32>
    %mul3A_1450 = arith.mulf %convert_element_type3A_1447, %mul3A_1449 : vector<16xf32>
    %sub3A_1451 = arith.constant 1.600000e+01 : f32
    %sub3A_1452 = vector.broadcast %sub3A_1451 : f32 to vector<16xf32>
    %sub3A_1453 = arith.subf %mul3A_1450, %sub3A_1452 : vector<16xf32>
    %parallel_loop3A_1454 = arith.constant 0 : i32
    %parallel_loop3A_1455 = arith.constant 512 : i32
    %parallel_loop3A_1456 = arith.constant 1 : i32
    scf.for %parallel_loop3A_2125 = %parallel_loop3A_1454 to %parallel_loop3A_1455 step %parallel_loop3A_1456  : i32 {
      %parallel_loop3A_2126 = arith.constant 16 : i32
      %parallel_loop3A_2127 = arith.muli %parallel_loop3A_2125, %parallel_loop3A_2126 : i32
      %parallel_loop3A_2128 = arith.constant 8192 : i32
      %parallel_loop3A_2129 = arith.addi %parallel_loop3A_2128, %parallel_loop3A_2127 : i32
      %parallel_loop3A_2130 = arith.index_cast %parallel_loop3A_2129 : i32 to index
      %parallel_loop3A_2131 = tpu.vector_load %arg5[%parallel_loop3A_2130] {strides = array<i32>} : memref<16384xf32, #tpu.memory_space<vmem>>, vector<16xf32>,
      %parallel_loop3A_2132 = arith.constant 8.000000e+00 : f32
      %parallel_loop3A_2133 = vector.broadcast %parallel_loop3A_2132 : f32 to vector<16xf32>
      %parallel_loop3A_2134 = arith.mulf %parallel_loop3A_2131, %parallel_loop3A_2133 : vector<16xf32>
      %parallel_loop3A_2135 = arith.constant 1.152000e+03 : f32
      %parallel_loop3A_2136 = vector.broadcast %parallel_loop3A_2135 : f32 to vector<16xf32>
      %parallel_loop3A_2137 = arith.addf %parallel_loop3A_2134, %parallel_loop3A_2136 : vector<16xf32>
      %parallel_loop3A_2138 = arith.constant 1.024000e+03 : f32
      %parallel_loop3A_2139 = arith.constant 1.280000e+03 : f32
      %parallel_loop3A_2140 = vector.broadcast %parallel_loop3A_2138 : f32 to vector<16xf32>
      %parallel_loop3A_2141 = arith.maximumf %parallel_loop3A_2140, %parallel_loop3A_2137 : vector<16xf32>
      %parallel_loop3A_2142 = vector.broadcast %parallel_loop3A_2139 : f32 to vector<16xf32>
      %parallel_loop3A_2143 = arith.minimumf %parallel_loop3A_2142, %parallel_loop3A_2141 : vector<16xf32>
      %parallel_loop3A_2144 = arith.fptosi %parallel_loop3A_2143 : vector<16xf32> to vector<16xi32>
      %parallel_loop3A_2145 = arith.constant 1024 : i32
      %parallel_loop3A_2146 = vector.broadcast %parallel_loop3A_2145 : i32 to vector<16xi32>
      %parallel_loop3A_2147 = arith.subi %parallel_loop3A_2144, %parallel_loop3A_2146 : vector<16xi32>
      %parallel_loop3A_2148 = arith.constant 0 : i32
      %parallel_loop3A_2149 = arith.constant 255 : i32
      %parallel_loop3A_2150 = vector.broadcast %parallel_loop3A_2148 : i32 to vector<16xi32>
      %parallel_loop3A_2151 = arith.maxsi %parallel_loop3A_2150, %parallel_loop3A_2147 : vector<16xi32>
      %parallel_loop3A_2152 = vector.broadcast %parallel_loop3A_2149 : i32 to vector<16xi32>
      %parallel_loop3A_2153 = arith.minsi %parallel_loop3A_2152, %parallel_loop3A_2151 : vector<16xi32>
      %parallel_loop3A_2154 = arith.cmpi eq, %parallel_loop3A_2153, %add3A_1367 : vector<16xi32>
      %parallel_loop3A_2155 = arith.cmpi eq, %parallel_loop3A_2153, %add3A_1427 : vector<16xi32>
      %parallel_loop3A_2156 = arith.ori %parallel_loop3A_2154, %parallel_loop3A_2155 : vector<16xi1>
      %parallel_loop3A_2157 = arith.subf %parallel_loop3A_2131, %sub3A_1446 : vector<16xf32>
      %parallel_loop3A_2158 = arith.constant 2.048000e+03 : f32
      %parallel_loop3A_2159 = vector.broadcast %parallel_loop3A_2158 : f32 to vector<16xf32>
      %parallel_loop3A_2160 = arith.mulf %parallel_loop3A_2157, %parallel_loop3A_2159 : vector<16xf32>
      %parallel_loop3A_2161 = arith.constant 0.000000e+00 : f32
      %parallel_loop3A_2162 = arith.constant 2.560000e+02 : f32
      %parallel_loop3A_2163 = vector.broadcast %parallel_loop3A_2161 : f32 to vector<16xf32>
      %parallel_loop3A_2164 = arith.maximumf %parallel_loop3A_2163, %parallel_loop3A_2160 : vector<16xf32>
      %parallel_loop3A_2165 = vector.broadcast %parallel_loop3A_2162 : f32 to vector<16xf32>
      %parallel_loop3A_2166 = arith.minimumf %parallel_loop3A_2165, %parallel_loop3A_2164 : vector<16xf32>
      %parallel_loop3A_2167 = arith.fptosi %parallel_loop3A_2166 : vector<16xf32> to vector<16xi32>
      %parallel_loop3A_2168 = arith.constant 0 : i32
      %parallel_loop3A_2169 = arith.constant 255 : i32
      %parallel_loop3A_2170 = vector.broadcast %parallel_loop3A_2168 : i32 to vector<16xi32>
      %parallel_loop3A_2171 = arith.maxsi %parallel_loop3A_2170, %parallel_loop3A_2167 : vector<16xi32>
      %parallel_loop3A_2172 = vector.broadcast %parallel_loop3A_2169 : i32 to vector<16xi32>
      %parallel_loop3A_2173 = arith.minsi %parallel_loop3A_2172, %parallel_loop3A_2171 : vector<16xi32>
      %parallel_loop3A_2174 = arith.subf %parallel_loop3A_2131, %sub3A_1453 : vector<16xf32>
      %parallel_loop3A_2175 = arith.constant 2.048000e+03 : f32
      %parallel_loop3A_2176 = vector.broadcast %parallel_loop3A_2175 : f32 to vector<16xf32>
      %parallel_loop3A_2177 = arith.mulf %parallel_loop3A_2174, %parallel_loop3A_2176 : vector<16xf32>
      %parallel_loop3A_2178 = arith.constant 0.000000e+00 : f32
      %parallel_loop3A_2179 = arith.constant 2.560000e+02 : f32
      %parallel_loop3A_2180 = vector.broadcast %parallel_loop3A_2178 : f32 to vector<16xf32>
      %parallel_loop3A_2181 = arith.maximumf %parallel_loop3A_2180, %parallel_loop3A_2177 : vector<16xf32>
      %parallel_loop3A_2182 = vector.broadcast %parallel_loop3A_2179 : f32 to vector<16xf32>
      %parallel_loop3A_2183 = arith.minimumf %parallel_loop3A_2182, %parallel_loop3A_2181 : vector<16xf32>
      %parallel_loop3A_2184 = arith.fptosi %parallel_loop3A_2183 : vector<16xf32> to vector<16xi32>
      %parallel_loop3A_2185 = arith.constant 0 : i32
      %parallel_loop3A_2186 = arith.constant 255 : i32
      %parallel_loop3A_2187 = vector.broadcast %parallel_loop3A_2185 : i32 to vector<16xi32>
      %parallel_loop3A_2188 = arith.maxsi %parallel_loop3A_2187, %parallel_loop3A_2184 : vector<16xi32>
      %parallel_loop3A_2189 = vector.broadcast %parallel_loop3A_2186 : i32 to vector<16xi32>
      %parallel_loop3A_2190 = arith.minsi %parallel_loop3A_2189, %parallel_loop3A_2188 : vector<16xi32>
      %parallel_loop3A_2191 = arith.select %parallel_loop3A_2154, %parallel_loop3A_2173, %parallel_loop3A_2190 : vector<16xi1>, vector<16xi32>
      %parallel_loop3A_2192 = arith.constant 4096 : i32
      %parallel_loop3A_2193 = arith.constant 8192 : i32
      %parallel_loop3A_2194 = vector.broadcast %parallel_loop3A_2192 : i32 to vector<16xi32>
      %parallel_loop3A_2195 = vector.broadcast %parallel_loop3A_2193 : i32 to vector<16xi32>
      %parallel_loop3A_2196 = arith.select %parallel_loop3A_2154, %parallel_loop3A_2194, %parallel_loop3A_2195 : vector<16xi1>, vector<16xi32>
      %parallel_loop3A_2197 = arith.constant 16 : i32
      %parallel_loop3A_2198 = vector.broadcast %parallel_loop3A_2197 : i32 to vector<16xi32>
      %parallel_loop3A_2199 = arith.muli %parallel_loop3A_2191, %parallel_loop3A_2198 : vector<16xi32>
      %parallel_loop3A_2200 = arith.addi %parallel_loop3A_2196, %parallel_loop3A_2199 : vector<16xi32>
      %parallel_loop3A_2201 = arith.addi %parallel_loop3A_2200, %iota3A : vector<16xi32>
      tpu.vector_store_idx %arg7[%parallel_loop3A_2201], %broadcast_in_dim3A_1 masked %parallel_loop3A_2156 {add = true} : memref<12288xi32, #tpu.memory_space<vmem>>[vector<16xi32>], vector<16xi32>, vector<16xi1>
    } {sc.loop_unroll_factor = 8 : i64, sc.parallel_access}
    %parallel_loop3A_1457 = arith.constant 0 : i32
    %parallel_loop3A_1458 = arith.constant 512 : i32
    %parallel_loop3A_1459 = arith.constant 1 : i32
    scf.for %parallel_loop3A_2125 = %parallel_loop3A_1457 to %parallel_loop3A_1458 step %parallel_loop3A_1459  : i32 {
      %parallel_loop3A_2126 = arith.constant 16 : i32
      %parallel_loop3A_2127 = arith.muli %parallel_loop3A_2125, %parallel_loop3A_2126 : i32
      %parallel_loop3A_2128 = arith.constant 4096 : i32
      %parallel_loop3A_2129 = arith.addi %parallel_loop3A_2128, %parallel_loop3A_2127 : i32
      %parallel_loop3A_2130 = arith.index_cast %parallel_loop3A_2129 : i32 to index
      %parallel_loop3A_2131 = tpu.vector_load %arg7[%parallel_loop3A_2130] {strides = array<i32>} : memref<12288xi32, #tpu.memory_space<vmem>>, vector<16xi32>,
      %parallel_loop3A_2132 = arith.constant true
      %parallel_loop3A_2133 = vector.broadcast %parallel_loop3A_2132 : i1 to vector<16xi1>
      %parallel_loop3A_2134 = tpu.scan <sum>, %parallel_loop3A_2131 masked %parallel_loop3A_2133 : vector<16xi32>, vector<16xi1> -> vector<16xi32>
      %parallel_loop3A_2135 = vector.extract %parallel_loop3A_2134[15] : i32 from vector<16xi32>
      %parallel_loop3A_2136 = vector.broadcast %parallel_loop3A_2135 : i32 to vector<16xi32>
      %parallel_loop3A_2137 = arith.constant 256 : i32
      %parallel_loop3A_2138 = arith.addi %parallel_loop3A_2137, %parallel_loop3A_2125 : i32
      %parallel_loop3A_2139 = arith.constant 17 : i32
      %parallel_loop3A_2140 = arith.muli %parallel_loop3A_2138, %parallel_loop3A_2139 : i32
      %parallel_loop3A_2141 = arith.index_cast %parallel_loop3A_2140 : i32 to index
      %parallel_loop3A_2142 = tpu.vector_load %arg8[%parallel_loop3A_2141] {strides = array<i32>} : memref<13072xi32, #tpu.memory_space<vmem>>, vector<16xi32>,
      tpu.vector_store %arg8[%parallel_loop3A_2141], %parallel_loop3A_2136 {strides = array<i32>} : memref<13072xi32, #tpu.memory_space<vmem>>, vector<16xi32>,
    } {sc.loop_unroll_factor = 8 : i64, sc.parallel_access}
    %broadcast_in_dim3A_1460 = arith.constant 512 : i32
    %broadcast_in_dim3A_1461 = vector.broadcast %broadcast_in_dim3A_1460 : i32 to vector<16xi32>
    %sub3A_1462 = arith.subi %broadcast_in_dim3A_1461, %add3A_1378 : vector<16xi32>
    %broadcast_in_dim3A_1463 = arith.constant 256 : i32
    %broadcast_in_dim3A_1464 = vector.broadcast %broadcast_in_dim3A_1463 : i32 to vector<16xi32>
    %broadcast_in_dim3A_1465 = arith.constant 0 : i32
    %broadcast_in_dim3A_1466 = vector.broadcast %broadcast_in_dim3A_1465 : i32 to vector<16xi32>
    %mul3A_1467 = arith.constant 16 : i32
    %mul3A_1468 = vector.broadcast %mul3A_1467 : i32 to vector<16xi32>
    %mul3A_1469 = arith.muli %iota3A, %mul3A_1468 : vector<16xi32>
    %add3A_1470 = arith.addi %broadcast_in_dim3A_1464, %mul3A_1469 : vector<16xi32>
    %add3A_1471 = arith.constant 0 : i32
    %add3A_1472 = vector.broadcast %add3A_1471 : i32 to vector<16xi32>
    %add3A_1473 = arith.addi %add3A_1470, %add3A_1472 : vector<16xi32>
    %mul3A_1474 = arith.constant 17 : i32
    %mul3A_1475 = vector.broadcast %mul3A_1474 : i32 to vector<16xi32>
    %mul3A_1476 = arith.muli %add3A_1473, %mul3A_1475 : vector<16xi32>
    %add3A_1477 = arith.addi %mul3A_1476, %iota3A : vector<16xi32>
    %gather3A_1478 = tpu.vector_load_idx %arg8[%add3A_1477] : memref<13072xi32, #tpu.memory_space<vmem>>[vector<16xi32>], vector<16xi32>,
    %add3A_1479 = arith.addi %broadcast_in_dim3A_1466, %gather3A_1478 : vector<16xi32>
    %mul3A_1480 = arith.constant 16 : i32
    %mul3A_1481 = vector.broadcast %mul3A_1480 : i32 to vector<16xi32>
    %mul3A_1482 = arith.muli %iota3A, %mul3A_1481 : vector<16xi32>
    %add3A_1483 = arith.addi %broadcast_in_dim3A_1464, %mul3A_1482 : vector<16xi32>
    %add3A_1484 = arith.constant 1 : i32
    %add3A_1485 = vector.broadcast %add3A_1484 : i32 to vector<16xi32>
    %add3A_1486 = arith.addi %add3A_1483, %add3A_1485 : vector<16xi32>
    %mul3A_1487 = arith.constant 17 : i32
    %mul3A_1488 = vector.broadcast %mul3A_1487 : i32 to vector<16xi32>
    %mul3A_1489 = arith.muli %add3A_1486, %mul3A_1488 : vector<16xi32>
    %add3A_1490 = arith.addi %mul3A_1489, %iota3A : vector<16xi32>
    %gather3A_1491 = tpu.vector_load_idx %arg8[%add3A_1490] : memref<13072xi32, #tpu.memory_space<vmem>>[vector<16xi32>], vector<16xi32>,
    %add3A_1492 = arith.addi %add3A_1479, %gather3A_1491 : vector<16xi32>
    %mul3A_1493 = arith.constant 16 : i32
    %mul3A_1494 = vector.broadcast %mul3A_1493 : i32 to vector<16xi32>
    %mul3A_1495 = arith.muli %iota3A, %mul3A_1494 : vector<16xi32>
    %add3A_1496 = arith.addi %broadcast_in_dim3A_1464, %mul3A_1495 : vector<16xi32>
    %add3A_1497 = arith.constant 2 : i32
    %add3A_1498 = vector.broadcast %add3A_1497 : i32 to vector<16xi32>
    %add3A_1499 = arith.addi %add3A_1496, %add3A_1498 : vector<16xi32>
    %mul3A_1500 = arith.constant 17 : i32
    %mul3A_1501 = vector.broadcast %mul3A_1500 : i32 to vector<16xi32>
    %mul3A_1502 = arith.muli %add3A_1499, %mul3A_1501 : vector<16xi32>
    %add3A_1503 = arith.addi %mul3A_1502, %iota3A : vector<16xi32>
    %gather3A_1504 = tpu.vector_load_idx %arg8[%add3A_1503] : memref<13072xi32, #tpu.memory_space<vmem>>[vector<16xi32>], vector<16xi32>,
    %add3A_1505 = arith.addi %add3A_1492, %gather3A_1504 : vector<16xi32>
    %mul3A_1506 = arith.constant 16 : i32
    %mul3A_1507 = vector.broadcast %mul3A_1506 : i32 to vector<16xi32>
    %mul3A_1508 = arith.muli %iota3A, %mul3A_1507 : vector<16xi32>
    %add3A_1509 = arith.addi %broadcast_in_dim3A_1464, %mul3A_1508 : vector<16xi32>
    %add3A_1510 = arith.constant 3 : i32
    %add3A_1511 = vector.broadcast %add3A_1510 : i32 to vector<16xi32>
    %add3A_1512 = arith.addi %add3A_1509, %add3A_1511 : vector<16xi32>
    %mul3A_1513 = arith.constant 17 : i32
    %mul3A_1514 = vector.broadcast %mul3A_1513 : i32 to vector<16xi32>
    %mul3A_1515 = arith.muli %add3A_1512, %mul3A_1514 : vector<16xi32>
    %add3A_1516 = arith.addi %mul3A_1515, %iota3A : vector<16xi32>
    %gather3A_1517 = tpu.vector_load_idx %arg8[%add3A_1516] : memref<13072xi32, #tpu.memory_space<vmem>>[vector<16xi32>], vector<16xi32>,
    %add3A_1518 = arith.addi %add3A_1505, %gather3A_1517 : vector<16xi32>
    %mul3A_1519 = arith.constant 16 : i32
    %mul3A_1520 = vector.broadcast %mul3A_1519 : i32 to vector<16xi32>
    %mul3A_1521 = arith.muli %iota3A, %mul3A_1520 : vector<16xi32>
    %add3A_1522 = arith.addi %broadcast_in_dim3A_1464, %mul3A_1521 : vector<16xi32>
    %add3A_1523 = arith.constant 4 : i32
    %add3A_1524 = vector.broadcast %add3A_1523 : i32 to vector<16xi32>
    %add3A_1525 = arith.addi %add3A_1522, %add3A_1524 : vector<16xi32>
    %mul3A_1526 = arith.constant 17 : i32
    %mul3A_1527 = vector.broadcast %mul3A_1526 : i32 to vector<16xi32>
    %mul3A_1528 = arith.muli %add3A_1525, %mul3A_1527 : vector<16xi32>
    %add3A_1529 = arith.addi %mul3A_1528, %iota3A : vector<16xi32>
    %gather3A_1530 = tpu.vector_load_idx %arg8[%add3A_1529] : memref<13072xi32, #tpu.memory_space<vmem>>[vector<16xi32>], vector<16xi32>,
    %add3A_1531 = arith.addi %add3A_1518, %gather3A_1530 : vector<16xi32>
    %mul3A_1532 = arith.constant 16 : i32
    %mul3A_1533 = vector.broadcast %mul3A_1532 : i32 to vector<16xi32>
    %mul3A_1534 = arith.muli %iota3A, %mul3A_1533 : vector<16xi32>
    %add3A_1535 = arith.addi %broadcast_in_dim3A_1464, %mul3A_1534 : vector<16xi32>
    %add3A_1536 = arith.constant 5 : i32
    %add3A_1537 = vector.broadcast %add3A_1536 : i32 to vector<16xi32>
    %add3A_1538 = arith.addi %add3A_1535, %add3A_1537 : vector<16xi32>
    %mul3A_1539 = arith.constant 17 : i32
    %mul3A_1540 = vector.broadcast %mul3A_1539 : i32 to vector<16xi32>
    %mul3A_1541 = arith.muli %add3A_1538, %mul3A_1540 : vector<16xi32>
    %add3A_1542 = arith.addi %mul3A_1541, %iota3A : vector<16xi32>
    %gather3A_1543 = tpu.vector_load_idx %arg8[%add3A_1542] : memref<13072xi32, #tpu.memory_space<vmem>>[vector<16xi32>], vector<16xi32>,
    %add3A_1544 = arith.addi %add3A_1531, %gather3A_1543 : vector<16xi32>
    %mul3A_1545 = arith.constant 16 : i32
    %mul3A_1546 = vector.broadcast %mul3A_1545 : i32 to vector<16xi32>
    %mul3A_1547 = arith.muli %iota3A, %mul3A_1546 : vector<16xi32>
    %add3A_1548 = arith.addi %broadcast_in_dim3A_1464, %mul3A_1547 : vector<16xi32>
    %add3A_1549 = arith.constant 6 : i32
    %add3A_1550 = vector.broadcast %add3A_1549 : i32 to vector<16xi32>
    %add3A_1551 = arith.addi %add3A_1548, %add3A_1550 : vector<16xi32>
    %mul3A_1552 = arith.constant 17 : i32
    %mul3A_1553 = vector.broadcast %mul3A_1552 : i32 to vector<16xi32>
    %mul3A_1554 = arith.muli %add3A_1551, %mul3A_1553 : vector<16xi32>
    %add3A_1555 = arith.addi %mul3A_1554, %iota3A : vector<16xi32>
    %gather3A_1556 = tpu.vector_load_idx %arg8[%add3A_1555] : memref<13072xi32, #tpu.memory_space<vmem>>[vector<16xi32>], vector<16xi32>,
    %add3A_1557 = arith.addi %add3A_1544, %gather3A_1556 : vector<16xi32>
    %mul3A_1558 = arith.constant 16 : i32
    %mul3A_1559 = vector.broadcast %mul3A_1558 : i32 to vector<16xi32>
    %mul3A_1560 = arith.muli %iota3A, %mul3A_1559 : vector<16xi32>
    %add3A_1561 = arith.addi %broadcast_in_dim3A_1464, %mul3A_1560 : vector<16xi32>
    %add3A_1562 = arith.constant 7 : i32
    %add3A_1563 = vector.broadcast %add3A_1562 : i32 to vector<16xi32>
    %add3A_1564 = arith.addi %add3A_1561, %add3A_1563 : vector<16xi32>
    %mul3A_1565 = arith.constant 17 : i32
    %mul3A_1566 = vector.broadcast %mul3A_1565 : i32 to vector<16xi32>
    %mul3A_1567 = arith.muli %add3A_1564, %mul3A_1566 : vector<16xi32>
    %add3A_1568 = arith.addi %mul3A_1567, %iota3A : vector<16xi32>
    %gather3A_1569 = tpu.vector_load_idx %arg8[%add3A_1568] : memref<13072xi32, #tpu.memory_space<vmem>>[vector<16xi32>], vector<16xi32>,
    %add3A_1570 = arith.addi %add3A_1557, %gather3A_1569 : vector<16xi32>
    %mul3A_1571 = arith.constant 16 : i32
    %mul3A_1572 = vector.broadcast %mul3A_1571 : i32 to vector<16xi32>
    %mul3A_1573 = arith.muli %iota3A, %mul3A_1572 : vector<16xi32>
    %add3A_1574 = arith.addi %broadcast_in_dim3A_1464, %mul3A_1573 : vector<16xi32>
    %add3A_1575 = arith.constant 8 : i32
    %add3A_1576 = vector.broadcast %add3A_1575 : i32 to vector<16xi32>
    %add3A_1577 = arith.addi %add3A_1574, %add3A_1576 : vector<16xi32>
    %mul3A_1578 = arith.constant 17 : i32
    %mul3A_1579 = vector.broadcast %mul3A_1578 : i32 to vector<16xi32>
    %mul3A_1580 = arith.muli %add3A_1577, %mul3A_1579 : vector<16xi32>
    %add3A_1581 = arith.addi %mul3A_1580, %iota3A : vector<16xi32>
    %gather3A_1582 = tpu.vector_load_idx %arg8[%add3A_1581] : memref<13072xi32, #tpu.memory_space<vmem>>[vector<16xi32>], vector<16xi32>,
    %add3A_1583 = arith.addi %add3A_1570, %gather3A_1582 : vector<16xi32>
    %mul3A_1584 = arith.constant 16 : i32
    %mul3A_1585 = vector.broadcast %mul3A_1584 : i32 to vector<16xi32>
    %mul3A_1586 = arith.muli %iota3A, %mul3A_1585 : vector<16xi32>
    %add3A_1587 = arith.addi %broadcast_in_dim3A_1464, %mul3A_1586 : vector<16xi32>
    %add3A_1588 = arith.constant 9 : i32
    %add3A_1589 = vector.broadcast %add3A_1588 : i32 to vector<16xi32>
    %add3A_1590 = arith.addi %add3A_1587, %add3A_1589 : vector<16xi32>
    %mul3A_1591 = arith.constant 17 : i32
    %mul3A_1592 = vector.broadcast %mul3A_1591 : i32 to vector<16xi32>
    %mul3A_1593 = arith.muli %add3A_1590, %mul3A_1592 : vector<16xi32>
    %add3A_1594 = arith.addi %mul3A_1593, %iota3A : vector<16xi32>
    %gather3A_1595 = tpu.vector_load_idx %arg8[%add3A_1594] : memref<13072xi32, #tpu.memory_space<vmem>>[vector<16xi32>], vector<16xi32>,
    %add3A_1596 = arith.addi %add3A_1583, %gather3A_1595 : vector<16xi32>
    %mul3A_1597 = arith.constant 16 : i32
    %mul3A_1598 = vector.broadcast %mul3A_1597 : i32 to vector<16xi32>
    %mul3A_1599 = arith.muli %iota3A, %mul3A_1598 : vector<16xi32>
    %add3A_1600 = arith.addi %broadcast_in_dim3A_1464, %mul3A_1599 : vector<16xi32>
    %add3A_1601 = arith.constant 10 : i32
    %add3A_1602 = vector.broadcast %add3A_1601 : i32 to vector<16xi32>
    %add3A_1603 = arith.addi %add3A_1600, %add3A_1602 : vector<16xi32>
    %mul3A_1604 = arith.constant 17 : i32
    %mul3A_1605 = vector.broadcast %mul3A_1604 : i32 to vector<16xi32>
    %mul3A_1606 = arith.muli %add3A_1603, %mul3A_1605 : vector<16xi32>
    %add3A_1607 = arith.addi %mul3A_1606, %iota3A : vector<16xi32>
    %gather3A_1608 = tpu.vector_load_idx %arg8[%add3A_1607] : memref<13072xi32, #tpu.memory_space<vmem>>[vector<16xi32>], vector<16xi32>,
    %add3A_1609 = arith.addi %add3A_1596, %gather3A_1608 : vector<16xi32>
    %mul3A_1610 = arith.constant 16 : i32
    %mul3A_1611 = vector.broadcast %mul3A_1610 : i32 to vector<16xi32>
    %mul3A_1612 = arith.muli %iota3A, %mul3A_1611 : vector<16xi32>
    %add3A_1613 = arith.addi %broadcast_in_dim3A_1464, %mul3A_1612 : vector<16xi32>
    %add3A_1614 = arith.constant 11 : i32
    %add3A_1615 = vector.broadcast %add3A_1614 : i32 to vector<16xi32>
    %add3A_1616 = arith.addi %add3A_1613, %add3A_1615 : vector<16xi32>
    %mul3A_1617 = arith.constant 17 : i32
    %mul3A_1618 = vector.broadcast %mul3A_1617 : i32 to vector<16xi32>
    %mul3A_1619 = arith.muli %add3A_1616, %mul3A_1618 : vector<16xi32>
    %add3A_1620 = arith.addi %mul3A_1619, %iota3A : vector<16xi32>
    %gather3A_1621 = tpu.vector_load_idx %arg8[%add3A_1620] : memref<13072xi32, #tpu.memory_space<vmem>>[vector<16xi32>], vector<16xi32>,
    %add3A_1622 = arith.addi %add3A_1609, %gather3A_1621 : vector<16xi32>
    %mul3A_1623 = arith.constant 16 : i32
    %mul3A_1624 = vector.broadcast %mul3A_1623 : i32 to vector<16xi32>
    %mul3A_1625 = arith.muli %iota3A, %mul3A_1624 : vector<16xi32>
    %add3A_1626 = arith.addi %broadcast_in_dim3A_1464, %mul3A_1625 : vector<16xi32>
    %add3A_1627 = arith.constant 12 : i32
    %add3A_1628 = vector.broadcast %add3A_1627 : i32 to vector<16xi32>
    %add3A_1629 = arith.addi %add3A_1626, %add3A_1628 : vector<16xi32>
    %mul3A_1630 = arith.constant 17 : i32
    %mul3A_1631 = vector.broadcast %mul3A_1630 : i32 to vector<16xi32>
    %mul3A_1632 = arith.muli %add3A_1629, %mul3A_1631 : vector<16xi32>
    %add3A_1633 = arith.addi %mul3A_1632, %iota3A : vector<16xi32>
    %gather3A_1634 = tpu.vector_load_idx %arg8[%add3A_1633] : memref<13072xi32, #tpu.memory_space<vmem>>[vector<16xi32>], vector<16xi32>,
    %add3A_1635 = arith.addi %add3A_1622, %gather3A_1634 : vector<16xi32>
    %mul3A_1636 = arith.constant 16 : i32
    %mul3A_1637 = vector.broadcast %mul3A_1636 : i32 to vector<16xi32>
    %mul3A_1638 = arith.muli %iota3A, %mul3A_1637 : vector<16xi32>
    %add3A_1639 = arith.addi %broadcast_in_dim3A_1464, %mul3A_1638 : vector<16xi32>
    %add3A_1640 = arith.constant 13 : i32
    %add3A_1641 = vector.broadcast %add3A_1640 : i32 to vector<16xi32>
    %add3A_1642 = arith.addi %add3A_1639, %add3A_1641 : vector<16xi32>
    %mul3A_1643 = arith.constant 17 : i32
    %mul3A_1644 = vector.broadcast %mul3A_1643 : i32 to vector<16xi32>
    %mul3A_1645 = arith.muli %add3A_1642, %mul3A_1644 : vector<16xi32>
    %add3A_1646 = arith.addi %mul3A_1645, %iota3A : vector<16xi32>
    %gather3A_1647 = tpu.vector_load_idx %arg8[%add3A_1646] : memref<13072xi32, #tpu.memory_space<vmem>>[vector<16xi32>], vector<16xi32>,
    %add3A_1648 = arith.addi %add3A_1635, %gather3A_1647 : vector<16xi32>
    %mul3A_1649 = arith.constant 16 : i32
    %mul3A_1650 = vector.broadcast %mul3A_1649 : i32 to vector<16xi32>
    %mul3A_1651 = arith.muli %iota3A, %mul3A_1650 : vector<16xi32>
    %add3A_1652 = arith.addi %broadcast_in_dim3A_1464, %mul3A_1651 : vector<16xi32>
    %add3A_1653 = arith.constant 14 : i32
    %add3A_1654 = vector.broadcast %add3A_1653 : i32 to vector<16xi32>
    %add3A_1655 = arith.addi %add3A_1652, %add3A_1654 : vector<16xi32>
    %mul3A_1656 = arith.constant 17 : i32
    %mul3A_1657 = vector.broadcast %mul3A_1656 : i32 to vector<16xi32>
    %mul3A_1658 = arith.muli %add3A_1655, %mul3A_1657 : vector<16xi32>
    %add3A_1659 = arith.addi %mul3A_1658, %iota3A : vector<16xi32>
    %gather3A_1660 = tpu.vector_load_idx %arg8[%add3A_1659] : memref<13072xi32, #tpu.memory_space<vmem>>[vector<16xi32>], vector<16xi32>,
    %add3A_1661 = arith.addi %add3A_1648, %gather3A_1660 : vector<16xi32>
    %mul3A_1662 = arith.constant 16 : i32
    %mul3A_1663 = vector.broadcast %mul3A_1662 : i32 to vector<16xi32>
    %mul3A_1664 = arith.muli %iota3A, %mul3A_1663 : vector<16xi32>
    %add3A_1665 = arith.addi %broadcast_in_dim3A_1464, %mul3A_1664 : vector<16xi32>
    %add3A_1666 = arith.constant 15 : i32
    %add3A_1667 = vector.broadcast %add3A_1666 : i32 to vector<16xi32>
    %add3A_1668 = arith.addi %add3A_1665, %add3A_1667 : vector<16xi32>
    %mul3A_1669 = arith.constant 17 : i32
    %mul3A_1670 = vector.broadcast %mul3A_1669 : i32 to vector<16xi32>
    %mul3A_1671 = arith.muli %add3A_1668, %mul3A_1670 : vector<16xi32>
    %add3A_1672 = arith.addi %mul3A_1671, %iota3A : vector<16xi32>
    %gather3A_1673 = tpu.vector_load_idx %arg8[%add3A_1672] : memref<13072xi32, #tpu.memory_space<vmem>>[vector<16xi32>], vector<16xi32>,
    %add3A_1674 = arith.addi %add3A_1661, %gather3A_1673 : vector<16xi32>
    %rev3A_1675 = arith.constant 15 : i32
    %rev3A_1676 = vector.broadcast %rev3A_1675 : i32 to vector<16xi32>
    %rev3A_1677 = tpu.iota {dimensions = array<i32: 0>} : vector<16xi32>
    %rev3A_1678 = arith.subi %rev3A_1676, %rev3A_1677 : vector<16xi32>
    %rev3A_1679 = tpu.dynamic_gather %add3A_1674[%rev3A_1678] in [0] : vector<16xi32>, vector<16xi32> -> vector<16xi32>
    %broadcast_in_dim3A_1680 = arith.constant true
    %broadcast_in_dim3A_1681 = vector.broadcast %broadcast_in_dim3A_1680 : i1 to vector<16xi1>
    %masked_cumsum3A_1682 = tpu.scan <sum>, %rev3A_1679 masked %broadcast_in_dim3A_1681 : vector<16xi32>, vector<16xi1> -> vector<16xi32>
    %rev3A_1683 = arith.constant 15 : i32
    %rev3A_1684 = vector.broadcast %rev3A_1683 : i32 to vector<16xi32>
    %rev3A_1685 = tpu.iota {dimensions = array<i32: 0>} : vector<16xi32>
    %rev3A_1686 = arith.subi %rev3A_1684, %rev3A_1685 : vector<16xi32>
    %rev3A_1687 = tpu.dynamic_gather %masked_cumsum3A_1682[%rev3A_1686] in [0] : vector<16xi32>, vector<16xi32> -> vector<16xi32>
    %gt3A_1688 = arith.cmpi sgt, %rev3A_1687, %sub3A_1462 : vector<16xi32>
    %all_reduce_population_count3A_1689 = tpu.all_reduce %gt3A_1688 {dim = 0 : i64, kind = #tpu.reduction_kind<sum>} : vector<16xi1> -> vector<16xi32>
    %sub3A_1690 = arith.constant 1 : i32
    %sub3A_1691 = vector.broadcast %sub3A_1690 : i32 to vector<16xi32>
    %sub3A_1692 = arith.subi %all_reduce_population_count3A_1689, %sub3A_1691 : vector<16xi32>
    %eq3A_1693 = arith.cmpi eq, %iota3A, %sub3A_1692 : vector<16xi32>
    %sub3A_1694 = arith.subi %rev3A_1687, %add3A_1674 : vector<16xi32>
    %jit3A_1695 = arith.constant 0 : i32
    %broadcast_in_dim3A_1696 = vector.broadcast %jit3A_1695 : i32 to vector<16xi32>
    %select_n3A_1697 = arith.select %eq3A_1693, %sub3A_1694, %broadcast_in_dim3A_1696 : vector<16xi1>, vector<16xi32>
    %reduce_sum3A_1698 = arith.constant true
    %reduce_sum3A_1699 = vector.broadcast %reduce_sum3A_1698 : i1 to vector<16xi1>
    %reduce_sum3A_1700 = tpu.scan <sum>, %select_n3A_1697 masked %reduce_sum3A_1699 : vector<16xi32>, vector<16xi1> -> vector<16xi32>
    %reduce_sum3A_1701 = vector.extract %reduce_sum3A_1700[15] : i32 from vector<16xi32>
    %broadcast_in_dim3A_1702 = vector.broadcast %reduce_sum3A_1701 : i32 to vector<16xi32>
    %mul3A_1703 = arith.constant 16 : i32
    %mul3A_1704 = vector.broadcast %mul3A_1703 : i32 to vector<16xi32>
    %mul3A_1705 = arith.muli %sub3A_1692, %mul3A_1704 : vector<16xi32>
    %add3A_1706 = arith.addi %broadcast_in_dim3A_1464, %mul3A_1705 : vector<16xi32>
    %add3A_1707 = arith.addi %add3A_1706, %iota3A : vector<16xi32>
    %mul3A_1708 = arith.constant 17 : i32
    %mul3A_1709 = vector.broadcast %mul3A_1708 : i32 to vector<16xi32>
    %mul3A_1710 = arith.muli %add3A_1707, %mul3A_1709 : vector<16xi32>
    %gather3A_1711 = tpu.vector_load_idx %arg8[%mul3A_1710] : memref<13072xi32, #tpu.memory_space<vmem>>[vector<16xi32>], vector<16xi32>,
    %rev3A_1712 = arith.constant 15 : i32
    %rev3A_1713 = vector.broadcast %rev3A_1712 : i32 to vector<16xi32>
    %rev3A_1714 = tpu.iota {dimensions = array<i32: 0>} : vector<16xi32>
    %rev3A_1715 = arith.subi %rev3A_1713, %rev3A_1714 : vector<16xi32>
    %rev3A_1716 = tpu.dynamic_gather %gather3A_1711[%rev3A_1715] in [0] : vector<16xi32>, vector<16xi32> -> vector<16xi32>
    %broadcast_in_dim3A_1717 = arith.constant true
    %broadcast_in_dim3A_1718 = vector.broadcast %broadcast_in_dim3A_1717 : i1 to vector<16xi1>
    %masked_cumsum3A_1719 = tpu.scan <sum>, %rev3A_1716 masked %broadcast_in_dim3A_1718 : vector<16xi32>, vector<16xi1> -> vector<16xi32>
    %rev3A_1720 = arith.constant 15 : i32
    %rev3A_1721 = vector.broadcast %rev3A_1720 : i32 to vector<16xi32>
    %rev3A_1722 = tpu.iota {dimensions = array<i32: 0>} : vector<16xi32>
    %rev3A_1723 = arith.subi %rev3A_1721, %rev3A_1722 : vector<16xi32>
    %rev3A_1724 = tpu.dynamic_gather %masked_cumsum3A_1719[%rev3A_1723] in [0] : vector<16xi32>, vector<16xi32> -> vector<16xi32>
    %add3A_1725 = arith.addi %broadcast_in_dim3A_1702, %rev3A_1724 : vector<16xi32>
    %gt3A_1726 = arith.cmpi sgt, %add3A_1725, %sub3A_1462 : vector<16xi32>
    %all_reduce_population_count3A_1727 = tpu.all_reduce %gt3A_1726 {dim = 0 : i64, kind = #tpu.reduction_kind<sum>} : vector<16xi1> -> vector<16xi32>
    %sub3A_1728 = arith.constant 1 : i32
    %sub3A_1729 = vector.broadcast %sub3A_1728 : i32 to vector<16xi32>
    %sub3A_1730 = arith.subi %all_reduce_population_count3A_1727, %sub3A_1729 : vector<16xi32>
    %mul3A_1731 = arith.constant 16 : i32
    %mul3A_1732 = vector.broadcast %mul3A_1731 : i32 to vector<16xi32>
    %mul3A_1733 = arith.muli %sub3A_1692, %mul3A_1732 : vector<16xi32>
    %add3A_1734 = arith.addi %mul3A_1733, %sub3A_1730 : vector<16xi32>
    %eq3A_1735 = arith.cmpi eq, %iota3A, %sub3A_1730 : vector<16xi32>
    %sub3A_1736 = arith.subi %rev3A_1724, %gather3A_1711 : vector<16xi32>
    %jit3A_1737 = arith.constant 0 : i32
    %broadcast_in_dim3A_1738 = vector.broadcast %jit3A_1737 : i32 to vector<16xi32>
    %select_n3A_1739 = arith.select %eq3A_1735, %sub3A_1736, %broadcast_in_dim3A_1738 : vector<16xi1>, vector<16xi32>
    %reduce_sum3A_1740 = arith.constant true
    %reduce_sum3A_1741 = vector.broadcast %reduce_sum3A_1740 : i1 to vector<16xi1>
    %reduce_sum3A_1742 = tpu.scan <sum>, %select_n3A_1739 masked %reduce_sum3A_1741 : vector<16xi32>, vector<16xi1> -> vector<16xi32>
    %reduce_sum3A_1743 = vector.extract %reduce_sum3A_1742[15] : i32 from vector<16xi32>
    %broadcast_in_dim3A_1744 = vector.broadcast %reduce_sum3A_1743 : i32 to vector<16xi32>
    %add3A_1745 = arith.addi %broadcast_in_dim3A_1702, %broadcast_in_dim3A_1744 : vector<16xi32>
    %broadcast_in_dim3A_1746 = arith.constant 256 : i32
    %broadcast_in_dim3A_1747 = vector.broadcast %broadcast_in_dim3A_1746 : i32 to vector<16xi32>
    %broadcast_in_dim3A_1748 = arith.constant 512 : i32
    %broadcast_in_dim3A_1749 = vector.broadcast %broadcast_in_dim3A_1748 : i32 to vector<16xi32>
    %select_n3A_1750 = arith.select %eq3A_1439, %broadcast_in_dim3A_1747, %broadcast_in_dim3A_1749 : vector<16xi1>, vector<16xi32>
    %broadcast_in_dim3A_1751 = arith.constant 513 : i32
    %broadcast_in_dim3A_1752 = vector.broadcast %broadcast_in_dim3A_1751 : i32 to vector<16xi32>
    %sub3A_1753 = arith.subi %broadcast_in_dim3A_1752, %add3A_1378 : vector<16xi32>
    %broadcast_in_dim3A_1754 = arith.constant 513 : i32
    %broadcast_in_dim3A_1755 = vector.broadcast %broadcast_in_dim3A_1754 : i32 to vector<16xi32>
    %sub3A_1756 = arith.subi %broadcast_in_dim3A_1755, %add3A_1438 : vector<16xi32>
    %select_n3A_1757 = arith.select %eq3A_1439, %sub3A_1753, %sub3A_1756 : vector<16xi1>, vector<16xi32>
    %broadcast_in_dim3A_1758 = arith.constant 0 : i32
    %broadcast_in_dim3A_1759 = vector.broadcast %broadcast_in_dim3A_1758 : i32 to vector<16xi32>
    %mul3A_1760 = arith.constant 16 : i32
    %mul3A_1761 = vector.broadcast %mul3A_1760 : i32 to vector<16xi32>
    %mul3A_1762 = arith.muli %iota3A, %mul3A_1761 : vector<16xi32>
    %add3A_1763 = arith.addi %select_n3A_1750, %mul3A_1762 : vector<16xi32>
    %add3A_1764 = arith.constant 0 : i32
    %add3A_1765 = vector.broadcast %add3A_1764 : i32 to vector<16xi32>
    %add3A_1766 = arith.addi %add3A_1763, %add3A_1765 : vector<16xi32>
    %mul3A_1767 = arith.constant 17 : i32
    %mul3A_1768 = vector.broadcast %mul3A_1767 : i32 to vector<16xi32>
    %mul3A_1769 = arith.muli %add3A_1766, %mul3A_1768 : vector<16xi32>
    %add3A_1770 = arith.addi %mul3A_1769, %iota3A : vector<16xi32>
    %gather3A_1771 = tpu.vector_load_idx %arg8[%add3A_1770] : memref<13072xi32, #tpu.memory_space<vmem>>[vector<16xi32>], vector<16xi32>,
    %add3A_1772 = arith.addi %broadcast_in_dim3A_1759, %gather3A_1771 : vector<16xi32>
    %mul3A_1773 = arith.constant 16 : i32
    %mul3A_1774 = vector.broadcast %mul3A_1773 : i32 to vector<16xi32>
    %mul3A_1775 = arith.muli %iota3A, %mul3A_1774 : vector<16xi32>
    %add3A_1776 = arith.addi %select_n3A_1750, %mul3A_1775 : vector<16xi32>
    %add3A_1777 = arith.constant 1 : i32
    %add3A_1778 = vector.broadcast %add3A_1777 : i32 to vector<16xi32>
    %add3A_1779 = arith.addi %add3A_1776, %add3A_1778 : vector<16xi32>
    %mul3A_1780 = arith.constant 17 : i32
    %mul3A_1781 = vector.broadcast %mul3A_1780 : i32 to vector<16xi32>
    %mul3A_1782 = arith.muli %add3A_1779, %mul3A_1781 : vector<16xi32>
    %add3A_1783 = arith.addi %mul3A_1782, %iota3A : vector<16xi32>
    %gather3A_1784 = tpu.vector_load_idx %arg8[%add3A_1783] : memref<13072xi32, #tpu.memory_space<vmem>>[vector<16xi32>], vector<16xi32>,
    %add3A_1785 = arith.addi %add3A_1772, %gather3A_1784 : vector<16xi32>
    %mul3A_1786 = arith.constant 16 : i32
    %mul3A_1787 = vector.broadcast %mul3A_1786 : i32 to vector<16xi32>
    %mul3A_1788 = arith.muli %iota3A, %mul3A_1787 : vector<16xi32>
    %add3A_1789 = arith.addi %select_n3A_1750, %mul3A_1788 : vector<16xi32>
    %add3A_1790 = arith.constant 2 : i32
    %add3A_1791 = vector.broadcast %add3A_1790 : i32 to vector<16xi32>
    %add3A_1792 = arith.addi %add3A_1789, %add3A_1791 : vector<16xi32>
    %mul3A_1793 = arith.constant 17 : i32
    %mul3A_1794 = vector.broadcast %mul3A_1793 : i32 to vector<16xi32>
    %mul3A_1795 = arith.muli %add3A_1792, %mul3A_1794 : vector<16xi32>
    %add3A_1796 = arith.addi %mul3A_1795, %iota3A : vector<16xi32>
    %gather3A_1797 = tpu.vector_load_idx %arg8[%add3A_1796] : memref<13072xi32, #tpu.memory_space<vmem>>[vector<16xi32>], vector<16xi32>,
    %add3A_1798 = arith.addi %add3A_1785, %gather3A_1797 : vector<16xi32>
    %mul3A_1799 = arith.constant 16 : i32
    %mul3A_1800 = vector.broadcast %mul3A_1799 : i32 to vector<16xi32>
    %mul3A_1801 = arith.muli %iota3A, %mul3A_1800 : vector<16xi32>
    %add3A_1802 = arith.addi %select_n3A_1750, %mul3A_1801 : vector<16xi32>
    %add3A_1803 = arith.constant 3 : i32
    %add3A_1804 = vector.broadcast %add3A_1803 : i32 to vector<16xi32>
    %add3A_1805 = arith.addi %add3A_1802, %add3A_1804 : vector<16xi32>
    %mul3A_1806 = arith.constant 17 : i32
    %mul3A_1807 = vector.broadcast %mul3A_1806 : i32 to vector<16xi32>
    %mul3A_1808 = arith.muli %add3A_1805, %mul3A_1807 : vector<16xi32>
    %add3A_1809 = arith.addi %mul3A_1808, %iota3A : vector<16xi32>
    %gather3A_1810 = tpu.vector_load_idx %arg8[%add3A_1809] : memref<13072xi32, #tpu.memory_space<vmem>>[vector<16xi32>], vector<16xi32>,
    %add3A_1811 = arith.addi %add3A_1798, %gather3A_1810 : vector<16xi32>
    %mul3A_1812 = arith.constant 16 : i32
    %mul3A_1813 = vector.broadcast %mul3A_1812 : i32 to vector<16xi32>
    %mul3A_1814 = arith.muli %iota3A, %mul3A_1813 : vector<16xi32>
    %add3A_1815 = arith.addi %select_n3A_1750, %mul3A_1814 : vector<16xi32>
    %add3A_1816 = arith.constant 4 : i32
    %add3A_1817 = vector.broadcast %add3A_1816 : i32 to vector<16xi32>
    %add3A_1818 = arith.addi %add3A_1815, %add3A_1817 : vector<16xi32>
    %mul3A_1819 = arith.constant 17 : i32
    %mul3A_1820 = vector.broadcast %mul3A_1819 : i32 to vector<16xi32>
    %mul3A_1821 = arith.muli %add3A_1818, %mul3A_1820 : vector<16xi32>
    %add3A_1822 = arith.addi %mul3A_1821, %iota3A : vector<16xi32>
    %gather3A_1823 = tpu.vector_load_idx %arg8[%add3A_1822] : memref<13072xi32, #tpu.memory_space<vmem>>[vector<16xi32>], vector<16xi32>,
    %add3A_1824 = arith.addi %add3A_1811, %gather3A_1823 : vector<16xi32>
    %mul3A_1825 = arith.constant 16 : i32
    %mul3A_1826 = vector.broadcast %mul3A_1825 : i32 to vector<16xi32>
    %mul3A_1827 = arith.muli %iota3A, %mul3A_1826 : vector<16xi32>
    %add3A_1828 = arith.addi %select_n3A_1750, %mul3A_1827 : vector<16xi32>
    %add3A_1829 = arith.constant 5 : i32
    %add3A_1830 = vector.broadcast %add3A_1829 : i32 to vector<16xi32>
    %add3A_1831 = arith.addi %add3A_1828, %add3A_1830 : vector<16xi32>
    %mul3A_1832 = arith.constant 17 : i32
    %mul3A_1833 = vector.broadcast %mul3A_1832 : i32 to vector<16xi32>
    %mul3A_1834 = arith.muli %add3A_1831, %mul3A_1833 : vector<16xi32>
    %add3A_1835 = arith.addi %mul3A_1834, %iota3A : vector<16xi32>
    %gather3A_1836 = tpu.vector_load_idx %arg8[%add3A_1835] : memref<13072xi32, #tpu.memory_space<vmem>>[vector<16xi32>], vector<16xi32>,
    %add3A_1837 = arith.addi %add3A_1824, %gather3A_1836 : vector<16xi32>
    %mul3A_1838 = arith.constant 16 : i32
    %mul3A_1839 = vector.broadcast %mul3A_1838 : i32 to vector<16xi32>
    %mul3A_1840 = arith.muli %iota3A, %mul3A_1839 : vector<16xi32>
    %add3A_1841 = arith.addi %select_n3A_1750, %mul3A_1840 : vector<16xi32>
    %add3A_1842 = arith.constant 6 : i32
    %add3A_1843 = vector.broadcast %add3A_1842 : i32 to vector<16xi32>
    %add3A_1844 = arith.addi %add3A_1841, %add3A_1843 : vector<16xi32>
    %mul3A_1845 = arith.constant 17 : i32
    %mul3A_1846 = vector.broadcast %mul3A_1845 : i32 to vector<16xi32>
    %mul3A_1847 = arith.muli %add3A_1844, %mul3A_1846 : vector<16xi32>
    %add3A_1848 = arith.addi %mul3A_1847, %iota3A : vector<16xi32>
    %gather3A_1849 = tpu.vector_load_idx %arg8[%add3A_1848] : memref<13072xi32, #tpu.memory_space<vmem>>[vector<16xi32>], vector<16xi32>,
    %add3A_1850 = arith.addi %add3A_1837, %gather3A_1849 : vector<16xi32>
    %mul3A_1851 = arith.constant 16 : i32
    %mul3A_1852 = vector.broadcast %mul3A_1851 : i32 to vector<16xi32>
    %mul3A_1853 = arith.muli %iota3A, %mul3A_1852 : vector<16xi32>
    %add3A_1854 = arith.addi %select_n3A_1750, %mul3A_1853 : vector<16xi32>
    %add3A_1855 = arith.constant 7 : i32
    %add3A_1856 = vector.broadcast %add3A_1855 : i32 to vector<16xi32>
    %add3A_1857 = arith.addi %add3A_1854, %add3A_1856 : vector<16xi32>
    %mul3A_1858 = arith.constant 17 : i32
    %mul3A_1859 = vector.broadcast %mul3A_1858 : i32 to vector<16xi32>
    %mul3A_1860 = arith.muli %add3A_1857, %mul3A_1859 : vector<16xi32>
    %add3A_1861 = arith.addi %mul3A_1860, %iota3A : vector<16xi32>
    %gather3A_1862 = tpu.vector_load_idx %arg8[%add3A_1861] : memref<13072xi32, #tpu.memory_space<vmem>>[vector<16xi32>], vector<16xi32>,
    %add3A_1863 = arith.addi %add3A_1850, %gather3A_1862 : vector<16xi32>
    %mul3A_1864 = arith.constant 16 : i32
    %mul3A_1865 = vector.broadcast %mul3A_1864 : i32 to vector<16xi32>
    %mul3A_1866 = arith.muli %iota3A, %mul3A_1865 : vector<16xi32>
    %add3A_1867 = arith.addi %select_n3A_1750, %mul3A_1866 : vector<16xi32>
    %add3A_1868 = arith.constant 8 : i32
    %add3A_1869 = vector.broadcast %add3A_1868 : i32 to vector<16xi32>
    %add3A_1870 = arith.addi %add3A_1867, %add3A_1869 : vector<16xi32>
    %mul3A_1871 = arith.constant 17 : i32
    %mul3A_1872 = vector.broadcast %mul3A_1871 : i32 to vector<16xi32>
    %mul3A_1873 = arith.muli %add3A_1870, %mul3A_1872 : vector<16xi32>
    %add3A_1874 = arith.addi %mul3A_1873, %iota3A : vector<16xi32>
    %gather3A_1875 = tpu.vector_load_idx %arg8[%add3A_1874] : memref<13072xi32, #tpu.memory_space<vmem>>[vector<16xi32>], vector<16xi32>,
    %add3A_1876 = arith.addi %add3A_1863, %gather3A_1875 : vector<16xi32>
    %mul3A_1877 = arith.constant 16 : i32
    %mul3A_1878 = vector.broadcast %mul3A_1877 : i32 to vector<16xi32>
    %mul3A_1879 = arith.muli %iota3A, %mul3A_1878 : vector<16xi32>
    %add3A_1880 = arith.addi %select_n3A_1750, %mul3A_1879 : vector<16xi32>
    %add3A_1881 = arith.constant 9 : i32
    %add3A_1882 = vector.broadcast %add3A_1881 : i32 to vector<16xi32>
    %add3A_1883 = arith.addi %add3A_1880, %add3A_1882 : vector<16xi32>
    %mul3A_1884 = arith.constant 17 : i32
    %mul3A_1885 = vector.broadcast %mul3A_1884 : i32 to vector<16xi32>
    %mul3A_1886 = arith.muli %add3A_1883, %mul3A_1885 : vector<16xi32>
    %add3A_1887 = arith.addi %mul3A_1886, %iota3A : vector<16xi32>
    %gather3A_1888 = tpu.vector_load_idx %arg8[%add3A_1887] : memref<13072xi32, #tpu.memory_space<vmem>>[vector<16xi32>], vector<16xi32>,
    %add3A_1889 = arith.addi %add3A_1876, %gather3A_1888 : vector<16xi32>
    %mul3A_1890 = arith.constant 16 : i32
    %mul3A_1891 = vector.broadcast %mul3A_1890 : i32 to vector<16xi32>
    %mul3A_1892 = arith.muli %iota3A, %mul3A_1891 : vector<16xi32>
    %add3A_1893 = arith.addi %select_n3A_1750, %mul3A_1892 : vector<16xi32>
    %add3A_1894 = arith.constant 10 : i32
    %add3A_1895 = vector.broadcast %add3A_1894 : i32 to vector<16xi32>
    %add3A_1896 = arith.addi %add3A_1893, %add3A_1895 : vector<16xi32>
    %mul3A_1897 = arith.constant 17 : i32
    %mul3A_1898 = vector.broadcast %mul3A_1897 : i32 to vector<16xi32>
    %mul3A_1899 = arith.muli %add3A_1896, %mul3A_1898 : vector<16xi32>
    %add3A_1900 = arith.addi %mul3A_1899, %iota3A : vector<16xi32>
    %gather3A_1901 = tpu.vector_load_idx %arg8[%add3A_1900] : memref<13072xi32, #tpu.memory_space<vmem>>[vector<16xi32>], vector<16xi32>,
    %add3A_1902 = arith.addi %add3A_1889, %gather3A_1901 : vector<16xi32>
    %mul3A_1903 = arith.constant 16 : i32
    %mul3A_1904 = vector.broadcast %mul3A_1903 : i32 to vector<16xi32>
    %mul3A_1905 = arith.muli %iota3A, %mul3A_1904 : vector<16xi32>
    %add3A_1906 = arith.addi %select_n3A_1750, %mul3A_1905 : vector<16xi32>
    %add3A_1907 = arith.constant 11 : i32
    %add3A_1908 = vector.broadcast %add3A_1907 : i32 to vector<16xi32>
    %add3A_1909 = arith.addi %add3A_1906, %add3A_1908 : vector<16xi32>
    %mul3A_1910 = arith.constant 17 : i32
    %mul3A_1911 = vector.broadcast %mul3A_1910 : i32 to vector<16xi32>
    %mul3A_1912 = arith.muli %add3A_1909, %mul3A_1911 : vector<16xi32>
    %add3A_1913 = arith.addi %mul3A_1912, %iota3A : vector<16xi32>
    %gather3A_1914 = tpu.vector_load_idx %arg8[%add3A_1913] : memref<13072xi32, #tpu.memory_space<vmem>>[vector<16xi32>], vector<16xi32>,
    %add3A_1915 = arith.addi %add3A_1902, %gather3A_1914 : vector<16xi32>
    %mul3A_1916 = arith.constant 16 : i32
    %mul3A_1917 = vector.broadcast %mul3A_1916 : i32 to vector<16xi32>
    %mul3A_1918 = arith.muli %iota3A, %mul3A_1917 : vector<16xi32>
    %add3A_1919 = arith.addi %select_n3A_1750, %mul3A_1918 : vector<16xi32>
    %add3A_1920 = arith.constant 12 : i32
    %add3A_1921 = vector.broadcast %add3A_1920 : i32 to vector<16xi32>
    %add3A_1922 = arith.addi %add3A_1919, %add3A_1921 : vector<16xi32>
    %mul3A_1923 = arith.constant 17 : i32
    %mul3A_1924 = vector.broadcast %mul3A_1923 : i32 to vector<16xi32>
    %mul3A_1925 = arith.muli %add3A_1922, %mul3A_1924 : vector<16xi32>
    %add3A_1926 = arith.addi %mul3A_1925, %iota3A : vector<16xi32>
    %gather3A_1927 = tpu.vector_load_idx %arg8[%add3A_1926] : memref<13072xi32, #tpu.memory_space<vmem>>[vector<16xi32>], vector<16xi32>,
    %add3A_1928 = arith.addi %add3A_1915, %gather3A_1927 : vector<16xi32>
    %mul3A_1929 = arith.constant 16 : i32
    %mul3A_1930 = vector.broadcast %mul3A_1929 : i32 to vector<16xi32>
    %mul3A_1931 = arith.muli %iota3A, %mul3A_1930 : vector<16xi32>
    %add3A_1932 = arith.addi %select_n3A_1750, %mul3A_1931 : vector<16xi32>
    %add3A_1933 = arith.constant 13 : i32
    %add3A_1934 = vector.broadcast %add3A_1933 : i32 to vector<16xi32>
    %add3A_1935 = arith.addi %add3A_1932, %add3A_1934 : vector<16xi32>
    %mul3A_1936 = arith.constant 17 : i32
    %mul3A_1937 = vector.broadcast %mul3A_1936 : i32 to vector<16xi32>
    %mul3A_1938 = arith.muli %add3A_1935, %mul3A_1937 : vector<16xi32>
    %add3A_1939 = arith.addi %mul3A_1938, %iota3A : vector<16xi32>
    %gather3A_1940 = tpu.vector_load_idx %arg8[%add3A_1939] : memref<13072xi32, #tpu.memory_space<vmem>>[vector<16xi32>], vector<16xi32>,
    %add3A_1941 = arith.addi %add3A_1928, %gather3A_1940 : vector<16xi32>
    %mul3A_1942 = arith.constant 16 : i32
    %mul3A_1943 = vector.broadcast %mul3A_1942 : i32 to vector<16xi32>
    %mul3A_1944 = arith.muli %iota3A, %mul3A_1943 : vector<16xi32>
    %add3A_1945 = arith.addi %select_n3A_1750, %mul3A_1944 : vector<16xi32>
    %add3A_1946 = arith.constant 14 : i32
    %add3A_1947 = vector.broadcast %add3A_1946 : i32 to vector<16xi32>
    %add3A_1948 = arith.addi %add3A_1945, %add3A_1947 : vector<16xi32>
    %mul3A_1949 = arith.constant 17 : i32
    %mul3A_1950 = vector.broadcast %mul3A_1949 : i32 to vector<16xi32>
    %mul3A_1951 = arith.muli %add3A_1948, %mul3A_1950 : vector<16xi32>
    %add3A_1952 = arith.addi %mul3A_1951, %iota3A : vector<16xi32>
    %gather3A_1953 = tpu.vector_load_idx %arg8[%add3A_1952] : memref<13072xi32, #tpu.memory_space<vmem>>[vector<16xi32>], vector<16xi32>,
    %add3A_1954 = arith.addi %add3A_1941, %gather3A_1953 : vector<16xi32>
    %mul3A_1955 = arith.constant 16 : i32
    %mul3A_1956 = vector.broadcast %mul3A_1955 : i32 to vector<16xi32>
    %mul3A_1957 = arith.muli %iota3A, %mul3A_1956 : vector<16xi32>
    %add3A_1958 = arith.addi %select_n3A_1750, %mul3A_1957 : vector<16xi32>
    %add3A_1959 = arith.constant 15 : i32
    %add3A_1960 = vector.broadcast %add3A_1959 : i32 to vector<16xi32>
    %add3A_1961 = arith.addi %add3A_1958, %add3A_1960 : vector<16xi32>
    %mul3A_1962 = arith.constant 17 : i32
    %mul3A_1963 = vector.broadcast %mul3A_1962 : i32 to vector<16xi32>
    %mul3A_1964 = arith.muli %add3A_1961, %mul3A_1963 : vector<16xi32>
    %add3A_1965 = arith.addi %mul3A_1964, %iota3A : vector<16xi32>
    %gather3A_1966 = tpu.vector_load_idx %arg8[%add3A_1965] : memref<13072xi32, #tpu.memory_space<vmem>>[vector<16xi32>], vector<16xi32>,
    %add3A_1967 = arith.addi %add3A_1954, %gather3A_1966 : vector<16xi32>
    %rev3A_1968 = arith.constant 15 : i32
    %rev3A_1969 = vector.broadcast %rev3A_1968 : i32 to vector<16xi32>
    %rev3A_1970 = tpu.iota {dimensions = array<i32: 0>} : vector<16xi32>
    %rev3A_1971 = arith.subi %rev3A_1969, %rev3A_1970 : vector<16xi32>
    %rev3A_1972 = tpu.dynamic_gather %add3A_1967[%rev3A_1971] in [0] : vector<16xi32>, vector<16xi32> -> vector<16xi32>
    %broadcast_in_dim3A_1973 = arith.constant true
    %broadcast_in_dim3A_1974 = vector.broadcast %broadcast_in_dim3A_1973 : i1 to vector<16xi1>
    %masked_cumsum3A_1975 = tpu.scan <sum>, %rev3A_1972 masked %broadcast_in_dim3A_1974 : vector<16xi32>, vector<16xi1> -> vector<16xi32>
    %rev3A_1976 = arith.constant 15 : i32
    %rev3A_1977 = vector.broadcast %rev3A_1976 : i32 to vector<16xi32>
    %rev3A_1978 = tpu.iota {dimensions = array<i32: 0>} : vector<16xi32>
    %rev3A_1979 = arith.subi %rev3A_1977, %rev3A_1978 : vector<16xi32>
    %rev3A_1980 = tpu.dynamic_gather %masked_cumsum3A_1975[%rev3A_1979] in [0] : vector<16xi32>, vector<16xi32> -> vector<16xi32>
    %gt3A_1981 = arith.cmpi sgt, %rev3A_1980, %select_n3A_1757 : vector<16xi32>
    %all_reduce_population_count3A_1982 = tpu.all_reduce %gt3A_1981 {dim = 0 : i64, kind = #tpu.reduction_kind<sum>} : vector<16xi1> -> vector<16xi32>
    %sub3A_1983 = arith.constant 1 : i32
    %sub3A_1984 = vector.broadcast %sub3A_1983 : i32 to vector<16xi32>
    %sub3A_1985 = arith.subi %all_reduce_population_count3A_1982, %sub3A_1984 : vector<16xi32>
    %eq3A_1986 = arith.cmpi eq, %iota3A, %sub3A_1985 : vector<16xi32>
    %sub3A_1987 = arith.subi %rev3A_1980, %add3A_1967 : vector<16xi32>
    %jit3A_1988 = arith.constant 0 : i32
    %broadcast_in_dim3A_1989 = vector.broadcast %jit3A_1988 : i32 to vector<16xi32>
    %select_n3A_1990 = arith.select %eq3A_1986, %sub3A_1987, %broadcast_in_dim3A_1989 : vector<16xi1>, vector<16xi32>
    %reduce_sum3A_1991 = arith.constant true
    %reduce_sum3A_1992 = vector.broadcast %reduce_sum3A_1991 : i1 to vector<16xi1>
    %reduce_sum3A_1993 = tpu.scan <sum>, %select_n3A_1990 masked %reduce_sum3A_1992 : vector<16xi32>, vector<16xi1> -> vector<16xi32>
    %reduce_sum3A_1994 = vector.extract %reduce_sum3A_1993[15] : i32 from vector<16xi32>
    %broadcast_in_dim3A_1995 = vector.broadcast %reduce_sum3A_1994 : i32 to vector<16xi32>
    %mul3A_1996 = arith.constant 16 : i32
    %mul3A_1997 = vector.broadcast %mul3A_1996 : i32 to vector<16xi32>
    %mul3A_1998 = arith.muli %sub3A_1985, %mul3A_1997 : vector<16xi32>
    %add3A_1999 = arith.addi %select_n3A_1750, %mul3A_1998 : vector<16xi32>
    %add3A_2000 = arith.addi %add3A_1999, %iota3A : vector<16xi32>
    %mul3A_2001 = arith.constant 17 : i32
    %mul3A_2002 = vector.broadcast %mul3A_2001 : i32 to vector<16xi32>
    %mul3A_2003 = arith.muli %add3A_2000, %mul3A_2002 : vector<16xi32>
    %gather3A_2004 = tpu.vector_load_idx %arg8[%mul3A_2003] : memref<13072xi32, #tpu.memory_space<vmem>>[vector<16xi32>], vector<16xi32>,
    %rev3A_2005 = arith.constant 15 : i32
    %rev3A_2006 = vector.broadcast %rev3A_2005 : i32 to vector<16xi32>
    %rev3A_2007 = tpu.iota {dimensions = array<i32: 0>} : vector<16xi32>
    %rev3A_2008 = arith.subi %rev3A_2006, %rev3A_2007 : vector<16xi32>
    %rev3A_2009 = tpu.dynamic_gather %gather3A_2004[%rev3A_2008] in [0] : vector<16xi32>, vector<16xi32> -> vector<16xi32>
    %broadcast_in_dim3A_2010 = arith.constant true
    %broadcast_in_dim3A_2011 = vector.broadcast %broadcast_in_dim3A_2010 : i1 to vector<16xi1>
    %masked_cumsum3A_2012 = tpu.scan <sum>, %rev3A_2009 masked %broadcast_in_dim3A_2011 : vector<16xi32>, vector<16xi1> -> vector<16xi32>
    %rev3A_2013 = arith.constant 15 : i32
    %rev3A_2014 = vector.broadcast %rev3A_2013 : i32 to vector<16xi32>
    %rev3A_2015 = tpu.iota {dimensions = array<i32: 0>} : vector<16xi32>
    %rev3A_2016 = arith.subi %rev3A_2014, %rev3A_2015 : vector<16xi32>
    %rev3A_2017 = tpu.dynamic_gather %masked_cumsum3A_2012[%rev3A_2016] in [0] : vector<16xi32>, vector<16xi32> -> vector<16xi32>
    %add3A_2018 = arith.addi %broadcast_in_dim3A_1995, %rev3A_2017 : vector<16xi32>
    %gt3A_2019 = arith.cmpi sgt, %add3A_2018, %select_n3A_1757 : vector<16xi32>
    %all_reduce_population_count3A_2020 = tpu.all_reduce %gt3A_2019 {dim = 0 : i64, kind = #tpu.reduction_kind<sum>} : vector<16xi1> -> vector<16xi32>
    %sub3A_2021 = arith.constant 1 : i32
    %sub3A_2022 = vector.broadcast %sub3A_2021 : i32 to vector<16xi32>
    %sub3A_2023 = arith.subi %all_reduce_population_count3A_2020, %sub3A_2022 : vector<16xi32>
    %mul3A_2024 = arith.constant 16 : i32
    %mul3A_2025 = vector.broadcast %mul3A_2024 : i32 to vector<16xi32>
    %mul3A_2026 = arith.muli %sub3A_1985, %mul3A_2025 : vector<16xi32>
    %add3A_2027 = arith.addi %mul3A_2026, %sub3A_2023 : vector<16xi32>
    %eq3A_2028 = arith.cmpi eq, %iota3A, %sub3A_2023 : vector<16xi32>
    %sub3A_2029 = arith.subi %rev3A_2017, %gather3A_2004 : vector<16xi32>
    %jit3A_2030 = arith.constant 0 : i32
    %broadcast_in_dim3A_2031 = vector.broadcast %jit3A_2030 : i32 to vector<16xi32>
    %select_n3A_2032 = arith.select %eq3A_2028, %sub3A_2029, %broadcast_in_dim3A_2031 : vector<16xi1>, vector<16xi32>
    %reduce_sum3A_2033 = arith.constant true
    %reduce_sum3A_2034 = vector.broadcast %reduce_sum3A_2033 : i1 to vector<16xi1>
    %reduce_sum3A_2035 = tpu.scan <sum>, %select_n3A_2032 masked %reduce_sum3A_2034 : vector<16xi32>, vector<16xi1> -> vector<16xi32>
    %reduce_sum3A_2036 = vector.extract %reduce_sum3A_2035[15] : i32 from vector<16xi32>
    %broadcast_in_dim3A_2037 = vector.broadcast %reduce_sum3A_2036 : i32 to vector<16xi32>
    %add3A_2038 = arith.addi %broadcast_in_dim3A_1995, %broadcast_in_dim3A_2037 : vector<16xi32>
    %add3A_2039 = arith.addi %add3A_1378, %add3A_1745 : vector<16xi32>
    %broadcast_in_dim3A_2040 = arith.constant 0 : i32
    %broadcast_in_dim3A_2041 = vector.broadcast %broadcast_in_dim3A_2040 : i32 to vector<16xi32>
    %parallel_loop3A_2042 = arith.constant 0 : i32
    %parallel_loop3A_2043 = arith.constant 512 : i32
    %parallel_loop3A_2044 = arith.constant 1 : i32
    %parallel_loop3A_2045 = scf.for %parallel_loop3A_2125 = %parallel_loop3A_2042 to %parallel_loop3A_2043 step %parallel_loop3A_2044 iter_args(%parallel_loop3A_2126 = %broadcast_in_dim3A_2041) -> (vector<16xi32>)  : i32 {
      %parallel_loop3A_2127 = arith.constant 16 : i32
      %parallel_loop3A_2128 = arith.muli %parallel_loop3A_2125, %parallel_loop3A_2127 : i32
      %parallel_loop3A_2129 = arith.constant 8192 : i32
      %parallel_loop3A_2130 = arith.addi %parallel_loop3A_2129, %parallel_loop3A_2128 : i32
      %parallel_loop3A_2131 = arith.index_cast %parallel_loop3A_2130 : i32 to index
      %parallel_loop3A_2132 = tpu.vector_load %arg5[%parallel_loop3A_2131] {strides = array<i32>} : memref<16384xf32, #tpu.memory_space<vmem>>, vector<16xf32>,
      %parallel_loop3A_2133 = arith.constant 8.000000e+00 : f32
      %parallel_loop3A_2134 = vector.broadcast %parallel_loop3A_2133 : f32 to vector<16xf32>
      %parallel_loop3A_2135 = arith.mulf %parallel_loop3A_2132, %parallel_loop3A_2134 : vector<16xf32>
      %parallel_loop3A_2136 = arith.constant 1.152000e+03 : f32
      %parallel_loop3A_2137 = vector.broadcast %parallel_loop3A_2136 : f32 to vector<16xf32>
      %parallel_loop3A_2138 = arith.addf %parallel_loop3A_2135, %parallel_loop3A_2137 : vector<16xf32>
      %parallel_loop3A_2139 = arith.constant 1.024000e+03 : f32
      %parallel_loop3A_2140 = arith.constant 1.280000e+03 : f32
      %parallel_loop3A_2141 = vector.broadcast %parallel_loop3A_2139 : f32 to vector<16xf32>
      %parallel_loop3A_2142 = arith.maximumf %parallel_loop3A_2141, %parallel_loop3A_2138 : vector<16xf32>
      %parallel_loop3A_2143 = vector.broadcast %parallel_loop3A_2140 : f32 to vector<16xf32>
      %parallel_loop3A_2144 = arith.minimumf %parallel_loop3A_2143, %parallel_loop3A_2142 : vector<16xf32>
      %parallel_loop3A_2145 = arith.fptosi %parallel_loop3A_2144 : vector<16xf32> to vector<16xi32>
      %parallel_loop3A_2146 = arith.constant 1024 : i32
      %parallel_loop3A_2147 = vector.broadcast %parallel_loop3A_2146 : i32 to vector<16xi32>
      %parallel_loop3A_2148 = arith.subi %parallel_loop3A_2145, %parallel_loop3A_2147 : vector<16xi32>
      %parallel_loop3A_2149 = arith.constant 0 : i32
      %parallel_loop3A_2150 = arith.constant 255 : i32
      %parallel_loop3A_2151 = vector.broadcast %parallel_loop3A_2149 : i32 to vector<16xi32>
      %parallel_loop3A_2152 = arith.maxsi %parallel_loop3A_2151, %parallel_loop3A_2148 : vector<16xi32>
      %parallel_loop3A_2153 = vector.broadcast %parallel_loop3A_2150 : i32 to vector<16xi32>
      %parallel_loop3A_2154 = arith.minsi %parallel_loop3A_2153, %parallel_loop3A_2152 : vector<16xi32>
      %parallel_loop3A_2155 = arith.cmpi eq, %parallel_loop3A_2154, %add3A_1367 : vector<16xi32>
      %parallel_loop3A_2156 = arith.subf %parallel_loop3A_2132, %sub3A_1446 : vector<16xf32>
      %parallel_loop3A_2157 = arith.constant 2.048000e+03 : f32
      %parallel_loop3A_2158 = vector.broadcast %parallel_loop3A_2157 : f32 to vector<16xf32>
      %parallel_loop3A_2159 = arith.mulf %parallel_loop3A_2156, %parallel_loop3A_2158 : vector<16xf32>
      %parallel_loop3A_2160 = arith.constant 0.000000e+00 : f32
      %parallel_loop3A_2161 = arith.constant 2.560000e+02 : f32
      %parallel_loop3A_2162 = vector.broadcast %parallel_loop3A_2160 : f32 to vector<16xf32>
      %parallel_loop3A_2163 = arith.maximumf %parallel_loop3A_2162, %parallel_loop3A_2159 : vector<16xf32>
      %parallel_loop3A_2164 = vector.broadcast %parallel_loop3A_2161 : f32 to vector<16xf32>
      %parallel_loop3A_2165 = arith.minimumf %parallel_loop3A_2164, %parallel_loop3A_2163 : vector<16xf32>
      %parallel_loop3A_2166 = arith.fptosi %parallel_loop3A_2165 : vector<16xf32> to vector<16xi32>
      %parallel_loop3A_2167 = arith.constant 0 : i32
      %parallel_loop3A_2168 = arith.constant 255 : i32
      %parallel_loop3A_2169 = vector.broadcast %parallel_loop3A_2167 : i32 to vector<16xi32>
      %parallel_loop3A_2170 = arith.maxsi %parallel_loop3A_2169, %parallel_loop3A_2166 : vector<16xi32>
      %parallel_loop3A_2171 = vector.broadcast %parallel_loop3A_2168 : i32 to vector<16xi32>
      %parallel_loop3A_2172 = arith.minsi %parallel_loop3A_2171, %parallel_loop3A_2170 : vector<16xi32>
      %parallel_loop3A_2173 = arith.cmpi eq, %parallel_loop3A_2172, %add3A_1734 : vector<16xi32>
      %parallel_loop3A_2174 = arith.andi %parallel_loop3A_2155, %parallel_loop3A_2173 : vector<16xi1>
      %parallel_loop3A_2175 = arith.cmpi eq, %parallel_loop3A_2154, %add3A_1427 : vector<16xi32>
      %parallel_loop3A_2176 = arith.subf %parallel_loop3A_2132, %sub3A_1453 : vector<16xf32>
      %parallel_loop3A_2177 = arith.constant 2.048000e+03 : f32
      %parallel_loop3A_2178 = vector.broadcast %parallel_loop3A_2177 : f32 to vector<16xf32>
      %parallel_loop3A_2179 = arith.mulf %parallel_loop3A_2176, %parallel_loop3A_2178 : vector<16xf32>
      %parallel_loop3A_2180 = arith.constant 0.000000e+00 : f32
      %parallel_loop3A_2181 = arith.constant 2.560000e+02 : f32
      %parallel_loop3A_2182 = vector.broadcast %parallel_loop3A_2180 : f32 to vector<16xf32>
      %parallel_loop3A_2183 = arith.maximumf %parallel_loop3A_2182, %parallel_loop3A_2179 : vector<16xf32>
      %parallel_loop3A_2184 = vector.broadcast %parallel_loop3A_2181 : f32 to vector<16xf32>
      %parallel_loop3A_2185 = arith.minimumf %parallel_loop3A_2184, %parallel_loop3A_2183 : vector<16xf32>
      %parallel_loop3A_2186 = arith.fptosi %parallel_loop3A_2185 : vector<16xf32> to vector<16xi32>
      %parallel_loop3A_2187 = arith.constant 0 : i32
      %parallel_loop3A_2188 = arith.constant 255 : i32
      %parallel_loop3A_2189 = vector.broadcast %parallel_loop3A_2187 : i32 to vector<16xi32>
      %parallel_loop3A_2190 = arith.maxsi %parallel_loop3A_2189, %parallel_loop3A_2186 : vector<16xi32>
      %parallel_loop3A_2191 = vector.broadcast %parallel_loop3A_2188 : i32 to vector<16xi32>
      %parallel_loop3A_2192 = arith.minsi %parallel_loop3A_2191, %parallel_loop3A_2190 : vector<16xi32>
      %parallel_loop3A_2193 = arith.cmpi eq, %parallel_loop3A_2192, %add3A_2027 : vector<16xi32>
      %parallel_loop3A_2194 = arith.andi %parallel_loop3A_2175, %parallel_loop3A_2193 : vector<16xi1>
      %parallel_loop3A_2195 = arith.ori %parallel_loop3A_2174, %parallel_loop3A_2194 : vector<16xi1>
      %parallel_loop3A_2196 = arith.extui %parallel_loop3A_2195 : vector<16xi1> to vector<16xi32>
      %parallel_loop3A_2197 = arith.constant true
      %parallel_loop3A_2198 = vector.broadcast %parallel_loop3A_2197 : i1 to vector<16xi1>
      %parallel_loop3A_2199 = tpu.scan <sum>, %parallel_loop3A_2196 masked %parallel_loop3A_2198 : vector<16xi32>, vector<16xi1> -> vector<16xi32>
      %parallel_loop3A_2200 = arith.addi %parallel_loop3A_2126, %parallel_loop3A_2199 : vector<16xi32>
      %parallel_loop3A_2201 = arith.subi %parallel_loop3A_2200, %parallel_loop3A_2196 : vector<16xi32>
      %parallel_loop3A_2202 = tpu.bitcast %parallel_loop3A_2132 : vector<16xf32> -> vector<16xi32>
      %parallel_loop3A_2203 = arith.constant 31 : i32
      %parallel_loop3A_2204 = vector.broadcast %parallel_loop3A_2203 : i32 to vector<16xi32>
      %parallel_loop3A_2205 = arith.shrsi %parallel_loop3A_2202, %parallel_loop3A_2204 : vector<16xi32>
      %parallel_loop3A_2206 = arith.constant 2147483647 : i32
      %parallel_loop3A_2207 = vector.broadcast %parallel_loop3A_2206 : i32 to vector<16xi32>
      %parallel_loop3A_2208 = arith.andi %parallel_loop3A_2205, %parallel_loop3A_2207 : vector<16xi32>
      %parallel_loop3A_2209 = arith.xori %parallel_loop3A_2202, %parallel_loop3A_2208 : vector<16xi32>
      %parallel_loop3A_2210 = arith.constant -2147483648 : i32
      %parallel_loop3A_2211 = vector.broadcast %parallel_loop3A_2210 : i32 to vector<16xi32>
      %parallel_loop3A_2212 = arith.xori %parallel_loop3A_2209, %parallel_loop3A_2211 : vector<16xi32>
      tpu.vector_store_idx %arg6[%parallel_loop3A_2201], %parallel_loop3A_2212 masked %parallel_loop3A_2195 : memref<8208xi32, #tpu.memory_space<vmem>>[vector<16xi32>], vector<16xi32>, vector<16xi1>
      %parallel_loop3A_2213 = tpu.all_reduce %parallel_loop3A_2195 {dim = 0 : i64, kind = #tpu.reduction_kind<sum>} : vector<16xi1> -> vector<16xi32>
      %parallel_loop3A_2214 = arith.addi %parallel_loop3A_2126, %parallel_loop3A_2213 : vector<16xi32>
      scf.yield %parallel_loop3A_2214 : vector<16xi32>
    } {sc.loop_unroll_factor = 4 : i64, sc.parallel_access}
    %slice3A_2046 = vector.extract_strided_slice %parallel_loop3A_2045 {offsets = [0], sizes = [1], strides = [1]} : vector<16xi32> to vector<1xi32>
    %squeeze3A_2047 = vector.extract %slice3A_2046[0] : i32 from vector<1xi32>
    %add3A_2048 = arith.constant 16 : i32
    %add3A_2049 = arith.addi %squeeze3A_2047, %add3A_2048 : i32
    %sub3A_2050 = arith.constant 1 : i32
    %sub3A_2051 = arith.subi %add3A_2049, %sub3A_2050 : i32
    %jit3A_2052 = arith.constant 16 : i32
    %div3A_2053 = arith.divsi %sub3A_2051, %jit3A_2052 : i32
    %sign3A_2054 = arith.constant 0 : i32
    %sign3A_2055 = arith.cmpi sgt, %sub3A_2051, %sign3A_2054 : i32
    %sign3A_2056 = arith.extui %sign3A_2055 : i1 to i32
    %sign3A_2057 = arith.constant 0 : i32
    %sign3A_2058 = arith.cmpi slt, %sub3A_2051, %sign3A_2057 : i32
    %sign3A_2059 = arith.extui %sign3A_2058 : i1 to i32
    %sign3A_2060 = arith.subi %sign3A_2056, %sign3A_2059 : i32
    %sign3A_2061 = arith.constant 0 : i32
    %sign3A_2062 = arith.cmpi sgt, %jit3A_2052, %sign3A_2061 : i32
    %sign3A_2063 = arith.extui %sign3A_2062 : i1 to i32
    %sign3A_2064 = arith.constant 0 : i32
    %sign3A_2065 = arith.cmpi slt, %jit3A_2052, %sign3A_2064 : i32
    %sign3A_2066 = arith.extui %sign3A_2065 : i1 to i32
    %sign3A_2067 = arith.subi %sign3A_2063, %sign3A_2066 : i32
    %ne3A_2068 = arith.cmpi ne, %sign3A_2060, %sign3A_2067 : i32
    %rem3A_2069 = arith.remsi %sub3A_2051, %jit3A_2052 : i32
    %ne3A_2070 = arith.constant 0 : i32
    %ne3A_2071 = arith.cmpi ne, %rem3A_2069, %ne3A_2070 : i32
    %and3A_2072 = arith.andi %ne3A_2068, %ne3A_2071 : i1
    %sub3A_2073 = arith.constant 1 : i32
    %sub3A_2074 = arith.subi %div3A_2053, %sub3A_2073 : i32
    %select_n3A_2075 = arith.select %and3A_2072, %sub3A_2074, %div3A_2053 : i32
    %broadcast_in_dim3A_2076 = arith.constant 0 : i32
    %broadcast_in_dim3A_2077 = vector.broadcast %broadcast_in_dim3A_2076 : i32 to vector<16xi32>
    %broadcast_in_dim3A_2078 = arith.constant 512 : i32
    %broadcast_in_dim3A_2079 = vector.broadcast %broadcast_in_dim3A_2078 : i32 to vector<16xi32>
    %sub3A_2080 = arith.subi %broadcast_in_dim3A_2079, %add3A_2039 : vector<16xi32>
    %broadcast_in_dim3A_2081 = arith.constant 513 : i32
    %broadcast_in_dim3A_2082 = vector.broadcast %broadcast_in_dim3A_2081 : i32 to vector<16xi32>
    %sub3A_2083 = arith.subi %broadcast_in_dim3A_2082, %add3A_2039 : vector<16xi32>
    %le3A_2084 = arith.constant 32 : i32
    %le3A_2085 = arith.cmpi sle, %squeeze3A_2047, %le3A_2084 : i32
    %convert_element_type3A_2086 = arith.extui %le3A_2085 : i1 to i32
    %cond3A_2087 = arith.constant 0 : i32
    %cond3A_2088 = arith.cmpi ne, %convert_element_type3A_2086, %cond3A_2087 : i32
    %cond3A_2089:4 = scf.if %cond3A_2088 -> (vector<16xi32>, vector<16xi32>, vector<16xi32>, vector<16xi32>) {
      %scan3A = arith.constant 0 : i32
      %scan3A_2125 = arith.constant 32 : i32
      %scan3A_2126 = arith.addi %scan3A, %scan3A_2125 : i32
      %scan3A_2127 = arith.constant 1 : i32
      %scan3A_2128:4 = scf.for %scan3A_2130 = %scan3A to %scan3A_2126 step %scan3A_2127 iter_args(%scan3A_2131 = %broadcast_in_dim3A_2077, %scan3A_2132 = %sub3A_2080, %scan3A_2133 = %broadcast_in_dim3A_2077, %scan3A_2134 = %sub3A_2083) -> (vector<16xi32>, vector<16xi32>, vector<16xi32>, vector<16xi32>)  : i32 {
        %broadcast_in_dim3A_2135 = arith.constant 31 : i32
        %broadcast_in_dim3A_2136 = vector.broadcast %broadcast_in_dim3A_2135 : i32 to vector<16xi32>
        %broadcast_in_dim3A_2137 = vector.broadcast %scan3A_2130 : i32 to vector<16xi32>
        %sub3A_2138 = arith.subi %broadcast_in_dim3A_2136, %broadcast_in_dim3A_2137 : vector<16xi32>
        %shift_left3A = arith.shli %broadcast_in_dim3A_1, %sub3A_2138 : vector<16xi32>
        %broadcast_in_dim3A_2139 = arith.constant -1 : i32
        %broadcast_in_dim3A_2140 = vector.broadcast %broadcast_in_dim3A_2139 : i32 to vector<16xi32>
        %shift_left3A_2141 = arith.shli %broadcast_in_dim3A_2140, %sub3A_2138 : vector<16xi32>
        %or3A = arith.ori %scan3A_2131, %shift_left3A : vector<16xi32>
        %or3A_2142 = arith.ori %scan3A_2133, %shift_left3A : vector<16xi32>
        %broadcast_in_dim3A_2143 = arith.constant 0 : i32
        %broadcast_in_dim3A_2144 = vector.broadcast %broadcast_in_dim3A_2143 : i32 to vector<16xi32>
        %get3A_2145 = arith.constant 0 : index
        %get3A_2146 = tpu.vector_load %arg6[%get3A_2145] {strides = array<i32>} : memref<8208xi32, #tpu.memory_space<vmem>>, vector<16xi32>,
        %add3A_2147 = arith.constant 0 : i32
        %add3A_2148 = vector.broadcast %add3A_2147 : i32 to vector<16xi32>
        %add3A_2149 = arith.addi %add3A_2148, %iota3A : vector<16xi32>
        %lt3A = arith.cmpi slt, %add3A_2149, %parallel_loop3A_2045 : vector<16xi32>
        %and3A_2150 = arith.andi %get3A_2146, %shift_left3A_2141 : vector<16xi32>
        %eq3A_2151 = arith.cmpi eq, %and3A_2150, %or3A : vector<16xi32>
        %and3A_2152 = arith.andi %eq3A_2151, %lt3A : vector<16xi1>
        %eq3A_2153 = arith.cmpi eq, %and3A_2150, %or3A_2142 : vector<16xi32>
        %and3A_2154 = arith.andi %eq3A_2153, %lt3A : vector<16xi1>
        %all_reduce_population_count3A_2155 = tpu.all_reduce %and3A_2152 {dim = 0 : i64, kind = #tpu.reduction_kind<sum>} : vector<16xi1> -> vector<16xi32>
        %add3A_2156 = arith.addi %broadcast_in_dim3A_2144, %all_reduce_population_count3A_2155 : vector<16xi32>
        %all_reduce_population_count3A_2157 = tpu.all_reduce %and3A_2154 {dim = 0 : i64, kind = #tpu.reduction_kind<sum>} : vector<16xi1> -> vector<16xi32>
        %add3A_2158 = arith.addi %broadcast_in_dim3A_2144, %all_reduce_population_count3A_2157 : vector<16xi32>
        %get3A_2159 = arith.constant 16 : index
        %get3A_2160 = tpu.vector_load %arg6[%get3A_2159] {strides = array<i32>} : memref<8208xi32, #tpu.memory_space<vmem>>, vector<16xi32>,
        %add3A_2161 = arith.constant 16 : i32
        %add3A_2162 = vector.broadcast %add3A_2161 : i32 to vector<16xi32>
        %add3A_2163 = arith.addi %add3A_2162, %iota3A : vector<16xi32>
        %lt3A_2164 = arith.cmpi slt, %add3A_2163, %parallel_loop3A_2045 : vector<16xi32>
        %and3A_2165 = arith.andi %get3A_2160, %shift_left3A_2141 : vector<16xi32>
        %eq3A_2166 = arith.cmpi eq, %and3A_2165, %or3A : vector<16xi32>
        %and3A_2167 = arith.andi %eq3A_2166, %lt3A_2164 : vector<16xi1>
        %eq3A_2168 = arith.cmpi eq, %and3A_2165, %or3A_2142 : vector<16xi32>
        %and3A_2169 = arith.andi %eq3A_2168, %lt3A_2164 : vector<16xi1>
        %all_reduce_population_count3A_2170 = tpu.all_reduce %and3A_2167 {dim = 0 : i64, kind = #tpu.reduction_kind<sum>} : vector<16xi1> -> vector<16xi32>
        %add3A_2171 = arith.addi %add3A_2156, %all_reduce_population_count3A_2170 : vector<16xi32>
        %all_reduce_population_count3A_2172 = tpu.all_reduce %and3A_2169 {dim = 0 : i64, kind = #tpu.reduction_kind<sum>} : vector<16xi1> -> vector<16xi32>
        %add3A_2173 = arith.addi %add3A_2158, %all_reduce_population_count3A_2172 : vector<16xi32>
        %lt3A_2174 = arith.cmpi slt, %scan3A_2132, %add3A_2171 : vector<16xi32>
        %select_n3A_2175 = arith.select %lt3A_2174, %or3A, %scan3A_2131 : vector<16xi1>, vector<16xi32>
        %sub3A_2176 = arith.subi %scan3A_2132, %add3A_2171 : vector<16xi32>
        %select_n3A_2177 = arith.select %lt3A_2174, %scan3A_2132, %sub3A_2176 : vector<16xi1>, vector<16xi32>
        %lt3A_2178 = arith.cmpi slt, %scan3A_2134, %add3A_2173 : vector<16xi32>
        %select_n3A_2179 = arith.select %lt3A_2178, %or3A_2142, %scan3A_2133 : vector<16xi1>, vector<16xi32>
        %sub3A_2180 = arith.subi %scan3A_2134, %add3A_2173 : vector<16xi32>
        %select_n3A_2181 = arith.select %lt3A_2178, %scan3A_2134, %sub3A_2180 : vector<16xi1>, vector<16xi32>
        scf.yield %select_n3A_2175, %select_n3A_2177, %select_n3A_2179, %select_n3A_2181 : vector<16xi32>, vector<16xi32>, vector<16xi32>, vector<16xi32>
      }
      %scan3A_2129 = arith.constant 32 : i32
      scf.yield %scan3A_2128#0, %scan3A_2128#1, %scan3A_2128#2, %scan3A_2128#3 : vector<16xi32>, vector<16xi32>, vector<16xi32>, vector<16xi32>
    } else {
      %scan3A = arith.constant 0 : i32
      %scan3A_2125 = arith.constant 32 : i32
      %scan3A_2126 = arith.addi %scan3A, %scan3A_2125 : i32
      %scan3A_2127 = arith.constant 1 : i32
      %scan3A_2128:4 = scf.for %scan3A_2130 = %scan3A to %scan3A_2126 step %scan3A_2127 iter_args(%scan3A_2131 = %broadcast_in_dim3A_2077, %scan3A_2132 = %sub3A_2080, %scan3A_2133 = %broadcast_in_dim3A_2077, %scan3A_2134 = %sub3A_2083) -> (vector<16xi32>, vector<16xi32>, vector<16xi32>, vector<16xi32>)  : i32 {
        %broadcast_in_dim3A_2135 = arith.constant 31 : i32
        %broadcast_in_dim3A_2136 = vector.broadcast %broadcast_in_dim3A_2135 : i32 to vector<16xi32>
        %broadcast_in_dim3A_2137 = vector.broadcast %scan3A_2130 : i32 to vector<16xi32>
        %sub3A_2138 = arith.subi %broadcast_in_dim3A_2136, %broadcast_in_dim3A_2137 : vector<16xi32>
        %shift_left3A = arith.shli %broadcast_in_dim3A_1, %sub3A_2138 : vector<16xi32>
        %broadcast_in_dim3A_2139 = arith.constant -1 : i32
        %broadcast_in_dim3A_2140 = vector.broadcast %broadcast_in_dim3A_2139 : i32 to vector<16xi32>
        %shift_left3A_2141 = arith.shli %broadcast_in_dim3A_2140, %sub3A_2138 : vector<16xi32>
        %or3A = arith.ori %scan3A_2131, %shift_left3A : vector<16xi32>
        %or3A_2142 = arith.ori %scan3A_2133, %shift_left3A : vector<16xi32>
        %broadcast_in_dim3A_2143 = arith.constant 0 : i32
        %broadcast_in_dim3A_2144 = vector.broadcast %broadcast_in_dim3A_2143 : i32 to vector<16xi32>
        %get3A_2145 = arith.constant 0 : index
        %get3A_2146 = tpu.vector_load %arg6[%get3A_2145] {strides = array<i32>} : memref<8208xi32, #tpu.memory_space<vmem>>, vector<16xi32>,
        %add3A_2147 = arith.constant 0 : i32
        %add3A_2148 = vector.broadcast %add3A_2147 : i32 to vector<16xi32>
        %add3A_2149 = arith.addi %add3A_2148, %iota3A : vector<16xi32>
        %lt3A = arith.cmpi slt, %add3A_2149, %parallel_loop3A_2045 : vector<16xi32>
        %and3A_2150 = arith.andi %get3A_2146, %shift_left3A_2141 : vector<16xi32>
        %eq3A_2151 = arith.cmpi eq, %and3A_2150, %or3A : vector<16xi32>
        %and3A_2152 = arith.andi %eq3A_2151, %lt3A : vector<16xi1>
        %eq3A_2153 = arith.cmpi eq, %and3A_2150, %or3A_2142 : vector<16xi32>
        %and3A_2154 = arith.andi %eq3A_2153, %lt3A : vector<16xi1>
        %all_reduce_population_count3A_2155 = tpu.all_reduce %and3A_2152 {dim = 0 : i64, kind = #tpu.reduction_kind<sum>} : vector<16xi1> -> vector<16xi32>
        %add3A_2156 = arith.addi %broadcast_in_dim3A_2144, %all_reduce_population_count3A_2155 : vector<16xi32>
        %all_reduce_population_count3A_2157 = tpu.all_reduce %and3A_2154 {dim = 0 : i64, kind = #tpu.reduction_kind<sum>} : vector<16xi1> -> vector<16xi32>
        %add3A_2158 = arith.addi %broadcast_in_dim3A_2144, %all_reduce_population_count3A_2157 : vector<16xi32>
        %get3A_2159 = arith.constant 16 : index
        %get3A_2160 = tpu.vector_load %arg6[%get3A_2159] {strides = array<i32>} : memref<8208xi32, #tpu.memory_space<vmem>>, vector<16xi32>,
        %add3A_2161 = arith.constant 16 : i32
        %add3A_2162 = vector.broadcast %add3A_2161 : i32 to vector<16xi32>
        %add3A_2163 = arith.addi %add3A_2162, %iota3A : vector<16xi32>
        %lt3A_2164 = arith.cmpi slt, %add3A_2163, %parallel_loop3A_2045 : vector<16xi32>
        %and3A_2165 = arith.andi %get3A_2160, %shift_left3A_2141 : vector<16xi32>
        %eq3A_2166 = arith.cmpi eq, %and3A_2165, %or3A : vector<16xi32>
        %and3A_2167 = arith.andi %eq3A_2166, %lt3A_2164 : vector<16xi1>
        %eq3A_2168 = arith.cmpi eq, %and3A_2165, %or3A_2142 : vector<16xi32>
        %and3A_2169 = arith.andi %eq3A_2168, %lt3A_2164 : vector<16xi1>
        %all_reduce_population_count3A_2170 = tpu.all_reduce %and3A_2167 {dim = 0 : i64, kind = #tpu.reduction_kind<sum>} : vector<16xi1> -> vector<16xi32>
        %add3A_2171 = arith.addi %add3A_2156, %all_reduce_population_count3A_2170 : vector<16xi32>
        %all_reduce_population_count3A_2172 = tpu.all_reduce %and3A_2169 {dim = 0 : i64, kind = #tpu.reduction_kind<sum>} : vector<16xi1> -> vector<16xi32>
        %add3A_2173 = arith.addi %add3A_2158, %all_reduce_population_count3A_2172 : vector<16xi32>
        %while3A = arith.constant 2 : i32
        %while3A_2174 = arith.subi %select_n3A_2075, %while3A : i32
        %while3A_2175 = arith.addi %while3A, %while3A_2174 : i32
        %while3A_2176 = arith.constant 1 : i32
        %while3A_2177 = arith.divsi %while3A_2174, %while3A_2176 : i32
        %while3A_2178 = arith.muli %while3A_2177, %while3A_2176 : i32
        %while3A_2179 = arith.addi %while3A, %while3A_2178 : i32
        %while3A_2180 = arith.constant 1 : i32
        %while3A_2181:2 = scf.for %while3A_2192 = %while3A to %while3A_2179 step %while3A_2180 iter_args(%while3A_2193 = %add3A_2171, %while3A_2194 = %add3A_2173) -> (vector<16xi32>, vector<16xi32>)  : i32 {
          %mul3A_2195 = arith.constant 16 : i32
          %mul3A_2196 = arith.muli %while3A_2192, %mul3A_2195 : i32
          %get3A_2197 = arith.index_cast %mul3A_2196 : i32 to index
          %get3A_2198 = tpu.vector_load %arg6[%get3A_2197] {strides = array<i32>} : memref<8208xi32, #tpu.memory_space<vmem>>, vector<16xi32>,
          %mul3A_2199 = arith.constant 16 : i32
          %mul3A_2200 = arith.muli %while3A_2192, %mul3A_2199 : i32
          %add3A_2201 = vector.broadcast %mul3A_2200 : i32 to vector<16xi32>
          %add3A_2202 = arith.addi %add3A_2201, %iota3A : vector<16xi32>
          %lt3A_2203 = arith.cmpi slt, %add3A_2202, %parallel_loop3A_2045 : vector<16xi32>
          %and3A_2204 = arith.andi %get3A_2198, %shift_left3A_2141 : vector<16xi32>
          %eq3A_2205 = arith.cmpi eq, %and3A_2204, %or3A : vector<16xi32>
          %and3A_2206 = arith.andi %eq3A_2205, %lt3A_2203 : vector<16xi1>
          %eq3A_2207 = arith.cmpi eq, %and3A_2204, %or3A_2142 : vector<16xi32>
          %and3A_2208 = arith.andi %eq3A_2207, %lt3A_2203 : vector<16xi1>
          %all_reduce_population_count3A_2209 = tpu.all_reduce %and3A_2206 {dim = 0 : i64, kind = #tpu.reduction_kind<sum>} : vector<16xi1> -> vector<16xi32>
          %add3A_2210 = arith.addi %while3A_2193, %all_reduce_population_count3A_2209 : vector<16xi32>
          %all_reduce_population_count3A_2211 = tpu.all_reduce %and3A_2208 {dim = 0 : i64, kind = #tpu.reduction_kind<sum>} : vector<16xi1> -> vector<16xi32>
          %add3A_2212 = arith.addi %while3A_2194, %all_reduce_population_count3A_2211 : vector<16xi32>
          scf.yield %add3A_2210, %add3A_2212 : vector<16xi32>, vector<16xi32>
        }
        %while3A_2182 = arith.constant 1 : i32
        %while3A_2183:2 = scf.for %while3A_2192 = %while3A_2179 to %while3A_2175 step %while3A_2182 iter_args(%while3A_2193 = %while3A_2181#0, %while3A_2194 = %while3A_2181#1) -> (vector<16xi32>, vector<16xi32>)  : i32 {
          %mul3A_2195 = arith.constant 16 : i32
          %mul3A_2196 = arith.muli %while3A_2192, %mul3A_2195 : i32
          %get3A_2197 = arith.index_cast %mul3A_2196 : i32 to index
          %get3A_2198 = tpu.vector_load %arg6[%get3A_2197] {strides = array<i32>} : memref<8208xi32, #tpu.memory_space<vmem>>, vector<16xi32>,
          %mul3A_2199 = arith.constant 16 : i32
          %mul3A_2200 = arith.muli %while3A_2192, %mul3A_2199 : i32
          %add3A_2201 = vector.broadcast %mul3A_2200 : i32 to vector<16xi32>
          %add3A_2202 = arith.addi %add3A_2201, %iota3A : vector<16xi32>
          %lt3A_2203 = arith.cmpi slt, %add3A_2202, %parallel_loop3A_2045 : vector<16xi32>
          %and3A_2204 = arith.andi %get3A_2198, %shift_left3A_2141 : vector<16xi32>
          %eq3A_2205 = arith.cmpi eq, %and3A_2204, %or3A : vector<16xi32>
          %and3A_2206 = arith.andi %eq3A_2205, %lt3A_2203 : vector<16xi1>
          %eq3A_2207 = arith.cmpi eq, %and3A_2204, %or3A_2142 : vector<16xi32>
          %and3A_2208 = arith.andi %eq3A_2207, %lt3A_2203 : vector<16xi1>
          %all_reduce_population_count3A_2209 = tpu.all_reduce %and3A_2206 {dim = 0 : i64, kind = #tpu.reduction_kind<sum>} : vector<16xi1> -> vector<16xi32>
          %add3A_2210 = arith.addi %while3A_2193, %all_reduce_population_count3A_2209 : vector<16xi32>
          %all_reduce_population_count3A_2211 = tpu.all_reduce %and3A_2208 {dim = 0 : i64, kind = #tpu.reduction_kind<sum>} : vector<16xi1> -> vector<16xi32>
          %add3A_2212 = arith.addi %while3A_2194, %all_reduce_population_count3A_2211 : vector<16xi32>
          scf.yield %add3A_2210, %add3A_2212 : vector<16xi32>, vector<16xi32>
        }
        %lt3A_2184 = arith.cmpi slt, %scan3A_2132, %while3A_2183#0 : vector<16xi32>
        %select_n3A_2185 = arith.select %lt3A_2184, %or3A, %scan3A_2131 : vector<16xi1>, vector<16xi32>
        %sub3A_2186 = arith.subi %scan3A_2132, %while3A_2183#0 : vector<16xi32>
        %select_n3A_2187 = arith.select %lt3A_2184, %scan3A_2132, %sub3A_2186 : vector<16xi1>, vector<16xi32>
        %lt3A_2188 = arith.cmpi slt, %scan3A_2134, %while3A_2183#1 : vector<16xi32>
        %select_n3A_2189 = arith.select %lt3A_2188, %or3A_2142, %scan3A_2133 : vector<16xi1>, vector<16xi32>
        %sub3A_2190 = arith.subi %scan3A_2134, %while3A_2183#1 : vector<16xi32>
        %select_n3A_2191 = arith.select %lt3A_2188, %scan3A_2134, %sub3A_2190 : vector<16xi1>, vector<16xi32>
        scf.yield %select_n3A_2185, %select_n3A_2187, %select_n3A_2189, %select_n3A_2191 : vector<16xi32>, vector<16xi32>, vector<16xi32>, vector<16xi32>
      }
      %scan3A_2129 = arith.constant 32 : i32
      scf.yield %scan3A_2128#0, %scan3A_2128#1, %scan3A_2128#2, %scan3A_2128#3 : vector<16xi32>, vector<16xi32>, vector<16xi32>, vector<16xi32>
    }
    %xor3A_2090 = arith.constant -2147483648 : i32
    %xor3A_2091 = vector.broadcast %xor3A_2090 : i32 to vector<16xi32>
    %xor3A_2092 = arith.xori %cond3A_2089#0, %xor3A_2091 : vector<16xi32>
    %shift_right_arithmetic3A_2093 = arith.constant 31 : i32
    %shift_right_arithmetic3A_2094 = vector.broadcast %shift_right_arithmetic3A_2093 : i32 to vector<16xi32>
    %shift_right_arithmetic3A_2095 = arith.shrsi %xor3A_2092, %shift_right_arithmetic3A_2094 : vector<16xi32>
    %and3A_2096 = arith.constant 2147483647 : i32
    %and3A_2097 = vector.broadcast %and3A_2096 : i32 to vector<16xi32>
    %and3A_2098 = arith.andi %shift_right_arithmetic3A_2095, %and3A_2097 : vector<16xi32>
    %xor3A_2099 = arith.xori %xor3A_2092, %and3A_2098 : vector<16xi32>
    %bitcast_convert_type3A_2100 = tpu.bitcast %xor3A_2099 : vector<16xi32> -> vector<16xf32>
    %xor3A_2101 = arith.constant -2147483648 : i32
    %xor3A_2102 = vector.broadcast %xor3A_2101 : i32 to vector<16xi32>
    %xor3A_2103 = arith.xori %cond3A_2089#2, %xor3A_2102 : vector<16xi32>
    %shift_right_arithmetic3A_2104 = arith.constant 31 : i32
    %shift_right_arithmetic3A_2105 = vector.broadcast %shift_right_arithmetic3A_2104 : i32 to vector<16xi32>
    %shift_right_arithmetic3A_2106 = arith.shrsi %xor3A_2103, %shift_right_arithmetic3A_2105 : vector<16xi32>
    %and3A_2107 = arith.constant 2147483647 : i32
    %and3A_2108 = vector.broadcast %and3A_2107 : i32 to vector<16xi32>
    %and3A_2109 = arith.andi %shift_right_arithmetic3A_2106, %and3A_2108 : vector<16xi32>
    %xor3A_2110 = arith.xori %xor3A_2103, %and3A_2109 : vector<16xi32>
    %bitcast_convert_type3A_2111 = tpu.bitcast %xor3A_2110 : vector<16xi32> -> vector<16xf32>
    %add3A_2112 = arith.addf %bitcast_convert_type3A_2100, %bitcast_convert_type3A_2111 : vector<16xf32>
    %mul3A_2113 = arith.constant 5.000000e-01 : f32
    %mul3A_2114 = vector.broadcast %mul3A_2113 : f32 to vector<16xf32>
    %mul3A_2115 = arith.mulf %add3A_2112, %mul3A_2114 : vector<16xf32>
    %get3A_2116 = arith.constant 0 : index
    %get3A_2117 = tpu.vector_load %arg10[%get3A_2116] {strides = array<i32>} : memref<16xf32, #tpu.memory_space<vmem>>, vector<16xf32>,
    %parallel_loop3A_2118 = arith.constant 0 : i32
    %parallel_loop3A_2119 = arith.constant 512 : i32
    %parallel_loop3A_2120 = arith.constant 1 : i32
    scf.for %parallel_loop3A_2125 = %parallel_loop3A_2118 to %parallel_loop3A_2119 step %parallel_loop3A_2120  : i32 {
      %parallel_loop3A_2126 = arith.constant 16 : i32
      %parallel_loop3A_2127 = arith.muli %parallel_loop3A_2125, %parallel_loop3A_2126 : i32
      %parallel_loop3A_2128 = arith.constant 8192 : i32
      %parallel_loop3A_2129 = arith.addi %parallel_loop3A_2128, %parallel_loop3A_2127 : i32
      %parallel_loop3A_2130 = arith.index_cast %parallel_loop3A_2129 : i32 to index
      %parallel_loop3A_2131 = tpu.vector_load %arg5[%parallel_loop3A_2130] {strides = array<i32>} : memref<16384xf32, #tpu.memory_space<vmem>>, vector<16xf32>,
      %parallel_loop3A_2132 = arith.subf %parallel_loop3A_2131, %mul3A_2115 : vector<16xf32>
      %parallel_loop3A_2133 = arith.mulf %get3A_2117, %parallel_loop3A_2132 : vector<16xf32>
      %parallel_loop3A_2134 = arith.constant 0.000000e+00 : f32
      %parallel_loop3A_2135 = vector.broadcast %parallel_loop3A_2134 : f32 to vector<16xf32>
      %parallel_loop3A_2136 = arith.subf %parallel_loop3A_2135, %parallel_loop3A_2133 : vector<16xf32>
      %parallel_loop3A_2137 = math.exp %parallel_loop3A_2136 : vector<16xf32>
      %parallel_loop3A_2138 = arith.constant 1.000000e+00 : f32
      %parallel_loop3A_2139 = vector.broadcast %parallel_loop3A_2138 : f32 to vector<16xf32>
      %parallel_loop3A_2140 = arith.addf %parallel_loop3A_2139, %parallel_loop3A_2137 : vector<16xf32>
      %parallel_loop3A_2141 = arith.constant 1.000000e+00 : f32
      %parallel_loop3A_2142 = vector.broadcast %parallel_loop3A_2141 : f32 to vector<16xf32>
      %parallel_loop3A_2143 = arith.divf %parallel_loop3A_2142, %parallel_loop3A_2140 : vector<16xf32>
      %parallel_loop3A_2144 = arith.constant 16 : i32
      %parallel_loop3A_2145 = arith.muli %parallel_loop3A_2125, %parallel_loop3A_2144 : i32
      %parallel_loop3A_2146 = arith.constant 8192 : i32
      %parallel_loop3A_2147 = arith.addi %parallel_loop3A_2146, %parallel_loop3A_2145 : i32
      %parallel_loop3A_2148 = arith.index_cast %parallel_loop3A_2147 : i32 to index
      %parallel_loop3A_2149 = tpu.vector_load %arg9[%parallel_loop3A_2148] {strides = array<i32>} : memref<16384xf32, #tpu.memory_space<vmem>>, vector<16xf32>,
      tpu.vector_store %arg9[%parallel_loop3A_2148], %parallel_loop3A_2143 {strides = array<i32>} : memref<16384xf32, #tpu.memory_space<vmem>>, vector<16xf32>,
    } {sc.loop_unroll_factor = 8 : i64, sc.parallel_access}
    %mul3A_2121 = arith.constant 2 : i32
    %mul3A_2122 = arith.muli %add3A, %mul3A_2121 : i32
    %mul3A_2123 = arith.constant 8192 : i32
    %mul3A_2124 = arith.muli %mul3A_2122, %mul3A_2123 : i32
    "tpu.region"() ({
      %run_scoped3A = tpu.sem_alloc : memref<!tpu.dma_semaphore, #tpu.memory_space<semaphore_mem>>
      %dma_start3A = tpu.memref_slice %arg4[%mul3A_2124] : memref<524288xf32, #tpu.memory_space<hbm>> -> memref<16384xf32, #tpu.memory_space<hbm>>
      %dma_start3A_2125 = tpu.memref_slice %arg4[%mul3A_2124] : memref<524288xf32, #tpu.memory_space<hbm>> -> memref<16384xf32, #tpu.memory_space<hbm>>
      tpu.enqueue_dma source(%arg9 : memref<16384xf32, #tpu.memory_space<vmem>>) target(%dma_start3A_2125 : memref<16384xf32, #tpu.memory_space<hbm>>) target_semaphore(%run_scoped3A : memref<!tpu.dma_semaphore, #tpu.memory_space<semaphore_mem>>)
      %dma_wait3A = tpu.memref_slice %arg4[%mul3A_2124] : memref<524288xf32, #tpu.memory_space<hbm>> -> memref<16384xf32, #tpu.memory_space<hbm>>
      %dma_wait3A_2126 = tpu.memref_slice %arg4[%mul3A_2124] : memref<524288xf32, #tpu.memory_space<hbm>> -> memref<16384xf32, #tpu.memory_space<hbm>>
      tpu.wait_dma2 semaphore(%run_scoped3A : memref<!tpu.dma_semaphore, #tpu.memory_space<semaphore_mem>>) src(%arg9 : memref<16384xf32, #tpu.memory_space<vmem>>) dst(%dma_wait3A_2126 : memref<16384xf32, #tpu.memory_space<hbm>>)
      tpu.yield
    }) : () -> ()
    return
  }
}

</mosaic_0001>

<sc_bundles>
// kernel: _kwta_sc.3.cloned.1.call-start
scs
__scs_entry_jumppad:
0x0: {  	(pc) =	sbr.rel $0x88, $3  }
0x1: {  	(tag) =	ssettag $0x0;
	lr =	simm.s32 $0x1  }
0x2: {  	[smem:$0x3F9F] =	sst lr;
	_ =	strace $0xD0000000  }
0x3: {  	_ = 	snop  }
0x4: {  	_ = 	snop  }
0x5: {  	_ = 	snop  }
0x6: {  	_ = 	snop  }
0x7: {  	_ = 	snop  }
__scs_overlays_trampoline_lowered:
0x8: {  	[smem:$0x3FAE] =	sst s0  }
0x9: {  	[smem:$0x3FAF] =	sst s1  }
0xa: {  	[smem:$0x3FB0] =	sst s2  }
0xb: {  	[smem:$0x3FB1] =	sst s3  }
0xc: {  	[smem:$0x3FB2] =	sst s4  }
0xd: {  	[smem:$0x3FB3] =	sst s5  }
0xe: {  	[smem:$0x3FB4] =	sst s6  }
0xf: {  	[smem:$0x3FB5] =	sst s7  }
0x10: {  	[smem:$0x3FB6] =	sst s8  }
0x11: {  	[smem:$0x3FB7] =	sst s9;
	s0 =	simm.s32 @!p0 $0x0  }
0x12: {  	s1 =	sld [smem:$0x3F9D];
	s0 =	simm.s32 @p0 $0x1  }
0x13: {  	[smem:$0x3FB8] =	sst s0;
	s0 =	simm.s32 @!p1 $0x0  }
0x14: {  	s2 =	sld [smem:$0x3F9C];
	s0 =	simm.s32 @p1 $0x1  }
0x15: {  	[smem:$0x3FB9] =	sst s0;
	s0 =	simm.s32 @!p2 $0x0  }
0x16: {  	s3 =	sld [smem:$0x3FDB];
	s0 =	simm.s32 @p2 $0x1  }
0x17: {  	s4 =	simm.s32 $0x1BF5;
	[smem:$0x3FBB] =	sst s0  }
0x18: {  	s0 =	sld [smem:$0x3F9E];
	_ =	swait.ge [sflag:s4], $0x0  }
0x19: {  	s7 =	sld [smem:$0x3F9F]  }
0x1a: {  	s8 =	sadd.s32 $0xFFFFE003, lr  }
0x1b: {  	s9 =	sadd.s32 $0xFFFFFEF7, lr;
	s5 =	simm.s32 $0xFFFFFFFF;
	p2 =	slt.u32 s8, $0xFFFFF086  }
0x1c: {  	p1 =	slt.u32 s9, $0xF7A;
	s5 =	simm.s32 @!p2 $0x0  }
0x1d: {  	s5 =	simm.s32 @p1 $0x1;
	p0 =	seq.s32 s7, s2  }
0x1e: {  	s7 =	smul.u32 @!p0 $0xF7A, s2;
	p2 =	seq.s32 @!p0 s5, $0x0  }
0x1f: {  	s9 =	smul.u32 $0xF7A, s1;
	s8 =	simm.s32 @!p0 $0x1BF5;
	p2 =	por !p2, p0  }
0x20: {  	[sflag:s8] =	ssyncset.s32 @!p0 $0xFFFFF086;
	s6 =	sadd.s32 @!p0 s3, s7;
	s7 =	simm.s32 @!p0 $0x108  }
0x21: {  	s3 =	sadd.s32 s3, s9;
	s6 =	sadd.s32 @!p0 $0x88, s6;
	s7 =	simm.s32 @p2 $0x1082  }
0x22: {  	[simem:s7], [sflag:s8] =	dma.local @!p0 [hbm:s6], $0xF7A  }
0x23: {  	s9 =	sor.u32 $0xD0000000, s2;
	s6 =	simm.s32 $0x108;
	_ =	swait.ge @!p0 [sflag:s8], $0x0  }
0x24: {  	s3 =	sadd.s32 $0x88, s3;
	s6 =	simm.s32 @!p1 $0x1082;
	[sflag:s4] =	ssyncset.s32 $0xFFFFF086  }
0x25: {  	[simem:s6], [sflag:s4] =	dma.local [hbm:s3], $0xF7A  }
0x26: {  	[smem:$0x3F9F] =	sst s1;
	(tag) =	ssettag s2;
	_ =	strace s9  }
0x27: {  	s1 =	sld [smem:$0x3FAF]  }
0x28: {  	s2 =	sld [smem:$0x3FB0]  }
0x29: {  	s4 =	sld [smem:$0x3FB2]  }
0x2a: {  	p0 =	seq.s32 s5, $0x0;
	s5 =	sld [smem:$0x3FB3]  }
0x2b: {  	s6 =	sld [smem:$0x3FB4]  }
0x2c: {  	s7 =	sld [smem:$0x3FB5]  }
0x2d: {  	s3 =	simm.s32 $0x108;
	s8 =	sld [smem:$0x3FB6]  }
0x2e: {  	s3 =	simm.s32 @!p0 $0x1082;
	s9 =	sld [smem:$0x3FB7]  }
0x2f: {  	lr =	sadd.s32 s0, s3;
	s0 =	sld [smem:$0x3FAE]  }
0x30: {  	s3 =	sld [smem:$0x3FB1]  }
0x31: {  	[smem:$0x3FBA] =	sst s10  }
0x32: {  	s10 =	sld [smem:$0x3FB8];
	_ =	sdelay $0x3  }
0x33: {  	p0 =	seq.s32 s10, $0x1;
	s10 =	sld [smem:$0x3FBA];
	_ =	sdelay $0x3  }
0x34: {  	[smem:$0x3FBA] =	sst s10  }
0x35: {  	s10 =	sld [smem:$0x3FB9];
	_ =	sdelay $0x3  }
0x36: {  	p1 =	seq.s32 s10, $0x1;
	s10 =	sld [smem:$0x3FBA];
	_ =	sdelay $0x3  }
0x37: {  	[smem:$0x3FBA] =	sst s10  }
0x38: {  	s10 =	sld [smem:$0x3FBB]  }
0x39: {  	_ = 	snop;
	(pc) =	sbr.ind lr, $3  }
0x3a: {  	_ = 	snop  }
0x3b: {  	_ = 	snop  }
0x3c: {  	p2 =	seq.s32 s10, $0x1;
	s10 =	sld [smem:$0x3FBA]  }
0x3d: {  	_ =	shalt  }
0x3e: {  	_ =	shalt  }
0x3f: {  	_ =	shalt  }
0x40: {  	_ =	shalt  }
0x41: {  	_ =	shalt  }
0x42: {  	_ =	shalt  }
0x43: {  	_ =	shalt  }
0x44: {  	_ =	shalt  }
0x45: {  	_ =	shalt  }
0x46: {  	_ =	shalt  }
0x47: {  	_ =	shalt  }
0x48: {  	_ =	shalt  }
0x49: {  	_ =	shalt  }
0x4a: {  	_ =	shalt  }
0x4b: {  	_ =	shalt  }
0x4c: {  	_ =	shalt  }
0x4d: {  	_ =	shalt  }
0x4e: {  	_ =	shalt  }
0x4f: {  	_ =	shalt  }
0x50: {  	_ =	shalt  }
0x51: {  	_ =	shalt  }
0x52: {  	_ =	shalt  }
0x53: {  	_ =	shalt  }
0x54: {  	_ =	shalt  }
0x55: {  	_ =	shalt  }
0x56: {  	_ =	shalt  }
0x57: {  	_ =	shalt  }
0x58: {  	_ =	shalt  }
0x59: {  	_ =	shalt  }
0x5a: {  	_ =	shalt  }
0x5b: {  	_ =	shalt  }
0x5c: {  	_ =	shalt  }
0x5d: {  	_ =	shalt  }
0x5e: {  	_ =	shalt  }
0x5f: {  	_ =	shalt  }
0x60: {  	_ =	shalt  }
0x61: {  	_ =	shalt  }
0x62: {  	_ =	shalt  }
0x63: {  	_ =	shalt  }
0x64: {  	_ =	shalt  }
0x65: {  	_ =	shalt  }
0x66: {  	_ =	shalt  }
0x67: {  	_ =	shalt  }
0x68: {  	_ =	shalt  }
0x69: {  	_ =	shalt  }
0x6a: {  	_ =	shalt  }
0x6b: {  	_ =	shalt  }
0x6c: {  	_ =	shalt  }
0x6d: {  	_ =	shalt  }
0x6e: {  	_ =	shalt  }
0x6f: {  	_ =	shalt  }
0x70: {  	_ =	shalt  }
0x71: {  	_ =	shalt  }
0x72: {  	_ =	shalt  }
0x73: {  	_ =	shalt  }
0x74: {  	_ =	shalt  }
0x75: {  	_ =	shalt  }
0x76: {  	_ =	shalt  }
0x77: {  	_ =	shalt  }
0x78: {  	_ =	shalt  }
0x79: {  	_ =	shalt  }
0x7a: {  	_ =	shalt  }
0x7b: {  	_ =	shalt  }
0x7c: {  	_ =	shalt  }
0x7d: {  	_ =	shalt  }
0x7e: {  	_ =	shalt  }
0x7f: {  	_ =	shalt  }
0x80: {  	_ =	shalt  }
0x81: {  	_ =	shalt  }
0x82: {  	_ =	shalt  }
0x83: {  	_ =	shalt  }
0x84: {  	_ =	shalt  }
0x85: {  	_ =	shalt  }
0x86: {  	_ =	shalt  }
0x87: {  	_ =	shalt  }
.Lfunc_end0:
.L_simem_size_0:
called_computation_lowered:
.L_overlay_start_0:
0x88: {  	s2 =	sld [smem:$0x3FD9]  }
0x89: {  	s3 =	sld [smem:$0x3FFE];
	_ =	sdelay $0x1  }
0x8a: {  	s1 =	srdreg.scid  }
0x8b: {  	s0 =	sand.u32 $0x1, s1  }
0x8c: {  	s18 =	sshll.u32 s0, $0xA;
	s2 =	sadd.s32 s3, s2  }
0x8d: {  	s2 =	sadd.s32 s2, s18  }
0x8e: {  	[smem:$0x3FC6] =	sst s2  }
0x8f: {  	_ = 	snop  }
0x90: {  	s2 =	sld [smem:$0x3FC9]  }
0x91: {  	s19 =	sld [smem:$0x3FC8]  }
0x92: {  	s4 =	sld [smem:$0x3FD0];
	(tm) =	ssettm $0x1  }
0x93: {  	s5 =	sld [smem:$0x3FFB];
	_ =	sdelay $0x3  }
0x94: {  	_ =	strace s5  }
0x95: {  	s5 =	sld [smem:$0x3FFC];
	_ =	sdelay $0x3  }
0x96: {  	_ =	strace s5  }
0x97: {  	s5 =	sld [smem:$0x3FFD];
	_ =	sdelay $0x3  }
0x98: {  	_ =	strace s5  }
0x99: {  	_ =	strace $0x8FFFFFFF  }
0x9a: {  	s20 =	sld [smem:$0x3FDB];
	_ =	sdelay $0x1  }
0x9b: {  	s6 =	simm.s32 $_scs_section_size  }
0x9c: {  	s7 =	simm.s32 $_size__tile_overlayer_lowered;
	s8 =	simm.s32 $_tile_overlayer_lowered  }
0x9d: {  	s23 =	simm.s32 $0x1BFF;
	s22 =	sshll.u32 s8, $0x1;
	s5 =	sadd.s32 s6, s20  }
0x9e: {  	s9 =	simm.s32 $0x0;
	s21 =	sshll.u32 s7, $0x1;
	s7 =	sadd.s32 s22, s5  }
0x9f: {  	[timem:s9], [sflag:s23] =	dma.local [hbm:s7], s21  }
0xa0: {  	_ =	swait.ge [sflag:s23], s21  }
0xa1: {  	s6 =	ssub.s32 $0x0, s21;
	[sflag:s23] =	ssyncset.done $0x0  }
0xa2: {  	[sflag:s23] =	ssyncadd.s32 s6;
	_ =	sdelay $0x1  }
0xa3: {  	s24 =	simm.s32 $0x1B8B  }
0xa4: {  	_ =	swait.ge [sflag:s24], $0x1  }
0xa5: {  	[sflag:s24] =	ssyncset.done $0x0  }
0xa6: {  	s25 =	simm.s32 $0x1B8E;
	[sflag:s24] =	ssyncadd.s32 $0xFFFFFFFF  }
0xa7: {  	s26 =	simm.s32 $execute0_lowered;
	[smem:$0x3FD2] =	sst s25  }
0xa8: {  	s6 =	sshll.u32 s26, $0x1;
	_ =	strace $0x80000046;
	[dreg:$0x1] =	wrdreg $0xFFFFFFFF  }
0xa9: {  	s28 =	simm.s32 $_size_execute0_lowered;
	s5 =	sadd.s32 s5, s6;
	[dreg:$0x0] =	wrdreg $0x0  }
0xaa: {  	s6 =	sshll.u32 s28, $0x1;
	[dreg:$0x2] =	wrdreg s5  }
0xab: {  	[dreg:$0x3] =	wrdreg s6  }
0xac: {  	[dreg:$0x4] =	wrdreg $0xC0  }
0xad: {  	_ =	task [dreg:s9], $0x5FFFF  }
0xae: {  	[dreg:$0x1] =	wrdreg $0xFFFFFFFF  }
0xaf: {  	[dreg:$0x0] =	wrdreg $0x60  }
0xb0: {  	[dreg:$0x2] =	wrdreg s2  }
0xb1: {  	[dreg:$0x3] =	wrdreg s19  }
0xb2: {  	[dreg:$0x4] =	wrdreg s4  }
0xb3: {  	[dreg:$0x5] =	wrdreg $0x9  }
0xb4: {  	_ =	task.clear_ibuf [dreg:s9], $0x6FFFF;
	_ =	strace $0x90000046  }
0xb5: {  	s29 =	simm.s32 $0x9;
	_ =	strace $0x80000048  }
0xb6: {  	_ =	swait.ge [sflag:s29], $0x1  }
0xb7: {  	[sflag:s29] =	ssyncadd.s32 $0xFFFFFFFF  }
0xb8: {  	_ =	strace $0x90000048  }
0xb9: {  	_ =	sfence  }
0xba: {  	s30 =	sld [smem:$0x0];
	_ =	sdelay $0x2  }
0xbb: {  	s31 =	sshll.u32 s1, $0xD;
	s1 =	sshrl.u32 s1, $0x2  }
0xbc: {  	s3 =	sand.u32 $0x4000, s31;
	s1 =	sadd.s32 s1, s30  }
0xbd: {  	s0 =	sor.u32 s3, s0;
	s1 =	sshll.u32 s1, $0x11  }
0xbe: {  	s0 =	sor.u32 s1, s0  }
0xbf: {  	s0 =	sadd.s32 $0x8F2B, s0  }
0xc0: {  	[sflag:s0] =	ssyncadd.remote.s32 $0x1  }
0xc1: {  	_ =	sfence.sel $0xFFFF  }
0xc2: {  	[dreg:$0x0] =	wrdreg $0xFFFFFFFF;
	(pc) =	sbr.abs _section_cstart, $3  }
0xc3: {  	[dreg:$0x1] =	wrdreg $0xFFFFFFFF  }
0xc4: {  	_ =	task.clear_ibuf [dreg:s9], $0x2FFFF;
	_ =	strace $0x9FFFFFFF  }
0xc5: {  	(tm) =	ssettm $0x7FFFFFFF  }
tec
execute0_lowered:
.L_overlay_start_1:
0x0: {  	(tag) =	ssettag $0x1  }
0x1: {  	s4 =	rddreg [dreg:$0x0]  }
0x2: {  	v0 =	vlaneseq.u32;
	s1 =	rddreg [dreg:$0x1]  }
0x3: {  	s5 =	rddreg [dreg:$0x2];
	s3 =	simm.s32 $0x0;
	v1 =	vmul.u32 $0x111, v0;
	v46 =	vmul.u32 $0x11, v0  }
0x4: {  	[smem:$0x7FF] =	sst s3  }
0x5: {  	s0 =	rddreg [dreg:$0x3];
	_ =	strace $0x80000047;
	v4 =	vadd.s32 $0xCC, v1;
	[tilespmem:$0x1FFF0] =	vst v46  }
0x6: {  	v5 =	vadd.s32 $0xDD, v1;
	[tilespmem:$0x1FF00] =	vst v4  }
0x7: {  	v20 =	vadd.s32 $0x11, v1;
	[tilespmem:$0x1FF10] =	vst v5  }
0x8: {  	v48 =	vadd.s32 $0x22, v1;
	[tilespmem:$0x1FF40] =	vst v20  }
0x9: {  	v49 =	vadd.s32 $0x33, v1;
	[tilespmem:$0x1FF50] =	vst v48  }
0xa: {  	v50 =	vadd.s32 $0x44, v1;
	[tilespmem:$0x1FF60] =	vst v49  }
0xb: {  	v51 =	vadd.s32 $0x55, v1;
	[tilespmem:$0x1FF70] =	vst v50  }
0xc: {  	v52 =	vadd.s32 $0x66, v1;
	[tilespmem:$0x1FF80] =	vst v51  }
0xd: {  	v53 =	vadd.s32 $0x77, v1;
	[tilespmem:$0x1FF90] =	vst v52  }
0xe: {  	s6 =	srdreg.scid;
	v54 =	vadd.s32 $0x88, v1;
	[tilespmem:$0x1FFA0] =	vst v53  }
0xf: {  	s2 =	stileid.u32;
	s10 =	simm.s32 $0x9080;
	s11 =	simm.s32 $0x4000;
	v55 =	vadd.s32 $0x99, v1;
	[tilespmem:$0x1FFB0] =	vst v54  }
0x10: {  	s12 =	simm.s32 $0xC400;
	s13 =	simm.s32 $0x0;
	s6 =	sand.u32 $0x1, s6;
	v56 =	vadd.s32 $0xAA, v1;
	[tilespmem:$0x1FFC0] =	vst v55  }
0x11: {  	s8 =	sshll.u32 s2, $0xC;
	s7 =	ssub.s32 $0x2, s6;
	s6 =	sshll.u32 s6, $0xB;
	v57 =	vadd.s32 $0xBB, v1;
	[tilespmem:$0x1FFD0] =	vst v56  }
0x12: {  	v2 =	vimm.s32 $0x0;
	s9 =	sshrl.u32 s7, $0x1;
	s6 =	sor.u32 s6, s8;
	s8 =	simm.s32 $0x1;
	v4 =	vmul.u32 $0xFFFFFFFF, v0;
	v5 =	vadd.s32 $0xEE, v1;
	[tilespmem:$0x1FFE0] =	vst v57  }
0x13: {  	v3 =	vimm.s32 $0x1;
	v21 =	vimm.s32 $0x2000;
	s7 =	ssub.s32 s7, s9;
	s4 =	sadd.s32 s4, s6;
	s5 =	sadd.s32 s5, s6;
	[tilespmem:$0x1FF20] =	vst v5;
	v5 =	vadd.s32 $0xFF, v1  }
0x14: {  	v47 =	vimm.s32 $0x200;
	v23 =	vimm.s32 $0xFFFFFFFF;
	s9 =	simm.s32 $0x6080;
	s6 =	smax.u32 s7, $0x1;
	s7 =	simm.s32 $0x10400;
	[tilespmem:$0x1FF30] =	vst v5;
	v19 =	vadd.s32 $0xF, v4  }
.LBB2_1:
0x15: {  	[tilespmem:s7], [sflag:$0x1] =	stream.linear.gather [hbm4b:s1+s3], $0x80, $0x38;
	[tilespmem:$0x10480] =	vst v63  }
0x16: {  	_ =	swait.ge [sflag:s8], $0x80  }
0x17: {  	[sflag:s8] =	ssyncset.done $0x0  }
0x18: {  	[sflag:s8] =	ssyncadd.s32 $0xFFFFFF80  }
0x19: {  	[tilespmem:s3], [sflag:$0x1] =	stream.linear.gather [hbm4b:s4+s3], $0x4000, $0x38;
	[tilespmem:$0x10480] =	vst v63  }
0x1a: {  	_ =	swait.ge [sflag:s8], $0x4000  }
0x1b: {  	[sflag:s8] =	ssyncset.done $0x0  }
0x1c: {  	s14 =	simm.s32 $0x60C0;
	[sflag:s8] =	ssyncadd.s32 $0xFFFFC000  }
0x1d: {  	[tilespmem:s14+$0xFFFFFFC0] =	vst v2  }
0x1e: {  	[tilespmem:s14+$0x30] =	vst v2  }
0x1f: {  	[tilespmem:s14+$0x20] =	vst v2  }
0x20: {  	[tilespmem:s14+$0x10] =	vst v2  }
0x21: {  	[tilespmem:s14+$0x0] =	vst v2  }
0x22: {  	[tilespmem:s14+$0xFFFFFFF0] =	vst v2  }
0x23: {  	s16 =	simm.s32 $0x0;
	[tilespmem:s14+$0xFFFFFFE0] =	vst v2  }
.LBB2_2:
0x24: {  	s16 =	sadd.s32 $0x8, s16;
	[tilespmem:s14+$0xFFFFFFD0] =	vst v2;
	s14 =	sadd.s32 $0x80, s14;
	s15 =	simm.s32 $0x40  }
0x25: {  	[tilespmem:s14+$0xFFFFFFC0] =	vst v2;
	p0 =	slt.u32 s16, $0x2F8  }
0x26: {  	[tilespmem:s14+$0x30] =	vst v2  }
.Ltmp0:
0x27: {  	[tilespmem:s14+$0x20] =	vst v2;
	(pc) =	sbr.rel @p0 .LBB2_2-.Ltmp0, $4  }
0x28: {  	[tilespmem:s14+$0x10] =	vst v2  }
0x29: {  	[tilespmem:s14+$0x0] =	vst v2  }
0x2a: {  	[tilespmem:s14+$0xFFFFFFF0] =	vst v2  }
0x2b: {  	[tilespmem:s14+$0xFFFFFFE0] =	vst v2  }
0x2c: {  	[tilespmem:s14+$0xFFFFFFD0] =	vst v2  }
0x2d: {  	v4 =	vld [tilespmem:s15+$0x30]  }
0x2e: {  	v5 =	vld [tilespmem:s15+$0xFFFFFFD0]  }
0x2f: {  	v6 =	vld [tilespmem:s15+$0xFFFFFFE0]  }
0x30: {  	v7 =	vld [tilespmem:s15+$0xFFFFFFF0]  }
0x31: {  	v8 =	vld [tilespmem:s15+$0x0]  }
0x32: {  	v9 =	vld [tilespmem:s15+$0x10]  }
0x33: {  	v10 =	vld [tilespmem:s15+$0x20]  }
0x34: {  	v11 =	vld [tilespmem:s15+$0xFFFFFFC0]  }
0x35: {  	v4 =	vmul.f32 $8.000000000e+00, v4;
	v5 =	vmul.f32 $8.000000000e+00, v5  }
0x36: {  	v6 =	vmul.f32 $8.000000000e+00, v6;
	v7 =	vmul.f32 $8.000000000e+00, v7  }
0x37: {  	v8 =	vmul.f32 $8.000000000e+00, v8;
	v9 =	vmul.f32 $8.000000000e+00, v9  }
0x38: {  	v10 =	vmul.f32 $8.000000000e+00, v10;
	v4 =	vadd.f32 $1.152000000e+03, v4;
	v5 =	vadd.f32 $1.152000000e+03, v5  }
0x39: {  	v11 =	vmul.f32 $8.000000000e+00, v11;
	v6 =	vadd.f32 $1.152000000e+03, v6;
	v7 =	vadd.f32 $1.152000000e+03, v7  }
0x3a: {  	v8 =	vadd.f32 $1.152000000e+03, v8;
	v9 =	vadd.f32 $1.152000000e+03, v9  }
0x3b: {  	v10 =	vadd.f32 $1.152000000e+03, v10;
	v11 =	vadd.f32 $1.152000000e+03, v11;
	v4 =	vmax.f32 v4, $1.024000000e+03  }
0x3c: {  	v5 =	vmax.f32 v5, $1.024000000e+03;
	v6 =	vmax.f32 v6, $1.024000000e+03;
	v7 =	vmax.f32 v7, $1.024000000e+03  }
0x3d: {  	v8 =	vmax.f32 v8, $1.024000000e+03;
	v9 =	vmax.f32 v9, $1.024000000e+03;
	v4 =	vmin.f32 v4, $1.280000000e+03  }
0x3e: {  	v11 =	vmax.f32 v11, $1.024000000e+03;
	v10 =	vmax.f32 v10, $1.024000000e+03;
	v4 =	vtrunc.f32 v4  }
0x3f: {  	v11 =	vmin.f32 v11, $1.280000000e+03;
	v5 =	vmin.f32 v5, $1.280000000e+03;
	v4 =	vcvt.f32.s32 v4  }
0x40: {  	v6 =	vmin.f32 v6, $1.280000000e+03;
	v7 =	vmin.f32 v7, $1.280000000e+03;
	v8 =	vmin.f32 v8, $1.280000000e+03  }
0x41: {  	v9 =	vmin.f32 v9, $1.280000000e+03;
	v10 =	vmin.f32 v10, $1.280000000e+03;
	v4 =	vadd.s32 $0xFFFFFC00, v4  }
0x42: {  	v11 =	vtrunc.f32 v11;
	v5 =	vtrunc.f32 v5;
	vm0 =	vgt.s32 v4, $0x0  }
0x43: {  	v6 =	vtrunc.f32 v6;
	v7 =	vtrunc.f32 v7;
	v4 =	vnsel vm0, $0x0, v4  }
0x44: {  	v8 =	vtrunc.f32 v8;
	v11 =	vcvt.f32.s32 v11;
	v4 =	vmin.u32 v4, $0xFF  }
0x45: {  	v9 =	vtrunc.f32 v9;
	v10 =	vtrunc.f32 v10;
	v4 =	vshll.u32 v4, $0x4  }
0x46: {  	v11 =	vadd.s32 $0xFFFFFC00, v11;
	v12 =	vor.u32 v0, v4;
	v4 =	vcvt.f32.s32 v5  }
0x47: {  	vm4 =	vgt.s32 v11, $0x0;
	v5 =	vcvt.f32.s32 v6;
	v6 =	vcvt.f32.s32 v7  }
0x48: {  	v7 =	vcvt.f32.s32 v8;
	v8 =	vadd.s32 $0xFFFFFC00, v4;
	v4 =	vcvt.f32.s32 v9  }
0x49: {  	v9 =	vcvt.f32.s32 v10;
	v13 =	vadd.s32 $0xFFFFFC00, v5;
	v5 =	vadd.s32 $0xFFFFFC00, v6  }
0x4a: {  	v6 =	vadd.s32 $0xFFFFFC00, v7;
	vm5 =	vgt.s32 v8, $0x0;
	vm6 =	vgt.s32 v13, $0x0  }
0x4b: {  	vm1 =	vgt.s32 v5, $0x0;
	vm2 =	vgt.s32 v6, $0x0;
	v7 =	vadd.s32 $0xFFFFFC00, v4  }
0x4c: {  	v4 =	vadd.s32 $0xFFFFFC00, v9;
	v9 =	vnsel vm4, $0x0, v11;
	v10 =	vnsel vm5, $0x0, v8  }
0x4d: {  	s14 =	simm.s32 $0x90C4;
	s16 =	simm.s32 $0xC0;
	s15 =	simm.s32 $0x0;
	v8 =	vnsel vm6, $0x0, v13;
	vm3 =	vgt.s32 v7, $0x0;
	vm0 =	vgt.s32 v4, $0x0;
	[tilespmem:v12+s9+$0x0] =	vst.idx.add.s32.msk $0xffff, v3  }
.LBB2_4:
0x4e: {  	v11 =	vld [tilespmem:s16+$0x30];
	s15 =	sadd.s32 $0x8, s15;
	v5 =	vnsel vm1, $0x0, v5;
	v6 =	vnsel vm2, $0x0, v6;
	v7 =	vnsel vm3, $0x0, v7  }
0x4f: {  	v9 =	vmin.u32 v9, $0xFF;
	v10 =	vmin.u32 v10, $0xFF;
	v4 =	vnsel vm0, $0x0, v4;
	v12 =	vld [tilespmem:s16+$0xFFFFFFD0];
	p0 =	slt.u32 s15, $0x1F8  }
0x50: {  	v8 =	vmin.u32 v8, $0xFF;
	v5 =	vmin.u32 v5, $0xFF;
	v6 =	vmin.u32 v6, $0xFF;
	v13 =	vld [tilespmem:s16+$0xFFFFFFE0]  }
0x51: {  	v9 =	vshll.u32 v9, $0x4;
	v7 =	vmin.u32 v7, $0xFF;
	v4 =	vmin.u32 v4, $0xFF;
	v14 =	vld [tilespmem:s16+$0xFFFFFFF0]  }
0x52: {  	v10 =	vshll.u32 v10, $0x4;
	v8 =	vshll.u32 v8, $0x4;
	v5 =	vshll.u32 v5, $0x4;
	v15 =	vld [tilespmem:s16+$0x0]  }
0x53: {  	v6 =	vshll.u32 v6, $0x4;
	v7 =	vshll.u32 v7, $0x4;
	v16 =	vld [tilespmem:s16+$0x10];
	v11 =	vmul.f32 $8.000000000e+00, v11  }
0x54: {  	v9 =	vor.u32 v0, v9;
	v4 =	vshll.u32 v4, $0x4;
	v12 =	vmul.f32 $8.000000000e+00, v12;
	v17 =	vld [tilespmem:s16+$0x20]  }
0x55: {  	v10 =	vor.u32 v0, v10;
	v18 =	vld [tilespmem:s16+$0xFFFFFFC0];
	v13 =	vmul.f32 $8.000000000e+00, v13;
	v11 =	vadd.f32 $1.152000000e+03, v11  }
0x56: {  	v8 =	vor.u32 v0, v8;
	v12 =	vadd.f32 $1.152000000e+03, v12;
	v14 =	vmul.f32 $8.000000000e+00, v14  }
0x57: {  	v13 =	vadd.f32 $1.152000000e+03, v13;
	v15 =	vmul.f32 $8.000000000e+00, v15;
	v11 =	vmax.f32 v11, $1.024000000e+03  }
0x58: {  	v14 =	vadd.f32 $1.152000000e+03, v14;
	v16 =	vmul.f32 $8.000000000e+00, v16;
	v11 =	vmin.f32 v11, $1.280000000e+03  }
0x59: {  	v15 =	vadd.f32 $1.152000000e+03, v15;
	v17 =	vmul.f32 $8.000000000e+00, v17;
	v11 =	vtrunc.f32 v11;
	[tilespmem:v9+s9+$0x0] =	vst.idx.add.s32.msk $0xffff, v3  }
0x5a: {  	v9 =	vmul.f32 $8.000000000e+00, v18;
	v16 =	vadd.f32 $1.152000000e+03, v16;
	v11 =	vcvt.f32.s32 v11;
	[tilespmem:v10+s9+$0x0] =	vst.idx.add.s32.msk $0xffff, v3  }
0x5b: {  	v10 =	vmax.f32 v12, $1.024000000e+03;
	v12 =	vmax.f32 v13, $1.024000000e+03;
	v13 =	vadd.f32 $1.152000000e+03, v17;
	[tilespmem:v8+s9+$0x0] =	vst.idx.add.s32.msk $0xffff, v3  }
0x5c: {  	v8 =	vadd.f32 $1.152000000e+03, v9;
	v9 =	vmax.f32 v14, $1.024000000e+03;
	v11 =	vadd.s32 $0xFFFFFC00, v11  }
0x5d: {  	v14 =	vmax.f32 v15, $1.024000000e+03;
	v15 =	vmax.f32 v16, $1.024000000e+03;
	vm0 =	vgt.s32 v11, $0x0  }
0x5e: {  	v13 =	vmax.f32 v13, $1.024000000e+03;
	v8 =	vmax.f32 v8, $1.024000000e+03;
	v11 =	vnsel vm0, $0x0, v11  }
0x5f: {  	v10 =	vmin.f32 v10, $1.280000000e+03;
	v8 =	vmin.f32 v8, $1.280000000e+03;
	v11 =	vmin.u32 v11, $0xFF  }
0x60: {  	v12 =	vmin.f32 v12, $1.280000000e+03;
	v9 =	vmin.f32 v9, $1.280000000e+03;
	v11 =	vshll.u32 v11, $0x4  }
0x61: {  	v14 =	vmin.f32 v14, $1.280000000e+03;
	v15 =	vmin.f32 v15, $1.280000000e+03;
	v11 =	vor.u32 v0, v11  }
0x62: {  	v10 =	vtrunc.f32 v10;
	v13 =	vmin.f32 v13, $1.280000000e+03;
	v8 =	vtrunc.f32 v8  }
0x63: {  	v5 =	vor.u32 v0, v5;
	v12 =	vtrunc.f32 v12;
	v9 =	vtrunc.f32 v9  }
0x64: {  	v16 =	vor.u32 v0, v6;
	v14 =	vtrunc.f32 v14;
	v15 =	vtrunc.f32 v15  }
0x65: {  	v6 =	vcvt.f32.s32 v8;
	v8 =	vtrunc.f32 v13;
	v13 =	vor.u32 v0, v7  }
0x66: {  	s17 =	simm.s32 $0x60C0;
	v7 =	vcvt.f32.s32 v10;
	v10 =	vcvt.f32.s32 v12;
	[tilespmem:v11+s9+$0x0] =	vst.idx.add.s32.msk $0xffff, v3;
	v11 =	vor.u32 v0, v4  }
0x67: {  	v12 =	vadd.s32 $0xFFFFFC00, v6;
	v6 =	vcvt.f32.s32 v14;
	v4 =	vcvt.f32.s32 v9  }
0x68: {  	v8 =	vcvt.f32.s32 v8;
	v14 =	vadd.s32 $0xFFFFFC00, v7;
	v7 =	vcvt.f32.s32 v15;
	[tilespmem:v5+s9+$0x0] =	vst.idx.add.s32.msk $0xffff, v3  }
.Ltmp1:
0x69: {  	v15 =	vadd.s32 $0xFFFFFC00, v10;
	v6 =	vadd.s32 $0xFFFFFC00, v6;
	v5 =	vadd.s32 $0xFFFFFC00, v4;
	[tilespmem:v16+s9+$0x0] =	vst.idx.add.s32.msk $0xffff, v3;
	(pc) =	sbr.rel @p0 .LBB2_4-.Ltmp1, $4  }
0x6a: {  	vm4 =	vgt.s32 v12, $0x0;
	v7 =	vadd.s32 $0xFFFFFC00, v7;
	v4 =	vadd.s32 $0xFFFFFC00, v8;
	[tilespmem:v13+s9+$0x0] =	vst.idx.add.s32.msk $0xffff, v3  }
0x6b: {  	vm5 =	vgt.s32 v14, $0x0;
	vm6 =	vgt.s32 v15, $0x0;
	vm1 =	vgt.s32 v5, $0x0;
	[tilespmem:v11+s9+$0x0] =	vst.idx.add.s32.msk $0xffff, v3  }
0x6c: {  	vm2 =	vgt.s32 v6, $0x0;
	vm3 =	vgt.s32 v7, $0x0;
	vm0 =	vgt.s32 v4, $0x0  }
0x6d: {  	s16 =	sadd.s32 $0x80, s16;
	v10 =	vnsel vm5, $0x0, v14;
	v9 =	vnsel vm4, $0x0, v12;
	v8 =	vnsel vm6, $0x0, v15  }
0x6e: {  	v5 =	vnsel vm1, $0x0, v5  }
0x6f: {  	v6 =	vnsel vm2, $0x0, v6;
	v7 =	vnsel vm3, $0x0, v7;
	v9 =	vmin.u32 v9, $0xFF  }
0x70: {  	v10 =	vmin.u32 v10, $0xFF;
	v4 =	vnsel vm0, $0x0, v4;
	v9 =	vshll.u32 v9, $0x4  }
0x71: {  	v8 =	vmin.u32 v8, $0xFF;
	v10 =	vshll.u32 v10, $0x4;
	v9 =	vor.u32 v0, v9  }
0x72: {  	v5 =	vmin.u32 v5, $0xFF;
	v8 =	vshll.u32 v8, $0x4;
	v10 =	vor.u32 v0, v10  }
0x73: {  	v6 =	vmin.u32 v6, $0xFF;
	v5 =	vshll.u32 v5, $0x4;
	v8 =	vor.u32 v0, v8  }
0x74: {  	v7 =	vmin.u32 v7, $0xFF;
	v6 =	vshll.u32 v6, $0x4;
	v5 =	vor.u32 v0, v5  }
0x75: {  	v4 =	vmin.u32 v4, $0xFF;
	v7 =	vshll.u32 v7, $0x4;
	v6 =	vor.u32 v0, v6  }
0x76: {  	v4 =	vshll.u32 v4, $0x4;
	v7 =	vor.u32 v0, v7;
	[tilespmem:v9+s9+$0x0] =	vst.idx.add.s32.msk $0xffff, v3  }
0x77: {  	v4 =	vor.u32 v0, v4;
	[tilespmem:v10+s9+$0x0] =	vst.idx.add.s32.msk $0xffff, v3  }
0x78: {  	[tilespmem:v8+s9+$0x0] =	vst.idx.add.s32.msk $0xffff, v3  }
0x79: {  	[tilespmem:v5+s9+$0x0] =	vst.idx.add.s32.msk $0xffff, v3  }
0x7a: {  	[tilespmem:v6+s9+$0x0] =	vst.idx.add.s32.msk $0xffff, v3  }
0x7b: {  	[tilespmem:v7+s9+$0x0] =	vst.idx.add.s32.msk $0xffff, v3  }
0x7c: {  	[tilespmem:v4+s9+$0x0] =	vst.idx.add.s32.msk $0xffff, v3  }
0x7d: {  	v4 =	vld [tilespmem:s17+$0x30]  }
0x7e: {  	v5 =	vld [tilespmem:s17+$0xFFFFFFD0];
	_ =	sdelay $0x1  }
0x7f: {  	v6 =	vld [tilespmem:s17+$0xFFFFFFE0]  }
0x80: {  	v7 =	vld [tilespmem:s17+$0xFFFFFFF0]  }
0x81: {  	v8 =	vld [tilespmem:s17+$0x0];
	(xrf0) =	vadd.scan.msk.s32 $0xffff, v4  }
0x82: {  	v9 =	vld [tilespmem:s17+$0x10];
	(xrf0) =	vadd.scan.msk.s32 $0xffff, v5;
	_ =	sdelay $0x1  }
0x83: {  	v4 =	vld [tilespmem:s17+$0x20];
	(xrf0) =	vadd.scan.msk.s32 $0xffff, v6  }
0x84: {  	s16 =	simm.s32 $0x6140;
	v5 =	vld [tilespmem:s17+$0xFFFFFFC0];
	(xrf0) =	vadd.scan.msk.s32 $0xffff, v7  }
0x85: {  	v6 =	vld [tilespmem:s16+$0x30];
	(xrf0) =	vadd.scan.msk.s32 $0xffff, v8  }
0x86: {  	v7 =	vld [tilespmem:s16+$0xFFFFFFD0];
	(xrf0) =	vadd.scan.msk.s32 $0xffff, v9;
	v9, _, _ =	vpop (xrf0)  }
0x87: {  	v10 =	vld [tilespmem:s16+$0xFFFFFFE0];
	v11, _, _ =	vpop (xrf0)  }
0x88: {  	v8 =	vld [tilespmem:s16+$0xFFFFFFF0];
	(xrf0) =	vadd.scan.msk.s32 $0xffff, v4;
	v11 =	vbroadcast v11, $0xF  }
0x89: {  	v4 =	vld [tilespmem:s16+$0x0];
	v9 =	vbroadcast v9, $0xF;
	(xrf0) =	vadd.scan.msk.s32 $0xffff, v5  }
0x8a: {  	v5 =	vld [tilespmem:s16+$0x10];
	(xrf0) =	vadd.scan.msk.s32 $0xffff, v6;
	v12, _, _ =	vpop (xrf0)  }
0x8b: {  	v6 =	vld [tilespmem:s16+$0x20];
	(xrf0) =	vadd.scan.msk.s32 $0xffff, v7;
	[tilespmem:s14+$0x33] =	vst v9;
	v13, _, _ =	vpop (xrf0);
	v9 =	vbroadcast v12, $0xF  }
0x8c: {  	s15 =	simm.s32 $0x8;
	v7 =	vld [tilespmem:s16+$0xFFFFFFC0];
	s16 =	simm.s32 $0x61C0;
	(xrf0) =	vadd.scan.msk.s32 $0xffff, v10;
	[tilespmem:s14+$0xFFFFFFCD] =	vst v11;
	v10 =	vbroadcast v13, $0xF;
	v11, _, _ =	vpop (xrf0)  }
.LBB2_6:
0x8d: {  	v12 =	vld [tilespmem:s16+$0x30];
	s15 =	sadd.s32 $0x8, s15;
	(xrf0) =	vadd.scan.msk.s32 $0xffff, v8;
	[tilespmem:s14+$0xFFFFFFDE] =	vst v9;
	v8 =	vbroadcast v11, $0xF;
	v9, _, _ =	vpop (xrf0)  }
0x8e: {  	v11 =	vld [tilespmem:s16+$0xFFFFFFD0];
	p0 =	slt.u32 s15, $0xF8;
	(xrf0) =	vadd.scan.msk.s32 $0xffff, v4;
	[tilespmem:s14+$0xFFFFFFEF] =	vst v10;
	v4 =	vbroadcast v9, $0xF;
	v9, _, _ =	vpop (xrf0)  }
0x8f: {  	v10 =	vld [tilespmem:s16+$0xFFFFFFE0];
	(xrf0) =	vadd.scan.msk.s32 $0xffff, v5;
	[tilespmem:s14+$0x0] =	vst v8;
	v5 =	vbroadcast v9, $0xF;
	v9, _, _ =	vpop (xrf0)  }
.Ltmp2:
0x90: {  	v8 =	vld [tilespmem:s16+$0xFFFFFFF0];
	(xrf0) =	vadd.scan.msk.s32 $0xffff, v6;
	v6, _, _ =	vpop (xrf0);
	v9 =	vbroadcast v9, $0xF;
	[tilespmem:s14+$0x11] =	vst v4;
	(pc) =	sbr.rel @p0 .LBB2_6-.Ltmp2, $4  }
0x91: {  	v4 =	vld [tilespmem:s16+$0x0];
	v13 =	vbroadcast v6, $0xF;
	(xrf0) =	vadd.scan.msk.s32 $0xffff, v7;
	v6, _, _ =	vpop (xrf0);
	[tilespmem:s14+$0x22] =	vst v5  }
0x92: {  	v5 =	vld [tilespmem:s16+$0x10];
	(xrf0) =	vadd.scan.msk.s32 $0xffff, v12;
	v12 =	vbroadcast v6, $0xF;
	v7, _, _ =	vpop (xrf0);
	[tilespmem:s14+$0xFFFFFFBC] =	vst v9;
	s14 =	sadd.s32 $0x88, s14  }
0x93: {  	v6 =	vld [tilespmem:s16+$0x20];
	(xrf0) =	vadd.scan.msk.s32 $0xffff, v11;
	v9 =	vbroadcast v7, $0xF;
	[tilespmem:s14+$0x33] =	vst v13;
	v11, _, _ =	vpop (xrf0)  }
0x94: {  	v7 =	vld [tilespmem:s16+$0xFFFFFFC0];
	s16 =	sadd.s32 $0x80, s16;
	(xrf0) =	vadd.scan.msk.s32 $0xffff, v10;
	[tilespmem:s14+$0xFFFFFFCD] =	vst v12;
	v10 =	vbroadcast v11, $0xF;
	v11, _, _ =	vpop (xrf0)  }
0x95: {  	(xrf0) =	vadd.scan.msk.s32 $0xffff, v8;
	v8 =	vbroadcast v11, $0xF;
	_ =	sdelay $0x1  }
0x96: {  	[tilespmem:s14+$0xFFFFFFDE] =	vst v9;
	v9, _, _ =	vpop (xrf0)  }
0x97: {  	(xrf0) =	vadd.scan.msk.s32 $0xffff, v4;
	v4 =	vbroadcast v9, $0xF;
	v9, _, _ =	vpop (xrf0)  }
0x98: {  	(xrf0) =	vadd.scan.msk.s32 $0xffff, v5;
	[tilespmem:s14+$0x0] =	vst v8;
	v8, _, _ =	vpop (xrf0)  }
0x99: {  	v5 =	vbroadcast v9, $0xF;
	(xrf0) =	vadd.scan.msk.s32 $0xffff, v6;
	v6, _, _ =	vpop (xrf0)  }
0x9a: {  	[tilespmem:s14+$0x11] =	vst v4;
	v4 =	vbroadcast v6, $0xF;
	v6, _, _ =	vpop (xrf0)  }
0x9b: {  	[tilespmem:s14+$0x22] =	vst v5;
	v8 =	vbroadcast v8, $0xF;
	v5 =	vbroadcast v6, $0xF;
	v6, _, _ =	vpop (xrf0)  }
0x9c: {  	[tilespmem:s14+$0xFFFFFFEF] =	vst v10;
	(xrf0) =	vadd.scan.msk.s32 $0xffff, v7;
	v6 =	vbroadcast v6, $0xF  }
0x9d: {  	s30 =	sadd.s32 $0x88, s14;
	[tilespmem:s14+$0xFFFFFFBC] =	vst v8  }
0x9e: {  	[tilespmem:s30+$0x33] =	vst v4;
	v4, _, _ =	vpop (xrf0)  }
0x9f: {  	[tilespmem:s30+$0xFFFFFFCD] =	vst v5;
	v4 =	vbroadcast v4, $0xF;
	v5, _, _ =	vpop (xrf0)  }
0xa0: {  	[tilespmem:s30+$0xFFFFFFDE] =	vst v6;
	v5 =	vbroadcast v5, $0xF;
	v6, _, _ =	vpop (xrf0)  }
0xa1: {  	[tilespmem:s30+$0xFFFFFFEF] =	vst v4;
	v4 =	vbroadcast v6, $0xF;
	v6, _, _ =	vpop (xrf0)  }
0xa2: {  	[tilespmem:s30+$0x0] =	vst v5;
	v5 =	vbroadcast v6, $0xF;
	v6, _, _ =	vpop (xrf0)  }
0xa3: {  	v6 =	vbroadcast v6, $0xF;
	[tilespmem:s30+$0x11] =	vst v4  }
0xa4: {  	[tilespmem:s30+$0x22] =	vst v5  }
0xa5: {  	[tilespmem:s30+$0xFFFFFFBC] =	vst v6  }
0xa6: {  	v4 =	vld.idx.msk [tilespmem:v1+s10+$0x0], $0xffff  }
0xa7: {  	v5 =	vld.idx.msk [tilespmem:v20+s10+$0x0], $0xffff  }
0xa8: {  	v6 =	vld.idx.msk [tilespmem:v48+s10+$0x0], $0xffff  }
0xa9: {  	v7 =	vld.idx.msk [tilespmem:v49+s10+$0x0], $0xffff  }
0xaa: {  	v8 =	vld.idx.msk [tilespmem:v50+s10+$0x0], $0xffff  }
0xab: {  	v9 =	vld.idx.msk [tilespmem:v51+s10+$0x0], $0xffff  }
0xac: {  	v4 =	vadd.s32 v4, v5;
	v5 =	vld.idx.msk [tilespmem:v52+s10+$0x0], $0xffff  }
0xad: {  	v4 =	vadd.s32 v6, v4;
	v6 =	vld.idx.msk [tilespmem:v53+s10+$0x0], $0xffff  }
0xae: {  	v4 =	vadd.s32 v7, v4;
	v7 =	vld.idx.msk [tilespmem:v54+s10+$0x0], $0xffff  }
0xaf: {  	v4 =	vadd.s32 v8, v4;
	v8 =	vld.idx.msk [tilespmem:v55+s10+$0x0], $0xffff  }
0xb0: {  	v4 =	vadd.s32 v9, v4;
	v9 =	vld.idx.msk [tilespmem:v56+s10+$0x0], $0xffff  }
0xb1: {  	v4 =	vadd.s32 v5, v4  }
0xb2: {  	v4 =	vadd.s32 v6, v4;
	v6 =	vld [tilespmem:$0x1FF00]  }
0xb3: {  	v4 =	vadd.s32 v7, v4;
	v7 =	vld [tilespmem:$0x1FF10]  }
0xb4: {  	v4 =	vadd.s32 v8, v4;
	v8 =	vld [tilespmem:$0x1FF20]  }
0xb5: {  	v4 =	vadd.s32 v9, v4;
	v9 =	vld [tilespmem:$0x1FF30];
	_ =	sdelay $0x3  }
0xb6: {  	v5 =	vld.idx.msk [tilespmem:v57+s10+$0x0], $0xffff  }
0xb7: {  	v6 =	vld.idx.msk [tilespmem:v6+s10+$0x0], $0xffff  }
0xb8: {  	v7 =	vld.idx.msk [tilespmem:v7+s10+$0x0], $0xffff  }
0xb9: {  	v8 =	vld.idx.msk [tilespmem:v8+s10+$0x0], $0xffff  }
0xba: {  	v9 =	vld.idx.msk [tilespmem:v9+s10+$0x0], $0xffff  }
0xbb: {  	v4 =	vadd.s32 v5, v4  }
0xbc: {  	v4 =	vadd.s32 v6, v4  }
0xbd: {  	v4 =	vadd.s32 v7, v4  }
0xbe: {  	v4 =	vadd.s32 v8, v4  }
0xbf: {  	v4 =	vadd.s32 v9, v4  }
0xc0: {  	v5 =	vperm.xlane v4, v19;
	_ =	sdelay $0x1  }
0xc1: {  	(xrf0) =	vadd.scan.msk.s32 $0xffff, v5;
	_ =	sdelay $0x5  }
0xc2: {  	v5, _, _ =	vpop (xrf0)  }
0xc3: {  	v5 =	vperm.xlane v5, v19;
	_ =	sdelay $0x1  }
0xc4: {  	vm0 =	vgt.s32 v5, $0x200  }
0xc5: {  	v6 =	vmpcnt.ones.xlane vm0  }
0xc6: {  	vm0 =	vgt.s32 v5, $0x201  }
0xc7: {  	v7 =	vmpcnt.ones.xlane vm0;
	v6 =	vadd.s32 $0xFFFFFFFF, v6  }
0xc8: {  	v8 =	vmul.u32 $0x110, v6  }
0xc9: {  	v7 =	vadd.s32 $0xFFFFFFFF, v7  }
0xca: {  	v9 =	vmul.u32 $0x110, v7;
	v8 =	vadd.s32 v46, v8;
	_ =	sdelay $0x1  }
0xcb: {  	v9 =	vadd.s32 v46, v9;
	_ =	sdelay $0x2  }
0xcc: {  	v43 =	vld.idx.msk [tilespmem:v8+s10+$0x0], $0xffff;
	_ =	sdelay $0x1  }
0xcd: {  	s31 =	simm.s32 $0x40;
	v41 =	vld.idx.msk [tilespmem:v9+s10+$0x0], $0xffff  }
0xce: {  	v13 =	vld [tilespmem:s31+$0x20]  }
0xcf: {  	v4 =	vsub.s32 v5, v4;
	vm0 =	veq.s32 v6, v0  }
0xd0: {  	v5 =	vnsel vm0, $0x0, v4;
	v8 =	vperm.xlane v43, v19  }
0xd1: {  	v14 =	vld [tilespmem:s31+$0xFFFFFFC0];
	vm0 =	veq.s32 v7, v0;
	(xrf0) =	vadd.scan.msk.s32 $0xffff, v5  }
0xd2: {  	v4 =	vnsel vm0, $0x0, v4;
	v5 =	vperm.xlane v41, v19;
	(xrf0) =	vadd.scan.msk.s32 $0xffff, v8  }
0xd3: {  	v26 =	vmul.f32 $8.000000000e+00, v13;
	(xrf0) =	vadd.scan.msk.s32 $0xffff, v4  }
0xd4: {  	v9 =	vld [tilespmem:s31+$0xFFFFFFF0];
	(xrf0) =	vadd.scan.msk.s32 $0xffff, v5  }
0xd5: {  	v26 =	vadd.f32 $1.152000000e+03, v26  }
0xd6: {  	v27 =	vmul.f32 $8.000000000e+00, v14  }
0xd7: {  	v26 =	vmax.f32 v26, $1.024000000e+03;
	v42, _, _ =	vpop (xrf0)  }
0xd8: {  	v27 =	vadd.f32 $1.152000000e+03, v27;
	v26 =	vmin.f32 v26, $1.280000000e+03;
	v4, _, _ =	vpop (xrf0)  }
0xd9: {  	v26 =	vtrunc.f32 v26;
	v17 =	vmul.f32 $8.000000000e+00, v9;
	v62, _, _ =	vpop (xrf0)  }
0xda: {  	v27 =	vmax.f32 v27, $1.024000000e+03;
	v5 =	vbroadcast v42, $0xF;
	v22 =	vperm.xlane v4, v19;
	v4, _, _ =	vpop (xrf0)  }
0xdb: {  	v27 =	vmin.f32 v27, $1.280000000e+03;
	v8 =	vbroadcast v62, $0xF;
	v44 =	vperm.xlane v4, v19  }
0xdc: {  	v27 =	vtrunc.f32 v27;
	v26 =	vcvt.f32.s32 v26;
	v4 =	vadd.s32 v22, v5  }
0xdd: {  	v17 =	vadd.f32 $1.152000000e+03, v17;
	vm0 =	vgt.s32 v4, $0x200;
	v5 =	vadd.s32 v44, v8  }
0xde: {  	v26 =	vadd.s32 $0xFFFFFC00, v26;
	v4 =	vmpcnt.ones.xlane vm0;
	v8 =	vld [tilespmem:s31+$0xFFFFFFE0];
	vm1 =	vgt.s32 v5, $0x201  }
0xdf: {  	v6 =	vshll.u32 v6, $0x4;
	v17 =	vmax.f32 v17, $1.024000000e+03;
	v5 =	vmpcnt.ones.xlane vm1  }
0xe0: {  	v17 =	vmin.f32 v17, $1.280000000e+03;
	v45 =	vadd.s32 $0xFFFFFFFF, v4;
	v4 =	vshll.u32 v7, $0x4;
	v7 =	vld [tilespmem:s31+$0xFFFFFFD0]  }
0xe1: {  	v17 =	vtrunc.f32 v17;
	v58 =	vadd.s32 v6, v45;
	v6 =	vld [tilespmem:s31+$0x30];
	v24 =	vadd.s32 $0xFFFFFFFF, v5  }
0xe2: {  	v17 =	vcvt.f32.s32 v17;
	v59 =	vadd.s32 v4, v24;
	v4 =	vcvt.s32.f32 v58  }
0xe3: {  	vm6 =	vgt.s32 v26, $0x0;
	v15 =	vmul.f32 $8.000000000e+00, v8;
	v5 =	vcvt.s32.f32 v59  }
0xe4: {  	v26 =	vnsel vm6, $0x0, v26;
	v17 =	vadd.s32 $0xFFFFFC00, v17;
	v4 =	vmul.f32 $1.250000000e-01, v4  }
0xe5: {  	v11 =	vmul.f32 $8.000000000e+00, v7;
	v15 =	vadd.f32 $1.152000000e+03, v15;
	v5 =	vmul.f32 $1.250000000e-01, v5  }
0xe6: {  	vm3 =	vgt.s32 v17, $0x0;
	v10 =	vmul.f32 $8.000000000e+00, v6;
	v60 =	vadd.f32 $-1.600000000e+01, v4  }
0xe7: {  	v11 =	vadd.f32 $1.152000000e+03, v11;
	v15 =	vmax.f32 v15, $1.024000000e+03;
	v61 =	vadd.f32 $-1.600000000e+01, v5  }
0xe8: {  	v10 =	vadd.f32 $1.152000000e+03, v10;
	v15 =	vmin.f32 v15, $1.280000000e+03;
	v12 =	vsub.f32 v7, v60  }
0xe9: {  	v4 =	vld [tilespmem:s31+$0x0];
	v16 =	vsub.f32 v8, v60;
	v11 =	vmax.f32 v11, $1.024000000e+03;
	v28 =	vsub.f32 v6, v60  }
0xea: {  	v15 =	vtrunc.f32 v15;
	v31 =	vsub.f32 v13, v60;
	v7 =	vsub.f32 v7, v61  }
0xeb: {  	v8 =	vsub.f32 v8, v61;
	v10 =	vmax.f32 v10, $1.024000000e+03;
	v6 =	vsub.f32 v6, v61  }
0xec: {  	v5 =	vld [tilespmem:s31+$0x10];
	v11 =	vmin.f32 v11, $1.280000000e+03;
	v15 =	vcvt.f32.s32 v15;
	v28 =	vmul.f32 $2.048000000e+03, v28  }
0xed: {  	v10 =	vmin.f32 v10, $1.280000000e+03;
	v11 =	vtrunc.f32 v11;
	v12 =	vmul.f32 $2.048000000e+03, v12  }
0xee: {  	v13 =	vsub.f32 v13, v61;
	v18 =	vmul.f32 $8.000000000e+00, v4;
	v10 =	vtrunc.f32 v10  }
0xef: {  	v6 =	vmul.f32 $2.048000000e+03, v6;
	v11 =	vcvt.f32.s32 v11;
	v29 =	vsub.f32 v4, v60  }
0xf0: {  	v4 =	vsub.f32 v4, v61;
	v32 =	vmul.f32 $2.048000000e+03, v7;
	v13 =	vmul.f32 $2.048000000e+03, v13  }
0xf1: {  	v15 =	vadd.s32 $0xFFFFFC00, v15;
	v25 =	vmul.f32 $8.000000000e+00, v5;
	v10 =	vcvt.f32.s32 v10  }
0xf2: {  	v28 =	vmax.f32 v28, $0.0e+00;
	v30 =	vsub.f32 v5, v60;
	v5 =	vsub.f32 v5, v61  }
0xf3: {  	vm2 =	vgt.s32 v15, $0x0;
	v18 =	vadd.f32 $1.152000000e+03, v18;
	v10 =	vadd.s32 $0xFFFFFC00, v10  }
0xf4: {  	v6 =	vmax.f32 v6, $0.0e+00;
	v25 =	vadd.f32 $1.152000000e+03, v25;
	vm0 =	vgt.s32 v10, $0x0  }
0xf5: {  	v28 =	vmin.f32 v28, $2.560000000e+02;
	v6 =	vmin.f32 v6, $2.560000000e+02;
	v10 =	vnsel vm0, $0x0, v10  }
0xf6: {  	v18 =	vmax.f32 v18, $1.024000000e+03;
	v25 =	vmax.f32 v25, $1.024000000e+03;
	v10 =	vmin.u32 v10, $0xFF  }
0xf7: {  	v18 =	vmin.f32 v18, $1.280000000e+03;
	v25 =	vmin.f32 v25, $1.280000000e+03;
	vm0 =	veq.s32 v10, v58  }
0xf8: {  	v18 =	vtrunc.f32 v18;
	v25 =	vtrunc.f32 v25;
	v6 =	vsel vm0, v28, v6  }
0xf9: {  	v12 =	vmax.f32 v12, $0.0e+00;
	v18 =	vcvt.f32.s32 v18;
	v6 =	vtrunc.f32 v6  }
0xfa: {  	v13 =	vmax.f32 v13, $0.0e+00;
	v25 =	vcvt.f32.s32 v25;
	v6 =	vcvt.f32.s32 v6  }
0xfb: {  	v11 =	vadd.s32 $0xFFFFFC00, v11;
	v12 =	vmin.f32 v12, $2.560000000e+02;
	v13 =	vmin.f32 v13, $2.560000000e+02  }
0xfc: {  	v18 =	vadd.s32 $0xFFFFFC00, v18;
	v25 =	vadd.s32 $0xFFFFFC00, v25;
	vm1 =	vgt.s32 v6, $0x0  }
0xfd: {  	vm4 =	vgt.s32 v18, $0x0;
	vm5 =	vgt.s32 v25, $0x0;
	v6 =	vnsel vm1, $0x0, v6  }
0xfe: {  	vm1 =	veq.s32 v10, v59;
	v10 =	vsel vm0, $0x1000, v21;
	v6 =	vmin.u32 v6, $0xFF  }
0xff: {  	vm7 =	vmor vm0, vm1;
	vm1 =	vgt.s32 v11, $0x0;
	v6 =	vshll.u32 v6, $0x4  }
0x100: {  	v7 =	vnsel vm1, $0x0, v11;
	v11 =	vmul.f32 $2.048000000e+03, v16;
	v16 =	vmul.f32 $2.048000000e+03, v8  }
0x101: {  	v8 =	vnsel vm2, $0x0, v15;
	v28 =	vor.u32 v0, v6;
	v6 =	vand.u32 $0xF80, v6  }
0x102: {  	v6 =	vor.u32 v10, v6;
	v10 =	vand.u32 $0x7F, v28;
	v28 =	vsub.f32 v9, v60  }
0x103: {  	v9 =	vsub.f32 v9, v61;
	v11 =	vmax.f32 v11, $0.0e+00;
	v16 =	vmax.f32 v16, $0.0e+00  }
0x104: {  	v6 =	vor.u32 v10, v6;
	v10 =	vcvt.f32.s32 v27;
	v27 =	vsub.f32 v14, v60  }
0x105: {  	v14 =	vsub.f32 v14, v61;
	v11 =	vmin.f32 v11, $2.560000000e+02;
	v16 =	vmin.f32 v16, $2.560000000e+02  }
0x106: {  	v15 =	vmul.f32 $2.048000000e+03, v28;
	v28 =	vmul.f32 $2.048000000e+03, v9;
	v9 =	vnsel vm3, $0x0, v17  }
0x107: {  	v17 =	vmul.f32 $2.048000000e+03, v29;
	v29 =	vmul.f32 $2.048000000e+03, v4;
	v4 =	vnsel vm4, $0x0, v18  }
0x108: {  	v18 =	vmul.f32 $2.048000000e+03, v30;
	v30 =	vmul.f32 $2.048000000e+03, v5;
	v5 =	vnsel vm5, $0x0, v25  }
0x109: {  	v25 =	vmul.f32 $2.048000000e+03, v31;
	v31 =	vmin.u32 v7, $0xFF;
	v7 =	vmin.u32 v8, $0xFF  }
0x10a: {  	v10 =	vadd.s32 $0xFFFFFC00, v10;
	v27 =	vmul.f32 $2.048000000e+03, v27;
	v14 =	vmul.f32 $2.048000000e+03, v14  }
0x10b: {  	v8 =	vmin.u32 v9, $0xFF;
	v9 =	vmin.u32 v4, $0xFF;
	v5 =	vmin.u32 v5, $0xFF  }
0x10c: {  	v4 =	vmin.u32 v26, $0xFF;
	v26 =	vmax.f32 v32, $0.0e+00;
	vm4 =	veq.s32 v31, v58  }
0x10d: {  	vm6 =	veq.s32 v7, v58;
	vm0 =	vgt.s32 v10, $0x0;
	v15 =	vmax.f32 v15, $0.0e+00  }
0x10e: {  	v28 =	vmax.f32 v28, $0.0e+00;
	v17 =	vmax.f32 v17, $0.0e+00;
	v29 =	vmax.f32 v29, $0.0e+00  }
0x10f: {  	v18 =	vmax.f32 v18, $0.0e+00;
	v30 =	vmax.f32 v30, $0.0e+00;
	v25 =	vmax.f32 v25, $0.0e+00  }
0x110: {  	vm3 =	veq.s32 v8, v58;
	vm1 =	veq.s32 v9, v58;
	vm2 =	veq.s32 v5, v58  }
0x111: {  	v26 =	vmin.f32 v26, $2.560000000e+02;
	v11 =	vsel vm6, v11, v16;
	v10 =	vnsel vm0, $0x0, v10  }
0x112: {  	v27 =	vmax.f32 v27, $0.0e+00;
	v14 =	vmax.f32 v14, $0.0e+00;
	vm0 =	veq.s32 v4, v58  }
0x113: {  	v15 =	vmin.f32 v15, $2.560000000e+02;
	v28 =	vmin.f32 v28, $2.560000000e+02;
	v17 =	vmin.f32 v17, $2.560000000e+02  }
0x114: {  	v29 =	vmin.f32 v29, $2.560000000e+02;
	v18 =	vmin.f32 v18, $2.560000000e+02;
	v30 =	vmin.f32 v30, $2.560000000e+02  }
0x115: {  	v25 =	vmin.f32 v25, $2.560000000e+02;
	v12 =	vsel vm4, v12, v26;
	v11 =	vtrunc.f32 v11  }
0x116: {  	v26 =	vsel vm6, $0x1000, v21;
	v10 =	vmin.u32 v10, $0xFF;
	v27 =	vmin.f32 v27, $2.560000000e+02  }
0x117: {  	v14 =	vmin.f32 v14, $2.560000000e+02;
	v15 =	vsel vm3, v15, v28;
	v16 =	vsel vm1, v17, v29  }
0x118: {  	v17 =	vsel vm2, v18, v30;
	v13 =	vsel vm0, v25, v13;
	v12 =	vtrunc.f32 v12  }
0x119: {  	v25 =	vsel vm4, $0x1000, v21;
	v11 =	vcvt.f32.s32 v11;
	v28 =	vsel vm1, $0x1000, v21  }
0x11a: {  	[tilespmem:v6+s9+$0x0] =	vst.idx.add.s32.msk vm7, v3;
	vm7 =	veq.s32 v9, v59;
	v15 =	vtrunc.f32 v15;
	v16 =	vtrunc.f32 v16  }
0x11b: {  	vm5 =	veq.s32 v10, v58;
	v17 =	vtrunc.f32 v17;
	v13 =	vtrunc.f32 v13  }
0x11c: {  	v12 =	vcvt.f32.s32 v12;
	v14 =	vsel vm5, v27, v14;
	v18 =	vsel vm5, $0x1000, v21  }
0x11d: {  	v27 =	vsel vm3, $0x1000, v21;
	v15 =	vcvt.f32.s32 v15;
	v16 =	vcvt.f32.s32 v16  }
0x11e: {  	v17 =	vcvt.f32.s32 v17;
	vm10 =	vgt.s32 v11, $0x0;
	v13 =	vcvt.f32.s32 v13  }
0x11f: {  	v14 =	vtrunc.f32 v14;
	vm9 =	vgt.s32 v12, $0x0;
	v11 =	vnsel vm10, $0x0, v11  }
0x120: {  	vm10 =	veq.s32 v8, v59;
	v14 =	vcvt.f32.s32 v14;
	vm11 =	vgt.s32 v15, $0x0  }
0x121: {  	vm12 =	vgt.s32 v16, $0x0;
	v12 =	vnsel vm9, $0x0, v12;
	vm9 =	vgt.s32 v13, $0x0  }
0x122: {  	v11 =	vmin.u32 v11, $0xFF;
	v15 =	vnsel vm11, $0x0, v15;
	v16 =	vnsel vm12, $0x0, v16  }
0x123: {  	v13 =	vnsel vm9, $0x0, v13;
	v12 =	vmin.u32 v12, $0xFF;
	v11 =	vshll.u32 v11, $0x4  }
0x124: {  	vm9 =	veq.s32 v10, v59;
	vm11 =	veq.s32 v7, v59;
	vm8 =	vgt.s32 v14, $0x0  }
0x125: {  	v15 =	vmin.u32 v15, $0xFF;
	v16 =	vmin.u32 v16, $0xFF;
	v13 =	vmin.u32 v13, $0xFF  }
0x126: {  	v12 =	vshll.u32 v12, $0x4;
	v63 =	vor.u32 v0, v11;
	v33 =	vand.u32 $0xF80, v11  }
0x127: {  	v14 =	vnsel vm8, $0x0, v14;
	vm8 =	vgt.s32 v17, $0x0;
	v15 =	vshll.u32 v15, $0x4  }
0x128: {  	v16 =	vshll.u32 v16, $0x4;
	v13 =	vshll.u32 v13, $0x4;
	v30 =	vor.u32 v0, v12  }
0x129: {  	v12 =	vand.u32 $0xF80, v12;
	v14 =	vmin.u32 v14, $0xFF;
	v17 =	vnsel vm8, $0x0, v17  }
0x12a: {  	v34 =	vor.u32 v0, v15;
	v15 =	vand.u32 $0xF80, v15;
	v35 =	vor.u32 v0, v16  }
0x12b: {  	v36 =	vand.u32 $0xF80, v16;
	v39 =	vor.u32 v0, v13;
	v40 =	vand.u32 $0xF80, v13  }
0x12c: {  	v12 =	vor.u32 v25, v12;
	v25 =	vsel vm2, $0x1000, v21;
	v13 =	vor.u32 v26, v33  }
0x12d: {  	v26 =	vsel vm0, $0x1000, v21;
	v16 =	vand.u32 $0x7F, v30;
	vm8 =	veq.s32 v31, v59  }
0x12e: {  	v17 =	vmin.u32 v17, $0xFF;
	v14 =	vshll.u32 v14, $0x4;
	v15 =	vor.u32 v27, v15  }
0x12f: {  	v27 =	vand.u32 $0x7F, v34;
	v26 =	vor.u32 v26, v40;
	v6 =	vand.u32 $0x7F, v39  }
0x130: {  	v17 =	vshll.u32 v17, $0x4;
	v29 =	vor.u32 v0, v14;
	v14 =	vand.u32 $0xF80, v14  }
0x131: {  	v37 =	vor.u32 v0, v17;
	v38 =	vand.u32 $0xF80, v17;
	v11 =	vor.u32 v18, v14  }
0x132: {  	s17 =	simm.s32 $0x0;
	v29 =	vand.u32 $0x7F, v29;
	v18 =	vand.u32 $0x7F, v63;
	v14 =	vor.u32 v28, v36  }
0x133: {  	s15 =	simm.s32 $0x70F0;
	s18 =	simm.s32 $0xC0;
	s14 =	simm.s32 $0xA191;
	v17 =	vand.u32 $0x7F, v35;
	v25 =	vor.u32 v25, v38;
	v28 =	vand.u32 $0x7F, v37  }
.LBB2_8:
0x134: {  	v30 =	vld [tilespmem:s18+$0x30];
	s17 =	sadd.s32 $0x8, s17;
	v29 =	vor.u32 v29, v11;
	vm12 =	veq.s32 v5, v59;
	vm13 =	veq.s32 v4, v59  }
0x135: {  	v12 =	vor.u32 v16, v12;
	v13 =	vor.u32 v18, v13;
	v15 =	vor.u32 v27, v15;
	v5 =	vld [tilespmem:s18+$0xFFFFFFD0];
	p0 =	slt.u32 s17, $0x1F8  }
0x136: {  	v14 =	vor.u32 v17, v14;
	v16 =	vor.u32 v28, v25;
	v17 =	vor.u32 v6, v26;
	v7 =	vld [tilespmem:s18+$0xFFFFFFE0]  }
0x137: {  	vm9 =	vmor vm5, vm9;
	vm8 =	vmor vm4, vm8;
	vm5 =	vmor vm6, vm11;
	v9 =	vld [tilespmem:s18+$0xFFFFFFF0]  }
0x138: {  	vm4 =	vmor vm3, vm10;
	vm3 =	vmor vm1, vm7;
	vm1 =	vmor vm2, vm12;
	v10 =	vld [tilespmem:s18+$0x0]  }
0x139: {  	vm0 =	vmor vm0, vm13;
	v8 =	vld [tilespmem:s18+$0x10];
	v18 =	vmul.f32 $8.000000000e+00, v30  }
0x13a: {  	v25 =	vmul.f32 $8.000000000e+00, v5;
	v4 =	vsub.f32 v5, v60;
	v5 =	vsub.f32 v5, v61;
	v11 =	vld [tilespmem:s18+$0x20]  }
0x13b: {  	v26 =	vld [tilespmem:s18+$0xFFFFFFC0];
	v27 =	vmul.f32 $8.000000000e+00, v7;
	v6 =	vsub.f32 v7, v60;
	v18 =	vadd.f32 $1.152000000e+03, v18  }
0x13c: {  	v7 =	vsub.f32 v7, v61;
	v25 =	vadd.f32 $1.152000000e+03, v25;
	v28 =	vmul.f32 $8.000000000e+00, v9  }
0x13d: {  	v27 =	vadd.f32 $1.152000000e+03, v27;
	v31 =	vmul.f32 $8.000000000e+00, v10;
	v18 =	vmax.f32 v18, $1.024000000e+03;
	[tilespmem:v29+s9+$0x0] =	vst.idx.add.s32.msk vm9, v3  }
0x13e: {  	v28 =	vadd.f32 $1.152000000e+03, v28;
	v29 =	vmul.f32 $8.000000000e+00, v8;
	v18 =	vmin.f32 v18, $1.280000000e+03;
	[tilespmem:v12+s9+$0x0] =	vst.idx.add.s32.msk vm8, v3  }
0x13f: {  	v12 =	vadd.f32 $1.152000000e+03, v31;
	v31 =	vmul.f32 $8.000000000e+00, v11;
	v18 =	vtrunc.f32 v18;
	[tilespmem:v13+s9+$0x0] =	vst.idx.add.s32.msk vm5, v3  }
0x140: {  	v13 =	vmul.f32 $8.000000000e+00, v26;
	v29 =	vadd.f32 $1.152000000e+03, v29;
	v18 =	vcvt.f32.s32 v18;
	[tilespmem:v15+s9+$0x0] =	vst.idx.add.s32.msk vm4, v3  }
0x141: {  	v15 =	vmax.f32 v25, $1.024000000e+03;
	v25 =	vsub.f32 v30, v60;
	v30 =	vsub.f32 v30, v61;
	[tilespmem:v14+s9+$0x0] =	vst.idx.add.s32.msk vm3, v3  }
0x142: {  	v14 =	vadd.f32 $1.152000000e+03, v31;
	v13 =	vadd.f32 $1.152000000e+03, v13;
	v18 =	vadd.s32 $0xFFFFFC00, v18;
	[tilespmem:v16+s9+$0x0] =	vst.idx.add.s32.msk vm1, v3  }
0x143: {  	v16 =	vmul.f32 $2.048000000e+03, v25;
	v25 =	vmul.f32 $2.048000000e+03, v30;
	vm1 =	vgt.s32 v18, $0x0;
	[tilespmem:v17+s9+$0x0] =	vst.idx.add.s32.msk vm0, v3  }
0x144: {  	v17 =	vmax.f32 v27, $1.024000000e+03;
	v13 =	vmax.f32 v13, $1.024000000e+03;
	v18 =	vnsel vm1, $0x0, v18  }
0x145: {  	v16 =	vmax.f32 v16, $0.0e+00;
	v25 =	vmax.f32 v25, $0.0e+00;
	v18 =	vmin.u32 v18, $0xFF  }
0x146: {  	v16 =	vmin.f32 v16, $2.560000000e+02;
	v25 =	vmin.f32 v25, $2.560000000e+02;
	vm0 =	veq.s32 v18, v58  }
0x147: {  	v12 =	vmax.f32 v12, $1.024000000e+03;
	v27 =	vmax.f32 v28, $1.024000000e+03;
	v16 =	vsel vm0, v16, v25  }
0x148: {  	v14 =	vmax.f32 v14, $1.024000000e+03;
	v25 =	vmax.f32 v29, $1.024000000e+03;
	v16 =	vtrunc.f32 v16  }
0x149: {  	v15 =	vmin.f32 v15, $1.280000000e+03;
	v13 =	vmin.f32 v13, $1.280000000e+03;
	v16 =	vcvt.f32.s32 v16  }
0x14a: {  	v12 =	vmin.f32 v12, $1.280000000e+03;
	v17 =	vmin.f32 v17, $1.280000000e+03;
	v27 =	vmin.f32 v27, $1.280000000e+03  }
0x14b: {  	v14 =	vmin.f32 v14, $1.280000000e+03;
	v25 =	vmin.f32 v25, $1.280000000e+03;
	vm1 =	vgt.s32 v16, $0x0  }
0x14c: {  	v15 =	vtrunc.f32 v15;
	v13 =	vtrunc.f32 v13;
	v16 =	vnsel vm1, $0x0, v16  }
0x14d: {  	v17 =	vtrunc.f32 v17;
	v27 =	vtrunc.f32 v27;
	v16 =	vmin.u32 v16, $0xFF  }
0x14e: {  	v12 =	vtrunc.f32 v12;
	vm1 =	veq.s32 v18, v59;
	v16 =	vshll.u32 v16, $0x4  }
0x14f: {  	v18 =	vsel vm0, $0x1000, v21;
	v28 =	vor.u32 v0, v16;
	v16 =	vand.u32 $0xF80, v16  }
0x150: {  	vm0 =	vmor vm0, vm1;
	v16 =	vor.u32 v18, v16;
	v18 =	vand.u32 $0x7F, v28  }
0x151: {  	v14 =	vtrunc.f32 v14;
	v25 =	vtrunc.f32 v25;
	v16 =	vor.u32 v18, v16  }
0x152: {  	v15 =	vcvt.f32.s32 v15;
	v13 =	vcvt.f32.s32 v13;
	v18 =	vsub.f32 v26, v60  }
0x153: {  	v17 =	vcvt.f32.s32 v17;
	v27 =	vcvt.f32.s32 v27;
	v26 =	vsub.f32 v26, v61  }
0x154: {  	v12 =	vcvt.f32.s32 v12;
	v25 =	vcvt.f32.s32 v25;
	v28 =	vsub.f32 v9, v60  }
0x155: {  	v14 =	vcvt.f32.s32 v14;
	v29 =	vsub.f32 v10, v60;
	v9 =	vsub.f32 v9, v61  }
0x156: {  	s16 =	simm.s32 $0x0;
	v30 =	vsub.f32 v8, v60;
	v10 =	vsub.f32 v10, v61;
	v13 =	vadd.s32 $0xFFFFFC00, v13;
	[tilespmem:v16+s9+$0x0] =	vst.idx.add.s32.msk vm0, v3  }
0x157: {  	v8 =	vsub.f32 v8, v61;
	v15 =	vadd.s32 $0xFFFFFC00, v15;
	v16 =	vsub.f32 v11, v60  }
0x158: {  	v17 =	vadd.s32 $0xFFFFFC00, v17;
	v27 =	vadd.s32 $0xFFFFFC00, v27;
	v11 =	vsub.f32 v11, v61  }
0x159: {  	v12 =	vadd.s32 $0xFFFFFC00, v12;
	v14 =	vadd.s32 $0xFFFFFC00, v14;
	v25 =	vadd.s32 $0xFFFFFC00, v25  }
0x15a: {  	vm2 =	vgt.s32 v17, $0x0;
	vm1 =	vgt.s32 v15, $0x0;
	vm0 =	vgt.s32 v13, $0x0  }
0x15b: {  	vm4 =	vgt.s32 v12, $0x0;
	vm3 =	vgt.s32 v27, $0x0;
	vm5 =	vgt.s32 v25, $0x0  }
0x15c: {  	vm6 =	vgt.s32 v14, $0x0;
	v18 =	vmul.f32 $2.048000000e+03, v18;
	v26 =	vmul.f32 $2.048000000e+03, v26  }
0x15d: {  	v32 =	vmul.f32 $2.048000000e+03, v5;
	v31 =	vmul.f32 $2.048000000e+03, v4;
	v13 =	vnsel vm0, $0x0, v13  }
0x15e: {  	v33 =	vmul.f32 $2.048000000e+03, v7;
	v4 =	vnsel vm1, $0x0, v15;
	v15 =	vmul.f32 $2.048000000e+03, v6  }
0x15f: {  	v5 =	vnsel vm2, $0x0, v17;
	v17 =	vmul.f32 $2.048000000e+03, v28;
	v28 =	vmul.f32 $2.048000000e+03, v9  }
0x160: {  	v9 =	vnsel vm3, $0x0, v27;
	v27 =	vmul.f32 $2.048000000e+03, v29;
	v29 =	vmul.f32 $2.048000000e+03, v10  }
0x161: {  	v10 =	vnsel vm4, $0x0, v12;
	v12 =	vmul.f32 $2.048000000e+03, v30;
	v30 =	vmul.f32 $2.048000000e+03, v8  }
0x162: {  	v25 =	vnsel vm5, $0x0, v25;
	v16 =	vmul.f32 $2.048000000e+03, v16;
	v11 =	vmul.f32 $2.048000000e+03, v11  }
0x163: {  	v7 =	vmin.u32 v4, $0xFF;
	v4 =	vnsel vm6, $0x0, v14;
	v6 =	vmin.u32 v13, $0xFF  }
0x164: {  	v8 =	vmin.u32 v5, $0xFF;
	v9 =	vmin.u32 v9, $0xFF;
	v10 =	vmin.u32 v10, $0xFF  }
0x165: {  	v4 =	vmin.u32 v4, $0xFF;
	v5 =	vmin.u32 v25, $0xFF;
	v13 =	vmax.f32 v18, $0.0e+00  }
0x166: {  	v25 =	vmax.f32 v32, $0.0e+00;
	v14 =	vmax.f32 v26, $0.0e+00;
	v18 =	vmax.f32 v31, $0.0e+00  }
0x167: {  	v15 =	vmax.f32 v15, $0.0e+00;
	v17 =	vmax.f32 v17, $0.0e+00;
	v26 =	vmax.f32 v33, $0.0e+00  }
0x168: {  	v28 =	vmax.f32 v28, $0.0e+00;
	v27 =	vmax.f32 v27, $0.0e+00;
	v29 =	vmax.f32 v29, $0.0e+00  }
0x169: {  	v12 =	vmax.f32 v12, $0.0e+00;
	v30 =	vmax.f32 v30, $0.0e+00;
	v16 =	vmax.f32 v16, $0.0e+00  }
0x16a: {  	vm4 =	veq.s32 v7, v58;
	vm5 =	veq.s32 v6, v58;
	v11 =	vmax.f32 v11, $0.0e+00  }
0x16b: {  	vm6 =	veq.s32 v8, v58;
	vm3 =	veq.s32 v9, v58;
	vm1 =	veq.s32 v10, v58  }
0x16c: {  	vm2 =	veq.s32 v5, v58;
	vm0 =	veq.s32 v4, v58;
	v13 =	vmin.f32 v13, $2.560000000e+02  }
0x16d: {  	v25 =	vmin.f32 v25, $2.560000000e+02;
	v14 =	vmin.f32 v14, $2.560000000e+02;
	v18 =	vmin.f32 v18, $2.560000000e+02  }
0x16e: {  	v15 =	vmin.f32 v15, $2.560000000e+02;
	v17 =	vmin.f32 v17, $2.560000000e+02;
	v26 =	vmin.f32 v26, $2.560000000e+02  }
0x16f: {  	v28 =	vmin.f32 v28, $2.560000000e+02;
	v27 =	vmin.f32 v27, $2.560000000e+02;
	v29 =	vmin.f32 v29, $2.560000000e+02  }
0x170: {  	v12 =	vmin.f32 v12, $2.560000000e+02;
	v30 =	vmin.f32 v30, $2.560000000e+02;
	v16 =	vmin.f32 v16, $2.560000000e+02  }
0x171: {  	v13 =	vsel vm5, v13, v14;
	v14 =	vsel vm4, v18, v25;
	v11 =	vmin.f32 v11, $2.560000000e+02  }
0x172: {  	v17 =	vsel vm3, v17, v28;
	v15 =	vsel vm6, v15, v26;
	v18 =	vsel vm1, v27, v29  }
0x173: {  	v12 =	vsel vm2, v12, v30;
	v13 =	vtrunc.f32 v13;
	v11 =	vsel vm0, v16, v11  }
0x174: {  	v15 =	vtrunc.f32 v15;
	v14 =	vtrunc.f32 v14;
	v16 =	vsel vm5, $0x1000, v21  }
0x175: {  	v17 =	vtrunc.f32 v17;
	v25 =	vsel vm4, $0x1000, v21;
	v18 =	vtrunc.f32 v18  }
0x176: {  	v26 =	vsel vm6, $0x1000, v21;
	v12 =	vtrunc.f32 v12;
	v11 =	vtrunc.f32 v11  }
0x177: {  	v27 =	vsel vm3, $0x1000, v21;
	v13 =	vcvt.f32.s32 v13;
	v14 =	vcvt.f32.s32 v14  }
0x178: {  	v28 =	vsel vm1, $0x1000, v21;
	v17 =	vcvt.f32.s32 v17;
	v15 =	vcvt.f32.s32 v15  }
0x179: {  	v12 =	vcvt.f32.s32 v12;
	v18 =	vcvt.f32.s32 v18;
	vm7 =	vgt.s32 v13, $0x0  }
0x17a: {  	vm9 =	vgt.s32 v15, $0x0;
	vm8 =	vgt.s32 v14, $0x0;
	v11 =	vcvt.f32.s32 v11  }
0x17b: {  	vm10 =	vgt.s32 v17, $0x0;
	vm12 =	vgt.s32 v12, $0x0;
	vm11 =	vgt.s32 v18, $0x0  }
0x17c: {  	v13 =	vnsel vm7, $0x0, v13;
	v14 =	vnsel vm8, $0x0, v14;
	vm7 =	vgt.s32 v11, $0x0  }
0x17d: {  	v17 =	vnsel vm10, $0x0, v17;
	v15 =	vnsel vm9, $0x0, v15;
	v18 =	vnsel vm11, $0x0, v18  }
0x17e: {  	v12 =	vnsel vm12, $0x0, v12;
	v13 =	vmin.u32 v13, $0xFF;
	v11 =	vnsel vm7, $0x0, v11  }
0x17f: {  	v17 =	vmin.u32 v17, $0xFF;
	v15 =	vmin.u32 v15, $0xFF;
	v14 =	vmin.u32 v14, $0xFF  }
0x180: {  	v12 =	vmin.u32 v12, $0xFF;
	v18 =	vmin.u32 v18, $0xFF;
	v11 =	vmin.u32 v11, $0xFF  }
0x181: {  	v15 =	vshll.u32 v15, $0x4;
	v13 =	vshll.u32 v13, $0x4;
	v14 =	vshll.u32 v14, $0x4  }
0x182: {  	v17 =	vshll.u32 v17, $0x4;
	v12 =	vshll.u32 v12, $0x4;
	v18 =	vshll.u32 v18, $0x4  }
0x183: {  	v29 =	vor.u32 v0, v13;
	v13 =	vand.u32 $0xF80, v13;
	v11 =	vshll.u32 v11, $0x4  }
0x184: {  	v31 =	vor.u32 v0, v15;
	v30 =	vor.u32 v0, v14;
	v14 =	vand.u32 $0xF80, v14  }
0x185: {  	v32 =	vor.u32 v0, v17;
	v17 =	vand.u32 $0xF80, v17;
	v15 =	vand.u32 $0xF80, v15  }
0x186: {  	v35 =	vor.u32 v0, v12;
	v33 =	vor.u32 v0, v18;
	v34 =	vand.u32 $0xF80, v18  }
0x187: {  	v36 =	vand.u32 $0xF80, v12;
	v37 =	vor.u32 v0, v11;
	v38 =	vand.u32 $0xF80, v11  }
0x188: {  	v39 =	vsel vm2, $0x1000, v21;
	v40 =	vsel vm0, $0x1000, v21;
	v11 =	vor.u32 v16, v13  }
0x189: {  	v29 =	vand.u32 $0x7F, v29;
	v12 =	vor.u32 v25, v14;
	v16 =	vand.u32 $0x7F, v30  }
.Ltmp3:
0x18a: {  	v18 =	vand.u32 $0x7F, v31;
	v13 =	vor.u32 v26, v15;
	v15 =	vor.u32 v27, v17;
	(pc) =	sbr.rel @p0 .LBB2_8-.Ltmp3, $4  }
0x18b: {  	v14 =	vor.u32 v28, v34;
	v27 =	vand.u32 $0x7F, v32;
	v17 =	vand.u32 $0x7F, v33  }
0x18c: {  	v25 =	vor.u32 v39, v36;
	v28 =	vand.u32 $0x7F, v35;
	v26 =	vor.u32 v40, v38  }
0x18d: {  	vm9 =	veq.s32 v6, v59;
	vm8 =	veq.s32 v7, v59;
	v6 =	vand.u32 $0x7F, v37  }
0x18e: {  	s18 =	sadd.s32 $0x80, s18;
	vm10 =	veq.s32 v9, v59;
	vm11 =	veq.s32 v8, v59;
	vm7 =	veq.s32 v10, v59  }
0x18f: {  	vm5 =	vmor vm5, vm9  }
0x190: {  	v7 =	vor.u32 v29, v11;
	vm4 =	vmor vm4, vm8  }
0x191: {  	v8 =	vor.u32 v16, v12;
	vm6 =	vmor vm6, vm11  }
0x192: {  	v9 =	vor.u32 v18, v13;
	vm3 =	vmor vm3, vm10  }
0x193: {  	vm14 =	veq.s32 v5, v59;
	v5 =	vor.u32 v27, v15;
	vm1 =	vmor vm1, vm7  }
0x194: {  	vm15 =	veq.s32 v4, v59;
	v4 =	vor.u32 v17, v14;
	vm2 =	vmor vm2, vm14  }
0x195: {  	v10 =	vor.u32 v28, v25;
	vm0 =	vmor vm0, vm15;
	[tilespmem:v7+s9+$0x0] =	vst.idx.add.s32.msk vm5, v3  }
0x196: {  	v6 =	vor.u32 v6, v26;
	[tilespmem:v8+s9+$0x0] =	vst.idx.add.s32.msk vm4, v3  }
0x197: {  	[tilespmem:v9+s9+$0x0] =	vst.idx.add.s32.msk vm6, v3  }
0x198: {  	[tilespmem:v5+s9+$0x0] =	vst.idx.add.s32.msk vm3, v3  }
0x199: {  	[tilespmem:v4+s9+$0x0] =	vst.idx.add.s32.msk vm1, v3  }
0x19a: {  	[tilespmem:v10+s9+$0x0] =	vst.idx.add.s32.msk vm2, v3  }
0x19b: {  	[tilespmem:v6+s9+$0x0] =	vst.idx.add.s32.msk vm0, v3  }
0x19c: {  	v4 =	vld [tilespmem:s15+$0x0]  }
0x19d: {  	v5 =	vld [tilespmem:s15+$0xFFFFFFA0]  }
0x19e: {  	v6 =	vld [tilespmem:s15+$0xFFFFFFB0]  }
0x19f: {  	v7 =	vld [tilespmem:s15+$0xFFFFFFC0]  }
0x1a0: {  	v8 =	vld [tilespmem:s15+$0xFFFFFFD0]  }
0x1a1: {  	v9 =	vld [tilespmem:s15+$0xFFFFFFE0];
	(xrf0) =	vadd.scan.msk.s32 $0xffff, v4  }
0x1a2: {  	v4 =	vld [tilespmem:s15+$0xFFFFFFF0];
	(xrf0) =	vadd.scan.msk.s32 $0xffff, v5  }
0x1a3: {  	v5 =	vld [tilespmem:s15+$0xFFFFFF90];
	(xrf0) =	vadd.scan.msk.s32 $0xffff, v6  }
0x1a4: {  	(xrf0) =	vadd.scan.msk.s32 $0xffff, v7  }
0x1a5: {  	s30 =	simm.s32 $0x7170;
	(xrf0) =	vadd.scan.msk.s32 $0xffff, v8  }
0x1a6: {  	v6 =	vld [tilespmem:s30+$0x0];
	(xrf0) =	vadd.scan.msk.s32 $0xffff, v9  }
0x1a7: {  	(xrf0) =	vadd.scan.msk.s32 $0xffff, v4;
	v4, _, _ =	vpop (xrf0)  }
0x1a8: {  	v4 =	vbroadcast v4, $0xF;
	(xrf0) =	vadd.scan.msk.s32 $0xffff, v5;
	v5, _, _ =	vpop (xrf0)  }
0x1a9: {  	v7 =	vld [tilespmem:s30+$0xFFFFFFA0];
	v5 =	vbroadcast v5, $0xF  }
0x1aa: {  	v8 =	vld [tilespmem:s30+$0xFFFFFFB0]  }
0x1ab: {  	v9 =	vld [tilespmem:s30+$0xFFFFFFC0];
	(xrf0) =	vadd.scan.msk.s32 $0xffff, v6;
	v6, _, _ =	vpop (xrf0)  }
0x1ac: {  	v10 =	vld [tilespmem:s30+$0xFFFFFFD0];
	v6 =	vbroadcast v6, $0xF;
	[tilespmem:s14+$0x66] =	vst v4;
	v4, _, _ =	vpop (xrf0)  }
0x1ad: {  	v11 =	vld [tilespmem:s30+$0xFFFFFFE0];
	[tilespmem:s14+$0x0] =	vst v5;
	v4 =	vbroadcast v4, $0xF;
	v5, _, _ =	vpop (xrf0)  }
0x1ae: {  	v38 =	vld [tilespmem:s30+$0xFFFFFFF0];
	(xrf0) =	vadd.scan.msk.s32 $0xffff, v7;
	v5 =	vbroadcast v5, $0xF  }
0x1af: {  	v7 =	vld [tilespmem:s30+$0xFFFFFF90];
	(xrf0) =	vadd.scan.msk.s32 $0xffff, v8  }
0x1b0: {  	[tilespmem:s14+$0x11] =	vst v6;
	(xrf0) =	vadd.scan.msk.s32 $0xffff, v9;
	v6, _, _ =	vpop (xrf0)  }
0x1b1: {  	s17 =	simm.s32 $0x71F0;
	(xrf0) =	vadd.scan.msk.s32 $0xffff, v10;
	[tilespmem:s14+$0x22] =	vst v4;
	v4, _, _ =	vpop (xrf0)  }
0x1b2: {  	v8 =	vld [tilespmem:s17+$0x0];
	(xrf0) =	vadd.scan.msk.s32 $0xffff, v11;
	[tilespmem:s14+$0x33] =	vst v5;
	v5, _, _ =	vpop (xrf0)  }
0x1b3: {  	v9 =	vld [tilespmem:s17+$0xFFFFFFA0];
	(xrf0) =	vadd.scan.msk.s32 $0xffff, v38;
	v11 =	vbroadcast v4, $0xF;
	v39, _, _ =	vpop (xrf0)  }
0x1b4: {  	v10 =	vld [tilespmem:s17+$0xFFFFFFB0];
	v6 =	vbroadcast v6, $0xF;
	(xrf0) =	vadd.scan.msk.s32 $0xffff, v7;
	v7, _, _ =	vpop (xrf0)  }
0x1b5: {  	v4 =	vld [tilespmem:s17+$0xFFFFFFC0];
	v40 =	vbroadcast v5, $0xF;
	[tilespmem:s14+$0x55] =	vst v11;
	v11 =	vbroadcast v7, $0xF  }
0x1b6: {  	s31 =	sand.u32 $0x3FF8, s16;
	[tilespmem:s14+$0x44] =	vst v6;
	v5 =	vld [tilespmem:s17+$0xFFFFFFD0];
	v12 =	vbroadcast v39, $0xF  }
0x1b7: {  	v6 =	vld [tilespmem:s17+$0xFFFFFFE0];
	(xrf0) =	vadd.scan.msk.s32 $0xffff, v8;
	s14 =	simm.s32 $0xA219;
	v7, _, _ =	vpop (xrf0);
	[tilespmem:s31+$0xA180] =	vst v40  }
0x1b8: {  	v8 =	vld [tilespmem:s17+$0xFFFFFFF0];
	(xrf0) =	vadd.scan.msk.s32 $0xffff, v9;
	[tilespmem:s14+$0x66] =	vst v12;
	v63, _, _ =	vpop (xrf0);
	v9 =	vbroadcast v7, $0xF  }
0x1b9: {  	s15 =	simm.s32 $0x10;
	v7 =	vld [tilespmem:s17+$0xFFFFFF90];
	s17 =	simm.s32 $0x7270;
	(xrf0) =	vadd.scan.msk.s32 $0xffff, v10;
	[tilespmem:s14+$0x0] =	vst v11;
	v10 =	vbroadcast v63, $0xF;
	v11, _, _ =	vpop (xrf0)  }
.LBB2_10:
0x1ba: {  	v12 =	vld [tilespmem:s17+$0x0];
	s15 =	sadd.s32 $0x8, s15;
	(xrf0) =	vadd.scan.msk.s32 $0xffff, v4;
	[tilespmem:s14+$0x11] =	vst v9;
	v4 =	vbroadcast v11, $0xF;
	v9, _, _ =	vpop (xrf0)  }
0x1bb: {  	v11 =	vld [tilespmem:s17+$0xFFFFFFA0];
	p0 =	slt.u32 s15, $0x1F8;
	(xrf0) =	vadd.scan.msk.s32 $0xffff, v5;
	[tilespmem:s14+$0x22] =	vst v10;
	v5 =	vbroadcast v9, $0xF;
	v9, _, _ =	vpop (xrf0)  }
0x1bc: {  	v10 =	vld [tilespmem:s17+$0xFFFFFFB0];
	(xrf0) =	vadd.scan.msk.s32 $0xffff, v6;
	[tilespmem:s14+$0x33] =	vst v4;
	v6 =	vbroadcast v9, $0xF;
	v9, _, _ =	vpop (xrf0)  }
.Ltmp4:
0x1bd: {  	s16 =	sadd.s32 $0x88, s16;
	v4 =	vld [tilespmem:s17+$0xFFFFFFC0];
	(xrf0) =	vadd.scan.msk.s32 $0xffff, v8;
	v8, _, _ =	vpop (xrf0);
	v9 =	vbroadcast v9, $0xF;
	[tilespmem:s14+$0x44] =	vst v5;
	(pc) =	sbr.rel @p0 .LBB2_10-.Ltmp4, $4  }
0x1be: {  	s18 =	sand.u32 $0x3FF8, s16;
	v5 =	vld [tilespmem:s17+$0xFFFFFFD0];
	v13 =	vbroadcast v8, $0xF;
	(xrf0) =	vadd.scan.msk.s32 $0xffff, v7;
	v7, _, _ =	vpop (xrf0);
	[tilespmem:s14+$0x55] =	vst v6  }
0x1bf: {  	s14 =	sadd.s32 $0x88, s14;
	v6 =	vld [tilespmem:s17+$0xFFFFFFE0];
	(xrf0) =	vadd.scan.msk.s32 $0xffff, v12;
	v12 =	vbroadcast v7, $0xF;
	v7, _, _ =	vpop (xrf0);
	[tilespmem:s18+$0xA180] =	vst v9  }
0x1c0: {  	v8 =	vld [tilespmem:s17+$0xFFFFFFF0];
	(xrf0) =	vadd.scan.msk.s32 $0xffff, v11;
	v9 =	vbroadcast v7, $0xF;
	[tilespmem:s14+$0x66] =	vst v13;
	v11, _, _ =	vpop (xrf0)  }
0x1c1: {  	v7 =	vld [tilespmem:s17+$0xFFFFFF90];
	s17 =	sadd.s32 $0x80, s17;
	(xrf0) =	vadd.scan.msk.s32 $0xffff, v10;
	[tilespmem:s14+$0x0] =	vst v12;
	v10 =	vbroadcast v11, $0xF;
	v11, _, _ =	vpop (xrf0)  }
0x1c2: {  	(xrf0) =	vadd.scan.msk.s32 $0xffff, v4;
	[tilespmem:s14+$0x11] =	vst v9;
	v9, _, _ =	vpop (xrf0)  }
0x1c3: {  	v4 =	vbroadcast v11, $0xF;
	(xrf0) =	vadd.scan.msk.s32 $0xffff, v5;
	v5 =	vbroadcast v9, $0xF;
	v9, _, _ =	vpop (xrf0)  }
0x1c4: {  	(xrf0) =	vadd.scan.msk.s32 $0xffff, v6;
	v6, _, _ =	vpop (xrf0)  }
0x1c5: {  	[tilespmem:s14+$0x33] =	vst v4;
	v4 =	vbroadcast v9, $0xF;
	(xrf0) =	vadd.scan.msk.s32 $0xffff, v8;
	v8, _, _ =	vpop (xrf0)  }
0x1c6: {  	s15 =	sadd.s32 $0x88, s16;
	v6 =	vbroadcast v6, $0xF;
	[tilespmem:s14+$0x44] =	vst v5;
	v5 =	vbroadcast v8, $0xF;
	(xrf0) =	vadd.scan.msk.s32 $0xffff, v7;
	v7, _, _ =	vpop (xrf0)  }
0x1c7: {  	s16 =	sand.u32 $0x3FF8, s15;
	[tilespmem:s14+$0x55] =	vst v4;
	v4 =	vbroadcast v7, $0xF;
	v7, _, _ =	vpop (xrf0)  }
0x1c8: {  	[tilespmem:s16+$0xA180] =	vst v6;
	v6 =	vbroadcast v7, $0xF  }
0x1c9: {  	s30 =	sadd.s32 $0x88, s14;
	[tilespmem:s14+$0x22] =	vst v10  }
0x1ca: {  	[tilespmem:s30+$0x66] =	vst v5;
	v5, _, _ =	vpop (xrf0)  }
0x1cb: {  	[tilespmem:s30+$0x0] =	vst v4;
	v4 =	vbroadcast v5, $0xF;
	v5, _, _ =	vpop (xrf0)  }
0x1cc: {  	[tilespmem:s30+$0x11] =	vst v6;
	v5 =	vbroadcast v5, $0xF;
	v6, _, _ =	vpop (xrf0)  }
0x1cd: {  	v12 =	vadd.s32 $0x1100, v1;
	[tilespmem:s30+$0x22] =	vst v4;
	v4 =	vbroadcast v6, $0xF;
	v6, _, _ =	vpop (xrf0)  }
0x1ce: {  	v13 =	vadd.s32 $0x1111, v1;
	[tilespmem:s30+$0x33] =	vst v5;
	v5 =	vbroadcast v6, $0xF;
	v6, _, _ =	vpop (xrf0)  }
0x1cf: {  	v27 =	vadd.s32 $0x1122, v1;
	s15 =	sadd.s32 $0x88, s15;
	v6 =	vbroadcast v6, $0xF;
	[tilespmem:s30+$0x44] =	vst v4  }
0x1d0: {  	v28 =	vadd.s32 $0x1133, v1;
	s15 =	sand.u32 $0x3FF8, s15;
	[tilespmem:s30+$0x55] =	vst v5  }
0x1d1: {  	v29 =	vadd.s32 $0x1144, v1;
	[tilespmem:s15+$0xA180] =	vst v6  }
0x1d2: {  	v30 =	vadd.s32 $0x1155, v1;
	v4 =	vld.idx.msk [tilespmem:v12+s10+$0x0], $0xffff  }
0x1d3: {  	v31 =	vadd.s32 $0x1166, v1;
	v5 =	vld.idx.msk [tilespmem:v13+s10+$0x0], $0xffff  }
0x1d4: {  	v32 =	vadd.s32 $0x1177, v1;
	v6 =	vld.idx.msk [tilespmem:v27+s10+$0x0], $0xffff  }
0x1d5: {  	v33 =	vadd.s32 $0x1188, v1;
	v7 =	vld.idx.msk [tilespmem:v28+s10+$0x0], $0xffff  }
0x1d6: {  	v34 =	vadd.s32 $0x1199, v1;
	v8 =	vld.idx.msk [tilespmem:v29+s10+$0x0], $0xffff  }
0x1d7: {  	v35 =	vadd.s32 $0x11AA, v1;
	v9 =	vld.idx.msk [tilespmem:v30+s10+$0x0], $0xffff  }
0x1d8: {  	v36 =	vadd.s32 $0x11BB, v1;
	v4 =	vadd.s32 v4, v5;
	v5 =	vld.idx.msk [tilespmem:v31+s10+$0x0], $0xffff  }
0x1d9: {  	v37 =	vadd.s32 $0x11CC, v1;
	v4 =	vadd.s32 v6, v4;
	v6 =	vld.idx.msk [tilespmem:v32+s10+$0x0], $0xffff  }
0x1da: {  	v38 =	vadd.s32 $0x11DD, v1;
	v4 =	vadd.s32 v7, v4;
	v7 =	vld.idx.msk [tilespmem:v33+s10+$0x0], $0xffff  }
0x1db: {  	v39 =	vadd.s32 $0x11EE, v1;
	v4 =	vadd.s32 v8, v4;
	v8 =	vld.idx.msk [tilespmem:v34+s10+$0x0], $0xffff  }
0x1dc: {  	v40 =	vadd.s32 $0x11FF, v1;
	v4 =	vadd.s32 v9, v4;
	v9 =	vld.idx.msk [tilespmem:v35+s10+$0x0], $0xffff  }
0x1dd: {  	v4 =	vadd.s32 v5, v4;
	v5 =	vld.idx.msk [tilespmem:v36+s10+$0x0], $0xffff  }
0x1de: {  	v4 =	vadd.s32 v6, v4;
	v6 =	vld.idx.msk [tilespmem:v37+s10+$0x0], $0xffff  }
0x1df: {  	v4 =	vadd.s32 v7, v4;
	v7 =	vld.idx.msk [tilespmem:v38+s10+$0x0], $0xffff  }
0x1e0: {  	v4 =	vadd.s32 v8, v4;
	v8 =	vld.idx.msk [tilespmem:v39+s10+$0x0], $0xffff  }
0x1e1: {  	v4 =	vadd.s32 v9, v4;
	v9 =	vld.idx.msk [tilespmem:v40+s10+$0x0], $0xffff  }
0x1e2: {  	v4 =	vadd.s32 v5, v4  }
0x1e3: {  	v4 =	vadd.s32 v6, v4  }
0x1e4: {  	vm0 =	veq.s32 v45, v0;
	v5 =	vsub.s32 v22, v43;
	v4 =	vadd.s32 v7, v4  }
0x1e5: {  	v5 =	vnsel vm0, $0x0, v5;
	v4 =	vadd.s32 v8, v4  }
0x1e6: {  	vm0 =	veq.s32 v24, v0;
	v6 =	vsub.s32 v44, v41;
	v7 =	vadd.s32 v9, v4  }
0x1e7: {  	(xrf0) =	vadd.scan.msk.s32 $0xffff, v5;
	v4 =	vnsel vm0, $0x0, v6;
	v5 =	vperm.xlane v7, v19  }
0x1e8: {  	(xrf0) =	vadd.scan.msk.s32 $0xffff, v4  }
0x1e9: {  	(xrf0) =	vadd.scan.msk.s32 $0xffff, v5;
	_ =	sdelay $0x3  }
0x1ea: {  	v4, _, _ =	vpop (xrf0)  }
0x1eb: {  	v4 =	vadd.s32 v42, v4;
	v8, _, _ =	vpop (xrf0)  }
0x1ec: {  	v9 =	vbroadcast v4, $0xF;
	v5, _, _ =	vpop (xrf0)  }
0x1ed: {  	v6 =	vperm.xlane v5, v19  }
0x1ee: {  	v10 =	vsub.s32 $0x200, v9  }
0x1ef: {  	vm0 =	vgt.s32 v6, v10  }
0x1f0: {  	v5 =	vmpcnt.ones.xlane vm0  }
0x1f1: {  	v14 =	vor.u32 $0x1100, v46  }
0x1f2: {  	[tilespmem:$0x1FDD0] =	vst v14;
	v11 =	vadd.s32 $0xFFFFFFFF, v5  }
0x1f3: {  	[tilespmem:$0x1FDE0] =	vst v12;
	v5 =	vmul.u32 $0x110, v11  }
0x1f4: {  	v15 =	vadd.s32 $0x2233, v1;
	[tilespmem:$0x1FE00] =	vst v13;
	vm0 =	veq.s32 v58, v59  }
0x1f5: {  	[tilespmem:$0x1FE30] =	vst v15;
	v15 =	vsel vm0, v28, v15;
	v5 =	vadd.s32 v14, v5;
	v14 =	vadd.s32 $0x2200, v1  }
0x1f6: {  	[tilespmem:$0x1FDF0] =	vst v14;
	v12 =	vsel vm0, v12, v14;
	v14 =	vadd.s32 $0x2211, v1  }
0x1f7: {  	[tilespmem:$0x1FE10] =	vst v14;
	v13 =	vsel vm0, v13, v14;
	v14 =	vadd.s32 $0x2222, v1  }
0x1f8: {  	v16 =	vadd.s32 $0x2244, v1;
	[tilespmem:$0x1FE20] =	vst v14;
	v14 =	vsel vm0, v27, v14  }
0x1f9: {  	v17 =	vadd.s32 $0x2255, v1;
	[tilespmem:$0x1FE40] =	vst v16;
	v16 =	vsel vm0, v29, v16  }
0x1fa: {  	[tilespmem:$0x1FE50] =	vst v17;
	v17 =	vsel vm0, v30, v17;
	v15 =	vld.idx.msk [tilespmem:v15+s10+$0x0], $0xffff  }
0x1fb: {  	v18 =	vadd.s32 $0x2266, v1;
	v12 =	vld.idx.msk [tilespmem:v12+s10+$0x0], $0xffff  }
0x1fc: {  	[tilespmem:$0x1FE60] =	vst v18;
	v22 =	vadd.s32 $0x2277, v1;
	v18 =	vsel vm0, v31, v18;
	v13 =	vld.idx.msk [tilespmem:v13+s10+$0x0], $0xffff  }
0x1fd: {  	[tilespmem:$0x1FE70] =	vst v22;
	v24 =	vadd.s32 $0x2288, v1;
	v22 =	vsel vm0, v32, v22;
	v14 =	vld.idx.msk [tilespmem:v14+s10+$0x0], $0xffff  }
0x1fe: {  	v25 =	vadd.s32 $0x2299, v1;
	[tilespmem:$0x1FE80] =	vst v24;
	v24 =	vsel vm0, v33, v24;
	v16 =	vld.idx.msk [tilespmem:v16+s10+$0x0], $0xffff  }
0x1ff: {  	[tilespmem:$0x1FE90] =	vst v25;
	v63 =	vsel vm0, v34, v25;
	v25 =	vadd.s32 $0x22AA, v1;
	v17 =	vld.idx.msk [tilespmem:v17+s10+$0x0], $0xffff  }
0x200: {  	[tilespmem:$0x1FEA0] =	vst v25;
	v45 =	vsel vm0, v35, v25;
	v25 =	vadd.s32 $0x22BB, v1;
	v5 =	vld.idx.msk [tilespmem:v5+s10+$0x0], $0xffff  }
0x201: {  	[tilespmem:$0x1FEB0] =	vst v25;
	v12 =	vadd.s32 v12, v13;
	v13 =	vld.idx.msk [tilespmem:v18+s10+$0x0], $0xffff;
	v18 =	vsel vm0, v36, v25;
	v25 =	vadd.s32 $0x22CC, v1  }
0x202: {  	v12 =	vadd.s32 v14, v12;
	v14 =	vld.idx.msk [tilespmem:v22+s10+$0x0], $0xffff;
	[tilespmem:$0x1FEC0] =	vst v25;
	v22 =	vsel vm0, v37, v25;
	v25 =	vadd.s32 $0x22DD, v1  }
0x203: {  	v12 =	vadd.s32 v15, v12;
	v15 =	vld.idx.msk [tilespmem:v24+s10+$0x0], $0xffff;
	[tilespmem:$0x1FED0] =	vst v25;
	v24 =	vsel vm0, v38, v25;
	v25 =	vadd.s32 $0x22EE, v1  }
0x204: {  	v12 =	vadd.s32 v16, v12;
	v16 =	vld.idx.msk [tilespmem:v63+s10+$0x0], $0xffff;
	[tilespmem:$0x1FEE0] =	vst v25;
	v63 =	vsel vm0, v39, v25;
	v25 =	vadd.s32 $0x22FF, v1  }
0x205: {  	v12 =	vadd.s32 v17, v12;
	v17 =	vld.idx.msk [tilespmem:v45+s10+$0x0], $0xffff;
	v45 =	vsel vm0, v40, v25  }
0x206: {  	v12 =	vadd.s32 v13, v12;
	v13 =	vld.idx.msk [tilespmem:v18+s10+$0x0], $0xffff  }
0x207: {  	v12 =	vadd.s32 v14, v12;
	v14 =	vld.idx.msk [tilespmem:v22+s10+$0x0], $0xffff  }
0x208: {  	v12 =	vadd.s32 v15, v12;
	v15 =	vld.idx.msk [tilespmem:v24+s10+$0x0], $0xffff  }
0x209: {  	v12 =	vadd.s32 v16, v12;
	v16 =	vld.idx.msk [tilespmem:v63+s10+$0x0], $0xffff  }
0x20a: {  	v12 =	vadd.s32 v17, v12;
	v17 =	vld.idx.msk [tilespmem:v45+s10+$0x0], $0xffff  }
0x20b: {  	v12 =	vadd.s32 v13, v12  }
0x20c: {  	v12 =	vadd.s32 v14, v12  }
0x20d: {  	v12 =	vadd.s32 v15, v12  }
0x20e: {  	v6 =	vsub.s32 v6, v7;
	vm1 =	veq.s32 v11, v0;
	v7 =	vadd.s32 v16, v12  }
0x20f: {  	v6 =	vnsel vm1, $0x0, v6;
	v12 =	vperm.xlane v5, v19;
	v7 =	vadd.s32 v17, v7  }
0x210: {  	(xrf0) =	vadd.scan.msk.s32 $0xffff, v6;
	v6 =	vperm.xlane v7, v19  }
0x211: {  	(xrf0) =	vadd.scan.msk.s32 $0xffff, v12  }
0x212: {  	(xrf0) =	vadd.scan.msk.s32 $0xffff, v6;
	_ =	sdelay $0x3  }
0x213: {  	v8 =	vadd.s32 v8, v62;
	v6, _, _ =	vpop (xrf0)  }
0x214: {  	v8 =	vsub.s32 $0x201, v8;
	v12, _, _ =	vpop (xrf0)  }
0x215: {  	v8 =	vbroadcast v8, $0xF;
	v13, _, _ =	vpop (xrf0)  }
0x216: {  	v9 =	vsub.s32 $0x201, v9;
	v13 =	vperm.xlane v13, v19  }
0x217: {  	v8 =	vsel vm0, v9, v8  }
0x218: {  	vm1 =	vgt.s32 v13, v8  }
0x219: {  	v9 =	vmpcnt.ones.xlane vm1;
	_ =	sdelay $0x1  }
0x21a: {  	v9 =	vadd.s32 $0xFFFFFFFF, v9  }
0x21b: {  	v14 =	vsel vm0, $0x100, v47;
	v15 =	vshll.u32 v9, $0x4  }
0x21c: {  	v14 =	vadd.s32 v14, v15  }
0x21d: {  	v14 =	vmul.u32 $0x11, v14;
	_ =	sdelay $0x1  }
0x21e: {  	v14 =	vadd.s32 v46, v14;
	_ =	sdelay $0x2  }
0x21f: {  	s31 =	simm.s32 $0x20;
	[tilespmem:$0x1FEF0] =	vst v25  }
0x220: {  	v63 =	vld [tilespmem:s31+$0x0]  }
0x221: {  	v14 =	vld.idx.msk [tilespmem:v14+s10+$0x0], $0xffff;
	_ =	sdelay $0x3  }
0x222: {  	v7 =	vsub.s32 v13, v7;
	vm0 =	veq.s32 v9, v0  }
0x223: {  	v16 =	vsub.f32 v63, v61;
	v7 =	vnsel vm0, $0x0, v7;
	v9 =	vperm.xlane v14, v19  }
0x224: {  	(xrf0) =	vadd.scan.msk.s32 $0xffff, v7  }
0x225: {  	v16 =	vmul.f32 $2.048000000e+03, v16;
	(xrf0) =	vadd.scan.msk.s32 $0xffff, v9  }
0x226: {  	v22 =	vperm.xlane v12, v19;
	v9 =	vbroadcast v6, $0xF;
	_ =	sdelay $0x1  }
0x227: {  	v16 =	vmax.f32 v16, $0.0e+00;
	v9 =	vadd.s32 v22, v9  }
0x228: {  	v16 =	vmin.f32 v16, $2.560000000e+02;
	vm0 =	vgt.s32 v9, v10  }
0x229: {  	v16 =	vtrunc.f32 v16;
	v7, _, _ =	vpop (xrf0);
	v10 =	vmpcnt.ones.xlane vm0  }
0x22a: {  	v16 =	vcvt.f32.s32 v16;
	v12, _, _ =	vpop (xrf0)  }
0x22b: {  	v7 =	vbroadcast v7, $0xF;
	v24 =	vadd.s32 $0xFFFFFFFF, v10;
	v10 =	vld [tilespmem:s31+$0xFFFFFFE0];
	v12 =	vperm.xlane v12, v19;
	_ =	sdelay $0x1  }
0x22c: {  	vm4 =	vgt.s32 v16, $0x0;
	v9 =	vadd.s32 v12, v7  }
0x22d: {  	v62 =	vimm.s32 $0x0;
	v16 =	vnsel vm4, $0x0, v16;
	v7 =	vld [tilespmem:s31+$0xFFFFFFF0];
	vm0 =	vgt.s32 v9, v8  }
0x22e: {  	v12 =	vld [tilespmem:s31+$0x10];
	v8 =	vshll.u32 v11, $0x4;
	v11 =	vsub.f32 v63, v60;
	v9 =	vmpcnt.ones.xlane vm0  }
0x22f: {  	v16 =	vmin.u32 v16, $0xFF;
	v46 =	vmul.f32 $8.000000000e+00, v10;
	v44 =	vsub.f32 v10, v61  }
0x230: {  	v8 =	vadd.s32 v8, v24;
	v11 =	vmul.f32 $2.048000000e+03, v11;
	v9 =	vadd.s32 v9, v15  }
0x231: {  	v15 =	vmul.f32 $8.000000000e+00, v63;
	v41 =	vadd.f32 $1.152000000e+03, v46;
	v44 =	vmul.f32 $2.048000000e+03, v44  }
0x232: {  	v9 =	vadd.s32 $0xFFFFFFFF, v9;
	v13 =	vmul.f32 $8.000000000e+00, v7;
	v14 =	vsub.f32 v7, v61  }
0x233: {  	v17 =	vsub.f32 v7, v60;
	v18 =	vmul.f32 $8.000000000e+00, v12;
	v11 =	vmax.f32 v11, $0.0e+00  }
0x234: {  	v42 =	vsub.f32 v12, v61;
	v43 =	vsub.f32 v12, v60;
	v11 =	vmin.f32 v11, $2.560000000e+02  }
0x235: {  	v15 =	vadd.f32 $1.152000000e+03, v15;
	v41 =	vmax.f32 v41, $1.024000000e+03;
	v44 =	vmax.f32 v44, $0.0e+00  }
0x236: {  	vm6 =	veq.s32 v16, v9;
	v13 =	vadd.f32 $1.152000000e+03, v13;
	v11 =	vtrunc.f32 v11  }
0x237: {  	v14 =	vmul.f32 $2.048000000e+03, v14;
	v18 =	vadd.f32 $1.152000000e+03, v18;
	v42 =	vmul.f32 $2.048000000e+03, v42  }
0x238: {  	v41 =	vmin.f32 v41, $1.280000000e+03;
	v44 =	vmin.f32 v44, $2.560000000e+02;
	v17 =	vmul.f32 $2.048000000e+03, v17  }
0x239: {  	v11 =	vcvt.f32.s32 v11;
	v15 =	vmax.f32 v15, $1.024000000e+03;
	v44 =	vtrunc.f32 v44  }
0x23a: {  	v41 =	vtrunc.f32 v41;
	v14 =	vmax.f32 v14, $0.0e+00;
	v15 =	vmin.f32 v15, $1.280000000e+03  }
0x23b: {  	v13 =	vmax.f32 v13, $1.024000000e+03;
	v42 =	vmax.f32 v42, $0.0e+00;
	v44 =	vcvt.f32.s32 v44  }
0x23c: {  	v18 =	vmax.f32 v18, $1.024000000e+03;
	v41 =	vcvt.f32.s32 v41;
	v17 =	vmax.f32 v17, $0.0e+00  }
0x23d: {  	vm0 =	vgt.s32 v11, $0x0;
	v15 =	vtrunc.f32 v15;
	v14 =	vmin.f32 v14, $2.560000000e+02  }
0x23e: {  	v13 =	vmin.f32 v13, $1.280000000e+03;
	v42 =	vmin.f32 v42, $2.560000000e+02;
	v18 =	vmin.f32 v18, $1.280000000e+03  }
0x23f: {  	v17 =	vmin.f32 v17, $2.560000000e+02;
	v11 =	vnsel vm0, $0x0, v11;
	v15 =	vcvt.f32.s32 v15  }
0x240: {  	v14 =	vtrunc.f32 v14;
	v13 =	vtrunc.f32 v13;
	vm4 =	vgt.s32 v44, $0x0  }
0x241: {  	v18 =	vtrunc.f32 v18;
	v41 =	vadd.s32 $0xFFFFFC00, v41;
	v17 =	vtrunc.f32 v17  }
0x242: {  	v11 =	vmin.u32 v11, $0xFF;
	v14 =	vcvt.f32.s32 v14;
	v13 =	vcvt.f32.s32 v13  }
0x243: {  	v44 =	vnsel vm4, $0x0, v44;
	v17 =	vcvt.f32.s32 v17;
	v18 =	vcvt.f32.s32 v18  }
0x244: {  	vm0 =	veq.s32 v11, v8;
	v11 =	vsub.f32 v10, v60;
	v15 =	vadd.s32 $0xFFFFFC00, v15  }
0x245: {  	vm1 =	vgt.s32 v15, $0x0;
	vm3 =	vgt.s32 v14, $0x0;
	v13 =	vadd.s32 $0xFFFFFC00, v13  }
0x246: {  	v45 =	vmul.f32 $2.048000000e+03, v11;
	v11 =	vnsel vm1, $0x0, v15;
	v15 =	vmul.f32 $2.048000000e+03, v43  }
0x247: {  	vm4 =	vgt.s32 v13, $0x0;
	v14 =	vnsel vm3, $0x0, v14;
	vm3 =	vgt.s32 v41, $0x0  }
0x248: {  	v11 =	vmin.u32 v11, $0xFF;
	v14 =	vmin.u32 v14, $0xFF;
	v16 =	vnsel vm3, $0x0, v41  }
0x249: {  	v13 =	vnsel vm4, $0x0, v13;
	vm2 =	veq.s32 v11, v58;
	vm1 =	veq.s32 v11, v59  }
0x24a: {  	v11 =	vshra.s32 v7, $0x1F;
	v15 =	vmax.f32 v15, $0.0e+00;
	v47 =	vmax.f32 v45, $0.0e+00  }
0x24b: {  	v16 =	vmin.u32 v16, $0xFF;
	v45 =	vmin.u32 v44, $0xFF;
	v13 =	vmin.u32 v13, $0xFF  }
0x24c: {  	vm9 =	veq.s32 v14, v9;
	v15 =	vmin.f32 v15, $2.560000000e+02;
	v43 =	vmin.f32 v47, $2.560000000e+02  }
0x24d: {  	vm3 =	veq.s32 v16, v58;
	vm4 =	veq.s32 v16, v59;
	v16 =	vtrunc.f32 v42  }
0x24e: {  	vm0 =	vmand vm0, vm2;
	vm2 =	vgt.s32 v17, $0x0;
	vm8 =	veq.s32 v45, v9  }
0x24f: {  	vm1 =	vmand vm6, vm1;
	v43 =	vtrunc.f32 v43;
	v16 =	vcvt.f32.s32 v16  }
0x250: {  	v14 =	vtrunc.f32 v15;
	vm4 =	vmand vm8, vm4;
	v15 =	vnsel vm2, $0x0, v17  }
0x251: {  	v17 =	vadd.s32 $0xFFFFFC00, v18;
	vm2 =	veq.s32 v13, v58;
	v43 =	vcvt.f32.s32 v43  }
0x252: {  	vm1 =	vmor vm0, vm1;
	v14 =	vcvt.f32.s32 v14;
	vm11 =	vgt.s32 v17, $0x0  }
0x253: {  	v41 =	vmpcnt.ones.xlane vm1;
	vm7 =	vgt.s32 v16, $0x0;
	vm5 =	vgt.s32 v43, $0x0  }
0x254: {  	v16 =	vnsel vm7, $0x0, v16;
	vm13 =	vgt.s32 v14, $0x0;
	v46 =	vnsel vm5, $0x0, v43  }
0x255: {  	vm5 =	veq.s32 v13, v59;
	v13 =	vmin.u32 v16, $0xFF;
	v16 =	vnsel vm11, $0x0, v17  }
0x256: {  	v42 =	vmin.u32 v46, $0xFF;
	vm5 =	vmand vm9, vm5;
	vm12 =	veq.s32 v13, v9  }
0x257: {  	v13 =	vmin.u32 v15, $0xFF;
	v15 =	vmin.u32 v16, $0xFF;
	v16 =	vsel vm1, $0x1, v2  }
0x258: {  	vm14 =	veq.s32 v13, v8;
	v13 =	vnsel vm13, $0x0, v14;
	vm0 =	veq.s32 v42, v8  }
0x259: {  	vm15 =	veq.s32 v15, v59;
	vm2 =	vmand vm14, vm2;
	v13 =	vmin.u32 v13, $0xFF  }
0x25a: {  	vm3 =	vmand vm0, vm3;
	vm0 =	vmor vm2, vm5;
	vm5 =	veq.s32 v15, v58  }
0x25b: {  	vm2 =	vmor vm3, vm4;
	v15 =	vshra.s32 v63, $0x1F;
	v14 =	vsel vm0, $0x1, v2  }
0x25c: {  	vm3 =	vmand vm12, vm15;
	vm4 =	veq.s32 v13, v8;
	v17 =	vsel vm2, $0x1, v2;
	(xrf0) =	vadd.scan.msk.s32 $0xffff, v14  }
0x25d: {  	v47 =	vmpcnt.ones.xlane vm2;
	v13 =	vmpcnt.ones.xlane vm0;
	vm4 =	vmand vm4, vm5;
	(xrf0) =	vadd.scan.msk.s32 $0xffff, v16  }
0x25e: {  	v43 =	vsel vm0, $0xFFFFFFFF, v2;
	v18 =	vsel vm2, $0xFFFFFFFF, v2;
	vm3 =	vmor vm4, vm3;
	(xrf0) =	vadd.scan.msk.s32 $0xffff, v17  }
0x25f: {  	v14 =	vsel vm1, $0xFFFFFFFF, v2;
	v42 =	vadd.s32 v62, v47;
	v44 =	vsel vm3, $0x1, v2  }
0x260: {  	v16 =	vadd.s32 v43, v42;
	v45 =	vadd.s32 v42, v13;
	v43 =	vmpcnt.ones.xlane vm3;
	(xrf0) =	vadd.scan.msk.s32 $0xffff, v44  }
0x261: {  	v13 =	vshra.s32 v10, $0x1F;
	v17 =	vshra.s32 v12, $0x1F;
	v42 =	vadd.s32 v14, v45  }
0x262: {  	s14 =	simm.s32 $0x0;
	s15 =	simm.s32 $0x60;
	v14 =	vand.u32 $0x7FFFFFFF, v15;
	v15 =	vand.u32 $0x7FFFFFFF, v13;
	v13 =	vxor.u32 $0x80000000, v12;
	v44, _, _ =	vpop (xrf0)  }
.LBB2_12:
0x263: {  	s14 =	sadd.s32 $0x4, s14;
	v11 =	vand.u32 $0x7FFFFFFF, v11;
	v46 =	vxor.u32 $0x80000000, v7;
	v7 =	vld [tilespmem:s15+$0xFFFFFFF0];
	v41 =	vadd.s32 v45, v41;
	v12, _, _ =	vpop (xrf0)  }
0x264: {  	v18 =	vadd.s32 v18, v62;
	v45 =	vld [tilespmem:s15+$0x0];
	p0 =	slt.u32 s14, $0x1FC;
	v42 =	vadd.s32 v12, v42;
	v62 =	vadd.s32 v41, v43;
	v43, _, _ =	vpop (xrf0)  }
0x265: {  	v25 =	vsel vm3, $0xFFFFFFFF, v2;
	v11 =	vxor.u32 v46, v11;
	v12 =	vld [tilespmem:s15+$0x10];
	v18 =	vadd.s32 v43, v18  }
0x266: {  	v16 =	vadd.s32 v44, v16;
	v17 =	vand.u32 $0x7FFFFFFF, v17;
	v41 =	vadd.s32 v25, v41;
	v46 =	vld [tilespmem:s15+$0xFFFFFFE0];
	v43, _, _ =	vpop (xrf0)  }
0x267: {  	v10 =	vxor.u32 $0x80000000, v10;
	v44 =	vxor.u32 $0x80000000, v63;
	v41 =	vadd.s32 v43, v41  }
0x268: {  	v10 =	vxor.u32 v10, v15;
	v14 =	vxor.u32 v44, v14;
	v43 =	vmul.f32 $8.000000000e+00, v7  }
0x269: {  	v15 =	vsub.f32 v7, v61;
	v44 =	vmul.f32 $8.000000000e+00, v45;
	v47 =	vsub.f32 v45, v61;
	[tilespmem:v42+s11+$0x0] =	vst.idx.msk vm1, v14  }
0x26a: {  	v25 =	vxor.u32 v13, v17;
	v14 =	vsub.f32 v7, v60;
	v42 =	vmul.f32 $8.000000000e+00, v12;
	[tilespmem:v18+s11+$0x0] =	vst.idx.msk vm2, v10  }
0x26b: {  	v17 =	vsub.f32 v45, v60;
	v18 =	vsub.f32 v12, v61;
	v13 =	vmul.f32 $8.000000000e+00, v46;
	[tilespmem:v16+s11+$0x0] =	vst.idx.msk vm0, v11  }
0x26c: {  	v63 =	vmovc v45;
	v15 =	vmul.f32 $2.048000000e+03, v15;
	v11 =	vadd.f32 $1.152000000e+03, v43;
	v16 =	vadd.f32 $1.152000000e+03, v44;
	v10 =	vmovc v46;
	[tilespmem:v41+s11+$0x0] =	vst.idx.msk vm3, v25  }
0x26d: {  	v17 =	vmul.f32 $2.048000000e+03, v17;
	v41 =	vsub.f32 v12, v60;
	v13 =	vadd.f32 $1.152000000e+03, v13  }
0x26e: {  	v43 =	vsub.f32 v10, v61;
	v15 =	vmax.f32 v15, $0.0e+00;
	v16 =	vmax.f32 v16, $1.024000000e+03  }
0x26f: {  	v42 =	vadd.f32 $1.152000000e+03, v42;
	v17 =	vmax.f32 v17, $0.0e+00;
	v16 =	vmin.f32 v16, $1.280000000e+03  }
0x270: {  	v44 =	vmul.f32 $2.048000000e+03, v47;
	v15 =	vmin.f32 v15, $2.560000000e+02;
	v16 =	vtrunc.f32 v16  }
0x271: {  	v45 =	vsub.f32 v10, v60;
	v18 =	vmul.f32 $2.048000000e+03, v18;
	v17 =	vmin.f32 v17, $2.560000000e+02  }
0x272: {  	v46 =	vmax.f32 v11, $1.024000000e+03;
	v44 =	vmax.f32 v44, $0.0e+00;
	v43 =	vmul.f32 $2.048000000e+03, v43  }
0x273: {  	v41 =	vmul.f32 $2.048000000e+03, v41;
	v11 =	vmax.f32 v13, $1.024000000e+03;
	v13 =	vmul.f32 $2.048000000e+03, v45  }
0x274: {  	v17 =	vtrunc.f32 v17;
	v45 =	vmin.f32 v11, $1.280000000e+03;
	v11 =	vshra.s32 v7, $0x1F  }
0x275: {  	v46 =	vmin.f32 v46, $1.280000000e+03;
	v15 =	vtrunc.f32 v15;
	v41 =	vmax.f32 v41, $0.0e+00  }
0x276: {  	v17 =	vcvt.f32.s32 v17;
	v13 =	vmax.f32 v13, $0.0e+00;
	v41 =	vmin.f32 v41, $2.560000000e+02  }
0x277: {  	v44 =	vmin.f32 v44, $2.560000000e+02;
	v18 =	vmax.f32 v18, $0.0e+00;
	v15 =	vcvt.f32.s32 v15  }
0x278: {  	v18 =	vmin.f32 v18, $2.560000000e+02;
	v43 =	vmax.f32 v43, $0.0e+00;
	v13 =	vmin.f32 v13, $2.560000000e+02  }
0x279: {  	v46 =	vtrunc.f32 v46;
	v44 =	vtrunc.f32 v44;
	vm0 =	vgt.s32 v17, $0x0  }
0x27a: {  	v44 =	vcvt.f32.s32 v44;
	v43 =	vmin.f32 v43, $2.560000000e+02;
	v17 =	vnsel vm0, $0x0, v17  }
0x27b: {  	v16 =	vcvt.f32.s32 v16;
	vm1 =	vgt.s32 v15, $0x0;
	v43 =	vtrunc.f32 v43  }
0x27c: {  	v46 =	vcvt.f32.s32 v46;
	vm2 =	vgt.s32 v44, $0x0;
	v17 =	vmin.u32 v17, $0xFF  }
0x27d: {  	v16 =	vadd.s32 $0xFFFFFC00, v16;
	v13 =	vtrunc.f32 v13;
	vm0 =	veq.s32 v17, v8  }
0x27e: {  	vm3 =	vgt.s32 v16, $0x0;
	v13 =	vcvt.f32.s32 v13;
	v17 =	vadd.s32 $0xFFFFFC00, v46  }
0x27f: {  	v43 =	vcvt.f32.s32 v43;
	v44 =	vnsel vm2, $0x0, v44;
	v16 =	vnsel vm3, $0x0, v16  }
0x280: {  	v14 =	vmul.f32 $2.048000000e+03, v14;
	v42 =	vmax.f32 v42, $1.024000000e+03;
	v16 =	vmin.u32 v16, $0xFF  }
0x281: {  	v45 =	vtrunc.f32 v45;
	vm2 =	vgt.s32 v43, $0x0;
	vm3 =	vgt.s32 v13, $0x0  }
0x282: {  	v44 =	vmin.u32 v44, $0xFF;
	v43 =	vnsel vm2, $0x0, v43;
	vm2 =	vgt.s32 v17, $0x0  }
0x283: {  	v42 =	vmin.f32 v42, $1.280000000e+03;
	v45 =	vcvt.f32.s32 v45;
	vm5 =	veq.s32 v16, v58  }
0x284: {  	v15 =	vnsel vm1, $0x0, v15;
	vm1 =	veq.s32 v16, v59;
	v16 =	vtrunc.f32 v42  }
0x285: {  	v14 =	vmax.f32 v14, $0.0e+00;
	v15 =	vmin.u32 v15, $0xFF;
	v42 =	vadd.s32 $0xFFFFFC00, v45  }
0x286: {  	v14 =	vmin.f32 v14, $2.560000000e+02;
	vm4 =	veq.s32 v44, v9;
	vm6 =	vgt.s32 v42, $0x0  }
0x287: {  	v14 =	vtrunc.f32 v14;
	v17 =	vnsel vm2, $0x0, v17;
	v42 =	vnsel vm6, $0x0, v42  }
0x288: {  	v14 =	vcvt.f32.s32 v14;
	v43 =	vmin.u32 v43, $0xFF;
	v42 =	vmin.u32 v42, $0xFF  }
0x289: {  	v18 =	vtrunc.f32 v18;
	vm2 =	veq.s32 v42, v58;
	vm6 =	veq.s32 v42, v59  }
0x28a: {  	v18 =	vcvt.f32.s32 v18;
	v16 =	vcvt.f32.s32 v16;
	v17 =	vmin.u32 v17, $0xFF  }
0x28b: {  	v13 =	vnsel vm3, $0x0, v13;
	vm0 =	vmand vm0, vm5;
	vm7 =	veq.s32 v17, v59  }
0x28c: {  	vm8 =	vgt.s32 v18, $0x0;
	vm5 =	vgt.s32 v14, $0x0;
	v13 =	vmin.u32 v13, $0xFF  }
0x28d: {  	vm9 =	veq.s32 v15, v9;
	v15 =	vtrunc.f32 v41;
	vm3 =	veq.s32 v43, v9  }
0x28e: {  	v15 =	vcvt.f32.s32 v15;
	v14 =	vnsel vm5, $0x0, v14;
	vm3 =	vmand vm3, vm6  }
0x28f: {  	v18 =	vnsel vm8, $0x0, v18;
	vm1 =	vmand vm4, vm1;
	v16 =	vadd.s32 $0xFFFFFC00, v16  }
0x290: {  	vm4 =	veq.s32 v17, v58;
	v17 =	vmin.u32 v18, $0xFF;
	vm5 =	vgt.s32 v16, $0x0  }
0x291: {  	vm6 =	vmand vm9, vm7;
	v16 =	vnsel vm5, $0x0, v16;
	vm5 =	veq.s32 v17, v9  }
0x292: {  	v14 =	vmin.u32 v14, $0xFF;
	vm7 =	vgt.s32 v15, $0x0;
	v16 =	vmin.u32 v16, $0xFF  }
0x293: {  	vm1 =	vmor vm0, vm1;
	vm8 =	veq.s32 v14, v8;
	v14 =	vnsel vm7, $0x0, v15  }
0x294: {  	vm0 =	veq.s32 v13, v8;
	vm4 =	vmand vm8, vm4;
	v13 =	vmin.u32 v14, $0xFF  }
0x295: {  	vm2 =	vmand vm0, vm2;
	vm0 =	vmor vm4, vm6;
	vm4 =	veq.s32 v16, v58  }
0x296: {  	v15 =	vsel vm1, $0x1, v2;
	v14 =	vsel vm0, $0x1, v2;
	vm6 =	veq.s32 v16, v59  }
0x297: {  	v17 =	vshra.s32 v63, $0x1F;
	vm2 =	vmor vm2, vm3;
	vm3 =	vmand vm5, vm6  }
0x298: {  	v16 =	vsel vm2, $0x1, v2;
	v42 =	vmpcnt.ones.xlane vm2;
	vm5 =	veq.s32 v13, v8;
	(xrf0) =	vadd.scan.msk.s32 $0xffff, v14  }
0x299: {  	v13 =	vmpcnt.ones.xlane vm0;
	vm4 =	vmand vm5, vm4;
	v14 =	vsel vm1, $0xFFFFFFFF, v2;
	(xrf0) =	vadd.scan.msk.s32 $0xffff, v15  }
.Ltmp5:
0x29a: {  	v41 =	vmpcnt.ones.xlane vm1;
	vm3 =	vmor vm4, vm3;
	v15 =	vsel vm0, $0xFFFFFFFF, v2;
	(xrf0) =	vadd.scan.msk.s32 $0xffff, v16;
	(pc) =	sbr.rel @p0 .LBB2_12-.Ltmp5, $4  }
0x29b: {  	v18 =	vsel vm2, $0xFFFFFFFF, v2;
	v42 =	vadd.s32 v62, v42;
	v44 =	vsel vm3, $0x1, v2  }
0x29c: {  	v45 =	vadd.s32 v42, v13;
	v43 =	vmpcnt.ones.xlane vm3;
	v16 =	vadd.s32 v15, v42;
	(xrf0) =	vadd.scan.msk.s32 $0xffff, v44  }
0x29d: {  	v13 =	vshra.s32 v10, $0x1F;
	v42 =	vadd.s32 v14, v45;
	v14 =	vand.u32 $0x7FFFFFFF, v17  }
0x29e: {  	s15 =	sadd.s32 $0x40, s15;
	v15 =	vand.u32 $0x7FFFFFFF, v13;
	v17 =	vshra.s32 v12, $0x1F;
	v13 =	vxor.u32 $0x80000000, v12;
	v44, _, _ =	vpop (xrf0)  }
0x29f: {  	v9 =	vadd.s32 v45, v41  }
0x2a0: {  	v8 =	vadd.s32 v9, v43  }
0x2a1: {  	(v2sf) =	vpush v8, $0x0;
	_ =	sdelay $0x6  }
0x2a2: {  	vm4 =	veq.s32 v24, v0;
	v5 =	vsub.s32 v22, v5  }
0x2a3: {  	v12, _, _ =	vpop (xrf0);
	v5 =	vnsel vm4, $0x0, v5  }
0x2a4: {  	(xrf0) =	vadd.scan.msk.s32 $0xffff, v5;
	v5 =	vadd.s32 v18, v62;
	v18, _, _ =	vpop (xrf0)  }
0x2a5: {  	v5 =	vadd.s32 v18, v5;
	v18 =	vsel vm3, $0xFFFFFFFF, v2  }
0x2a6: {  	v16 =	vadd.s32 v44, v16  }
0x2a7: {  	v12 =	vadd.s32 v12, v42  }
0x2a8: {  	v9 =	vadd.s32 v18, v9;
	v18, _, _ =	vpop (xrf0)  }
0x2a9: {  	v11 =	vand.u32 $0x7FFFFFFF, v11;
	v7 =	vxor.u32 $0x80000000, v7;
	v9 =	vadd.s32 v18, v9  }
0x2aa: {  	v22 =	vxor.u32 $0x80000000, v63;
	v4 =	vadd.s32 v4, v6;
	v6 =	vxor.u32 v7, v11;
	s14 =	spop (v2sf)  }
0x2ab: {  	v10 =	vxor.u32 $0x80000000, v10;
	v14 =	vxor.u32 v22, v14;
	[tilespmem:v16+s11+$0x0] =	vst.idx.msk vm0, v6;
	v63, _, _ =	vpop (xrf0);
	p0 =	slt.s32 s14, $0x21  }
.Ltmp6:
0x2ac: {  	v10 =	vxor.u32 v10, v15;
	v7 =	vand.u32 $0x7FFFFFFF, v17;
	[tilespmem:v12+s11+$0x0] =	vst.idx.msk vm1, v14;
	v4 =	vadd.s32 v63, v4;
	(pc) =	sbr.rel @!p0 .LBB2_17-.Ltmp6, $3  }
0x2ad: {  	[tilespmem:v5+s11+$0x0] =	vst.idx.msk vm2, v10;
	v5 =	vxor.u32 v13, v7;
	v6 =	vbroadcast v4, $0xF  }
0x2ae: {  	[tilespmem:v9+s11+$0x0] =	vst.idx.msk vm3, v5  }
0x2af: {  	v4 =	vsub.s32 $0x200, v6;
	v5 =	vsub.s32 $0x201, v6;
	v6 =	vld [tilespmem:$0x4000];
	_ =	sdelay $0x1  }
0x2b0: {  	s14 =	simm.s32 $0x0  }
0x2b1: {  	v10 =	vld [tilespmem:$0x4010];
	v9 =	vmov s14  }
0x2b2: {  	v9 =	vsub.s32 $0x1F, v9  }
0x2b3: {  	v9 =	vbroadcast v9, $0x0;
	_ =	sdelay $0x1  }
0x2b4: {  	v7 =	vimm.s32 $0x0;
	v12 =	vshll.u32 v3, v9;
	v13 =	vshll.u32 v23, v9  }
0x2b5: {  	v11 =	vor.u32 $0x10, v0;
	v9 =	vor.u32 v7, v12;
	v10 =	vand.u32 v13, v10  }
0x2b6: {  	vm1 =	vgt.s32 v8, v11;
	v12 =	vand.u32 v13, v6;
	vm3 =	veq.s32 v10, v9  }
0x2b7: {  	vm0 =	vgt.s32 v8, v0;
	s31 =	simm.s32 $0x1;
	vm2 =	veq.s32 v12, v9;
	vm3 =	vmand vm1, vm3  }
0x2b8: {  	v11 =	vmov s31;
	vm2 =	vmand vm0, vm2;
	v10 =	vmpcnt.ones.xlane vm3  }
0x2b9: {  	v12 =	vsub.s32 $0x1F, v11;
	v8 =	vmpcnt.ones.xlane vm2;
	_ =	sdelay $0x1  }
0x2ba: {  	v13 =	vld [tilespmem:$0x4010];
	v14 =	vbroadcast v12, $0x0;
	v11 =	vadd.s32 v8, v10  }
0x2bb: {  	s14 =	simm.s32 $0x2;
	v8 =	vimm.s32 $0x0;
	vm2 =	vlt.s32 v4, v11;
	vm3 =	vlt.s32 v5, v11;
	v12 =	vmovc v11;
	v10 =	vmovc v9  }
.LBB2_15:
0x2bc: {  	p0 =	seq.s32 s14, $0x1F;
	v7 =	vsel vm2, v9, v7;
	v8 =	vsel vm3, v10, v8;
	v9 =	vsel vm3, $0x0, v11  }
0x2bd: {  	v10 =	vsel vm2, $0x0, v12;
	v5 =	vsub.s32 v5, v9  }
0x2be: {  	v11 =	vshll.u32 v3, v14;
	v12 =	vshll.u32 v23, v14;
	v4 =	vsub.s32 v4, v10  }
0x2bf: {  	v9 =	vor.u32 v7, v11;
	v14 =	vand.u32 v12, v6;
	v12 =	vand.u32 v12, v13  }
0x2c0: {  	vm2 =	veq.s32 v14, v9;
	vm3 =	veq.s32 v12, v9  }
0x2c1: {  	v10 =	vor.u32 v8, v11;
	vm2 =	vmand vm0, vm2;
	vm3 =	vmand vm1, vm3  }
0x2c2: {  	vm4 =	veq.s32 v14, v10;
	v11 =	vmpcnt.ones.xlane vm2;
	vm2 =	veq.s32 v12, v10  }
.Ltmp7:
0x2c3: {  	vm4 =	vmand vm0, vm4;
	vm2 =	vmand vm1, vm2;
	v12 =	vmpcnt.ones.xlane vm3;
	(pc) =	sbr.rel @!p0 .LBB2_15-.Ltmp7, $4  }
0x2c4: {  	v14 =	vmpcnt.ones.xlane vm4;
	v15 =	vmpcnt.ones.xlane vm2  }
0x2c5: {  	v13 =	vmov s14  }
0x2c6: {  	v16 =	vsub.s32 $0x1F, v13;
	v12 =	vadd.s32 v11, v12;
	v11 =	vadd.s32 v14, v15;
	v13 =	vld [tilespmem:$0x4010]  }
0x2c7: {  	s14 =	sadd.s32 $0x1, s14;
	v14 =	vbroadcast v16, $0x0;
	vm2 =	vlt.s32 v4, v12;
	vm3 =	vlt.s32 v5, v11  }
0x2c8: {  	_ = 	snop  }
0x2c9: {  	v7 =	vsel vm2, v9, v7;
	v9 =	vshll.u32 v3, v14;
	v61 =	vshll.u32 v23, v14  }
0x2ca: {  	v8 =	vsel vm3, v10, v8;
	v15 =	vor.u32 v7, v9;
	v6 =	vand.u32 v61, v6  }
0x2cb: {  	v10 =	vor.u32 v8, v9;
	v13 =	vand.u32 v61, v13;
	vm4 =	veq.s32 v6, v15  }
0x2cc: {  	vm6 =	veq.s32 v6, v10;
	vm5 =	veq.s32 v13, v15;
	vm4 =	vmand vm0, vm4  }
0x2cd: {  	vm11 =	veq.s32 v13, v10;
	vm12 =	vmand vm0, vm6;
	vm5 =	vmand vm1, vm5  }
0x2ce: {  	v6 =	vmpcnt.ones.xlane vm4;
	vm13 =	vmand vm1, vm11;
	v62 =	vmpcnt.ones.xlane vm12  }
0x2cf: {  	v11 =	vsel vm3, $0x0, v11;
	v9 =	vmpcnt.ones.xlane vm5;
	v63 =	vmpcnt.ones.xlane vm13  }
0x2d0: {  	v5 =	vsub.s32 v5, v11;
	v11 =	vsel vm2, $0x0, v12  }
0x2d1: {  	v4 =	vsub.s32 v4, v11;
	v6 =	vadd.s32 v6, v9;
	v9 =	vadd.s32 v62, v63  }
0x2d2: {  	vm14 =	vlt.s32 v4, v6;
	vm15 =	vlt.s32 v5, v9  }
0x2d3: {  	v9 =	vsel vm14, v15, v7;
	v7 =	vsel vm15, v10, v8  }
.LBB2_23:
0x2d4: {  	vm0 =	vlt.s32 v9, $0x0;
	vm1 =	vlt.s32 v7, $0x0;
	v5 =	vimm.s32 $0x7FFFFFFF;
	s14 =	simm.s32 $0x40  }
0x2d5: {  	v4 =	vsel vm0, $0x0, v5;
	v5 =	vsel vm1, $0x0, v5;
	v6 =	vld [tilespmem:s14+$0xFFFFFFD0]  }
0x2d6: {  	v8 =	vld [tilespmem:s14+$0x20];
	v4 =	vxor.u32 v4, v9;
	v5 =	vxor.u32 v5, v7  }
0x2d7: {  	v10 =	vld [tilespmem:s14+$0xFFFFFFC0];
	v4 =	vxor.u32 $0x80000000, v4;
	v5 =	vxor.u32 $0x80000000, v5  }
0x2d8: {  	v7 =	vld [tilespmem:s14+$0x0];
	v5 =	vadd.f32 v5, v4  }
0x2d9: {  	v4 =	vld [tilespmem:$0x10400]  }
0x2da: {  	v11 =	vld [tilespmem:s14+$0xFFFFFFF0];
	v5 =	vmul.f32 $5.000000000e-01, v5  }
0x2db: {  	v9 =	vld [tilespmem:s14+$0xFFFFFFE0]  }
0x2dc: {  	v6 =	vsub.f32 v6, v5  }
0x2dd: {  	v7 =	vsub.f32 v7, v5  }
0x2de: {  	v12 =	vld [tilespmem:s14+$0x30];
	v8 =	vsub.f32 v8, v5;
	v6 =	vmul.f32 v6, v4  }
0x2df: {  	v13 =	vld [tilespmem:s14+$0x10];
	v10 =	vsub.f32 v10, v5;
	v11 =	vsub.f32 v11, v5;
	v7 =	vmul.f32 v7, v4  }
0x2e0: {  	v9 =	vsub.f32 v9, v5;
	v8 =	vmul.f32 v8, v4;
	v6 =	vsub.f32 $0.0e+00, v6  }
0x2e1: {  	v10 =	vmul.f32 v10, v4;
	v11 =	vmul.f32 v11, v4;
	v7 =	vsub.f32 $0.0e+00, v7  }
0x2e2: {  	s30 =	simm.s32 $0xC0;
	v9 =	vmul.f32 v9, v4;
	v6 =	vmul.f32 $1.442695020e+00, v6  }
0x2e3: {  	v14 =	vld [tilespmem:s30+$0x20];
	v8 =	vsub.f32 $0.0e+00, v8;
	v10 =	vsub.f32 $0.0e+00, v10;
	v7 =	vmul.f32 $1.442695020e+00, v7  }
0x2e4: {  	(erf) = vpow2.f32 v6;
	v6 =	vsub.f32 v12, v5;
	v12 =	vsub.f32 v13, v5;
	v13 =	vld [tilespmem:s30+$0xFFFFFFD0]  }
0x2e5: {  	v11 =	vsub.f32 $0.0e+00, v11;
	v10 =	vmul.f32 $1.442695020e+00, v10;
	(erf) = vpow2.f32 v7;
	v7 =	vld [tilespmem:s30+$0x0]  }
0x2e6: {  	v8 =	vmul.f32 $1.442695020e+00, v8;
	v12 =	vmul.f32 v12, v4  }
0x2e7: {  	v9 =	vsub.f32 $0.0e+00, v9;
	v11 =	vmul.f32 $1.442695020e+00, v11;
	(erf) = vpow2.f32 v10  }
0x2e8: {  	v6 =	vmul.f32 v6, v4;
	(erf) = vpow2.f32 v8;
	v12 =	vsub.f32 $0.0e+00, v12  }
0x2e9: {  	(erf) = vpow2.f32 v11;
	v11 =	vsub.f32 v14, v5;
	v10 =	vsub.f32 v13, v5;
	v13 =	vld [tilespmem:s30+$0x30]  }
0x2ea: {  	v9 =	vmul.f32 $1.442695020e+00, v9;
	v8 =	vmul.f32 $1.442695020e+00, v12;
	v12 =	vld [tilespmem:s30+$0xFFFFFFC0];
	v7 =	vsub.f32 v7, v5  }
0x2eb: {  	v6 =	vsub.f32 $0.0e+00, v6;
	v11 =	vmul.f32 v11, v4;
	v10 =	vmul.f32 v10, v4  }
0x2ec: {  	v15 =	vld [tilespmem:s30+$0xFFFFFFF0];
	(erf) = vpow2.f32 v9;
	v7 =	vmul.f32 v7, v4  }
0x2ed: {  	v16 =	vld [tilespmem:s30+$0xFFFFFFE0];
	v6 =	vmul.f32 $1.442695020e+00, v6;
	v11 =	vsub.f32 $0.0e+00, v11;
	v14 =	vpop (erf);
	v9 =	vsub.f32 $0.0e+00, v10  }
0x2ee: {  	(erf) = vpow2.f32 v8;
	v14 =	vadd.f32 $1.000000000e+00, v14;
	v7 =	vsub.f32 $0.0e+00, v7  }
0x2ef: {  	v17 =	vpop (erf);
	v13 =	vsub.f32 v13, v5;
	v11 =	vmul.f32 $1.442695020e+00, v11;
	v8 =	vsub.f32 v12, v5  }
0x2f0: {  	v12 =	vadd.f32 $1.000000000e+00, v17;
	v9 =	vmul.f32 $1.442695020e+00, v9;
	(erf) = vrcp.f32 v14  }
0x2f1: {  	v10 =	vld [tilespmem:s30+$0x10];
	v14 =	vsub.f32 v15, v5;
	v13 =	vmul.f32 v13, v4;
	v8 =	vmul.f32 v8, v4  }
0x2f2: {  	v7 =	vmul.f32 $1.442695020e+00, v7;
	v15 =	vpop (erf);
	(erf) = vrcp.f32 v12;
	v12 =	vsub.f32 v16, v5  }
0x2f3: {  	v16 =	vpop (erf);
	v14 =	vmul.f32 v14, v4;
	(erf) = vpow2.f32 v6;
	v8 =	vsub.f32 $0.0e+00, v8  }
0x2f4: {  	s31 =	simm.s32 $0x140;
	v12 =	vmul.f32 v12, v4;
	(erf) = vpow2.f32 v9;
	v9 =	vadd.f32 $1.000000000e+00, v16  }
0x2f5: {  	v6 =	vsub.f32 $0.0e+00, v13;
	v16 =	vld [tilespmem:s31+$0xFFFFFFD0];
	v13 =	vpop (erf);
	(erf) = vpow2.f32 v7;
	v8 =	vmul.f32 $1.442695020e+00, v8  }
0x2f6: {  	v10 =	vsub.f32 v10, v5;
	v14 =	vsub.f32 $0.0e+00, v14;
	(erf) = vrcp.f32 v9  }
0x2f7: {  	v7 =	vpop (erf);
	v12 =	vsub.f32 $0.0e+00, v12;
	(erf) = vpow2.f32 v8;
	v8 =	vadd.f32 $1.000000000e+00, v15  }
0x2f8: {  	v10 =	vmul.f32 v10, v4;
	v9 =	vld [tilespmem:s31+$0x0];
	v7 =	vadd.f32 $1.000000000e+00, v7;
	v17 =	vpop (erf);
	v14 =	vmul.f32 $1.442695020e+00, v14  }
0x2f9: {  	v15 =	vld [tilespmem:s31+$0x20];
	(erf) = vpow2.f32 v11;
	v11 =	vmul.f32 $1.442695020e+00, v12;
	v12 =	vadd.f32 $1.000000000e+00, v17  }
0x2fa: {  	v10 =	vsub.f32 $0.0e+00, v10;
	v16 =	vsub.f32 v16, v5;
	(erf) = vrcp.f32 v8  }
0x2fb: {  	v22 =	vmul.f32 $1.442695020e+00, v6;
	v8 =	vpop (erf);
	(erf) = vrcp.f32 v7  }
0x2fc: {  	v6 =	vadd.f32 $1.000000000e+00, v13;
	v13 =	vld [tilespmem:s31+$0xFFFFFFC0];
	v10 =	vmul.f32 $1.442695020e+00, v10;
	v18 =	vpop (erf);
	(erf) = vpow2.f32 v14  }
0x2fd: {  	v9 =	vsub.f32 v9, v5;
	v7 =	vmul.f32 v16, v4;
	(erf) = vrcp.f32 v12;
	v12 =	vpop (erf)  }
0x2fe: {  	v24 =	vld [tilespmem:s31+$0xFFFFFFF0];
	v15 =	vsub.f32 v15, v5;
	v16 =	vpop (erf);
	v12 =	vadd.f32 $1.000000000e+00, v12;
	(erf) = vrcp.f32 v6  }
0x2ff: {  	v14 =	vld [tilespmem:s31+$0x30];
	v9 =	vmul.f32 v9, v4;
	v16 =	vadd.f32 $1.000000000e+00, v16;
	(erf) = vpow2.f32 v11  }
0x300: {  	v42 =	vsub.f32 $0.0e+00, v7;
	v11 =	vpop (erf);
	(erf) = vrcp.f32 v12;
	v12 =	vmul.f32 v15, v4  }
0x301: {  	s15 =	simm.s32 $0xC440;
	v17 =	vld [tilespmem:s31+$0xFFFFFFE0];
	v6 =	vpop (erf);
	(erf) = vpow2.f32 v10;
	v10 =	vsub.f32 v13, v5;
	v13 =	vadd.f32 $1.000000000e+00, v11  }
0x302: {  	[tilespmem:s15+$0xFFFFFFD0] =	vst v8;
	v9 =	vsub.f32 $0.0e+00, v9;
	v7 =	vpop (erf);
	v8 =	vsub.f32 $0.0e+00, v12  }
0x303: {  	v41 =	vld [tilespmem:s31+$0x10];
	[tilespmem:s15+$0x0] =	vst v18;
	v18 =	vsub.f32 v24, v5;
	(erf) = vrcp.f32 v16;
	v16 =	vpop (erf)  }
0x304: {  	v24 =	vmul.f32 $1.442695020e+00, v42;
	v11 =	vmul.f32 $1.442695020e+00, v9;
	v9 =	vsub.f32 v14, v5;
	v14 =	vpop (erf)  }
0x305: {  	v15 =	vmul.f32 v10, v4;
	(erf) = vrcp.f32 v13;
	v13 =	vpop (erf)  }
0x306: {  	v17 =	vsub.f32 v17, v5;
	v9 =	vmul.f32 v9, v4;
	v10 =	vmul.f32 $1.442695020e+00, v8;
	[tilespmem:s15+$0xFFFFFFC0] =	vst v14;
	v8 =	vpop (erf)  }
0x307: {  	(erf) = vpow2.f32 v22;
	v15 =	vsub.f32 $0.0e+00, v15;
	v14 =	vmul.f32 v18, v4;
	[tilespmem:s15+$0xFFFFFFE0] =	vst v13;
	v18 =	vpop (erf)  }
0x308: {  	s18 =	simm.s32 $0x10;
	s16 =	simm.s32 $0xC4C0;
	v12 =	vsub.f32 v41, v5;
	v9 =	vsub.f32 $0.0e+00, v9;
	(erf) = vpow2.f32 v24;
	[tilespmem:s15+$0x10] =	vst v18;
	v18 =	vpop (erf)  }
0x309: {  	s19 =	simm.s32 $0x1C0;
	s17 =	simm.s32 $0xC4C0;
	s14 =	simm.s32 $0x0;
	v13 =	vmul.f32 v17, v4;
	v17 =	vadd.f32 $1.000000000e+00, v16;
	v15 =	vmul.f32 $1.442695020e+00, v15;
	v16 =	vpop (erf);
	[tilespmem:s15+$0xFFFFFFF0] =	vst v18  }
.LBB2_24:
0x30a: {  	v18 =	vld [tilespmem:s19+$0xFFFFFFD0];
	s18 =	sadd.s32 $0x8, s18;
	v14 =	vsub.f32 $0.0e+00, v14;
	v12 =	vmul.f32 v12, v4;
	(erf) = vpow2.f32 v11;
	s16 =	sadd.s32 $0x80, s16;
	[tilespmem:s15+$0x20] =	vst v6;
	v6 =	vpop (erf)  }
0x30b: {  	v13 =	vsub.f32 $0.0e+00, v13;
	v16 =	vadd.f32 $1.000000000e+00, v16;
	v11 =	vld [tilespmem:s19+$0x20];
	p0 =	slt.u32 s18, $0x1F8;
	v22 =	vpop (erf);
	(erf) = vrcp.f32 v17;
	[tilespmem:s15+$0x30] =	vst v6;
	s15 =	smov.u32 s17;
	s17 =	smov.u32 s16  }
0x30c: {  	v24 =	vadd.f32 $1.000000000e+00, v7;
	v6 =	vld [tilespmem:s19+$0x0];
	v14 =	vmul.f32 $1.442695020e+00, v14;
	(erf) = vpow2.f32 v15;
	v15 =	vpop (erf)  }
0x30d: {  	v13 =	vmul.f32 $1.442695020e+00, v13;
	v12 =	vsub.f32 $0.0e+00, v12;
	v17 =	vld [tilespmem:s19+$0xFFFFFFE0];
	(erf) = vpow2.f32 v10;
	[tilespmem:s15+$0xFFFFFFD0] =	vst v15  }
0x30e: {  	v15 =	vadd.f32 $1.000000000e+00, v22;
	v10 =	vld [tilespmem:s19+$0x30];
	(erf) = vrcp.f32 v24;
	v7 =	vpop (erf)  }
0x30f: {  	v12 =	vmul.f32 $1.442695020e+00, v12;
	v18 =	vsub.f32 v18, v5;
	v22 =	vld [tilespmem:s19+$0xFFFFFFF0];
	[tilespmem:s15+$0x0] =	vst v7;
	(erf) = vrcp.f32 v16  }
0x310: {  	v24 =	vmul.f32 $1.442695020e+00, v9;
	v7 =	vadd.f32 $1.000000000e+00, v8;
	v16 =	vld [tilespmem:s19+$0x10];
	(erf) = vpow2.f32 v14  }
0x311: {  	v8 =	vld [tilespmem:s19+$0xFFFFFFC0];
	v9 =	vmul.f32 v18, v4;
	v18 =	vsub.f32 v6, v5;
	(erf) = vrcp.f32 v15;
	v14 =	vpop (erf)  }
0x312: {  	v11 =	vsub.f32 v11, v5;
	v15 =	vpop (erf);
	v14 =	vadd.f32 $1.000000000e+00, v14;
	(erf) = vrcp.f32 v7  }
0x313: {  	v25 =	vmul.f32 v18, v4;
	v15 =	vadd.f32 $1.000000000e+00, v15;
	(erf) = vpow2.f32 v13;
	v13 =	vpop (erf)  }
0x314: {  	v17 =	vsub.f32 v17, v5;
	v9 =	vsub.f32 $0.0e+00, v9;
	v6 =	vpop (erf);
	(erf) = vrcp.f32 v14  }
0x315: {  	v18 =	vmul.f32 v11, v4;
	v14 =	vsub.f32 $0.0e+00, v25;
	v7 =	vpop (erf);
	(erf) = vpow2.f32 v12  }
0x316: {  	v12 =	vadd.f32 $1.000000000e+00, v13;
	v25 =	vsub.f32 v8, v5;
	(erf) = vrcp.f32 v15;
	v41 =	vpop (erf)  }
0x317: {  	v13 =	vsub.f32 $0.0e+00, v18;
	v11 =	vmul.f32 $1.442695020e+00, v14;
	v14 =	vsub.f32 v10, v5;
	v15 =	vpop (erf)  }
.Ltmp8:
0x318: {  	v18 =	vmul.f32 v25, v4;
	v25 =	vsub.f32 v22, v5;
	(erf) = vrcp.f32 v12;
	v42 =	vpop (erf);
	(pc) =	sbr.rel @p0 .LBB2_24-.Ltmp8, $4  }
0x319: {  	v10 =	vmul.f32 $1.442695020e+00, v13;
	v12 =	vsub.f32 v16, v5;
	v26 =	vmul.f32 v14, v4;
	v8 =	vpop (erf);
	[tilespmem:s15+$0xFFFFFFC0] =	vst v15  }
0x31a: {  	v15 =	vsub.f32 $0.0e+00, v18;
	v18 =	vmul.f32 $1.442695020e+00, v9;
	v14 =	vmul.f32 v25, v4;
	[tilespmem:s15+$0xFFFFFFE0] =	vst v42;
	v22 =	vpop (erf)  }
0x31b: {  	v13 =	vmul.f32 v17, v4;
	v9 =	vsub.f32 $0.0e+00, v26;
	(erf) = vpow2.f32 v24;
	[tilespmem:s15+$0x10] =	vst v22;
	v22 =	vpop (erf)  }
0x31c: {  	s19 =	sadd.s32 $0x80, s19;
	v17 =	vadd.f32 $1.000000000e+00, v41;
	v15 =	vmul.f32 $1.442695020e+00, v15;
	(erf) = vpow2.f32 v18;
	v16 =	vpop (erf);
	[tilespmem:s15+$0xFFFFFFF0] =	vst v22  }
0x31d: {  	(erf) = vpow2.f32 v11  }
0x31e: {  	(erf) = vrcp.f32 v17  }
0x31f: {  	v5 =	vsub.f32 $0.0e+00, v14;
	v7 =	vadd.f32 $1.000000000e+00, v7;
	(erf) = vpow2.f32 v15  }
0x320: {  	v4 =	vmul.f32 v12, v4;
	v11 =	vpop (erf);
	v58 =	vadd.f32 $1.000000000e+00, v16;
	(erf) = vpow2.f32 v10  }
0x321: {  	v59 =	vpop (erf);
	v5 =	vmul.f32 $1.442695020e+00, v5;
	(erf) = vrcp.f32 v7  }
0x322: {  	v60 =	vsub.f32 $0.0e+00, v13;
	v61 =	vpop (erf);
	v10 =	vadd.f32 $1.000000000e+00, v59;
	(erf) = vrcp.f32 v58  }
0x323: {  	v62 =	vpop (erf);
	(erf) = vpow2.f32 v5;
	v5 =	vadd.f32 $1.000000000e+00, v8  }
0x324: {  	v4 =	vsub.f32 $0.0e+00, v4;
	v7 =	vmul.f32 $1.442695020e+00, v60;
	(erf) = vrcp.f32 v10;
	v63 =	vpop (erf)  }
0x325: {  	v8 =	vadd.f32 $1.000000000e+00, v63;
	(erf) = vrcp.f32 v5  }
0x326: {  	v4 =	vmul.f32 $1.442695020e+00, v4;
	v14 =	vpop (erf);
	(erf) = vpow2.f32 v7  }
0x327: {  	v5 =	vpop (erf);
	(erf) = vrcp.f32 v8  }
0x328: {  	v15 =	vadd.f32 $1.000000000e+00, v14;
	v41 =	vpop (erf);
	(erf) = vpow2.f32 v4;
	v4 =	vadd.f32 $1.000000000e+00, v5  }
0x329: {  	v5 =	vmul.f32 $1.442695020e+00, v9;
	v42 =	vpop (erf)  }
0x32a: {  	(erf) = vrcp.f32 v15;
	v43 =	vpop (erf)  }
0x32b: {  	(erf) = vrcp.f32 v4;
	v44 =	vpop (erf)  }
0x32c: {  	v4 =	vpop (erf);
	(erf) = vpow2.f32 v5  }
0x32d: {  	v5 =	vpop (erf)  }
0x32e: {  	v45 =	vpop (erf)  }
0x32f: {  	v46 =	vpop (erf)  }
0x330: {  	v16 =	vpop (erf)  }
0x331: {  	[tilespmem:s15+$0x20] =	vst v6;
	v7 =	vadd.f32 $1.000000000e+00, v43;
	v47 =	vpop (erf)  }
0x332: {  	[tilespmem:s15+$0x30] =	vst v11;
	v8 =	vadd.f32 $1.000000000e+00, v42;
	v58 =	vadd.f32 $1.000000000e+00, v16;
	v16 =	vpop (erf)  }
0x333: {  	[tilespmem:s17+$0xFFFFFFD0] =	vst v61;
	(erf) = vrcp.f32 v7;
	v59 =	vpop (erf)  }
0x334: {  	[tilespmem:s17+$0x0] =	vst v62;
	(erf) = vrcp.f32 v8;
	v60 =	vadd.f32 $1.000000000e+00, v16;
	v61 =	vpop (erf)  }
0x335: {  	[tilespmem:s17+$0x20] =	vst v41;
	v5 =	vadd.f32 $1.000000000e+00, v5;
	(erf) = vrcp.f32 v58;
	v62 =	vpop (erf)  }
0x336: {  	[tilespmem:s17+$0xFFFFFFE0] =	vst v4;
	(erf) = vrcp.f32 v60;
	v4 =	vadd.f32 $1.000000000e+00, v62  }
0x337: {  	[tilespmem:s17+$0xFFFFFFC0] =	vst v44;
	(erf) = vrcp.f32 v5  }
0x338: {  	[tilespmem:s17+$0x10] =	vst v45;
	(erf) = vrcp.f32 v4  }
0x339: {  	[tilespmem:s17+$0xFFFFFFF0] =	vst v46  }
0x33a: {  	s31 =	sadd.s32 $0x80, s16;
	[tilespmem:s17+$0x30] =	vst v47  }
0x33b: {  	[tilespmem:s31+$0xFFFFFFD0] =	vst v59  }
0x33c: {  	[tilespmem:s31+$0x0] =	vst v61;
	v4 =	vpop (erf)  }
0x33d: {  	v5 =	vpop (erf);
	[tilespmem:s31+$0x20] =	vst v4  }
0x33e: {  	[tilespmem:s31+$0xFFFFFFC0] =	vst v5;
	v63 =	vpop (erf)  }
0x33f: {  	[tilespmem:s31+$0xFFFFFFE0] =	vst v63;
	v5 =	vpop (erf)  }
0x340: {  	[tilespmem:s31+$0x10] =	vst v5;
	v5 =	vpop (erf)  }
0x341: {  	[tilespmem:s31+$0xFFFFFFF0] =	vst v5;
	v4 =	vpop (erf)  }
0x342: {  	s16 =	simm.s32 $0x60C0;
	[tilespmem:s31+$0x30] =	vst v4  }
0x343: {  	[tilespmem:s16+$0xFFFFFFC0] =	vst v2  }
0x344: {  	[tilespmem:s16+$0x30] =	vst v2  }
0x345: {  	[tilespmem:s16+$0x20] =	vst v2  }
0x346: {  	[tilespmem:s16+$0x10] =	vst v2  }
0x347: {  	[tilespmem:s16+$0x0] =	vst v2  }
0x348: {  	[tilespmem:s16+$0xFFFFFFF0] =	vst v2  }
0x349: {  	[tilespmem:s16+$0xFFFFFFE0] =	vst v2  }
0x34a: {  	s15 =	simm.s32 $0x2070;
	v22 =	vld [tilespmem:$0x1FFF0]  }
.LBB2_26:
0x34b: {  	s14 =	sadd.s32 $0x8, s14;
	[tilespmem:s16+$0xFFFFFFD0] =	vst v2;
	s16 =	sadd.s32 $0x80, s16  }
0x34c: {  	[tilespmem:s16+$0xFFFFFFC0] =	vst v2;
	p0 =	slt.u32 s14, $0x2F8  }
0x34d: {  	[tilespmem:s16+$0x30] =	vst v2  }
.Ltmp9:
0x34e: {  	[tilespmem:s16+$0x20] =	vst v2;
	(pc) =	sbr.rel @p0 .LBB2_26-.Ltmp9, $4  }
0x34f: {  	[tilespmem:s16+$0x10] =	vst v2  }
0x350: {  	[tilespmem:s16+$0x0] =	vst v2  }
0x351: {  	[tilespmem:s16+$0xFFFFFFF0] =	vst v2  }
0x352: {  	[tilespmem:s16+$0xFFFFFFE0] =	vst v2  }
0x353: {  	[tilespmem:s16+$0xFFFFFFD0] =	vst v2  }
0x354: {  	v4 =	vld [tilespmem:s15+$0x0]  }
0x355: {  	v5 =	vld [tilespmem:s15+$0xFFFFFFA0]  }
0x356: {  	v6 =	vld [tilespmem:s15+$0xFFFFFFB0]  }
0x357: {  	v7 =	vld [tilespmem:s15+$0xFFFFFFC0]  }
0x358: {  	v8 =	vld [tilespmem:s15+$0xFFFFFFD0]  }
0x359: {  	v9 =	vld [tilespmem:s15+$0xFFFFFFE0]  }
0x35a: {  	v10 =	vld [tilespmem:s15+$0xFFFFFFF0]  }
0x35b: {  	v11 =	vld [tilespmem:s15+$0xFFFFFF90]  }
0x35c: {  	v4 =	vmul.f32 $8.000000000e+00, v4;
	v5 =	vmul.f32 $8.000000000e+00, v5  }
0x35d: {  	v6 =	vmul.f32 $8.000000000e+00, v6;
	v7 =	vmul.f32 $8.000000000e+00, v7  }
0x35e: {  	v8 =	vmul.f32 $8.000000000e+00, v8;
	v9 =	vmul.f32 $8.000000000e+00, v9  }
0x35f: {  	v10 =	vmul.f32 $8.000000000e+00, v10;
	v4 =	vadd.f32 $1.152000000e+03, v4;
	v5 =	vadd.f32 $1.152000000e+03, v5  }
0x360: {  	v11 =	vmul.f32 $8.000000000e+00, v11;
	v6 =	vadd.f32 $1.152000000e+03, v6;
	v7 =	vadd.f32 $1.152000000e+03, v7  }
0x361: {  	v8 =	vadd.f32 $1.152000000e+03, v8;
	v9 =	vadd.f32 $1.152000000e+03, v9  }
0x362: {  	v10 =	vadd.f32 $1.152000000e+03, v10;
	v11 =	vadd.f32 $1.152000000e+03, v11;
	v4 =	vmax.f32 v4, $1.024000000e+03  }
0x363: {  	v5 =	vmax.f32 v5, $1.024000000e+03;
	v6 =	vmax.f32 v6, $1.024000000e+03;
	v7 =	vmax.f32 v7, $1.024000000e+03  }
0x364: {  	v8 =	vmax.f32 v8, $1.024000000e+03;
	v9 =	vmax.f32 v9, $1.024000000e+03;
	v4 =	vmin.f32 v4, $1.280000000e+03  }
0x365: {  	v11 =	vmax.f32 v11, $1.024000000e+03;
	v10 =	vmax.f32 v10, $1.024000000e+03;
	v4 =	vtrunc.f32 v4  }
0x366: {  	v11 =	vmin.f32 v11, $1.280000000e+03;
	v5 =	vmin.f32 v5, $1.280000000e+03;
	v4 =	vcvt.f32.s32 v4  }
0x367: {  	v6 =	vmin.f32 v6, $1.280000000e+03;
	v7 =	vmin.f32 v7, $1.280000000e+03;
	v8 =	vmin.f32 v8, $1.280000000e+03  }
0x368: {  	v9 =	vmin.f32 v9, $1.280000000e+03;
	v10 =	vmin.f32 v10, $1.280000000e+03;
	v4 =	vadd.s32 $0xFFFFFC00, v4  }
0x369: {  	v11 =	vtrunc.f32 v11;
	v5 =	vtrunc.f32 v5;
	vm0 =	vgt.s32 v4, $0x0  }
0x36a: {  	v6 =	vtrunc.f32 v6;
	v7 =	vtrunc.f32 v7;
	v4 =	vnsel vm0, $0x0, v4  }
0x36b: {  	v8 =	vtrunc.f32 v8;
	v11 =	vcvt.f32.s32 v11;
	v4 =	vmin.u32 v4, $0xFF  }
0x36c: {  	v9 =	vtrunc.f32 v9;
	v10 =	vtrunc.f32 v10;
	v4 =	vshll.u32 v4, $0x4  }
0x36d: {  	v11 =	vadd.s32 $0xFFFFFC00, v11;
	v12 =	vor.u32 v0, v4;
	v4 =	vcvt.f32.s32 v5  }
0x36e: {  	vm4 =	vgt.s32 v11, $0x0;
	v5 =	vcvt.f32.s32 v6;
	v6 =	vcvt.f32.s32 v7  }
0x36f: {  	v7 =	vcvt.f32.s32 v8;
	v8 =	vadd.s32 $0xFFFFFC00, v4;
	v4 =	vcvt.f32.s32 v9  }
0x370: {  	v9 =	vcvt.f32.s32 v10;
	v13 =	vadd.s32 $0xFFFFFC00, v5;
	v5 =	vadd.s32 $0xFFFFFC00, v6  }
0x371: {  	v6 =	vadd.s32 $0xFFFFFC00, v7;
	vm5 =	vgt.s32 v8, $0x0;
	vm6 =	vgt.s32 v13, $0x0  }
0x372: {  	vm1 =	vgt.s32 v5, $0x0;
	vm2 =	vgt.s32 v6, $0x0;
	v7 =	vadd.s32 $0xFFFFFC00, v4  }
0x373: {  	v4 =	vadd.s32 $0xFFFFFC00, v9;
	v9 =	vnsel vm4, $0x0, v11;
	v10 =	vnsel vm5, $0x0, v8  }
0x374: {  	s16 =	simm.s32 $0x20F0;
	s15 =	simm.s32 $0x0;
	v8 =	vnsel vm6, $0x0, v13;
	vm3 =	vgt.s32 v7, $0x0;
	vm0 =	vgt.s32 v4, $0x0;
	[tilespmem:v12+s9+$0x0] =	vst.idx.add.s32.msk $0xffff, v3  }
.LBB2_28:
0x375: {  	v11 =	vld [tilespmem:s16+$0x0];
	s15 =	sadd.s32 $0x8, s15;
	v5 =	vnsel vm1, $0x0, v5;
	v6 =	vnsel vm2, $0x0, v6;
	v7 =	vnsel vm3, $0x0, v7  }
0x376: {  	v9 =	vmin.u32 v9, $0xFF;
	v10 =	vmin.u32 v10, $0xFF;
	v4 =	vnsel vm0, $0x0, v4;
	v12 =	vld [tilespmem:s16+$0xFFFFFFA0];
	p0 =	slt.u32 s15, $0x1F8  }
0x377: {  	v8 =	vmin.u32 v8, $0xFF;
	v5 =	vmin.u32 v5, $0xFF;
	v6 =	vmin.u32 v6, $0xFF;
	v13 =	vld [tilespmem:s16+$0xFFFFFFB0]  }
0x378: {  	v9 =	vshll.u32 v9, $0x4;
	v7 =	vmin.u32 v7, $0xFF;
	v4 =	vmin.u32 v4, $0xFF;
	v14 =	vld [tilespmem:s16+$0xFFFFFFC0]  }
0x379: {  	v10 =	vshll.u32 v10, $0x4;
	v8 =	vshll.u32 v8, $0x4;
	v5 =	vshll.u32 v5, $0x4;
	v15 =	vld [tilespmem:s16+$0xFFFFFFD0]  }
0x37a: {  	v6 =	vshll.u32 v6, $0x4;
	v7 =	vshll.u32 v7, $0x4;
	v16 =	vld [tilespmem:s16+$0xFFFFFFE0];
	v11 =	vmul.f32 $8.000000000e+00, v11  }
0x37b: {  	v9 =	vor.u32 v0, v9;
	v4 =	vshll.u32 v4, $0x4;
	v12 =	vmul.f32 $8.000000000e+00, v12;
	v17 =	vld [tilespmem:s16+$0xFFFFFFF0]  }
0x37c: {  	v10 =	vor.u32 v0, v10;
	v18 =	vld [tilespmem:s16+$0xFFFFFF90];
	v13 =	vmul.f32 $8.000000000e+00, v13;
	v11 =	vadd.f32 $1.152000000e+03, v11  }
0x37d: {  	v8 =	vor.u32 v0, v8;
	v12 =	vadd.f32 $1.152000000e+03, v12;
	v14 =	vmul.f32 $8.000000000e+00, v14  }
0x37e: {  	v13 =	vadd.f32 $1.152000000e+03, v13;
	v15 =	vmul.f32 $8.000000000e+00, v15;
	v11 =	vmax.f32 v11, $1.024000000e+03  }
0x37f: {  	v14 =	vadd.f32 $1.152000000e+03, v14;
	v16 =	vmul.f32 $8.000000000e+00, v16;
	v11 =	vmin.f32 v11, $1.280000000e+03  }
0x380: {  	v15 =	vadd.f32 $1.152000000e+03, v15;
	v17 =	vmul.f32 $8.000000000e+00, v17;
	v11 =	vtrunc.f32 v11;
	[tilespmem:v9+s9+$0x0] =	vst.idx.add.s32.msk $0xffff, v3  }
0x381: {  	v9 =	vmul.f32 $8.000000000e+00, v18;
	v16 =	vadd.f32 $1.152000000e+03, v16;
	v11 =	vcvt.f32.s32 v11;
	[tilespmem:v10+s9+$0x0] =	vst.idx.add.s32.msk $0xffff, v3  }
0x382: {  	v10 =	vmax.f32 v12, $1.024000000e+03;
	v12 =	vmax.f32 v13, $1.024000000e+03;
	v13 =	vadd.f32 $1.152000000e+03, v17;
	[tilespmem:v8+s9+$0x0] =	vst.idx.add.s32.msk $0xffff, v3  }
0x383: {  	v8 =	vadd.f32 $1.152000000e+03, v9;
	v9 =	vmax.f32 v14, $1.024000000e+03;
	v11 =	vadd.s32 $0xFFFFFC00, v11  }
0x384: {  	v14 =	vmax.f32 v15, $1.024000000e+03;
	v15 =	vmax.f32 v16, $1.024000000e+03;
	vm0 =	vgt.s32 v11, $0x0  }
0x385: {  	v13 =	vmax.f32 v13, $1.024000000e+03;
	v8 =	vmax.f32 v8, $1.024000000e+03;
	v11 =	vnsel vm0, $0x0, v11  }
0x386: {  	v10 =	vmin.f32 v10, $1.280000000e+03;
	v8 =	vmin.f32 v8, $1.280000000e+03;
	v11 =	vmin.u32 v11, $0xFF  }
0x387: {  	v12 =	vmin.f32 v12, $1.280000000e+03;
	v9 =	vmin.f32 v9, $1.280000000e+03;
	v11 =	vshll.u32 v11, $0x4  }
0x388: {  	v14 =	vmin.f32 v14, $1.280000000e+03;
	v15 =	vmin.f32 v15, $1.280000000e+03;
	v11 =	vor.u32 v0, v11  }
0x389: {  	v10 =	vtrunc.f32 v10;
	v13 =	vmin.f32 v13, $1.280000000e+03;
	v8 =	vtrunc.f32 v8  }
0x38a: {  	v5 =	vor.u32 v0, v5;
	v12 =	vtrunc.f32 v12;
	v9 =	vtrunc.f32 v9  }
0x38b: {  	v16 =	vor.u32 v0, v6;
	v14 =	vtrunc.f32 v14;
	v15 =	vtrunc.f32 v15  }
0x38c: {  	v6 =	vcvt.f32.s32 v8;
	v8 =	vtrunc.f32 v13;
	v13 =	vor.u32 v0, v7  }
0x38d: {  	s17 =	simm.s32 $0x60C0;
	s14 =	simm.s32 $0x90C4;
	v7 =	vcvt.f32.s32 v10;
	v10 =	vcvt.f32.s32 v12;
	[tilespmem:v11+s9+$0x0] =	vst.idx.add.s32.msk $0xffff, v3;
	v11 =	vor.u32 v0, v4  }
0x38e: {  	v12 =	vadd.s32 $0xFFFFFC00, v6;
	v6 =	vcvt.f32.s32 v14;
	v4 =	vcvt.f32.s32 v9  }
0x38f: {  	v8 =	vcvt.f32.s32 v8;
	v14 =	vadd.s32 $0xFFFFFC00, v7;
	v7 =	vcvt.f32.s32 v15;
	[tilespmem:v5+s9+$0x0] =	vst.idx.add.s32.msk $0xffff, v3  }
.Ltmp10:
0x390: {  	v15 =	vadd.s32 $0xFFFFFC00, v10;
	v6 =	vadd.s32 $0xFFFFFC00, v6;
	v5 =	vadd.s32 $0xFFFFFC00, v4;
	[tilespmem:v16+s9+$0x0] =	vst.idx.add.s32.msk $0xffff, v3;
	(pc) =	sbr.rel @p0 .LBB2_28-.Ltmp10, $4  }
0x391: {  	vm4 =	vgt.s32 v12, $0x0;
	v7 =	vadd.s32 $0xFFFFFC00, v7;
	v4 =	vadd.s32 $0xFFFFFC00, v8;
	[tilespmem:v13+s9+$0x0] =	vst.idx.add.s32.msk $0xffff, v3  }
0x392: {  	vm5 =	vgt.s32 v14, $0x0;
	vm6 =	vgt.s32 v15, $0x0;
	vm1 =	vgt.s32 v5, $0x0;
	[tilespmem:v11+s9+$0x0] =	vst.idx.add.s32.msk $0xffff, v3  }
0x393: {  	vm2 =	vgt.s32 v6, $0x0;
	vm3 =	vgt.s32 v7, $0x0;
	vm0 =	vgt.s32 v4, $0x0  }
0x394: {  	s16 =	sadd.s32 $0x80, s16;
	v10 =	vnsel vm5, $0x0, v14;
	v9 =	vnsel vm4, $0x0, v12;
	v8 =	vnsel vm6, $0x0, v15  }
0x395: {  	v5 =	vnsel vm1, $0x0, v5  }
0x396: {  	v6 =	vnsel vm2, $0x0, v6;
	v7 =	vnsel vm3, $0x0, v7;
	v9 =	vmin.u32 v9, $0xFF  }
0x397: {  	v10 =	vmin.u32 v10, $0xFF;
	v4 =	vnsel vm0, $0x0, v4;
	v9 =	vshll.u32 v9, $0x4  }
0x398: {  	v8 =	vmin.u32 v8, $0xFF;
	v10 =	vshll.u32 v10, $0x4;
	v9 =	vor.u32 v0, v9  }
0x399: {  	v5 =	vmin.u32 v5, $0xFF;
	v8 =	vshll.u32 v8, $0x4;
	v10 =	vor.u32 v0, v10  }
0x39a: {  	v6 =	vmin.u32 v6, $0xFF;
	v5 =	vshll.u32 v5, $0x4;
	v8 =	vor.u32 v0, v8  }
0x39b: {  	v7 =	vmin.u32 v7, $0xFF;
	v6 =	vshll.u32 v6, $0x4;
	v5 =	vor.u32 v0, v5  }
0x39c: {  	v4 =	vmin.u32 v4, $0xFF;
	v7 =	vshll.u32 v7, $0x4;
	v6 =	vor.u32 v0, v6  }
0x39d: {  	v4 =	vshll.u32 v4, $0x4;
	v7 =	vor.u32 v0, v7;
	[tilespmem:v9+s9+$0x0] =	vst.idx.add.s32.msk $0xffff, v3  }
0x39e: {  	v4 =	vor.u32 v0, v4;
	[tilespmem:v10+s9+$0x0] =	vst.idx.add.s32.msk $0xffff, v3  }
0x39f: {  	[tilespmem:v8+s9+$0x0] =	vst.idx.add.s32.msk $0xffff, v3  }
0x3a0: {  	[tilespmem:v5+s9+$0x0] =	vst.idx.add.s32.msk $0xffff, v3  }
0x3a1: {  	[tilespmem:v6+s9+$0x0] =	vst.idx.add.s32.msk $0xffff, v3  }
0x3a2: {  	[tilespmem:v7+s9+$0x0] =	vst.idx.add.s32.msk $0xffff, v3  }
0x3a3: {  	[tilespmem:v4+s9+$0x0] =	vst.idx.add.s32.msk $0xffff, v3  }
0x3a4: {  	v4 =	vld [tilespmem:s17+$0x30]  }
0x3a5: {  	v5 =	vld [tilespmem:s17+$0xFFFFFFD0];
	_ =	sdelay $0x1  }
0x3a6: {  	v6 =	vld [tilespmem:s17+$0xFFFFFFE0]  }
0x3a7: {  	v7 =	vld [tilespmem:s17+$0xFFFFFFF0]  }
0x3a8: {  	v8 =	vld [tilespmem:s17+$0x0];
	(xrf0) =	vadd.scan.msk.s32 $0xffff, v4  }
0x3a9: {  	v9 =	vld [tilespmem:s17+$0x10];
	(xrf0) =	vadd.scan.msk.s32 $0xffff, v5;
	_ =	sdelay $0x1  }
0x3aa: {  	v4 =	vld [tilespmem:s17+$0x20];
	(xrf0) =	vadd.scan.msk.s32 $0xffff, v6  }
0x3ab: {  	s16 =	simm.s32 $0x6140;
	v5 =	vld [tilespmem:s17+$0xFFFFFFC0];
	(xrf0) =	vadd.scan.msk.s32 $0xffff, v7  }
0x3ac: {  	v6 =	vld [tilespmem:s16+$0x30];
	(xrf0) =	vadd.scan.msk.s32 $0xffff, v8  }
0x3ad: {  	v7 =	vld [tilespmem:s16+$0xFFFFFFD0];
	(xrf0) =	vadd.scan.msk.s32 $0xffff, v9;
	v9, _, _ =	vpop (xrf0)  }
0x3ae: {  	v10 =	vld [tilespmem:s16+$0xFFFFFFE0];
	v11, _, _ =	vpop (xrf0)  }
0x3af: {  	v8 =	vld [tilespmem:s16+$0xFFFFFFF0];
	(xrf0) =	vadd.scan.msk.s32 $0xffff, v4;
	v11 =	vbroadcast v11, $0xF  }
0x3b0: {  	v4 =	vld [tilespmem:s16+$0x0];
	v9 =	vbroadcast v9, $0xF;
	(xrf0) =	vadd.scan.msk.s32 $0xffff, v5  }
0x3b1: {  	v5 =	vld [tilespmem:s16+$0x10];
	(xrf0) =	vadd.scan.msk.s32 $0xffff, v6;
	v12, _, _ =	vpop (xrf0)  }
0x3b2: {  	v6 =	vld [tilespmem:s16+$0x20];
	(xrf0) =	vadd.scan.msk.s32 $0xffff, v7;
	[tilespmem:s14+$0x33] =	vst v9;
	v13, _, _ =	vpop (xrf0);
	v9 =	vbroadcast v12, $0xF  }
0x3b3: {  	s15 =	simm.s32 $0x8;
	v7 =	vld [tilespmem:s16+$0xFFFFFFC0];
	s16 =	simm.s32 $0x61C0;
	(xrf0) =	vadd.scan.msk.s32 $0xffff, v10;
	[tilespmem:s14+$0xFFFFFFCD] =	vst v11;
	v10 =	vbroadcast v13, $0xF;
	v11, _, _ =	vpop (xrf0)  }
.LBB2_30:
0x3b4: {  	v12 =	vld [tilespmem:s16+$0x30];
	s15 =	sadd.s32 $0x8, s15;
	(xrf0) =	vadd.scan.msk.s32 $0xffff, v8;
	[tilespmem:s14+$0xFFFFFFDE] =	vst v9;
	v8 =	vbroadcast v11, $0xF;
	v9, _, _ =	vpop (xrf0)  }
0x3b5: {  	v11 =	vld [tilespmem:s16+$0xFFFFFFD0];
	p0 =	slt.u32 s15, $0xF8;
	(xrf0) =	vadd.scan.msk.s32 $0xffff, v4;
	[tilespmem:s14+$0xFFFFFFEF] =	vst v10;
	v4 =	vbroadcast v9, $0xF;
	v9, _, _ =	vpop (xrf0)  }
0x3b6: {  	v10 =	vld [tilespmem:s16+$0xFFFFFFE0];
	(xrf0) =	vadd.scan.msk.s32 $0xffff, v5;
	[tilespmem:s14+$0x0] =	vst v8;
	v5 =	vbroadcast v9, $0xF;
	v9, _, _ =	vpop (xrf0)  }
.Ltmp11:
0x3b7: {  	v8 =	vld [tilespmem:s16+$0xFFFFFFF0];
	(xrf0) =	vadd.scan.msk.s32 $0xffff, v6;
	v6, _, _ =	vpop (xrf0);
	v9 =	vbroadcast v9, $0xF;
	[tilespmem:s14+$0x11] =	vst v4;
	(pc) =	sbr.rel @p0 .LBB2_30-.Ltmp11, $4  }
0x3b8: {  	v4 =	vld [tilespmem:s16+$0x0];
	v13 =	vbroadcast v6, $0xF;
	(xrf0) =	vadd.scan.msk.s32 $0xffff, v7;
	v6, _, _ =	vpop (xrf0);
	[tilespmem:s14+$0x22] =	vst v5  }
0x3b9: {  	v5 =	vld [tilespmem:s16+$0x10];
	(xrf0) =	vadd.scan.msk.s32 $0xffff, v12;
	v12 =	vbroadcast v6, $0xF;
	v7, _, _ =	vpop (xrf0);
	[tilespmem:s14+$0xFFFFFFBC] =	vst v9;
	s14 =	sadd.s32 $0x88, s14  }
0x3ba: {  	v6 =	vld [tilespmem:s16+$0x20];
	(xrf0) =	vadd.scan.msk.s32 $0xffff, v11;
	v9 =	vbroadcast v7, $0xF;
	[tilespmem:s14+$0x33] =	vst v13;
	v11, _, _ =	vpop (xrf0)  }
0x3bb: {  	v7 =	vld [tilespmem:s16+$0xFFFFFFC0];
	s16 =	sadd.s32 $0x80, s16;
	(xrf0) =	vadd.scan.msk.s32 $0xffff, v10;
	[tilespmem:s14+$0xFFFFFFCD] =	vst v12;
	v10 =	vbroadcast v11, $0xF;
	v11, _, _ =	vpop (xrf0)  }
0x3bc: {  	(xrf0) =	vadd.scan.msk.s32 $0xffff, v8;
	v8 =	vbroadcast v11, $0xF;
	_ =	sdelay $0x1  }
0x3bd: {  	[tilespmem:s14+$0xFFFFFFDE] =	vst v9;
	v9, _, _ =	vpop (xrf0)  }
0x3be: {  	(xrf0) =	vadd.scan.msk.s32 $0xffff, v4;
	v4 =	vbroadcast v9, $0xF;
	v9, _, _ =	vpop (xrf0)  }
0x3bf: {  	(xrf0) =	vadd.scan.msk.s32 $0xffff, v5;
	[tilespmem:s14+$0x0] =	vst v8;
	v8, _, _ =	vpop (xrf0)  }
0x3c0: {  	v5 =	vbroadcast v9, $0xF;
	(xrf0) =	vadd.scan.msk.s32 $0xffff, v6;
	v6, _, _ =	vpop (xrf0)  }
0x3c1: {  	[tilespmem:s14+$0x11] =	vst v4;
	v4 =	vbroadcast v6, $0xF;
	v6, _, _ =	vpop (xrf0)  }
0x3c2: {  	[tilespmem:s14+$0x22] =	vst v5;
	v8 =	vbroadcast v8, $0xF;
	v5 =	vbroadcast v6, $0xF;
	v6, _, _ =	vpop (xrf0)  }
0x3c3: {  	[tilespmem:s14+$0xFFFFFFEF] =	vst v10;
	(xrf0) =	vadd.scan.msk.s32 $0xffff, v7;
	v6 =	vbroadcast v6, $0xF  }
0x3c4: {  	s30 =	sadd.s32 $0x88, s14;
	[tilespmem:s14+$0xFFFFFFBC] =	vst v8  }
0x3c5: {  	[tilespmem:s30+$0x33] =	vst v4;
	v4, _, _ =	vpop (xrf0)  }
0x3c6: {  	[tilespmem:s30+$0xFFFFFFCD] =	vst v5;
	v4 =	vbroadcast v4, $0xF;
	v5, _, _ =	vpop (xrf0)  }
0x3c7: {  	[tilespmem:s30+$0xFFFFFFDE] =	vst v6;
	v5 =	vbroadcast v5, $0xF;
	v6, _, _ =	vpop (xrf0)  }
0x3c8: {  	[tilespmem:s30+$0xFFFFFFEF] =	vst v4;
	v4 =	vbroadcast v6, $0xF;
	v6, _, _ =	vpop (xrf0)  }
0x3c9: {  	[tilespmem:s30+$0x0] =	vst v5;
	v5 =	vbroadcast v6, $0xF;
	v6, _, _ =	vpop (xrf0)  }
0x3ca: {  	v6 =	vbroadcast v6, $0xF;
	[tilespmem:s30+$0x11] =	vst v4  }
0x3cb: {  	[tilespmem:s30+$0x22] =	vst v5  }
0x3cc: {  	[tilespmem:s30+$0xFFFFFFBC] =	vst v6  }
0x3cd: {  	v4 =	vld.idx.msk [tilespmem:v1+s10+$0x0], $0xffff  }
0x3ce: {  	v5 =	vld.idx.msk [tilespmem:v20+s10+$0x0], $0xffff  }
0x3cf: {  	v6 =	vld.idx.msk [tilespmem:v48+s10+$0x0], $0xffff  }
0x3d0: {  	v7 =	vld.idx.msk [tilespmem:v49+s10+$0x0], $0xffff  }
0x3d1: {  	v8 =	vld.idx.msk [tilespmem:v50+s10+$0x0], $0xffff  }
0x3d2: {  	v9 =	vld.idx.msk [tilespmem:v51+s10+$0x0], $0xffff  }
0x3d3: {  	v4 =	vadd.s32 v4, v5;
	v5 =	vld.idx.msk [tilespmem:v52+s10+$0x0], $0xffff  }
0x3d4: {  	v4 =	vadd.s32 v6, v4;
	v6 =	vld.idx.msk [tilespmem:v53+s10+$0x0], $0xffff  }
0x3d5: {  	v4 =	vadd.s32 v7, v4;
	v7 =	vld.idx.msk [tilespmem:v54+s10+$0x0], $0xffff  }
0x3d6: {  	v4 =	vadd.s32 v8, v4;
	v8 =	vld.idx.msk [tilespmem:v55+s10+$0x0], $0xffff  }
0x3d7: {  	v4 =	vadd.s32 v9, v4;
	v9 =	vld.idx.msk [tilespmem:v56+s10+$0x0], $0xffff  }
0x3d8: {  	v4 =	vadd.s32 v5, v4  }
0x3d9: {  	v4 =	vadd.s32 v6, v4;
	v6 =	vld [tilespmem:$0x1FF00]  }
0x3da: {  	v4 =	vadd.s32 v7, v4;
	v7 =	vld [tilespmem:$0x1FF10]  }
0x3db: {  	v4 =	vadd.s32 v8, v4;
	v8 =	vld [tilespmem:$0x1FF20]  }
0x3dc: {  	v4 =	vadd.s32 v9, v4;
	v9 =	vld [tilespmem:$0x1FF30];
	_ =	sdelay $0x3  }
0x3dd: {  	v5 =	vld.idx.msk [tilespmem:v57+s10+$0x0], $0xffff  }
0x3de: {  	v6 =	vld.idx.msk [tilespmem:v6+s10+$0x0], $0xffff  }
0x3df: {  	v7 =	vld.idx.msk [tilespmem:v7+s10+$0x0], $0xffff  }
0x3e0: {  	v8 =	vld.idx.msk [tilespmem:v8+s10+$0x0], $0xffff  }
0x3e1: {  	v9 =	vld.idx.msk [tilespmem:v9+s10+$0x0], $0xffff  }
0x3e2: {  	v4 =	vadd.s32 v5, v4  }
0x3e3: {  	v4 =	vadd.s32 v6, v4  }
0x3e4: {  	v4 =	vadd.s32 v7, v4  }
0x3e5: {  	v4 =	vadd.s32 v8, v4  }
0x3e6: {  	v4 =	vadd.s32 v9, v4  }
0x3e7: {  	v5 =	vperm.xlane v4, v19;
	_ =	sdelay $0x1  }
0x3e8: {  	(xrf0) =	vadd.scan.msk.s32 $0xffff, v5;
	_ =	sdelay $0x5  }
0x3e9: {  	v5, _, _ =	vpop (xrf0)  }
0x3ea: {  	v5 =	vperm.xlane v5, v19;
	_ =	sdelay $0x1  }
0x3eb: {  	vm0 =	vgt.s32 v5, $0x200  }
0x3ec: {  	v6 =	vmpcnt.ones.xlane vm0  }
0x3ed: {  	vm0 =	vgt.s32 v5, $0x201  }
0x3ee: {  	v7 =	vmpcnt.ones.xlane vm0;
	v6 =	vadd.s32 $0xFFFFFFFF, v6  }
0x3ef: {  	v8 =	vmul.u32 $0x110, v6  }
0x3f0: {  	v9 =	vadd.s32 $0xFFFFFFFF, v7  }
0x3f1: {  	v7 =	vadd.s32 v22, v8;
	v8 =	vmul.u32 $0x110, v9;
	_ =	sdelay $0x1  }
0x3f2: {  	s31 =	simm.s32 $0x2070;
	v8 =	vadd.s32 v22, v8  }
0x3f3: {  	v11 =	vld [tilespmem:s31+$0xFFFFFFA0]  }
0x3f4: {  	v12 =	vld [tilespmem:s31+$0xFFFFFFB0]  }
0x3f5: {  	v24 =	vld.idx.msk [tilespmem:v7+s10+$0x0], $0xffff  }
0x3f6: {  	v13 =	vld [tilespmem:s31+$0xFFFFFFC0]  }
0x3f7: {  	v63 =	vld.idx.msk [tilespmem:v8+s10+$0x0], $0xffff  }
0x3f8: {  	v18 =	vld [tilespmem:s31+$0xFFFFFF90]  }
0x3f9: {  	v17 =	vld [tilespmem:s31+$0xFFFFFFF0];
	v4 =	vsub.s32 v5, v4;
	vm0 =	veq.s32 v6, v0  }
0x3fa: {  	v5 =	vnsel vm0, $0x0, v4;
	v7 =	vperm.xlane v24, v19  }
0x3fb: {  	vm0 =	veq.s32 v9, v0;
	(xrf0) =	vadd.scan.msk.s32 $0xffff, v5  }
0x3fc: {  	v15 =	vmul.f32 $8.000000000e+00, v11;
	v4 =	vnsel vm0, $0x0, v4;
	(xrf0) =	vadd.scan.msk.s32 $0xffff, v7;
	v5 =	vperm.xlane v63, v19  }
0x3fd: {  	v41 =	vmul.f32 $8.000000000e+00, v12;
	v47 =	vmul.f32 $8.000000000e+00, v18;
	(xrf0) =	vadd.scan.msk.s32 $0xffff, v4  }
0x3fe: {  	v43 =	vmul.f32 $8.000000000e+00, v13;
	v46 =	vmul.f32 $8.000000000e+00, v17;
	v15 =	vadd.f32 $1.152000000e+03, v15;
	(xrf0) =	vadd.scan.msk.s32 $0xffff, v5  }
0x3ff: {  	v41 =	vadd.f32 $1.152000000e+03, v41;
	v47 =	vadd.f32 $1.152000000e+03, v47  }
0x400: {  	v43 =	vadd.f32 $1.152000000e+03, v43;
	v46 =	vadd.f32 $1.152000000e+03, v46  }
0x401: {  	v15 =	vmax.f32 v15, $1.024000000e+03;
	v47 =	vmax.f32 v47, $1.024000000e+03;
	v22, _, _ =	vpop (xrf0)  }
0x402: {  	v41 =	vmax.f32 v41, $1.024000000e+03;
	v43 =	vmax.f32 v43, $1.024000000e+03;
	v46 =	vmax.f32 v46, $1.024000000e+03;
	v4, _, _ =	vpop (xrf0)  }
0x403: {  	v47 =	vmin.f32 v47, $1.280000000e+03;
	v7 =	vbroadcast v22, $0xF;
	v62, _, _ =	vpop (xrf0);
	v5 =	vperm.xlane v4, v19  }
0x404: {  	v15 =	vmin.f32 v15, $1.280000000e+03;
	v41 =	vmin.f32 v41, $1.280000000e+03;
	v43 =	vmin.f32 v43, $1.280000000e+03;
	v4, _, _ =	vpop (xrf0)  }
0x405: {  	v8 =	vbroadcast v62, $0xF;
	v4 =	vperm.xlane v4, v19;
	v7 =	vadd.s32 v5, v7  }
0x406: {  	v46 =	vmin.f32 v46, $1.280000000e+03;
	v47 =	vtrunc.f32 v47;
	vm0 =	vgt.s32 v7, $0x200  }
0x407: {  	v15 =	vtrunc.f32 v15;
	v8 =	vadd.s32 v4, v8;
	v7 =	vmpcnt.ones.xlane vm0  }
0x408: {  	v41 =	vtrunc.f32 v41;
	v43 =	vtrunc.f32 v43;
	vm1 =	vgt.s32 v8, $0x201  }
0x409: {  	v10 =	vshll.u32 v6, $0x4;
	v8 =	vmpcnt.ones.xlane vm1;
	v7 =	vadd.s32 $0xFFFFFFFF, v7  }
0x40a: {  	v46 =	vtrunc.f32 v46;
	v15 =	vcvt.f32.s32 v15;
	v58 =	vadd.s32 v10, v7  }
0x40b: {  	v9 =	vshll.u32 v9, $0x4;
	v10 =	vld [tilespmem:s31+$0x0];
	v6 =	vadd.s32 $0xFFFFFFFF, v8;
	v8 =	vcvt.s32.f32 v58  }
0x40c: {  	v41 =	vcvt.f32.s32 v41;
	v43 =	vcvt.f32.s32 v43;
	v59 =	vadd.s32 v9, v6  }
0x40d: {  	v9 =	vcvt.s32.f32 v59;
	v8 =	vmul.f32 $1.250000000e-01, v8  }
0x40e: {  	v46 =	vcvt.f32.s32 v46;
	v15 =	vadd.s32 $0xFFFFFC00, v15;
	v41 =	vadd.s32 $0xFFFFFC00, v41  }
0x40f: {  	v43 =	vadd.s32 $0xFFFFFC00, v43;
	v9 =	vmul.f32 $1.250000000e-01, v9;
	v60 =	vadd.f32 $-1.600000000e+01, v8  }
0x410: {  	v46 =	vadd.s32 $0xFFFFFC00, v46;
	vm2 =	vgt.s32 v41, $0x0;
	v14 =	vmul.f32 $8.000000000e+00, v10  }
0x411: {  	vm3 =	vgt.s32 v43, $0x0;
	v61 =	vadd.f32 $-1.600000000e+01, v9;
	v16 =	vsub.f32 v11, v60  }
0x412: {  	vm6 =	vgt.s32 v46, $0x0;
	v42 =	vsub.f32 v12, v60;
	v14 =	vadd.f32 $1.152000000e+03, v14  }
0x413: {  	v41 =	vnsel vm2, $0x0, v41;
	v8 =	vld [tilespmem:s31+$0xFFFFFFD0];
	v52 =	vsub.f32 v10, v60;
	v54 =	vsub.f32 v13, v60  }
0x414: {  	v43 =	vnsel vm3, $0x0, v43;
	v56 =	vsub.f32 v17, v60;
	v11 =	vsub.f32 v11, v61  }
0x415: {  	v12 =	vsub.f32 v12, v61;
	v14 =	vmax.f32 v14, $1.024000000e+03;
	v10 =	vsub.f32 v10, v61  }
0x416: {  	v9 =	vld [tilespmem:s31+$0xFFFFFFE0];
	v48 =	vmul.f32 $2.048000000e+03, v52;
	v13 =	vsub.f32 v13, v61;
	v17 =	vsub.f32 v17, v61  }
0x417: {  	v16 =	vmul.f32 $2.048000000e+03, v16;
	v42 =	vmul.f32 $2.048000000e+03, v42;
	v14 =	vmin.f32 v14, $1.280000000e+03  }
0x418: {  	v44 =	vmul.f32 $8.000000000e+00, v8;
	v55 =	vsub.f32 v8, v60;
	v14 =	vtrunc.f32 v14  }
0x419: {  	v8 =	vsub.f32 v8, v61;
	v10 =	vmul.f32 $2.048000000e+03, v10;
	v11 =	vmul.f32 $2.048000000e+03, v11  }
0x41a: {  	v48 =	vmax.f32 v48, $0.0e+00;
	v12 =	vmul.f32 $2.048000000e+03, v12;
	v13 =	vmul.f32 $2.048000000e+03, v13  }
0x41b: {  	v17 =	vmul.f32 $2.048000000e+03, v17;
	v16 =	vmax.f32 v16, $0.0e+00;
	v45 =	vmul.f32 $8.000000000e+00, v9  }
0x41c: {  	v44 =	vadd.f32 $1.152000000e+03, v44;
	v14 =	vcvt.f32.s32 v14;
	v48 =	vmin.f32 v48, $2.560000000e+02  }
0x41d: {  	v57 =	vsub.f32 v9, v60;
	v9 =	vsub.f32 v9, v61;
	v49 =	vmul.f32 $2.048000000e+03, v55  }
0x41e: {  	v52 =	vmul.f32 $2.048000000e+03, v8;
	v16 =	vmin.f32 v16, $2.560000000e+02;
	v10 =	vmax.f32 v10, $0.0e+00  }
0x41f: {  	v11 =	vmax.f32 v11, $0.0e+00;
	v12 =	vmax.f32 v12, $0.0e+00;
	v13 =	vmax.f32 v13, $0.0e+00  }
0x420: {  	v17 =	vmax.f32 v17, $0.0e+00;
	v45 =	vadd.f32 $1.152000000e+03, v45;
	v14 =	vadd.s32 $0xFFFFFC00, v14  }
0x421: {  	v10 =	vmin.f32 v10, $2.560000000e+02;
	v44 =	vmax.f32 v44, $1.024000000e+03;
	v49 =	vmax.f32 v49, $0.0e+00  }
0x422: {  	v11 =	vmin.f32 v11, $2.560000000e+02;
	v12 =	vmin.f32 v12, $2.560000000e+02;
	vm0 =	vgt.s32 v14, $0x0  }
0x423: {  	v44 =	vmin.f32 v44, $1.280000000e+03;
	v14 =	vnsel vm0, $0x0, v14;
	v45 =	vmax.f32 v45, $1.024000000e+03  }
0x424: {  	v44 =	vtrunc.f32 v44;
	v14 =	vmin.u32 v14, $0xFF;
	v45 =	vmin.f32 v45, $1.280000000e+03  }
0x425: {  	v44 =	vcvt.f32.s32 v44;
	vm0 =	veq.s32 v14, v58;
	v45 =	vtrunc.f32 v45  }
0x426: {  	v13 =	vmin.f32 v13, $2.560000000e+02;
	v10 =	vsel vm0, v48, v10;
	v45 =	vcvt.f32.s32 v45  }
0x427: {  	v44 =	vadd.s32 $0xFFFFFC00, v44;
	v48 =	vmul.f32 $2.048000000e+03, v54;
	v54 =	vmin.u32 v43, $0xFF  }
0x428: {  	v43 =	vmin.f32 v49, $2.560000000e+02;
	v10 =	vtrunc.f32 v10;
	vm4 =	vgt.s32 v44, $0x0  }
0x429: {  	vm3 =	veq.s32 v54, v58;
	v10 =	vcvt.f32.s32 v10;
	v45 =	vadd.s32 $0xFFFFFC00, v45  }
0x42a: {  	v8 =	vnsel vm4, $0x0, v44;
	v44 =	vmul.f32 $2.048000000e+03, v57;
	v57 =	vmul.f32 $2.048000000e+03, v9  }
0x42b: {  	v48 =	vmax.f32 v48, $0.0e+00;
	vm5 =	vgt.s32 v45, $0x0;
	v55 =	vmin.u32 v8, $0xFF  }
0x42c: {  	vm1 =	vgt.s32 v10, $0x0;
	v9 =	vnsel vm5, $0x0, v45;
	v45 =	vmul.f32 $2.048000000e+03, v56  }
0x42d: {  	v56 =	vmax.f32 v52, $0.0e+00;
	v44 =	vmax.f32 v44, $0.0e+00;
	v57 =	vmax.f32 v57, $0.0e+00  }
0x42e: {  	v10 =	vnsel vm1, $0x0, v10;
	vm1 =	veq.s32 v14, v59;
	v14 =	vsel vm0, $0x1000, v21  }
0x42f: {  	v9 =	vmin.u32 v9, $0xFF;
	v44 =	vmin.f32 v44, $2.560000000e+02;
	v10 =	vmin.u32 v10, $0xFF  }
0x430: {  	vm7 =	vmor vm0, vm1;
	vm1 =	vgt.s32 v15, $0x0;
	v45 =	vmax.f32 v45, $0.0e+00  }
0x431: {  	vm2 =	veq.s32 v9, v58;
	v10 =	vshll.u32 v10, $0x4;
	v15 =	vnsel vm1, $0x0, v15  }
0x432: {  	vm1 =	veq.s32 v55, v58;
	v45 =	vmin.f32 v45, $2.560000000e+02;
	v53 =	vor.u32 v0, v10  }
0x433: {  	v10 =	vand.u32 $0xF80, v10;
	v51 =	vmin.u32 v15, $0xFF;
	v15 =	vnsel vm6, $0x0, v46  }
0x434: {  	v46 =	vmin.f32 v56, $2.560000000e+02;
	v10 =	vor.u32 v14, v10;
	v14 =	vand.u32 $0x7F, v53  }
0x435: {  	v53 =	vmin.u32 v41, $0xFF;
	v8 =	vmin.u32 v15, $0xFF;
	vm4 =	veq.s32 v51, v58  }
0x436: {  	v10 =	vor.u32 v14, v10;
	v14 =	vcvt.f32.s32 v47;
	v47 =	vsub.f32 v18, v60  }
0x437: {  	v18 =	vsub.f32 v18, v61;
	vm6 =	veq.s32 v53, v58;
	v11 =	vsel vm4, v16, v11  }
0x438: {  	v16 =	vmin.f32 v17, $2.560000000e+02;
	v17 =	vsel vm1, v43, v46;
	v11 =	vtrunc.f32 v11  }
0x439: {  	v17 =	vtrunc.f32 v17;
	v43 =	vsel vm6, $0x1000, v21;
	v14 =	vadd.s32 $0xFFFFFC00, v14  }
0x43a: {  	v47 =	vmul.f32 $2.048000000e+03, v47;
	v18 =	vmul.f32 $2.048000000e+03, v18;
	vm0 =	vgt.s32 v14, $0x0  }
0x43b: {  	v11 =	vcvt.f32.s32 v11;
	v17 =	vcvt.f32.s32 v17;
	v14 =	vnsel vm0, $0x0, v14  }
0x43c: {  	v41 =	vmax.f32 v47, $0.0e+00;
	v15 =	vmax.f32 v18, $0.0e+00;
	v18 =	vmax.f32 v42, $0.0e+00  }
0x43d: {  	vm0 =	veq.s32 v8, v58;
	v42 =	vmin.f32 v48, $2.560000000e+02;
	v47 =	vmin.f32 v57, $2.560000000e+02  }
0x43e: {  	vm9 =	vgt.s32 v11, $0x0;
	vm12 =	vgt.s32 v17, $0x0;
	v14 =	vmin.u32 v14, $0xFF  }
0x43f: {  	v41 =	vmin.f32 v41, $2.560000000e+02;
	v15 =	vmin.f32 v15, $2.560000000e+02;
	v18 =	vmin.f32 v18, $2.560000000e+02  }
0x440: {  	v13 =	vsel vm3, v42, v13;
	v16 =	vsel vm0, v45, v16;
	v42 =	vsel vm4, $0x1000, v21  }
0x441: {  	v45 =	vsel vm1, $0x1000, v21;
	v11 =	vnsel vm9, $0x0, v11;
	v17 =	vnsel vm12, $0x0, v17;
	[tilespmem:v10+s9+$0x0] =	vst.idx.add.s32.msk vm7, v3  }
0x442: {  	vm7 =	veq.s32 v55, v59;
	vm5 =	veq.s32 v14, v58;
	v12 =	vsel vm6, v18, v12  }
0x443: {  	v18 =	vsel vm2, v44, v47;
	v13 =	vtrunc.f32 v13;
	v16 =	vtrunc.f32 v16  }
0x444: {  	v44 =	vsel vm3, $0x1000, v21;
	v11 =	vmin.u32 v11, $0xFF;
	v17 =	vmin.u32 v17, $0xFF  }
0x445: {  	v15 =	vsel vm5, v41, v15;
	v12 =	vtrunc.f32 v12;
	v18 =	vtrunc.f32 v18  }
0x446: {  	v41 =	vsel vm5, $0x1000, v21;
	v13 =	vcvt.f32.s32 v13;
	v16 =	vcvt.f32.s32 v16  }
0x447: {  	v11 =	vshll.u32 v11, $0x4;
	v17 =	vshll.u32 v17, $0x4;
	v15 =	vtrunc.f32 v15  }
0x448: {  	v12 =	vcvt.f32.s32 v12;
	v18 =	vcvt.f32.s32 v18;
	v47 =	vor.u32 v0, v11  }
0x449: {  	v11 =	vand.u32 $0xF80, v11;
	v52 =	vor.u32 v0, v17;
	v56 =	vand.u32 $0xF80, v17  }
0x44a: {  	v15 =	vcvt.f32.s32 v15;
	vm11 =	vgt.s32 v13, $0x0;
	vm9 =	vgt.s32 v16, $0x0  }
0x44b: {  	vm10 =	vgt.s32 v12, $0x0;
	v13 =	vnsel vm11, $0x0, v13;
	v16 =	vnsel vm9, $0x0, v16  }
0x44c: {  	vm11 =	veq.s32 v53, v59;
	vm9 =	veq.s32 v54, v59;
	vm8 =	vgt.s32 v15, $0x0  }
0x44d: {  	v12 =	vnsel vm10, $0x0, v12;
	v13 =	vmin.u32 v13, $0xFF;
	v16 =	vmin.u32 v16, $0xFF  }
0x44e: {  	vm10 =	veq.s32 v14, v59;
	v15 =	vnsel vm8, $0x0, v15;
	vm8 =	vgt.s32 v18, $0x0  }
0x44f: {  	v12 =	vmin.u32 v12, $0xFF;
	v13 =	vshll.u32 v13, $0x4;
	v16 =	vshll.u32 v16, $0x4  }
0x450: {  	v15 =	vmin.u32 v15, $0xFF;
	v18 =	vnsel vm8, $0x0, v18;
	v12 =	vshll.u32 v12, $0x4  }
0x451: {  	v50 =	vor.u32 v0, v13;
	v13 =	vand.u32 $0xF80, v13;
	v25 =	vor.u32 v0, v16  }
0x452: {  	v26 =	vand.u32 $0xF80, v16;
	v16 =	vor.u32 v42, v11;
	v11 =	vsel vm2, $0x1000, v21  }
0x453: {  	v42 =	vand.u32 $0x7F, v47;
	vm8 =	veq.s32 v51, v59;
	v18 =	vmin.u32 v18, $0xFF  }
0x454: {  	v15 =	vshll.u32 v15, $0x4;
	v48 =	vor.u32 v0, v12;
	v12 =	vand.u32 $0xF80, v12  }
0x455: {  	v47 =	vand.u32 $0x7F, v50;
	v10 =	vand.u32 $0x7F, v25;
	v18 =	vshll.u32 v18, $0x4  }
0x456: {  	v46 =	vor.u32 v0, v15;
	v15 =	vand.u32 $0xF80, v15;
	v17 =	vor.u32 v43, v12  }
0x457: {  	v12 =	vsel vm0, $0x1000, v21;
	v43 =	vand.u32 $0x7F, v52;
	v57 =	vor.u32 v0, v18  }
0x458: {  	v20 =	vand.u32 $0xF80, v18;
	v15 =	vor.u32 v41, v15;
	v49 =	vand.u32 $0x7F, v46  }
0x459: {  	v46 =	vand.u32 $0x7F, v48;
	v41 =	vor.u32 v44, v13;
	v18 =	vor.u32 v45, v56  }
0x45a: {  	s15 =	simm.s32 $0x0;
	s16 =	simm.s32 $0x20F0;
	v45 =	vor.u32 v12, v26;
	v44 =	vor.u32 v11, v20;
	v48 =	vand.u32 $0x7F, v57  }
.LBB2_32:
0x45b: {  	v20 =	vld [tilespmem:s16+$0x0];
	s15 =	sadd.s32 $0x8, s15;
	v25 =	vor.u32 v49, v15;
	vm12 =	veq.s32 v9, v59;
	vm13 =	veq.s32 v8, v59  }
0x45c: {  	v16 =	vor.u32 v42, v16;
	v17 =	vor.u32 v46, v17;
	v26 =	vor.u32 v47, v41;
	v9 =	vld [tilespmem:s16+$0xFFFFFFA0];
	p0 =	slt.u32 s15, $0x1F8  }
0x45d: {  	v18 =	vor.u32 v43, v18;
	v41 =	vor.u32 v48, v44;
	v42 =	vor.u32 v10, v45;
	v11 =	vld [tilespmem:s16+$0xFFFFFFB0]  }
0x45e: {  	vm10 =	vmor vm5, vm10;
	vm8 =	vmor vm4, vm8;
	vm5 =	vmor vm6, vm11;
	v14 =	vld [tilespmem:s16+$0xFFFFFFC0]  }
0x45f: {  	vm4 =	vmor vm3, vm9;
	vm3 =	vmor vm1, vm7;
	vm1 =	vmor vm2, vm12;
	v15 =	vld [tilespmem:s16+$0xFFFFFFD0]  }
0x460: {  	vm0 =	vmor vm0, vm13;
	v12 =	vld [tilespmem:s16+$0xFFFFFFE0];
	v43 =	vmul.f32 $8.000000000e+00, v20  }
0x461: {  	v44 =	vmul.f32 $8.000000000e+00, v9;
	v8 =	vsub.f32 v9, v60;
	v9 =	vsub.f32 v9, v61;
	v13 =	vld [tilespmem:s16+$0xFFFFFFF0]  }
0x462: {  	v45 =	vld [tilespmem:s16+$0xFFFFFF90];
	v46 =	vmul.f32 $8.000000000e+00, v11;
	v10 =	vsub.f32 v11, v60;
	v43 =	vadd.f32 $1.152000000e+03, v43  }
0x463: {  	v11 =	vsub.f32 v11, v61;
	v44 =	vadd.f32 $1.152000000e+03, v44;
	v47 =	vmul.f32 $8.000000000e+00, v14  }
0x464: {  	v46 =	vadd.f32 $1.152000000e+03, v46;
	v48 =	vmul.f32 $8.000000000e+00, v15;
	v43 =	vmax.f32 v43, $1.024000000e+03;
	[tilespmem:v25+s9+$0x0] =	vst.idx.add.s32.msk vm10, v3  }
0x465: {  	v25 =	vadd.f32 $1.152000000e+03, v47;
	v47 =	vmul.f32 $8.000000000e+00, v12;
	v43 =	vmin.f32 v43, $1.280000000e+03;
	[tilespmem:v16+s9+$0x0] =	vst.idx.add.s32.msk vm8, v3  }
0x466: {  	v16 =	vadd.f32 $1.152000000e+03, v48;
	v48 =	vmul.f32 $8.000000000e+00, v13;
	v43 =	vtrunc.f32 v43;
	[tilespmem:v17+s9+$0x0] =	vst.idx.add.s32.msk vm5, v3  }
0x467: {  	v17 =	vmul.f32 $8.000000000e+00, v45;
	v47 =	vadd.f32 $1.152000000e+03, v47;
	v43 =	vcvt.f32.s32 v43;
	[tilespmem:v26+s9+$0x0] =	vst.idx.add.s32.msk vm4, v3  }
0x468: {  	v26 =	vmax.f32 v44, $1.024000000e+03;
	v44 =	vsub.f32 v20, v60;
	v20 =	vsub.f32 v20, v61;
	[tilespmem:v18+s9+$0x0] =	vst.idx.add.s32.msk vm3, v3  }
0x469: {  	v18 =	vadd.f32 $1.152000000e+03, v48;
	v17 =	vadd.f32 $1.152000000e+03, v17;
	v43 =	vadd.s32 $0xFFFFFC00, v43;
	[tilespmem:v41+s9+$0x0] =	vst.idx.add.s32.msk vm1, v3  }
0x46a: {  	v41 =	vmul.f32 $2.048000000e+03, v44;
	v20 =	vmul.f32 $2.048000000e+03, v20;
	vm1 =	vgt.s32 v43, $0x0;
	[tilespmem:v42+s9+$0x0] =	vst.idx.add.s32.msk vm0, v3  }
0x46b: {  	v42 =	vmax.f32 v46, $1.024000000e+03;
	v17 =	vmax.f32 v17, $1.024000000e+03;
	v43 =	vnsel vm1, $0x0, v43  }
0x46c: {  	v41 =	vmax.f32 v41, $0.0e+00;
	v20 =	vmax.f32 v20, $0.0e+00;
	v43 =	vmin.u32 v43, $0xFF  }
0x46d: {  	v41 =	vmin.f32 v41, $2.560000000e+02;
	v20 =	vmin.f32 v20, $2.560000000e+02;
	vm0 =	veq.s32 v43, v58  }
0x46e: {  	v25 =	vmax.f32 v25, $1.024000000e+03;
	v16 =	vmax.f32 v16, $1.024000000e+03;
	v20 =	vsel vm0, v41, v20  }
0x46f: {  	v18 =	vmax.f32 v18, $1.024000000e+03;
	v41 =	vmax.f32 v47, $1.024000000e+03;
	v20 =	vtrunc.f32 v20  }
0x470: {  	v26 =	vmin.f32 v26, $1.280000000e+03;
	v17 =	vmin.f32 v17, $1.280000000e+03;
	v20 =	vcvt.f32.s32 v20  }
0x471: {  	v25 =	vmin.f32 v25, $1.280000000e+03;
	v16 =	vmin.f32 v16, $1.280000000e+03;
	v42 =	vmin.f32 v42, $1.280000000e+03  }
0x472: {  	v18 =	vmin.f32 v18, $1.280000000e+03;
	v41 =	vmin.f32 v41, $1.280000000e+03;
	vm1 =	vgt.s32 v20, $0x0  }
0x473: {  	v26 =	vtrunc.f32 v26;
	v17 =	vtrunc.f32 v17;
	v20 =	vnsel vm1, $0x0, v20  }
0x474: {  	v25 =	vtrunc.f32 v25;
	v42 =	vtrunc.f32 v42;
	v20 =	vmin.u32 v20, $0xFF  }
0x475: {  	v16 =	vtrunc.f32 v16;
	vm1 =	veq.s32 v43, v59;
	v20 =	vshll.u32 v20, $0x4  }
0x476: {  	v43 =	vsel vm0, $0x1000, v21;
	v44 =	vor.u32 v0, v20;
	v20 =	vand.u32 $0xF80, v20  }
0x477: {  	vm0 =	vmor vm0, vm1;
	v20 =	vor.u32 v43, v20;
	v43 =	vand.u32 $0x7F, v44  }
0x478: {  	v18 =	vtrunc.f32 v18;
	v41 =	vtrunc.f32 v41;
	v20 =	vor.u32 v43, v20  }
0x479: {  	v26 =	vcvt.f32.s32 v26;
	v17 =	vcvt.f32.s32 v17;
	v43 =	vsub.f32 v45, v60  }
0x47a: {  	v25 =	vcvt.f32.s32 v25;
	v42 =	vcvt.f32.s32 v42;
	v44 =	vsub.f32 v45, v61  }
0x47b: {  	v16 =	vcvt.f32.s32 v16;
	v41 =	vcvt.f32.s32 v41;
	v45 =	vsub.f32 v14, v60  }
0x47c: {  	v46 =	vsub.f32 v15, v60;
	v18 =	vcvt.f32.s32 v18;
	v14 =	vsub.f32 v14, v61  }
0x47d: {  	s18 =	simm.s32 $0x70F0;
	s14 =	simm.s32 $0x0;
	s17 =	simm.s32 $0xA191;
	v15 =	vsub.f32 v15, v61;
	v47 =	vsub.f32 v12, v60;
	v17 =	vadd.s32 $0xFFFFFC00, v17;
	[tilespmem:v20+s9+$0x0] =	vst.idx.add.s32.msk vm0, v3  }
0x47e: {  	v12 =	vsub.f32 v12, v61;
	v20 =	vadd.s32 $0xFFFFFC00, v26;
	v26 =	vsub.f32 v13, v60  }
0x47f: {  	v25 =	vadd.s32 $0xFFFFFC00, v25;
	v42 =	vadd.s32 $0xFFFFFC00, v42;
	v13 =	vsub.f32 v13, v61  }
0x480: {  	v16 =	vadd.s32 $0xFFFFFC00, v16;
	v18 =	vadd.s32 $0xFFFFFC00, v18;
	v41 =	vadd.s32 $0xFFFFFC00, v41  }
0x481: {  	vm2 =	vgt.s32 v42, $0x0;
	vm0 =	vgt.s32 v17, $0x0;
	vm1 =	vgt.s32 v20, $0x0  }
0x482: {  	vm3 =	vgt.s32 v25, $0x0;
	vm4 =	vgt.s32 v16, $0x0;
	vm5 =	vgt.s32 v41, $0x0  }
0x483: {  	vm6 =	vgt.s32 v18, $0x0;
	v44 =	vmul.f32 $2.048000000e+03, v44;
	v43 =	vmul.f32 $2.048000000e+03, v43  }
0x484: {  	v49 =	vmul.f32 $2.048000000e+03, v9;
	v48 =	vmul.f32 $2.048000000e+03, v8;
	v17 =	vnsel vm0, $0x0, v17  }
0x485: {  	v50 =	vmul.f32 $2.048000000e+03, v11;
	v8 =	vnsel vm1, $0x0, v20;
	v20 =	vmul.f32 $2.048000000e+03, v10  }
0x486: {  	v9 =	vnsel vm2, $0x0, v42;
	v42 =	vmul.f32 $2.048000000e+03, v45;
	v45 =	vmul.f32 $2.048000000e+03, v14  }
0x487: {  	v15 =	vmul.f32 $2.048000000e+03, v15;
	v14 =	vnsel vm3, $0x0, v25;
	v25 =	vmul.f32 $2.048000000e+03, v46  }
0x488: {  	v16 =	vnsel vm4, $0x0, v16;
	v46 =	vmul.f32 $2.048000000e+03, v47;
	v47 =	vmul.f32 $2.048000000e+03, v12  }
0x489: {  	v41 =	vnsel vm5, $0x0, v41;
	v26 =	vmul.f32 $2.048000000e+03, v26;
	v51 =	vmul.f32 $2.048000000e+03, v13  }
0x48a: {  	v10 =	vmin.u32 v17, $0xFF;
	v11 =	vmin.u32 v8, $0xFF;
	v8 =	vnsel vm6, $0x0, v18  }
0x48b: {  	v12 =	vmin.u32 v9, $0xFF;
	v13 =	vmin.u32 v14, $0xFF;
	v14 =	vmin.u32 v16, $0xFF  }
0x48c: {  	v9 =	vmin.u32 v41, $0xFF;
	v16 =	vmax.f32 v43, $0.0e+00;
	v8 =	vmin.u32 v8, $0xFF  }
0x48d: {  	v41 =	vmax.f32 v49, $0.0e+00;
	v17 =	vmax.f32 v44, $0.0e+00;
	v18 =	vmax.f32 v48, $0.0e+00  }
0x48e: {  	v42 =	vmax.f32 v42, $0.0e+00;
	v43 =	vmax.f32 v50, $0.0e+00;
	v20 =	vmax.f32 v20, $0.0e+00  }
0x48f: {  	v15 =	vmax.f32 v15, $0.0e+00;
	v25 =	vmax.f32 v25, $0.0e+00;
	v44 =	vmax.f32 v45, $0.0e+00  }
0x490: {  	v45 =	vmax.f32 v46, $0.0e+00;
	v46 =	vmax.f32 v47, $0.0e+00;
	v26 =	vmax.f32 v26, $0.0e+00  }
0x491: {  	vm5 =	veq.s32 v10, v58;
	vm4 =	veq.s32 v11, v58;
	v47 =	vmax.f32 v51, $0.0e+00  }
0x492: {  	vm6 =	veq.s32 v12, v58;
	vm3 =	veq.s32 v13, v58;
	vm1 =	veq.s32 v14, v58  }
0x493: {  	vm2 =	veq.s32 v9, v58;
	v16 =	vmin.f32 v16, $2.560000000e+02;
	vm0 =	veq.s32 v8, v58  }
0x494: {  	v41 =	vmin.f32 v41, $2.560000000e+02;
	v17 =	vmin.f32 v17, $2.560000000e+02;
	v18 =	vmin.f32 v18, $2.560000000e+02  }
0x495: {  	v42 =	vmin.f32 v42, $2.560000000e+02;
	v43 =	vmin.f32 v43, $2.560000000e+02;
	v20 =	vmin.f32 v20, $2.560000000e+02  }
0x496: {  	v15 =	vmin.f32 v15, $2.560000000e+02;
	v25 =	vmin.f32 v25, $2.560000000e+02;
	v44 =	vmin.f32 v44, $2.560000000e+02  }
0x497: {  	v45 =	vmin.f32 v45, $2.560000000e+02;
	v46 =	vmin.f32 v46, $2.560000000e+02;
	v26 =	vmin.f32 v26, $2.560000000e+02  }
0x498: {  	v16 =	vsel vm5, v16, v17;
	v17 =	vsel vm4, v18, v41;
	v18 =	vmin.f32 v47, $2.560000000e+02  }
0x499: {  	v15 =	vsel vm1, v25, v15;
	v41 =	vsel vm3, v42, v44;
	v20 =	vsel vm6, v20, v43  }
0x49a: {  	v25 =	vsel vm2, v45, v46;
	v16 =	vtrunc.f32 v16;
	v18 =	vsel vm0, v26, v18  }
0x49b: {  	v26 =	vsel vm5, $0x1000, v21;
	v17 =	vtrunc.f32 v17;
	v20 =	vtrunc.f32 v20  }
0x49c: {  	v42 =	vsel vm4, $0x1000, v21;
	v15 =	vtrunc.f32 v15;
	v41 =	vtrunc.f32 v41  }
0x49d: {  	v25 =	vtrunc.f32 v25;
	v43 =	vsel vm6, $0x1000, v21;
	v18 =	vtrunc.f32 v18  }
0x49e: {  	v44 =	vsel vm3, $0x1000, v21;
	v16 =	vcvt.f32.s32 v16;
	v17 =	vcvt.f32.s32 v17  }
0x49f: {  	v45 =	vsel vm1, $0x1000, v21;
	v41 =	vcvt.f32.s32 v41;
	v20 =	vcvt.f32.s32 v20  }
0x4a0: {  	v15 =	vcvt.f32.s32 v15;
	v25 =	vcvt.f32.s32 v25;
	vm7 =	vgt.s32 v16, $0x0  }
0x4a1: {  	v18 =	vcvt.f32.s32 v18;
	vm8 =	vgt.s32 v17, $0x0;
	vm9 =	vgt.s32 v20, $0x0  }
0x4a2: {  	vm11 =	vgt.s32 v15, $0x0;
	vm12 =	vgt.s32 v25, $0x0;
	vm10 =	vgt.s32 v41, $0x0  }
0x4a3: {  	v16 =	vnsel vm7, $0x0, v16;
	v17 =	vnsel vm8, $0x0, v17;
	vm7 =	vgt.s32 v18, $0x0  }
0x4a4: {  	v15 =	vnsel vm11, $0x0, v15;
	v41 =	vnsel vm10, $0x0, v41;
	v20 =	vnsel vm9, $0x0, v20  }
0x4a5: {  	v25 =	vnsel vm12, $0x0, v25;
	v16 =	vmin.u32 v16, $0xFF;
	v18 =	vnsel vm7, $0x0, v18  }
0x4a6: {  	v17 =	vmin.u32 v17, $0xFF;
	v41 =	vmin.u32 v41, $0xFF;
	v20 =	vmin.u32 v20, $0xFF  }
0x4a7: {  	v15 =	vmin.u32 v15, $0xFF;
	v25 =	vmin.u32 v25, $0xFF;
	v18 =	vmin.u32 v18, $0xFF  }
0x4a8: {  	v16 =	vshll.u32 v16, $0x4;
	v17 =	vshll.u32 v17, $0x4;
	v20 =	vshll.u32 v20, $0x4  }
0x4a9: {  	v15 =	vshll.u32 v15, $0x4;
	v25 =	vshll.u32 v25, $0x4;
	v41 =	vshll.u32 v41, $0x4  }
0x4aa: {  	v46 =	vor.u32 v0, v16;
	v16 =	vand.u32 $0xF80, v16;
	v18 =	vshll.u32 v18, $0x4  }
0x4ab: {  	v47 =	vor.u32 v0, v17;
	v17 =	vand.u32 $0xF80, v17;
	v48 =	vor.u32 v0, v20  }
0x4ac: {  	v50 =	vor.u32 v0, v41;
	v41 =	vand.u32 $0xF80, v41;
	v20 =	vand.u32 $0xF80, v20  }
0x4ad: {  	v51 =	vor.u32 v0, v15;
	v52 =	vand.u32 $0xF80, v15;
	v53 =	vor.u32 v0, v25  }
0x4ae: {  	v25 =	vand.u32 $0xF80, v25;
	v54 =	vor.u32 v0, v18;
	v55 =	vand.u32 $0xF80, v18  }
0x4af: {  	v56 =	vsel vm0, $0x1000, v21;
	v15 =	vor.u32 v26, v16;
	v26 =	vsel vm2, $0x1000, v21  }
0x4b0: {  	v49 =	vand.u32 $0x7F, v46;
	v16 =	vor.u32 v42, v17;
	v42 =	vand.u32 $0x7F, v47  }
.Ltmp12:
0x4b1: {  	v41 =	vor.u32 v44, v41;
	v17 =	vor.u32 v43, v20;
	v46 =	vand.u32 $0x7F, v48;
	(pc) =	sbr.rel @p0 .LBB2_32-.Ltmp12, $4  }
0x4b2: {  	v47 =	vand.u32 $0x7F, v50;
	v18 =	vor.u32 v45, v52;
	v43 =	vand.u32 $0x7F, v51  }
0x4b3: {  	v44 =	vor.u32 v26, v25;
	v48 =	vand.u32 $0x7F, v53;
	v45 =	vor.u32 v56, v55  }
0x4b4: {  	vm10 =	veq.s32 v10, v59;
	vm8 =	veq.s32 v11, v59;
	v10 =	vand.u32 $0x7F, v54  }
0x4b5: {  	s16 =	sadd.s32 $0x80, s16;
	vm11 =	veq.s32 v12, v59;
	vm9 =	veq.s32 v13, v59;
	vm7 =	veq.s32 v14, v59  }
0x4b6: {  	vm5 =	vmor vm5, vm10  }
0x4b7: {  	v11 =	vor.u32 v49, v15;
	vm4 =	vmor vm4, vm8  }
0x4b8: {  	v12 =	vor.u32 v42, v16;
	vm6 =	vmor vm6, vm11  }
0x4b9: {  	v13 =	vor.u32 v46, v17;
	vm3 =	vmor vm3, vm9  }
0x4ba: {  	vm14 =	veq.s32 v9, v59;
	v9 =	vor.u32 v47, v41;
	vm1 =	vmor vm1, vm7  }
0x4bb: {  	vm15 =	veq.s32 v8, v59;
	v8 =	vor.u32 v43, v18;
	vm2 =	vmor vm2, vm14  }
0x4bc: {  	v14 =	vor.u32 v48, v44;
	vm0 =	vmor vm0, vm15;
	[tilespmem:v11+s9+$0x0] =	vst.idx.add.s32.msk vm5, v3  }
0x4bd: {  	v10 =	vor.u32 v10, v45;
	[tilespmem:v12+s9+$0x0] =	vst.idx.add.s32.msk vm4, v3  }
0x4be: {  	[tilespmem:v13+s9+$0x0] =	vst.idx.add.s32.msk vm6, v3  }
0x4bf: {  	[tilespmem:v9+s9+$0x0] =	vst.idx.add.s32.msk vm3, v3  }
0x4c0: {  	[tilespmem:v8+s9+$0x0] =	vst.idx.add.s32.msk vm1, v3  }
0x4c1: {  	[tilespmem:v14+s9+$0x0] =	vst.idx.add.s32.msk vm2, v3  }
0x4c2: {  	[tilespmem:v10+s9+$0x0] =	vst.idx.add.s32.msk vm0, v3  }
0x4c3: {  	v8 =	vld [tilespmem:s18+$0x0]  }
0x4c4: {  	v9 =	vld [tilespmem:s18+$0xFFFFFFA0]  }
0x4c5: {  	v10 =	vld [tilespmem:s18+$0xFFFFFFB0]  }
0x4c6: {  	v11 =	vld [tilespmem:s18+$0xFFFFFFC0]  }
0x4c7: {  	v12 =	vld [tilespmem:s18+$0xFFFFFFD0]  }
0x4c8: {  	v13 =	vld [tilespmem:s18+$0xFFFFFFE0];
	(xrf0) =	vadd.scan.msk.s32 $0xffff, v8  }
0x4c9: {  	v8 =	vld [tilespmem:s18+$0xFFFFFFF0];
	(xrf0) =	vadd.scan.msk.s32 $0xffff, v9  }
0x4ca: {  	v9 =	vld [tilespmem:s18+$0xFFFFFF90];
	(xrf0) =	vadd.scan.msk.s32 $0xffff, v10  }
0x4cb: {  	(xrf0) =	vadd.scan.msk.s32 $0xffff, v11  }
0x4cc: {  	s15 =	simm.s32 $0x7170;
	(xrf0) =	vadd.scan.msk.s32 $0xffff, v12  }
0x4cd: {  	v10 =	vld [tilespmem:s15+$0x0];
	(xrf0) =	vadd.scan.msk.s32 $0xffff, v13  }
0x4ce: {  	(xrf0) =	vadd.scan.msk.s32 $0xffff, v8;
	v8, _, _ =	vpop (xrf0)  }
0x4cf: {  	v8 =	vbroadcast v8, $0xF;
	(xrf0) =	vadd.scan.msk.s32 $0xffff, v9;
	v9, _, _ =	vpop (xrf0)  }
0x4d0: {  	v11 =	vld [tilespmem:s15+$0xFFFFFFA0];
	v9 =	vbroadcast v9, $0xF  }
0x4d1: {  	v12 =	vld [tilespmem:s15+$0xFFFFFFB0]  }
0x4d2: {  	v13 =	vld [tilespmem:s15+$0xFFFFFFC0];
	(xrf0) =	vadd.scan.msk.s32 $0xffff, v10;
	v10, _, _ =	vpop (xrf0)  }
0x4d3: {  	v14 =	vld [tilespmem:s15+$0xFFFFFFD0];
	v10 =	vbroadcast v10, $0xF;
	[tilespmem:s17+$0x66] =	vst v8;
	v8, _, _ =	vpop (xrf0)  }
0x4d4: {  	v15 =	vld [tilespmem:s15+$0xFFFFFFE0];
	[tilespmem:s17+$0x0] =	vst v9;
	v8 =	vbroadcast v8, $0xF;
	v9, _, _ =	vpop (xrf0)  }
0x4d5: {  	v16 =	vld [tilespmem:s15+$0xFFFFFFF0];
	(xrf0) =	vadd.scan.msk.s32 $0xffff, v11;
	v9 =	vbroadcast v9, $0xF  }
0x4d6: {  	v11 =	vld [tilespmem:s15+$0xFFFFFF90];
	(xrf0) =	vadd.scan.msk.s32 $0xffff, v12  }
0x4d7: {  	[tilespmem:s17+$0x11] =	vst v10;
	(xrf0) =	vadd.scan.msk.s32 $0xffff, v13;
	v10, _, _ =	vpop (xrf0)  }
0x4d8: {  	s30 =	simm.s32 $0x71F0;
	(xrf0) =	vadd.scan.msk.s32 $0xffff, v14;
	[tilespmem:s17+$0x22] =	vst v8;
	v8, _, _ =	vpop (xrf0)  }
0x4d9: {  	v12 =	vld [tilespmem:s30+$0x0];
	(xrf0) =	vadd.scan.msk.s32 $0xffff, v15;
	[tilespmem:s17+$0x33] =	vst v9;
	v9, _, _ =	vpop (xrf0)  }
0x4da: {  	v13 =	vld [tilespmem:s30+$0xFFFFFFA0];
	(xrf0) =	vadd.scan.msk.s32 $0xffff, v16;
	v15 =	vbroadcast v8, $0xF;
	v16, _, _ =	vpop (xrf0)  }
0x4db: {  	v14 =	vld [tilespmem:s30+$0xFFFFFFB0];
	v10 =	vbroadcast v10, $0xF;
	(xrf0) =	vadd.scan.msk.s32 $0xffff, v11;
	v16 =	vbroadcast v16, $0xF;
	v11, _, _ =	vpop (xrf0)  }
0x4dc: {  	v8 =	vld [tilespmem:s30+$0xFFFFFFC0];
	v17 =	vbroadcast v9, $0xF;
	[tilespmem:s17+$0x55] =	vst v15;
	v15 =	vbroadcast v11, $0xF  }
0x4dd: {  	s31 =	sand.u32 $0x3FF8, s14;
	[tilespmem:s17+$0x44] =	vst v10;
	v9 =	vld [tilespmem:s30+$0xFFFFFFD0]  }
0x4de: {  	s15 =	simm.s32 $0xA219;
	v10 =	vld [tilespmem:s30+$0xFFFFFFE0];
	(xrf0) =	vadd.scan.msk.s32 $0xffff, v12;
	v11, _, _ =	vpop (xrf0);
	[tilespmem:s31+$0xA180] =	vst v17  }
0x4df: {  	v12 =	vld [tilespmem:s30+$0xFFFFFFF0];
	(xrf0) =	vadd.scan.msk.s32 $0xffff, v13;
	[tilespmem:s15+$0x66] =	vst v16;
	v13 =	vbroadcast v11, $0xF;
	v16, _, _ =	vpop (xrf0)  }
0x4e0: {  	s16 =	simm.s32 $0x10;
	s17 =	simm.s32 $0x7270;
	v11 =	vld [tilespmem:s30+$0xFFFFFF90];
	(xrf0) =	vadd.scan.msk.s32 $0xffff, v14;
	[tilespmem:s15+$0x0] =	vst v15;
	v14 =	vbroadcast v16, $0xF;
	v15, _, _ =	vpop (xrf0)  }
.LBB2_34:
0x4e1: {  	v16 =	vld [tilespmem:s17+$0x0];
	s16 =	sadd.s32 $0x8, s16;
	(xrf0) =	vadd.scan.msk.s32 $0xffff, v8;
	[tilespmem:s15+$0x11] =	vst v13;
	v8 =	vbroadcast v15, $0xF;
	v13, _, _ =	vpop (xrf0)  }
0x4e2: {  	v15 =	vld [tilespmem:s17+$0xFFFFFFA0];
	p0 =	slt.u32 s16, $0x1F8;
	(xrf0) =	vadd.scan.msk.s32 $0xffff, v9;
	[tilespmem:s15+$0x22] =	vst v14;
	v9 =	vbroadcast v13, $0xF;
	v13, _, _ =	vpop (xrf0)  }
0x4e3: {  	v14 =	vld [tilespmem:s17+$0xFFFFFFB0];
	(xrf0) =	vadd.scan.msk.s32 $0xffff, v10;
	[tilespmem:s15+$0x33] =	vst v8;
	v10 =	vbroadcast v13, $0xF;
	v13, _, _ =	vpop (xrf0)  }
.Ltmp13:
0x4e4: {  	s14 =	sadd.s32 $0x88, s14;
	v8 =	vld [tilespmem:s17+$0xFFFFFFC0];
	(xrf0) =	vadd.scan.msk.s32 $0xffff, v12;
	v12, _, _ =	vpop (xrf0);
	v13 =	vbroadcast v13, $0xF;
	[tilespmem:s15+$0x44] =	vst v9;
	(pc) =	sbr.rel @p0 .LBB2_34-.Ltmp13, $4  }
0x4e5: {  	s18 =	sand.u32 $0x3FF8, s14;
	v9 =	vld [tilespmem:s17+$0xFFFFFFD0];
	v17 =	vbroadcast v12, $0xF;
	(xrf0) =	vadd.scan.msk.s32 $0xffff, v11;
	v11, _, _ =	vpop (xrf0);
	[tilespmem:s15+$0x55] =	vst v10  }
0x4e6: {  	s15 =	sadd.s32 $0x88, s15;
	v10 =	vld [tilespmem:s17+$0xFFFFFFE0];
	(xrf0) =	vadd.scan.msk.s32 $0xffff, v16;
	v16 =	vbroadcast v11, $0xF;
	v11, _, _ =	vpop (xrf0);
	[tilespmem:s18+$0xA180] =	vst v13  }
0x4e7: {  	v12 =	vld [tilespmem:s17+$0xFFFFFFF0];
	(xrf0) =	vadd.scan.msk.s32 $0xffff, v15;
	v13 =	vbroadcast v11, $0xF;
	[tilespmem:s15+$0x66] =	vst v17;
	v15, _, _ =	vpop (xrf0)  }
0x4e8: {  	v11 =	vld [tilespmem:s17+$0xFFFFFF90];
	s17 =	sadd.s32 $0x80, s17;
	(xrf0) =	vadd.scan.msk.s32 $0xffff, v14;
	[tilespmem:s15+$0x0] =	vst v16;
	v14 =	vbroadcast v15, $0xF;
	v15, _, _ =	vpop (xrf0)  }
0x4e9: {  	(xrf0) =	vadd.scan.msk.s32 $0xffff, v8;
	[tilespmem:s15+$0x11] =	vst v13;
	v13, _, _ =	vpop (xrf0)  }
0x4ea: {  	v8 =	vbroadcast v15, $0xF;
	(xrf0) =	vadd.scan.msk.s32 $0xffff, v9;
	v9 =	vbroadcast v13, $0xF;
	v13, _, _ =	vpop (xrf0)  }
0x4eb: {  	(xrf0) =	vadd.scan.msk.s32 $0xffff, v10;
	v10, _, _ =	vpop (xrf0)  }
0x4ec: {  	[tilespmem:s15+$0x33] =	vst v8;
	v8 =	vbroadcast v13, $0xF;
	(xrf0) =	vadd.scan.msk.s32 $0xffff, v12;
	v12, _, _ =	vpop (xrf0)  }
0x4ed: {  	s14 =	sadd.s32 $0x88, s14;
	v10 =	vbroadcast v10, $0xF;
	[tilespmem:s15+$0x44] =	vst v9;
	v9 =	vbroadcast v12, $0xF;
	(xrf0) =	vadd.scan.msk.s32 $0xffff, v11;
	v11, _, _ =	vpop (xrf0)  }
0x4ee: {  	s16 =	sand.u32 $0x3FF8, s14;
	[tilespmem:s15+$0x55] =	vst v8;
	v8 =	vbroadcast v11, $0xF;
	v11, _, _ =	vpop (xrf0)  }
0x4ef: {  	[tilespmem:s16+$0xA180] =	vst v10;
	v10 =	vbroadcast v11, $0xF  }
0x4f0: {  	s26 =	sadd.s32 $0x88, s15;
	[tilespmem:s15+$0x22] =	vst v14  }
0x4f1: {  	[tilespmem:s26+$0x66] =	vst v9;
	v9, _, _ =	vpop (xrf0)  }
0x4f2: {  	[tilespmem:s26+$0x0] =	vst v8;
	v8 =	vbroadcast v9, $0xF;
	v9, _, _ =	vpop (xrf0)  }
0x4f3: {  	[tilespmem:s26+$0x11] =	vst v10;
	v9 =	vbroadcast v9, $0xF;
	v10, _, _ =	vpop (xrf0)  }
0x4f4: {  	[tilespmem:s26+$0x22] =	vst v8;
	v8 =	vbroadcast v10, $0xF;
	v10, _, _ =	vpop (xrf0)  }
0x4f5: {  	[tilespmem:s26+$0x33] =	vst v9;
	v9 =	vbroadcast v10, $0xF;
	v10, _, _ =	vpop (xrf0)  }
0x4f6: {  	s14 =	sadd.s32 $0x88, s14;
	v10 =	vbroadcast v10, $0xF;
	[tilespmem:s26+$0x44] =	vst v8  }
0x4f7: {  	s14 =	sand.u32 $0x3FF8, s14;
	[tilespmem:s26+$0x55] =	vst v9  }
0x4f8: {  	[tilespmem:s14+$0xA180] =	vst v10  }
0x4f9: {  	v14 =	vld [tilespmem:$0x1FDE0]  }
0x4fa: {  	v15 =	vld [tilespmem:$0x1FE00];
	_ =	sdelay $0x6  }
0x4fb: {  	v8 =	vld.idx.msk [tilespmem:v14+s10+$0x0], $0xffff  }
0x4fc: {  	v9 =	vld.idx.msk [tilespmem:v15+s10+$0x0], $0xffff  }
0x4fd: {  	v10 =	vld.idx.msk [tilespmem:v27+s10+$0x0], $0xffff  }
0x4fe: {  	v11 =	vld.idx.msk [tilespmem:v28+s10+$0x0], $0xffff  }
0x4ff: {  	v12 =	vld.idx.msk [tilespmem:v29+s10+$0x0], $0xffff  }
0x500: {  	v13 =	vld.idx.msk [tilespmem:v30+s10+$0x0], $0xffff  }
0x501: {  	v8 =	vadd.s32 v8, v9;
	v9 =	vld.idx.msk [tilespmem:v31+s10+$0x0], $0xffff  }
0x502: {  	v8 =	vadd.s32 v10, v8;
	v10 =	vld.idx.msk [tilespmem:v32+s10+$0x0], $0xffff  }
0x503: {  	v8 =	vadd.s32 v11, v8;
	v11 =	vld.idx.msk [tilespmem:v33+s10+$0x0], $0xffff  }
0x504: {  	v8 =	vadd.s32 v12, v8;
	v12 =	vld.idx.msk [tilespmem:v34+s10+$0x0], $0xffff  }
0x505: {  	v8 =	vadd.s32 v13, v8;
	v13 =	vld.idx.msk [tilespmem:v35+s10+$0x0], $0xffff  }
0x506: {  	v8 =	vadd.s32 v9, v8;
	v9 =	vld.idx.msk [tilespmem:v36+s10+$0x0], $0xffff  }
0x507: {  	v8 =	vadd.s32 v10, v8;
	v10 =	vld.idx.msk [tilespmem:v37+s10+$0x0], $0xffff  }
0x508: {  	v8 =	vadd.s32 v11, v8;
	v11 =	vld.idx.msk [tilespmem:v38+s10+$0x0], $0xffff  }
0x509: {  	v8 =	vadd.s32 v12, v8;
	v12 =	vld.idx.msk [tilespmem:v39+s10+$0x0], $0xffff  }
0x50a: {  	v8 =	vadd.s32 v13, v8;
	v13 =	vld.idx.msk [tilespmem:v40+s10+$0x0], $0xffff  }
0x50b: {  	v8 =	vadd.s32 v9, v8  }
0x50c: {  	v8 =	vadd.s32 v10, v8  }
0x50d: {  	vm0 =	veq.s32 v7, v0;
	v7 =	vadd.s32 v11, v8  }
0x50e: {  	v5 =	vsub.s32 v5, v24;
	v4 =	vsub.s32 v4, v63;
	v7 =	vadd.s32 v12, v7  }
0x50f: {  	v5 =	vnsel vm0, $0x0, v5;
	vm0 =	veq.s32 v6, v0;
	v6 =	vadd.s32 v13, v7  }
0x510: {  	v4 =	vnsel vm0, $0x0, v4;
	(xrf0) =	vadd.scan.msk.s32 $0xffff, v5;
	v5 =	vperm.xlane v6, v19  }
0x511: {  	(xrf0) =	vadd.scan.msk.s32 $0xffff, v4  }
0x512: {  	(xrf0) =	vadd.scan.msk.s32 $0xffff, v5;
	_ =	sdelay $0x3  }
0x513: {  	v4, _, _ =	vpop (xrf0)  }
0x514: {  	v4 =	vadd.s32 v22, v4;
	v7, _, _ =	vpop (xrf0)  }
0x515: {  	v8 =	vbroadcast v4, $0xF;
	v5, _, _ =	vpop (xrf0)  }
0x516: {  	v9 =	vperm.xlane v5, v19  }
0x517: {  	v10 =	vsub.s32 $0x200, v8  }
0x518: {  	vm0 =	vgt.s32 v9, v10  }
0x519: {  	v12 =	vld [tilespmem:$0x1FDD0];
	v5 =	vmpcnt.ones.xlane vm0;
	_ =	sdelay $0x1  }
0x51a: {  	v11 =	vadd.s32 $0xFFFFFFFF, v5  }
0x51b: {  	v5 =	vmul.u32 $0x110, v11;
	_ =	sdelay $0x1  }
0x51c: {  	v5 =	vadd.s32 v12, v5;
	v12 =	vld [tilespmem:$0x1FDF0];
	_ =	sdelay $0x1  }
0x51d: {  	v13 =	vld [tilespmem:$0x1FE10]  }
0x51e: {  	v16 =	vld [tilespmem:$0x1FE40]  }
0x51f: {  	v17 =	vld [tilespmem:$0x1FE50];
	vm0 =	veq.s32 v58, v59  }
0x520: {  	v12 =	vsel vm0, v14, v12;
	v14 =	vld [tilespmem:$0x1FE20]  }
0x521: {  	v18 =	vld [tilespmem:$0x1FE60]  }
0x522: {  	v13 =	vsel vm0, v15, v13;
	v15 =	vld [tilespmem:$0x1FE30]  }
0x523: {  	v20 =	vld [tilespmem:$0x1FE70]  }
0x524: {  	v24 =	vld [tilespmem:$0x1FE90];
	v16 =	vsel vm0, v29, v16  }
0x525: {  	v25 =	vld [tilespmem:$0x1FEA0];
	v14 =	vsel vm0, v27, v14  }
0x526: {  	v22 =	vld [tilespmem:$0x1FE80];
	v17 =	vsel vm0, v30, v17  }
0x527: {  	v15 =	vsel vm0, v28, v15;
	v13 =	vld.idx.msk [tilespmem:v13+s10+$0x0], $0xffff  }
0x528: {  	v18 =	vsel vm0, v31, v18;
	v12 =	vld.idx.msk [tilespmem:v12+s10+$0x0], $0xffff  }
0x529: {  	v16 =	vld.idx.msk [tilespmem:v16+s10+$0x0], $0xffff  }
0x52a: {  	v20 =	vsel vm0, v32, v20;
	v14 =	vld.idx.msk [tilespmem:v14+s10+$0x0], $0xffff  }
0x52b: {  	v17 =	vld.idx.msk [tilespmem:v17+s10+$0x0], $0xffff  }
0x52c: {  	v22 =	vsel vm0, v33, v22;
	v15 =	vld.idx.msk [tilespmem:v15+s10+$0x0], $0xffff  }
0x52d: {  	v12 =	vadd.s32 v12, v13;
	v13 =	vld.idx.msk [tilespmem:v18+s10+$0x0], $0xffff  }
0x52e: {  	v24 =	vsel vm0, v34, v24;
	v18 =	vld [tilespmem:$0x1FEB0]  }
0x52f: {  	v12 =	vadd.s32 v14, v12;
	v14 =	vld.idx.msk [tilespmem:v20+s10+$0x0], $0xffff  }
0x530: {  	v25 =	vsel vm0, v35, v25;
	v20 =	vld [tilespmem:$0x1FEC0]  }
0x531: {  	v12 =	vadd.s32 v15, v12;
	v15 =	vld.idx.msk [tilespmem:v22+s10+$0x0], $0xffff  }
0x532: {  	v22 =	vld [tilespmem:$0x1FED0]  }
0x533: {  	v12 =	vadd.s32 v16, v12;
	v16 =	vld.idx.msk [tilespmem:v24+s10+$0x0], $0xffff  }
0x534: {  	v24 =	vld [tilespmem:$0x1FEE0]  }
0x535: {  	v12 =	vadd.s32 v17, v12;
	v17 =	vld.idx.msk [tilespmem:v25+s10+$0x0], $0xffff  }
0x536: {  	v25 =	vld [tilespmem:$0x1FEF0]  }
0x537: {  	v18 =	vsel vm0, v36, v18  }
0x538: {  	v20 =	vsel vm0, v37, v20  }
0x539: {  	v22 =	vsel vm0, v38, v22  }
0x53a: {  	v24 =	vsel vm0, v39, v24  }
0x53b: {  	v5 =	vld.idx.msk [tilespmem:v5+s10+$0x0], $0xffff;
	v25 =	vsel vm0, v40, v25  }
0x53c: {  	v12 =	vadd.s32 v13, v12;
	v13 =	vld.idx.msk [tilespmem:v18+s10+$0x0], $0xffff  }
0x53d: {  	v12 =	vadd.s32 v14, v12;
	v14 =	vld.idx.msk [tilespmem:v20+s10+$0x0], $0xffff  }
0x53e: {  	v12 =	vadd.s32 v15, v12;
	v15 =	vld.idx.msk [tilespmem:v22+s10+$0x0], $0xffff  }
0x53f: {  	v12 =	vadd.s32 v16, v12;
	v16 =	vld.idx.msk [tilespmem:v24+s10+$0x0], $0xffff  }
0x540: {  	v12 =	vadd.s32 v17, v12;
	v17 =	vld.idx.msk [tilespmem:v25+s10+$0x0], $0xffff  }
0x541: {  	v12 =	vadd.s32 v13, v12  }
0x542: {  	v12 =	vadd.s32 v14, v12  }
0x543: {  	v12 =	vadd.s32 v15, v12  }
0x544: {  	v6 =	vsub.s32 v9, v6;
	vm1 =	veq.s32 v11, v0;
	v9 =	vadd.s32 v16, v12  }
0x545: {  	v6 =	vnsel vm1, $0x0, v6;
	v12 =	vperm.xlane v5, v19;
	v9 =	vadd.s32 v17, v9  }
0x546: {  	(xrf0) =	vadd.scan.msk.s32 $0xffff, v6;
	v6 =	vperm.xlane v9, v19  }
0x547: {  	(xrf0) =	vadd.scan.msk.s32 $0xffff, v12  }
0x548: {  	(xrf0) =	vadd.scan.msk.s32 $0xffff, v6;
	_ =	sdelay $0x3  }
0x549: {  	v7 =	vadd.s32 v7, v62;
	v6, _, _ =	vpop (xrf0)  }
0x54a: {  	v7 =	vsub.s32 $0x201, v7;
	v12, _, _ =	vpop (xrf0)  }
0x54b: {  	v7 =	vbroadcast v7, $0xF;
	v13, _, _ =	vpop (xrf0)  }
0x54c: {  	v8 =	vsub.s32 $0x201, v8;
	v13 =	vperm.xlane v13, v19  }
0x54d: {  	v14 =	vsel vm0, v8, v7  }
0x54e: {  	vm1 =	vgt.s32 v13, v14  }
0x54f: {  	v7 =	vmpcnt.ones.xlane vm1;
	_ =	sdelay $0x1  }
0x550: {  	v47 =	vimm.s32 $0x200;
	v46 =	vld [tilespmem:$0x1FFF0];
	v7 =	vadd.s32 $0xFFFFFFFF, v7  }
0x551: {  	v8 =	vsel vm0, $0x100, v47;
	v15 =	vshll.u32 v7, $0x4  }
0x552: {  	v8 =	vadd.s32 v8, v15  }
0x553: {  	v8 =	vmul.u32 $0x11, v8;
	_ =	sdelay $0x1  }
0x554: {  	v8 =	vadd.s32 v46, v8;
	_ =	sdelay $0x4  }
0x555: {  	v8 =	vld.idx.msk [tilespmem:v8+s10+$0x0], $0xffff;
	_ =	sdelay $0x3  }
0x556: {  	vm0 =	veq.s32 v7, v0;
	v7 =	vsub.s32 v13, v9  }
0x557: {  	v7 =	vnsel vm0, $0x0, v7;
	v8 =	vperm.xlane v8, v19  }
0x558: {  	(xrf0) =	vadd.scan.msk.s32 $0xffff, v7  }
0x559: {  	(xrf0) =	vadd.scan.msk.s32 $0xffff, v8;
	_ =	sdelay $0x2  }
0x55a: {  	v7 =	vperm.xlane v12, v19;
	v8 =	vbroadcast v6, $0xF;
	_ =	sdelay $0x1  }
0x55b: {  	s28 =	simm.s32 $0x2030;
	v9, _, _ =	vpop (xrf0);
	v8 =	vadd.s32 v7, v8  }
0x55c: {  	vm0 =	vgt.s32 v8, v10;
	v8 =	vld [tilespmem:s28+$0xFFFFFFE0];
	v12, _, _ =	vpop (xrf0)  }
0x55d: {  	v9 =	vbroadcast v9, $0xF;
	v12 =	vperm.xlane v12, v19  }
0x55e: {  	s29 =	simm.s32 $0x0  }
0x55f: {  	s15 =	sand.u32 $0x1FC0, s29;
	v13 =	vmpcnt.ones.xlane vm0;
	v10 =	vadd.s32 v12, v9;
	v9 =	vld [tilespmem:s28+$0xFFFFFFF0]  }
0x560: {  	v12 =	vshll.u32 v11, $0x4;
	v11 =	vld [tilespmem:s15+$0x2000];
	vm0 =	vgt.s32 v10, v14  }
0x561: {  	v22 =	vadd.s32 $0xFFFFFFFF, v13;
	v14 =	vsub.f32 v8, v61;
	v13 =	vmpcnt.ones.xlane vm0  }
0x562: {  	v10 =	vld [tilespmem:s28+$0x0]  }
0x563: {  	v24 =	vadd.s32 v12, v22;
	v14 =	vmul.f32 $2.048000000e+03, v14;
	v12 =	vadd.s32 v13, v15  }
0x564: {  	v13 =	vsub.f32 v8, v60;
	v15 =	vmul.f32 $8.000000000e+00, v8;
	v16 =	vsub.f32 v9, v60  }
0x565: {  	v17 =	vsub.f32 v9, v61;
	v18 =	vmul.f32 $8.000000000e+00, v9;
	v26 =	vmul.f32 $8.000000000e+00, v11  }
0x566: {  	v28 =	vsub.f32 v11, v60;
	v29 =	vsub.f32 v11, v61;
	v14 =	vmax.f32 v14, $0.0e+00  }
0x567: {  	v20 =	vmul.f32 $8.000000000e+00, v10;
	v25 =	vsub.f32 v10, v60;
	v13 =	vmul.f32 $2.048000000e+03, v13  }
0x568: {  	v27 =	vsub.f32 v10, v61;
	v15 =	vadd.f32 $1.152000000e+03, v15;
	v16 =	vmul.f32 $2.048000000e+03, v16  }
0x569: {  	v14 =	vmin.f32 v14, $2.560000000e+02;
	v17 =	vmul.f32 $2.048000000e+03, v17;
	v28 =	vmul.f32 $2.048000000e+03, v28  }
0x56a: {  	v18 =	vadd.f32 $1.152000000e+03, v18;
	v29 =	vmul.f32 $2.048000000e+03, v29;
	v14 =	vtrunc.f32 v14  }
0x56b: {  	v26 =	vadd.f32 $1.152000000e+03, v26;
	v25 =	vmul.f32 $2.048000000e+03, v25;
	v27 =	vmul.f32 $2.048000000e+03, v27  }
0x56c: {  	v20 =	vadd.f32 $1.152000000e+03, v20;
	v13 =	vmax.f32 v13, $0.0e+00;
	v15 =	vmax.f32 v15, $1.024000000e+03  }
0x56d: {  	v14 =	vcvt.f32.s32 v14;
	v16 =	vmax.f32 v16, $0.0e+00;
	v17 =	vmax.f32 v17, $0.0e+00  }
0x56e: {  	v18 =	vmax.f32 v18, $1.024000000e+03;
	v13 =	vmin.f32 v13, $2.560000000e+02;
	v15 =	vmin.f32 v15, $1.280000000e+03  }
0x56f: {  	v28 =	vmax.f32 v28, $0.0e+00;
	v29 =	vmax.f32 v29, $0.0e+00;
	v26 =	vmax.f32 v26, $1.024000000e+03  }
0x570: {  	v25 =	vmax.f32 v25, $0.0e+00;
	v27 =	vmax.f32 v27, $0.0e+00;
	v20 =	vmax.f32 v20, $1.024000000e+03  }
0x571: {  	v16 =	vmin.f32 v16, $2.560000000e+02;
	v17 =	vmin.f32 v17, $2.560000000e+02;
	v13 =	vtrunc.f32 v13  }
0x572: {  	v18 =	vmin.f32 v18, $1.280000000e+03;
	v15 =	vtrunc.f32 v15;
	v28 =	vmin.f32 v28, $2.560000000e+02  }
0x573: {  	v26 =	vmin.f32 v26, $1.280000000e+03;
	v16 =	vtrunc.f32 v16;
	v17 =	vtrunc.f32 v17  }
0x574: {  	v25 =	vmin.f32 v25, $2.560000000e+02;
	v18 =	vtrunc.f32 v18;
	v13 =	vcvt.f32.s32 v13  }
0x575: {  	v27 =	vmin.f32 v27, $2.560000000e+02;
	v28 =	vtrunc.f32 v28;
	v15 =	vcvt.f32.s32 v15  }
0x576: {  	v20 =	vmin.f32 v20, $1.280000000e+03;
	v25 =	vtrunc.f32 v25;
	v27 =	vtrunc.f32 v27  }
0x577: {  	vm1 =	vgt.s32 v14, $0x0;
	v20 =	vtrunc.f32 v20;
	v16 =	vcvt.f32.s32 v16  }
0x578: {  	v14 =	vnsel vm1, $0x0, v14;
	v17 =	vcvt.f32.s32 v17;
	v18 =	vcvt.f32.s32 v18  }
0x579: {  	v14 =	vmin.u32 v14, $0xFF;
	v30 =	vcvt.f32.s32 v25;
	v25 =	vmin.f32 v29, $2.560000000e+02  }
0x57a: {  	v27 =	vcvt.f32.s32 v27;
	v20 =	vcvt.f32.s32 v20;
	vm0 =	vgt.s32 v13, $0x0  }
0x57b: {  	v15 =	vadd.s32 $0xFFFFFC00, v15;
	v29 =	vtrunc.f32 v25;
	v25 =	vadd.s32 $0xFFFFFFFF, v12  }
0x57c: {  	v12 =	vtrunc.f32 v26;
	v26 =	vcvt.f32.s32 v28;
	vm2 =	vgt.s32 v16, $0x0  }
0x57d: {  	vm3 =	vgt.s32 v17, $0x0;
	v18 =	vadd.s32 $0xFFFFFC00, v18;
	v13 =	vnsel vm0, $0x0, v13  }
0x57e: {  	v12 =	vcvt.f32.s32 v12;
	v28 =	vcvt.f32.s32 v29;
	vm4 =	vgt.s32 v30, $0x0  }
0x57f: {  	vm5 =	vgt.s32 v27, $0x0;
	v20 =	vadd.s32 $0xFFFFFC00, v20;
	v16 =	vnsel vm2, $0x0, v16  }
0x580: {  	v17 =	vnsel vm3, $0x0, v17;
	vm2 =	vgt.s32 v15, $0x0;
	vm3 =	vgt.s32 v18, $0x0  }
0x581: {  	v13 =	vmin.u32 v13, $0xFF;
	vm6 =	veq.s32 v14, v25;
	v29 =	vnsel vm4, $0x0, v30  }
0x582: {  	v27 =	vnsel vm5, $0x0, v27;
	vm0 =	vgt.s32 v26, $0x0;
	vm4 =	vgt.s32 v20, $0x0  }
0x583: {  	v16 =	vmin.u32 v16, $0xFF;
	v17 =	vmin.u32 v17, $0xFF;
	v15 =	vnsel vm2, $0x0, v15  }
0x584: {  	v18 =	vnsel vm3, $0x0, v18;
	vm5 =	veq.s32 v13, v24;
	vm1 =	vgt.s32 v28, $0x0  }
0x585: {  	v12 =	vadd.s32 $0xFFFFFC00, v12;
	v29 =	vmin.u32 v29, $0xFF;
	v27 =	vmin.u32 v27, $0xFF  }
0x586: {  	v26 =	vnsel vm0, $0x0, v26;
	v20 =	vnsel vm4, $0x0, v20;
	vm3 =	veq.s32 v16, v24  }
0x587: {  	vm4 =	veq.s32 v17, v25;
	v15 =	vmin.u32 v15, $0xFF;
	v16 =	vmin.u32 v18, $0xFF  }
0x588: {  	v28 =	vnsel vm1, $0x0, v28;
	vm1 =	vgt.s32 v12, $0x0;
	vm2 =	veq.s32 v29, v24  }
0x589: {  	vm0 =	veq.s32 v27, v25;
	v13 =	vmin.u32 v26, $0xFF;
	v17 =	vmin.u32 v20, $0xFF  }
0x58a: {  	vm8 =	veq.s32 v15, v58;
	vm9 =	veq.s32 v15, v59;
	vm10 =	veq.s32 v16, v58  }
0x58b: {  	s30 =	simm.s32 $0x2070;
	vm12 =	veq.s32 v16, v59;
	v14 =	vmin.u32 v28, $0xFF;
	v12 =	vnsel vm1, $0x0, v12  }
0x58c: {  	s14 =	simm.s32 $0x40;
	v27 =	vld [tilespmem:s30+$0xFFFFFFF0];
	vm1 =	veq.s32 v13, v24;
	vm14 =	veq.s32 v17, v58;
	vm5 =	vmand vm5, vm8  }
0x58d: {  	s31 =	sand.u32 $0x1FC0, s14;
	v26 =	vld [tilespmem:s30+$0x0];
	vm8 =	vmand vm6, vm9;
	vm3 =	vmand vm3, vm10;
	vm4 =	vmand vm4, vm12  }
0x58e: {  	v29 =	vld [tilespmem:s31+$0x2000];
	vm7 =	veq.s32 v14, v25;
	v12 =	vmin.u32 v12, $0xFF;
	vm5 =	vmor vm5, vm8  }
0x58f: {  	v28 =	vld [tilespmem:s30+$0xFFFFFFE0];
	vm2 =	vmand vm2, vm14;
	vm4 =	vmor vm3, vm4;
	vm11 =	veq.s32 v12, v58  }
0x590: {  	vm13 =	veq.s32 v12, v59;
	v52 =	vsel vm4, $0xFFFFFFFF, v2;
	vm11 =	vmand vm1, vm11  }
0x591: {  	vm1 =	veq.s32 v17, v59;
	v15 =	vsub.f32 v27, v60;
	v16 =	vsub.f32 v27, v61  }
0x592: {  	v17 =	vmul.f32 $8.000000000e+00, v27;
	v18 =	vmul.f32 $8.000000000e+00, v26;
	v20 =	vsub.f32 v26, v60  }
0x593: {  	v30 =	vmul.f32 $8.000000000e+00, v29;
	v31 =	vsub.f32 v26, v61;
	v49 =	vsub.f32 v29, v60  }
0x594: {  	v50 =	vsub.f32 v29, v61;
	v12 =	vsub.f32 v28, v60;
	v14 =	vmul.f32 $8.000000000e+00, v28  }
0x595: {  	v13 =	vsub.f32 v28, v61;
	v15 =	vmul.f32 $2.048000000e+03, v15;
	v16 =	vmul.f32 $2.048000000e+03, v16  }
0x596: {  	v20 =	vmul.f32 $2.048000000e+03, v20;
	v31 =	vmul.f32 $2.048000000e+03, v31;
	v17 =	vadd.f32 $1.152000000e+03, v17  }
0x597: {  	v32 =	vmul.f32 $2.048000000e+03, v49;
	v33 =	vmul.f32 $2.048000000e+03, v50;
	v18 =	vadd.f32 $1.152000000e+03, v18  }
0x598: {  	v30 =	vadd.f32 $1.152000000e+03, v30;
	v12 =	vmul.f32 $2.048000000e+03, v12;
	v13 =	vmul.f32 $2.048000000e+03, v13  }
0x599: {  	v14 =	vadd.f32 $1.152000000e+03, v14;
	v15 =	vmax.f32 v15, $0.0e+00;
	v16 =	vmax.f32 v16, $0.0e+00  }
0x59a: {  	v20 =	vmax.f32 v20, $0.0e+00;
	v17 =	vmax.f32 v17, $1.024000000e+03;
	v31 =	vmax.f32 v31, $0.0e+00  }
0x59b: {  	v18 =	vmax.f32 v18, $1.024000000e+03;
	v32 =	vmax.f32 v32, $0.0e+00;
	v33 =	vmax.f32 v33, $0.0e+00  }
0x59c: {  	v30 =	vmax.f32 v30, $1.024000000e+03;
	v12 =	vmax.f32 v12, $0.0e+00;
	v13 =	vmax.f32 v13, $0.0e+00  }
0x59d: {  	v14 =	vmax.f32 v14, $1.024000000e+03;
	v15 =	vmin.f32 v15, $2.560000000e+02;
	v16 =	vmin.f32 v16, $2.560000000e+02  }
0x59e: {  	v20 =	vmin.f32 v20, $2.560000000e+02;
	v31 =	vmin.f32 v31, $2.560000000e+02;
	v17 =	vmin.f32 v17, $1.280000000e+03  }
0x59f: {  	v18 =	vmin.f32 v18, $1.280000000e+03;
	v32 =	vmin.f32 v32, $2.560000000e+02;
	v15 =	vtrunc.f32 v15  }
0x5a0: {  	v33 =	vmin.f32 v33, $2.560000000e+02;
	v16 =	vtrunc.f32 v16;
	v20 =	vtrunc.f32 v20  }
0x5a1: {  	v30 =	vmin.f32 v30, $1.280000000e+03;
	v31 =	vtrunc.f32 v31;
	v17 =	vtrunc.f32 v17  }
0x5a2: {  	v12 =	vmin.f32 v12, $2.560000000e+02;
	v18 =	vtrunc.f32 v18;
	v32 =	vtrunc.f32 v32  }
0x5a3: {  	v13 =	vmin.f32 v13, $2.560000000e+02;
	v33 =	vtrunc.f32 v33;
	v30 =	vtrunc.f32 v30  }
0x5a4: {  	v14 =	vmin.f32 v14, $1.280000000e+03;
	v12 =	vtrunc.f32 v12;
	v13 =	vtrunc.f32 v13  }
0x5a5: {  	v53 =	vsel vm5, $0xFFFFFFFF, v2;
	v14 =	vtrunc.f32 v14;
	v15 =	vcvt.f32.s32 v15  }
0x5a6: {  	vm7 =	vmand vm7, vm13;
	v16 =	vcvt.f32.s32 v16;
	v20 =	vcvt.f32.s32 v20  }
0x5a7: {  	vm6 =	vmor vm11, vm7;
	v31 =	vcvt.f32.s32 v31;
	v17 =	vcvt.f32.s32 v17  }
0x5a8: {  	vm0 =	vmand vm0, vm1;
	v18 =	vcvt.f32.s32 v18;
	v32 =	vcvt.f32.s32 v32  }
0x5a9: {  	vm0 =	vmor vm2, vm0;
	v30 =	vcvt.f32.s32 v30;
	v33 =	vcvt.f32.s32 v33  }
0x5aa: {  	v51 =	vsel vm6, $0xFFFFFFFF, v2;
	v12 =	vcvt.f32.s32 v12;
	v13 =	vcvt.f32.s32 v13  }
0x5ab: {  	v14 =	vcvt.f32.s32 v14;
	vm3 =	vgt.s32 v15, $0x0;
	vm7 =	vgt.s32 v16, $0x0  }
0x5ac: {  	vm8 =	vgt.s32 v20, $0x0;
	vm9 =	vgt.s32 v31, $0x0;
	v17 =	vadd.s32 $0xFFFFFC00, v17  }
0x5ad: {  	v18 =	vadd.s32 $0xFFFFFC00, v18;
	v30 =	vadd.s32 $0xFFFFFC00, v30;
	vm1 =	vgt.s32 v12, $0x0  }
0x5ae: {  	vm2 =	vgt.s32 v13, $0x0;
	v14 =	vadd.s32 $0xFFFFFC00, v14;
	v15 =	vnsel vm3, $0x0, v15  }
0x5af: {  	v16 =	vnsel vm7, $0x0, v16;
	v20 =	vnsel vm8, $0x0, v20;
	v31 =	vnsel vm9, $0x0, v31  }
0x5b0: {  	vm7 =	vgt.s32 v17, $0x0;
	vm8 =	vgt.s32 v18, $0x0;
	v12 =	vnsel vm1, $0x0, v12  }
0x5b1: {  	v13 =	vnsel vm2, $0x0, v13;
	vm1 =	vgt.s32 v32, $0x0;
	vm2 =	vgt.s32 v33, $0x0  }
0x5b2: {  	vm3 =	vgt.s32 v14, $0x0;
	v15 =	vmin.u32 v15, $0xFF;
	v16 =	vmin.u32 v16, $0xFF  }
0x5b3: {  	v17 =	vnsel vm7, $0x0, v17;
	v18 =	vnsel vm8, $0x0, v18;
	v12 =	vmin.u32 v12, $0xFF  }
0x5b4: {  	v13 =	vmin.u32 v13, $0xFF;
	v32 =	vnsel vm1, $0x0, v32;
	v33 =	vnsel vm2, $0x0, v33  }
0x5b5: {  	v14 =	vnsel vm3, $0x0, v14;
	vm1 =	vgt.s32 v30, $0x0;
	vm7 =	veq.s32 v15, v24  }
0x5b6: {  	vm8 =	veq.s32 v16, v25;
	v16 =	vmin.u32 v17, $0xFF;
	vm2 =	veq.s32 v12, v24  }
0x5b7: {  	vm3 =	veq.s32 v13, v25;
	v12 =	vmin.u32 v32, $0xFF;
	v13 =	vmin.u32 v33, $0xFF  }
0x5b8: {  	v14 =	vmin.u32 v14, $0xFF;
	v15 =	vnsel vm1, $0x0, v30;
	vm1 =	veq.s32 v12, v24  }
0x5b9: {  	v12 =	vmin.u32 v15, $0xFF;
	vm11 =	veq.s32 v13, v25;
	vm12 =	veq.s32 v14, v58  }
0x5ba: {  	vm13 =	veq.s32 v12, v58;
	vm2 =	vmand vm2, vm12;
	vm12 =	veq.s32 v12, v59  }
0x5bb: {  	v17 =	vmin.u32 v18, $0xFF;
	vm1 =	vmand vm1, vm13;
	vm11 =	vmand vm11, vm12  }
0x5bc: {  	vm12 =	veq.s32 v16, v58;
	vm1 =	vmor vm1, vm11;
	vm11 =	veq.s32 v17, v58  }
0x5bd: {  	vm7 =	vmand vm7, vm12;
	vm12 =	veq.s32 v17, v59;
	v17 =	vsel vm6, $0x1, v2  }
0x5be: {  	v20 =	vmin.u32 v20, $0xFF;
	v31 =	vmin.u32 v31, $0xFF;
	v30 =	vsel vm5, $0x1, v2;
	(xrf0) =	vadd.scan.msk.s32 $0xffff, v17  }
0x5bf: {  	vm9 =	veq.s32 v20, v24;
	vm10 =	veq.s32 v31, v25;
	v31 =	vsel vm4, $0x1, v2;
	(xrf0) =	vadd.scan.msk.s32 $0xffff, v30  }
0x5c0: {  	v18 =	vshra.s32 v9, $0x1F;
	v20 =	vmpcnt.ones.xlane vm4;
	v13 =	vshra.s32 v8, $0x1F;
	(xrf0) =	vadd.scan.msk.s32 $0xffff, v31  }
0x5c1: {  	v15 =	vshra.s32 v11, $0x1F;
	v11 =	vxor.u32 $0x80000000, v11;
	v8 =	vxor.u32 $0x80000000, v8  }
0x5c2: {  	v12 =	vimm.s32 $0x0;
	vm13 =	veq.s32 v14, v59;
	v14 =	vmpcnt.ones.xlane vm6  }
0x5c3: {  	vm3 =	vmand vm3, vm13;
	vm13 =	veq.s32 v16, v59;
	v16 =	vmpcnt.ones.xlane vm5  }
0x5c4: {  	v15 =	vand.u32 $0x7FFFFFFF, v15;
	v14 =	vadd.s32 v12, v14;
	v12 =	vadd.s32 v51, v12;
	v54, _, _ =	vpop (xrf0)  }
0x5c5: {  	v16 =	vadd.s32 v14, v16;
	v14 =	vadd.s32 v53, v14;
	v12 =	vadd.s32 v54, v12;
	v55, _, _ =	vpop (xrf0)  }
0x5c6: {  	v20 =	vadd.s32 v16, v20;
	v16 =	vadd.s32 v52, v16;
	v14 =	vadd.s32 v55, v14;
	v56, _, _ =	vpop (xrf0)  }
0x5c7: {  	v13 =	vand.u32 $0x7FFFFFFF, v13;
	v11 =	vxor.u32 v11, v15;
	v15 =	vadd.s32 v56, v16  }
0x5c8: {  	v9 =	vxor.u32 $0x80000000, v9;
	v18 =	vand.u32 $0x7FFFFFFF, v18;
	v13 =	vxor.u32 v8, v13  }
0x5c9: {  	vm8 =	vmand vm8, vm13;
	vm9 =	vmand vm9, vm11;
	vm10 =	vmand vm10, vm12  }
0x5ca: {  	vm3 =	vmor vm2, vm3;
	v17 =	vmpcnt.ones.xlane vm0;
	v57 =	vsel vm1, $0xFFFFFFFF, v2;
	[tilespmem:v12+s11+$0x0] =	vst.idx.msk vm6, v11  }
0x5cb: {  	vm2 =	vmor vm7, vm8;
	v31 =	vsel vm0, $0xFFFFFFFF, v2;
	v16 =	vxor.u32 v9, v18;
	[tilespmem:v14+s11+$0x0] =	vst.idx.msk vm5, v13  }
0x5cc: {  	v17 =	vadd.s32 v20, v17;
	v31 =	vadd.s32 v31, v20;
	v20 =	vshra.s32 v10, $0x1F;
	[tilespmem:v15+s11+$0x0] =	vst.idx.msk vm4, v16  }
0x5cd: {  	vm7 =	vmor vm9, vm10;
	v10 =	vxor.u32 $0x80000000, v10;
	v20 =	vand.u32 $0x7FFFFFFF, v20;
	v48 =	vld [tilespmem:$0x1FF50]  }
0x5ce: {  	v30 =	vsel vm0, $0x1, v2;
	v8 =	vxor.u32 v10, v20;
	v10 =	vmpcnt.ones.xlane vm1;
	v49 =	vld [tilespmem:$0x1FF60]  }
0x5cf: {  	vm8 =	vmmov vm0;
	v63 =	vsel vm3, $0xFFFFFFFF, v2;
	v62 =	vsel vm7, $0x1, v2;
	v50 =	vld [tilespmem:$0x1FF70]  }
0x5d0: {  	(xrf0) =	vadd.scan.msk.s32 $0xffff, v30;
	v20 =	vadd.s32 v17, v10;
	v10 =	vmpcnt.ones.xlane vm2;
	v18 =	vmpcnt.ones.xlane vm3;
	v51 =	vld [tilespmem:$0x1FF80]  }
0x5d1: {  	v9 =	vshra.s32 v28, $0x1F;
	v11 =	vshra.s32 v29, $0x1F;
	v12 =	vshra.s32 v27, $0x1F;
	v52 =	vld [tilespmem:$0x1FF90]  }
0x5d2: {  	v13 =	vsel vm1, $0x1, v2;
	v14 =	vadd.s32 v20, v18;
	v18 =	vmpcnt.ones.xlane vm7;
	v53 =	vld [tilespmem:$0x1FFA0]  }
0x5d3: {  	v15 =	vsel vm3, $0x1, v2;
	v16 =	vsel vm2, $0x1, v2;
	v10 =	vadd.s32 v14, v10;
	(xrf0) =	vadd.scan.msk.s32 $0xffff, v13;
	v54 =	vld [tilespmem:$0x1FFB0]  }
0x5d4: {  	v13 =	vsel vm2, $0xFFFFFFFF, v2;
	v30 =	vadd.s32 v10, v18;
	(xrf0) =	vadd.scan.msk.s32 $0xffff, v15;
	v15 =	vsel vm7, $0xFFFFFFFF, v2;
	v55 =	vld [tilespmem:$0x1FFC0]  }
0x5d5: {  	v14 =	vadd.s32 v13, v14;
	v18 =	vadd.s32 v57, v17;
	v17 =	vadd.s32 v63, v20;
	v56 =	vld [tilespmem:$0x1FFD0];
	(xrf0) =	vadd.scan.msk.s32 $0xffff, v16  }
0x5d6: {  	s16 =	simm.s32 $0x20B0;
	s15 =	simm.s32 $0x4;
	v57 =	vld [tilespmem:$0x1FFE0];
	v13 =	vadd.s32 v15, v10;
	v15 =	vshra.s32 v26, $0x1F;
	v16 =	vand.u32 $0x7FFFFFFF, v11;
	v10, _, _ =	vpop (xrf0);
	(xrf0) =	vadd.scan.msk.s32 $0xffff, v62  }
.LBB2_36:
0x5d7: {  	v32 =	vxor.u32 $0x80000000, v29;
	v9 =	vand.u32 $0x7FFFFFFF, v9  }
0x5d8: {  	v20 =	vld [tilespmem:s16+$0xFFFFFFE0];
	v12 =	vand.u32 $0x7FFFFFFF, v12;
	vm4 =	vmmov vm8;
	vm0 =	vmmov vm7  }
0x5d9: {  	v36 =	vimm.s32 $0x0;
	v28 =	vxor.u32 $0x80000000, v28;
	v33 =	vxor.u32 $0x80000000, v27;
	v27 =	vld [tilespmem:s16+$0xFFFFFFF0]  }
0x5da: {  	v15 =	vand.u32 $0x7FFFFFFF, v15;
	v41 =	vxor.u32 $0x80000000, v26;
	v26 =	vld [tilespmem:s16+$0x0];
	v42 =	vadd.s32 v10, v31;
	v29, _, _ =	vpop (xrf0)  }
0x5db: {  	v34 =	vsel vm0, $0xFFFFFFFF, v36;
	v16 =	vxor.u32 v32, v16;
	v43 =	vxor.u32 v28, v9;
	v35, _, _ =	vpop (xrf0)  }
0x5dc: {  	s14 =	sadd.s32 $0x40, s14;
	v12 =	vxor.u32 v33, v12;
	v15 =	vxor.u32 v41, v15;
	v18 =	vadd.s32 v29, v18;
	v9, _, _ =	vpop (xrf0)  }
0x5dd: {  	s17 =	sand.u32 $0x1FC0, s14;
	v17 =	vadd.s32 v35, v17;
	v14 =	vadd.s32 v9, v14;
	v44 =	vsub.f32 v20, v60  }
0x5de: {  	v29 =	vld [tilespmem:s17+$0x2000];
	v45 =	vsub.f32 v20, v61;
	v9 =	vshra.s32 v20, $0x1F;
	v28 =	vmovc v20;
	v20 =	vsub.f32 v27, v60  }
0x5df: {  	v37 =	vmul.f32 $8.000000000e+00, v27;
	v38 =	vmul.f32 $8.000000000e+00, v26;
	v39 =	vsub.f32 v26, v60  }
0x5e0: {  	v31 =	vmovc v13;
	v63 =	vsub.f32 v26, v61;
	v13 =	vmul.f32 $8.000000000e+00, v28;
	v40 =	vmul.f32 $2.048000000e+03, v45  }
0x5e1: {  	v62 =	vsub.f32 v27, v61;
	v20 =	vmul.f32 $2.048000000e+03, v20;
	v41 =	vmul.f32 $2.048000000e+03, v39  }
0x5e2: {  	[tilespmem:v42+s11+$0x0] =	vst.idx.msk vm4, v8;
	v8 =	vmovc v15;
	v15 =	vadd.f32 $1.152000000e+03, v37;
	v33 =	vmul.f32 $2.048000000e+03, v63;
	v42 =	vadd.f32 $1.152000000e+03, v38  }
0x5e3: {  	[tilespmem:v18+s11+$0x0] =	vst.idx.msk vm1, v16;
	v16 =	vmul.f32 $8.000000000e+00, v29;
	v18 =	vmul.f32 $2.048000000e+03, v44;
	v13 =	vadd.f32 $1.152000000e+03, v13  }
0x5e4: {  	[tilespmem:v17+s11+$0x0] =	vst.idx.msk vm3, v43;
	v17 =	vsub.f32 v29, v60;
	v32 =	vmax.f32 v40, $0.0e+00;
	v20 =	vmax.f32 v20, $0.0e+00  }
0x5e5: {  	[tilespmem:$0x1FDC0] =	vst v34;
	v34 =	vmax.f32 v41, $0.0e+00;
	v15 =	vmax.f32 v15, $1.024000000e+03;
	v33 =	vmax.f32 v33, $0.0e+00  }
0x5e6: {  	v35 =	vmax.f32 v42, $1.024000000e+03;
	[tilespmem:v14+s11+$0x0] =	vst.idx.msk vm2, v12;
	v12 =	vsub.f32 v29, v61;
	v14 =	vmul.f32 $2.048000000e+03, v62  }
0x5e7: {  	v18 =	vmax.f32 v18, $0.0e+00;
	v13 =	vmax.f32 v13, $1.024000000e+03;
	v32 =	vmin.f32 v32, $2.560000000e+02  }
0x5e8: {  	v20 =	vmin.f32 v20, $2.560000000e+02;
	v34 =	vmin.f32 v34, $2.560000000e+02;
	v33 =	vmin.f32 v33, $2.560000000e+02  }
0x5e9: {  	v15 =	vmin.f32 v15, $1.280000000e+03;
	v17 =	vmul.f32 $2.048000000e+03, v17;
	v32 =	vtrunc.f32 v32  }
0x5ea: {  	v35 =	vmin.f32 v35, $1.280000000e+03;
	v20 =	vtrunc.f32 v20;
	v34 =	vtrunc.f32 v34  }
0x5eb: {  	v18 =	vmin.f32 v18, $2.560000000e+02;
	v33 =	vtrunc.f32 v33;
	v15 =	vtrunc.f32 v15  }
0x5ec: {  	v13 =	vmin.f32 v13, $1.280000000e+03;
	v35 =	vtrunc.f32 v35;
	v12 =	vmul.f32 $2.048000000e+03, v12  }
0x5ed: {  	v43 =	vshra.s32 v29, $0x1F;
	v18 =	vtrunc.f32 v18;
	v13 =	vtrunc.f32 v13  }
0x5ee: {  	v16 =	vadd.f32 $1.152000000e+03, v16;
	v32 =	vcvt.f32.s32 v32;
	v20 =	vcvt.f32.s32 v20  }
0x5ef: {  	v14 =	vmax.f32 v14, $0.0e+00;
	v34 =	vcvt.f32.s32 v34;
	v33 =	vcvt.f32.s32 v33  }
0x5f0: {  	v16 =	vmax.f32 v16, $1.024000000e+03;
	v15 =	vcvt.f32.s32 v15;
	v35 =	vcvt.f32.s32 v35  }
0x5f1: {  	v14 =	vmin.f32 v14, $2.560000000e+02;
	v17 =	vmax.f32 v17, $0.0e+00;
	v18 =	vcvt.f32.s32 v18  }
0x5f2: {  	v13 =	vcvt.f32.s32 v13;
	v16 =	vmin.f32 v16, $1.280000000e+03;
	v14 =	vtrunc.f32 v14  }
0x5f3: {  	v12 =	vmax.f32 v12, $0.0e+00;
	v17 =	vmin.f32 v17, $2.560000000e+02;
	v16 =	vtrunc.f32 v16  }
0x5f4: {  	vm2 =	vgt.s32 v32, $0x0;
	vm3 =	vgt.s32 v20, $0x0;
	vm5 =	vgt.s32 v34, $0x0  }
0x5f5: {  	vm6 =	vgt.s32 v33, $0x0;
	v15 =	vadd.s32 $0xFFFFFC00, v15;
	v35 =	vadd.s32 $0xFFFFFC00, v35  }
0x5f6: {  	v14 =	vcvt.f32.s32 v14;
	v17 =	vtrunc.f32 v17;
	v12 =	vmin.f32 v12, $2.560000000e+02  }
0x5f7: {  	v16 =	vcvt.f32.s32 v16;
	vm1 =	vgt.s32 v18, $0x0;
	v13 =	vadd.s32 $0xFFFFFC00, v13  }
0x5f8: {  	v32 =	vnsel vm2, $0x0, v32;
	v20 =	vnsel vm3, $0x0, v20;
	v34 =	vnsel vm5, $0x0, v34  }
0x5f9: {  	v33 =	vnsel vm6, $0x0, v33;
	vm5 =	vgt.s32 v35, $0x0;
	v12 =	vtrunc.f32 v12  }
0x5fa: {  	v17 =	vcvt.f32.s32 v17;
	v18 =	vnsel vm1, $0x0, v18;
	vm3 =	vgt.s32 v13, $0x0  }
0x5fb: {  	v32 =	vmin.u32 v32, $0xFF;
	v20 =	vmin.u32 v20, $0xFF;
	v34 =	vmin.u32 v34, $0xFF  }
0x5fc: {  	v33 =	vmin.u32 v33, $0xFF;
	v35 =	vnsel vm5, $0x0, v35;
	v44 =	vcvt.f32.s32 v12  }
0x5fd: {  	v12 =	vshra.s32 v27, $0x1F;
	vm4 =	vgt.s32 v14, $0x0;
	v16 =	vadd.s32 $0xFFFFFC00, v16  }
0x5fe: {  	v18 =	vmin.u32 v18, $0xFF;
	v13 =	vnsel vm3, $0x0, v13;
	vm3 =	veq.s32 v20, v24  }
0x5ff: {  	v14 =	vnsel vm4, $0x0, v14;
	vm1 =	vgt.s32 v17, $0x0;
	vm4 =	vgt.s32 v15, $0x0  }
0x600: {  	vm6 =	vgt.s32 v16, $0x0;
	vm7 =	veq.s32 v18, v24;
	v13 =	vmin.u32 v13, $0xFF  }
0x601: {  	v18 =	vmin.u32 v35, $0xFF;
	vm2 =	vgt.s32 v44, $0x0;
	v14 =	vmin.u32 v14, $0xFF  }
0x602: {  	v17 =	vnsel vm1, $0x0, v17;
	v15 =	vnsel vm4, $0x0, v15;
	vm1 =	veq.s32 v32, v25  }
0x603: {  	vm4 =	veq.s32 v33, v25;
	v16 =	vnsel vm6, $0x0, v16;
	vm9 =	veq.s32 v13, v58  }
0x604: {  	vm10 =	veq.s32 v13, v59;
	vm13 =	veq.s32 v18, v58;
	vm14 =	veq.s32 v18, v59  }
0x605: {  	v37 =	vnsel vm2, $0x0, v44;
	vm5 =	veq.s32 v14, v25;
	vm2 =	veq.s32 v34, v24  }
0x606: {  	v14 =	vmin.u32 v17, $0xFF;
	v15 =	vmin.u32 v15, $0xFF;
	v13 =	vmin.u32 v16, $0xFF  }
0x607: {  	vm7 =	vmand vm7, vm9;
	v17 =	vmin.u32 v37, $0xFF;
	vm6 =	veq.s32 v14, v24  }
0x608: {  	vm11 =	veq.s32 v15, v58;
	vm12 =	veq.s32 v15, v59;
	vm15 =	veq.s32 v13, v58  }
0x609: {  	vm0 =	veq.s32 v13, v59;
	v14 =	vld [tilespmem:$0x1FDC0];
	vm8 =	veq.s32 v17, v25;
	vm6 =	vmand vm6, vm15  }
0x60a: {  	vm5 =	vmand vm5, vm12;
	vm0 =	vmand vm8, vm0;
	vm8 =	vmand vm1, vm10  }
0x60b: {  	vm1 =	vmor vm6, vm0;
	vm0 =	vmand vm3, vm11;
	vm3 =	vmor vm7, vm8  }
0x60c: {  	vm6 =	vmand vm2, vm13;
	v13 =	vmpcnt.ones.xlane vm1;
	vm2 =	vmor vm0, vm5  }
0x60d: {  	vm0 =	vmand vm4, vm14;
	v15 =	vsel vm1, $0x1, v2;
	v18 =	vsel vm3, $0x1, v2  }
0x60e: {  	s15 =	sadd.s32 $0x4, s15;
	v45 =	vsel vm1, $0xFFFFFFFF, v2;
	v63 =	vsel vm3, $0xFFFFFFFF, v2;
	vm8 =	vnez.u8 v14  }
0x60f: {  	p0 =	slt.u32 s15, $0x1FC;
	v14 =	vmpcnt.ones.xlane vm3;
	vm7 =	vmor vm6, vm0;
	v20 =	vsel vm2, $0x1, v2  }
.Ltmp14:
0x610: {  	v10, _, _ =	vpop (xrf0);
	(xrf0) =	vadd.scan.msk.s32 $0xffff, v15;
	v15 =	vsel vm2, $0xFFFFFFFF, v2;
	v17 =	vadd.s32 v30, v13;
	v13 =	vmpcnt.ones.xlane vm2;
	(pc) =	sbr.rel @p0 .LBB2_36-.Ltmp14, $4  }
0x611: {  	v11 =	vmovc v30;
	v16 =	vmpcnt.ones.xlane vm7;
	v62 =	vsel vm7, $0x1, v2;
	v14 =	vadd.s32 v17, v14  }
0x612: {  	(xrf0) =	vadd.scan.msk.s32 $0xffff, v18;
	v18 =	vadd.s32 v45, v11;
	v17 =	vadd.s32 v63, v17;
	v13 =	vadd.s32 v14, v13  }
0x613: {  	(xrf0) =	vadd.scan.msk.s32 $0xffff, v20;
	v14 =	vadd.s32 v15, v14;
	v30 =	vadd.s32 v13, v16;
	v16 =	vsel vm7, $0xFFFFFFFF, v2  }
0x614: {  	s16 =	sadd.s32 $0x40, s16;
	v15 =	vshra.s32 v26, $0x1F;
	(xrf0) =	vadd.scan.msk.s32 $0xffff, v62;
	v13 =	vadd.s32 v16, v13;
	v16 =	vand.u32 $0x7FFFFFFF, v43  }
0x615: {  	(v2sf) =	vpush v30, $0x0;
	_ =	sdelay $0x7  }
0x616: {  	vm0 =	veq.s32 v22, v0;
	v5 =	vsub.s32 v7, v5  }
0x617: {  	v5 =	vnsel vm0, $0x0, v5  }
0x618: {  	v10 =	vadd.s32 v10, v31;
	v7, _, _ =	vpop (xrf0);
	(xrf0) =	vadd.scan.msk.s32 $0xffff, v5  }
0x619: {  	v7 =	vadd.s32 v7, v18;
	v11, _, _ =	vpop (xrf0)  }
0x61a: {  	vm4 =	vmmov vm7;
	v11 =	vadd.s32 v11, v17;
	v17, _, _ =	vpop (xrf0)  }
0x61b: {  	v9 =	vand.u32 $0x7FFFFFFF, v9;
	vm4 =	vmmov vm4;
	v14 =	vadd.s32 v17, v14;
	v17, _, _ =	vpop (xrf0)  }
0x61c: {  	v12 =	vand.u32 $0x7FFFFFFF, v12;
	v5 =	vxor.u32 $0x80000000, v29;
	v13 =	vadd.s32 v17, v13  }
0x61d: {  	v4 =	vadd.s32 v4, v6;
	v18 =	vxor.u32 $0x80000000, v28;
	v5 =	vxor.u32 v5, v16;
	[tilespmem:v10+s11+$0x0] =	vst.idx.msk vm8, v8;
	s14 =	spop (v2sf)  }
0x61e: {  	v6 =	vand.u32 $0x7FFFFFFF, v15;
	v16 =	vxor.u32 $0x80000000, v27;
	v9 =	vxor.u32 v18, v9;
	[tilespmem:v7+s11+$0x0] =	vst.idx.msk vm1, v5;
	v7, _, _ =	vpop (xrf0);
	p0 =	slt.s32 s14, $0x21  }
.Ltmp15:
0x61f: {  	v63 =	vxor.u32 $0x80000000, v26;
	v5 =	vxor.u32 v16, v12;
	[tilespmem:v11+s11+$0x0] =	vst.idx.msk vm3, v9;
	v4 =	vadd.s32 v7, v4;
	(pc) =	sbr.rel @!p0 .LBB2_41-.Ltmp15, $4  }
0x620: {  	[tilespmem:v14+s11+$0x0] =	vst.idx.msk vm2, v5;
	v5 =	vxor.u32 v63, v6;
	v6 =	vbroadcast v4, $0xF  }
0x621: {  	[tilespmem:v13+s11+$0x0] =	vst.idx.msk vm4, v5  }
0x622: {  	v4 =	vsub.s32 $0x200, v6;
	v5 =	vsub.s32 $0x201, v6;
	v6 =	vld [tilespmem:$0x4000]  }
0x623: {  	vm15 =	vmmov vm8  }
0x624: {  	s14 =	simm.s32 $0x0  }
0x625: {  	v9 =	vld [tilespmem:$0x4010];
	v8 =	vmov s14  }
0x626: {  	v8 =	vsub.s32 $0x1F, v8  }
0x627: {  	v8 =	vbroadcast v8, $0x0;
	_ =	sdelay $0x1  }
0x628: {  	v7 =	vimm.s32 $0x0;
	v11 =	vshll.u32 v3, v8;
	v12 =	vshll.u32 v23, v8  }
0x629: {  	v10 =	vor.u32 $0x10, v0;
	v8 =	vor.u32 v7, v11;
	v9 =	vand.u32 v12, v9  }
0x62a: {  	vm1 =	vgt.s32 v30, v10;
	v11 =	vand.u32 v12, v6;
	vm3 =	veq.s32 v9, v8  }
0x62b: {  	vm0 =	vgt.s32 v30, v0;
	s31 =	simm.s32 $0x1;
	vm2 =	veq.s32 v11, v8;
	vm3 =	vmand vm1, vm3  }
0x62c: {  	v11 =	vmov s31;
	vm2 =	vmand vm0, vm2;
	v10 =	vmpcnt.ones.xlane vm3  }
0x62d: {  	v12 =	vsub.s32 $0x1F, v11;
	v9 =	vmpcnt.ones.xlane vm2;
	_ =	sdelay $0x1  }
0x62e: {  	v13 =	vld [tilespmem:$0x4010];
	v14 =	vbroadcast v12, $0x0;
	v11 =	vadd.s32 v9, v10  }
0x62f: {  	s14 =	simm.s32 $0x2;
	v9 =	vimm.s32 $0x0;
	vm2 =	vlt.s32 v4, v11;
	vm3 =	vlt.s32 v5, v11;
	v12 =	vmovc v11;
	v10 =	vmovc v8  }
.LBB2_39:
0x630: {  	p0 =	seq.s32 s14, $0x1F;
	v7 =	vsel vm2, v8, v7;
	v9 =	vsel vm3, v10, v9;
	v8 =	vsel vm3, $0x0, v11  }
0x631: {  	v10 =	vsel vm2, $0x0, v12;
	v5 =	vsub.s32 v5, v8  }
0x632: {  	v11 =	vshll.u32 v3, v14;
	v12 =	vshll.u32 v23, v14;
	v4 =	vsub.s32 v4, v10  }
0x633: {  	v8 =	vor.u32 v7, v11;
	v14 =	vand.u32 v12, v6;
	v12 =	vand.u32 v12, v13  }
0x634: {  	vm2 =	veq.s32 v14, v8;
	vm3 =	veq.s32 v12, v8  }
0x635: {  	v10 =	vor.u32 v9, v11;
	vm2 =	vmand vm0, vm2;
	vm3 =	vmand vm1, vm3  }
0x636: {  	vm4 =	veq.s32 v14, v10;
	v11 =	vmpcnt.ones.xlane vm2;
	vm2 =	veq.s32 v12, v10  }
.Ltmp16:
0x637: {  	vm4 =	vmand vm0, vm4;
	vm2 =	vmand vm1, vm2;
	v12 =	vmpcnt.ones.xlane vm3;
	(pc) =	sbr.rel @!p0 .LBB2_39-.Ltmp16, $4  }
0x638: {  	v14 =	vmpcnt.ones.xlane vm4;
	v15 =	vmpcnt.ones.xlane vm2  }
0x639: {  	v13 =	vmov s14  }
0x63a: {  	v16 =	vsub.s32 $0x1F, v13;
	v12 =	vadd.s32 v11, v12;
	v11 =	vadd.s32 v14, v15;
	v13 =	vld [tilespmem:$0x4010]  }
0x63b: {  	s14 =	sadd.s32 $0x1, s14;
	v14 =	vbroadcast v16, $0x0;
	vm2 =	vlt.s32 v4, v12;
	vm3 =	vlt.s32 v5, v11  }
0x63c: {  	_ = 	snop  }
0x63d: {  	v7 =	vsel vm2, v8, v7;
	v8 =	vshll.u32 v3, v14;
	v61 =	vshll.u32 v23, v14  }
0x63e: {  	v9 =	vsel vm3, v10, v9;
	v15 =	vor.u32 v7, v8;
	v6 =	vand.u32 v61, v6  }
0x63f: {  	v10 =	vor.u32 v9, v8;
	v13 =	vand.u32 v61, v13;
	vm4 =	veq.s32 v6, v15  }
0x640: {  	vm6 =	veq.s32 v6, v10;
	vm5 =	veq.s32 v13, v15;
	vm4 =	vmand vm0, vm4  }
0x641: {  	vm11 =	veq.s32 v13, v10;
	vm12 =	vmand vm0, vm6;
	vm5 =	vmand vm1, vm5  }
0x642: {  	v6 =	vmpcnt.ones.xlane vm4;
	vm13 =	vmand vm1, vm11;
	v62 =	vmpcnt.ones.xlane vm12  }
0x643: {  	v11 =	vsel vm3, $0x0, v11;
	v8 =	vmpcnt.ones.xlane vm5;
	v63 =	vmpcnt.ones.xlane vm13  }
0x644: {  	v5 =	vsub.s32 v5, v11;
	v11 =	vsel vm2, $0x0, v12  }
0x645: {  	v4 =	vsub.s32 v4, v11;
	v6 =	vadd.s32 v6, v8;
	v8 =	vadd.s32 v62, v63  }
0x646: {  	vm14 =	vlt.s32 v4, v6;
	vm15 =	vlt.s32 v5, v8  }
0x647: {  	v8 =	vsel vm14, v15, v7;
	v7 =	vsel vm15, v10, v9  }
.LBB2_47:
0x648: {  	vm0 =	vlt.s32 v8, $0x0;
	vm1 =	vlt.s32 v7, $0x0;
	v5 =	vimm.s32 $0x7FFFFFFF;
	s14 =	simm.s32 $0x2070  }
0x649: {  	v4 =	vsel vm0, $0x0, v5;
	v5 =	vsel vm1, $0x0, v5;
	v6 =	vld [tilespmem:s14+$0xFFFFFFA0]  }
0x64a: {  	v10 =	vld [tilespmem:s14+$0xFFFFFF90];
	v4 =	vxor.u32 v4, v8;
	v5 =	vxor.u32 v5, v7  }
0x64b: {  	v7 =	vld [tilespmem:s14+$0xFFFFFFD0];
	v4 =	vxor.u32 $0x80000000, v4;
	v5 =	vxor.u32 $0x80000000, v5  }
0x64c: {  	v8 =	vld [tilespmem:s14+$0xFFFFFFF0];
	v5 =	vadd.f32 v5, v4  }
0x64d: {  	v4 =	vld [tilespmem:$0x10400]  }
0x64e: {  	v11 =	vld [tilespmem:s14+$0xFFFFFFC0];
	v5 =	vmul.f32 $5.000000000e-01, v5  }
0x64f: {  	v9 =	vld [tilespmem:s14+$0xFFFFFFB0]  }
0x650: {  	v6 =	vsub.f32 v6, v5  }
0x651: {  	v7 =	vsub.f32 v7, v5  }
0x652: {  	v12 =	vld [tilespmem:s14+$0x0];
	v8 =	vsub.f32 v8, v5;
	v6 =	vmul.f32 v6, v4  }
0x653: {  	v13 =	vld [tilespmem:s14+$0xFFFFFFE0];
	v10 =	vsub.f32 v10, v5;
	v11 =	vsub.f32 v11, v5;
	v7 =	vmul.f32 v7, v4  }
0x654: {  	v9 =	vsub.f32 v9, v5;
	v8 =	vmul.f32 v8, v4;
	v6 =	vsub.f32 $0.0e+00, v6  }
0x655: {  	v10 =	vmul.f32 v10, v4;
	v11 =	vmul.f32 v11, v4;
	v7 =	vsub.f32 $0.0e+00, v7  }
0x656: {  	s30 =	simm.s32 $0x20F0;
	v9 =	vmul.f32 v9, v4;
	v6 =	vmul.f32 $1.442695020e+00, v6  }
0x657: {  	v14 =	vld [tilespmem:s30+$0xFFFFFFF0];
	v8 =	vsub.f32 $0.0e+00, v8;
	v10 =	vsub.f32 $0.0e+00, v10;
	v7 =	vmul.f32 $1.442695020e+00, v7  }
0x658: {  	(erf) = vpow2.f32 v6;
	v6 =	vsub.f32 v12, v5;
	v12 =	vsub.f32 v13, v5;
	v13 =	vld [tilespmem:s30+$0xFFFFFFA0]  }
0x659: {  	v11 =	vsub.f32 $0.0e+00, v11;
	v10 =	vmul.f32 $1.442695020e+00, v10;
	(erf) = vpow2.f32 v7;
	v7 =	vld [tilespmem:s30+$0xFFFFFFD0]  }
0x65a: {  	v8 =	vmul.f32 $1.442695020e+00, v8;
	v12 =	vmul.f32 v12, v4  }
0x65b: {  	v9 =	vsub.f32 $0.0e+00, v9;
	v11 =	vmul.f32 $1.442695020e+00, v11;
	(erf) = vpow2.f32 v10  }
0x65c: {  	v6 =	vmul.f32 v6, v4;
	(erf) = vpow2.f32 v8;
	v12 =	vsub.f32 $0.0e+00, v12  }
0x65d: {  	(erf) = vpow2.f32 v11;
	v11 =	vsub.f32 v14, v5;
	v10 =	vsub.f32 v13, v5;
	v13 =	vld [tilespmem:s30+$0x0]  }
0x65e: {  	v9 =	vmul.f32 $1.442695020e+00, v9;
	v8 =	vmul.f32 $1.442695020e+00, v12;
	v12 =	vld [tilespmem:s30+$0xFFFFFF90];
	v7 =	vsub.f32 v7, v5  }
0x65f: {  	v6 =	vsub.f32 $0.0e+00, v6;
	v11 =	vmul.f32 v11, v4;
	v10 =	vmul.f32 v10, v4  }
0x660: {  	v15 =	vld [tilespmem:s30+$0xFFFFFFC0];
	(erf) = vpow2.f32 v9;
	v7 =	vmul.f32 v7, v4  }
0x661: {  	v16 =	vld [tilespmem:s30+$0xFFFFFFB0];
	v6 =	vmul.f32 $1.442695020e+00, v6;
	v11 =	vsub.f32 $0.0e+00, v11;
	v14 =	vpop (erf);
	v9 =	vsub.f32 $0.0e+00, v10  }
0x662: {  	(erf) = vpow2.f32 v8;
	v14 =	vadd.f32 $1.000000000e+00, v14;
	v7 =	vsub.f32 $0.0e+00, v7  }
0x663: {  	v17 =	vpop (erf);
	v13 =	vsub.f32 v13, v5;
	v11 =	vmul.f32 $1.442695020e+00, v11;
	v8 =	vsub.f32 v12, v5  }
0x664: {  	v12 =	vadd.f32 $1.000000000e+00, v17;
	v9 =	vmul.f32 $1.442695020e+00, v9;
	(erf) = vrcp.f32 v14  }
0x665: {  	v10 =	vld [tilespmem:s30+$0xFFFFFFE0];
	v14 =	vsub.f32 v15, v5;
	v13 =	vmul.f32 v13, v4;
	v8 =	vmul.f32 v8, v4  }
0x666: {  	v7 =	vmul.f32 $1.442695020e+00, v7;
	v15 =	vpop (erf);
	(erf) = vrcp.f32 v12;
	v12 =	vsub.f32 v16, v5  }
0x667: {  	v16 =	vpop (erf);
	v14 =	vmul.f32 v14, v4;
	(erf) = vpow2.f32 v6;
	v8 =	vsub.f32 $0.0e+00, v8  }
0x668: {  	s31 =	simm.s32 $0x2170;
	v12 =	vmul.f32 v12, v4;
	(erf) = vpow2.f32 v9;
	v9 =	vadd.f32 $1.000000000e+00, v16  }
0x669: {  	v6 =	vsub.f32 $0.0e+00, v13;
	v16 =	vld [tilespmem:s31+$0xFFFFFFA0];
	v13 =	vpop (erf);
	(erf) = vpow2.f32 v7;
	v8 =	vmul.f32 $1.442695020e+00, v8  }
0x66a: {  	v10 =	vsub.f32 v10, v5;
	v14 =	vsub.f32 $0.0e+00, v14;
	(erf) = vrcp.f32 v9  }
0x66b: {  	v7 =	vpop (erf);
	v12 =	vsub.f32 $0.0e+00, v12;
	(erf) = vpow2.f32 v8;
	v8 =	vadd.f32 $1.000000000e+00, v15  }
0x66c: {  	v10 =	vmul.f32 v10, v4;
	v9 =	vld [tilespmem:s31+$0xFFFFFFD0];
	v7 =	vadd.f32 $1.000000000e+00, v7;
	v17 =	vpop (erf);
	v14 =	vmul.f32 $1.442695020e+00, v14  }
0x66d: {  	v15 =	vld [tilespmem:s31+$0xFFFFFFF0];
	(erf) = vpow2.f32 v11;
	v11 =	vmul.f32 $1.442695020e+00, v12;
	v12 =	vadd.f32 $1.000000000e+00, v17  }
0x66e: {  	v10 =	vsub.f32 $0.0e+00, v10;
	v16 =	vsub.f32 v16, v5;
	(erf) = vrcp.f32 v8  }
0x66f: {  	v20 =	vmul.f32 $1.442695020e+00, v6;
	v8 =	vpop (erf);
	(erf) = vrcp.f32 v7  }
0x670: {  	v6 =	vadd.f32 $1.000000000e+00, v13;
	v13 =	vld [tilespmem:s31+$0xFFFFFF90];
	v10 =	vmul.f32 $1.442695020e+00, v10;
	v18 =	vpop (erf);
	(erf) = vpow2.f32 v14  }
0x671: {  	v9 =	vsub.f32 v9, v5;
	v7 =	vmul.f32 v16, v4;
	(erf) = vrcp.f32 v12;
	v12 =	vpop (erf)  }
0x672: {  	v22 =	vld [tilespmem:s31+$0xFFFFFFC0];
	v15 =	vsub.f32 v15, v5;
	v16 =	vpop (erf);
	v12 =	vadd.f32 $1.000000000e+00, v12;
	(erf) = vrcp.f32 v6  }
0x673: {  	v14 =	vld [tilespmem:s31+$0x0];
	v9 =	vmul.f32 v9, v4;
	v16 =	vadd.f32 $1.000000000e+00, v16;
	(erf) = vpow2.f32 v11  }
0x674: {  	v25 =	vsub.f32 $0.0e+00, v7;
	v11 =	vpop (erf);
	(erf) = vrcp.f32 v12;
	v12 =	vmul.f32 v15, v4  }
0x675: {  	s14 =	simm.s32 $0xE470;
	v17 =	vld [tilespmem:s31+$0xFFFFFFB0];
	v6 =	vpop (erf);
	(erf) = vpow2.f32 v10;
	v10 =	vsub.f32 v13, v5;
	v13 =	vadd.f32 $1.000000000e+00, v11  }
0x676: {  	[tilespmem:s14+$0xFFFFFFA0] =	vst v8;
	v9 =	vsub.f32 $0.0e+00, v9;
	v7 =	vpop (erf);
	v8 =	vsub.f32 $0.0e+00, v12  }
0x677: {  	v24 =	vld [tilespmem:s31+$0xFFFFFFE0];
	[tilespmem:s14+$0xFFFFFFD0] =	vst v18;
	v18 =	vsub.f32 v22, v5;
	(erf) = vrcp.f32 v16;
	v16 =	vpop (erf)  }
0x678: {  	v22 =	vmul.f32 $1.442695020e+00, v25;
	v11 =	vmul.f32 $1.442695020e+00, v9;
	v9 =	vsub.f32 v14, v5;
	v14 =	vpop (erf)  }
0x679: {  	v15 =	vmul.f32 v10, v4;
	(erf) = vrcp.f32 v13;
	v13 =	vpop (erf)  }
0x67a: {  	v17 =	vsub.f32 v17, v5;
	v9 =	vmul.f32 v9, v4;
	v10 =	vmul.f32 $1.442695020e+00, v8;
	[tilespmem:s14+$0xFFFFFF90] =	vst v14;
	v8 =	vpop (erf)  }
0x67b: {  	(erf) = vpow2.f32 v20;
	v15 =	vsub.f32 $0.0e+00, v15;
	v14 =	vmul.f32 v18, v4;
	[tilespmem:s14+$0xFFFFFFB0] =	vst v13;
	v18 =	vpop (erf)  }
0x67c: {  	s17 =	simm.s32 $0x10;
	v12 =	vsub.f32 v24, v5;
	v9 =	vsub.f32 $0.0e+00, v9;
	(erf) = vpow2.f32 v22;
	[tilespmem:s14+$0xFFFFFFE0] =	vst v18;
	v18 =	vpop (erf)  }
0x67d: {  	s15 =	simm.s32 $0xE4F0;
	s18 =	simm.s32 $0x21F0;
	s16 =	simm.s32 $0xE4F0;
	v13 =	vmul.f32 v17, v4;
	v17 =	vadd.f32 $1.000000000e+00, v16;
	v15 =	vmul.f32 $1.442695020e+00, v15;
	v16 =	vpop (erf);
	[tilespmem:s14+$0xFFFFFFC0] =	vst v18  }
.LBB2_48:
0x67e: {  	v18 =	vld [tilespmem:s18+$0xFFFFFFA0];
	s17 =	sadd.s32 $0x8, s17;
	v14 =	vsub.f32 $0.0e+00, v14;
	v12 =	vmul.f32 v12, v4;
	(erf) = vpow2.f32 v11;
	s15 =	sadd.s32 $0x80, s15;
	[tilespmem:s14+$0xFFFFFFF0] =	vst v6;
	v6 =	vpop (erf)  }
0x67f: {  	v13 =	vsub.f32 $0.0e+00, v13;
	v16 =	vadd.f32 $1.000000000e+00, v16;
	v11 =	vld [tilespmem:s18+$0xFFFFFFF0];
	p0 =	slt.u32 s17, $0x1F8;
	v20 =	vpop (erf);
	(erf) = vrcp.f32 v17;
	[tilespmem:s14+$0x0] =	vst v6;
	s14 =	smov.u32 s16;
	s16 =	smov.u32 s15  }
0x680: {  	v22 =	vadd.f32 $1.000000000e+00, v7;
	v6 =	vld [tilespmem:s18+$0xFFFFFFD0];
	v14 =	vmul.f32 $1.442695020e+00, v14;
	(erf) = vpow2.f32 v15;
	v15 =	vpop (erf)  }
0x681: {  	v13 =	vmul.f32 $1.442695020e+00, v13;
	v12 =	vsub.f32 $0.0e+00, v12;
	v17 =	vld [tilespmem:s18+$0xFFFFFFB0];
	(erf) = vpow2.f32 v10;
	[tilespmem:s14+$0xFFFFFFA0] =	vst v15  }
0x682: {  	v15 =	vadd.f32 $1.000000000e+00, v20;
	v10 =	vld [tilespmem:s18+$0x0];
	(erf) = vrcp.f32 v22;
	v7 =	vpop (erf)  }
0x683: {  	v12 =	vmul.f32 $1.442695020e+00, v12;
	v18 =	vsub.f32 v18, v5;
	v20 =	vld [tilespmem:s18+$0xFFFFFFC0];
	[tilespmem:s14+$0xFFFFFFD0] =	vst v7;
	(erf) = vrcp.f32 v16  }
0x684: {  	v22 =	vmul.f32 $1.442695020e+00, v9;
	v7 =	vadd.f32 $1.000000000e+00, v8;
	v16 =	vld [tilespmem:s18+$0xFFFFFFE0];
	(erf) = vpow2.f32 v14  }
0x685: {  	v8 =	vld [tilespmem:s18+$0xFFFFFF90];
	v9 =	vmul.f32 v18, v4;
	v18 =	vsub.f32 v6, v5;
	(erf) = vrcp.f32 v15;
	v14 =	vpop (erf)  }
0x686: {  	v11 =	vsub.f32 v11, v5;
	v15 =	vpop (erf);
	v14 =	vadd.f32 $1.000000000e+00, v14;
	(erf) = vrcp.f32 v7  }
0x687: {  	v25 =	vmul.f32 v18, v4;
	v15 =	vadd.f32 $1.000000000e+00, v15;
	(erf) = vpow2.f32 v13;
	v13 =	vpop (erf)  }
0x688: {  	v17 =	vsub.f32 v17, v5;
	v9 =	vsub.f32 $0.0e+00, v9;
	v6 =	vpop (erf);
	(erf) = vrcp.f32 v14  }
0x689: {  	v18 =	vmul.f32 v11, v4;
	v14 =	vsub.f32 $0.0e+00, v25;
	v7 =	vpop (erf);
	(erf) = vpow2.f32 v12  }
0x68a: {  	v12 =	vadd.f32 $1.000000000e+00, v13;
	v26 =	vsub.f32 v8, v5;
	(erf) = vrcp.f32 v15;
	v24 =	vpop (erf)  }
0x68b: {  	v13 =	vsub.f32 $0.0e+00, v18;
	v11 =	vmul.f32 $1.442695020e+00, v14;
	v14 =	vsub.f32 v10, v5;
	v15 =	vpop (erf)  }
.Ltmp17:
0x68c: {  	v18 =	vmul.f32 v26, v4;
	v26 =	vsub.f32 v20, v5;
	(erf) = vrcp.f32 v12;
	v25 =	vpop (erf);
	(pc) =	sbr.rel @p0 .LBB2_48-.Ltmp17, $4  }
0x68d: {  	v10 =	vmul.f32 $1.442695020e+00, v13;
	v12 =	vsub.f32 v16, v5;
	v27 =	vmul.f32 v14, v4;
	v8 =	vpop (erf);
	[tilespmem:s14+$0xFFFFFF90] =	vst v15  }
0x68e: {  	v15 =	vsub.f32 $0.0e+00, v18;
	v18 =	vmul.f32 $1.442695020e+00, v9;
	v14 =	vmul.f32 v26, v4;
	[tilespmem:s14+$0xFFFFFFB0] =	vst v25;
	v20 =	vpop (erf)  }
0x68f: {  	v13 =	vmul.f32 v17, v4;
	v9 =	vsub.f32 $0.0e+00, v27;
	(erf) = vpow2.f32 v22;
	[tilespmem:s14+$0xFFFFFFE0] =	vst v20;
	v20 =	vpop (erf)  }
0x690: {  	s18 =	sadd.s32 $0x80, s18;
	v17 =	vadd.f32 $1.000000000e+00, v24;
	v15 =	vmul.f32 $1.442695020e+00, v15;
	(erf) = vpow2.f32 v18;
	v16 =	vpop (erf);
	[tilespmem:s14+$0xFFFFFFC0] =	vst v20  }
0x691: {  	(erf) = vpow2.f32 v11  }
0x692: {  	(erf) = vrcp.f32 v17  }
0x693: {  	v5 =	vsub.f32 $0.0e+00, v14;
	v7 =	vadd.f32 $1.000000000e+00, v7;
	(erf) = vpow2.f32 v15  }
0x694: {  	v4 =	vmul.f32 v12, v4;
	v30 =	vpop (erf);
	v31 =	vadd.f32 $1.000000000e+00, v16;
	(erf) = vpow2.f32 v10  }
0x695: {  	v32 =	vpop (erf);
	v5 =	vmul.f32 $1.442695020e+00, v5;
	(erf) = vrcp.f32 v7  }
0x696: {  	v33 =	vsub.f32 $0.0e+00, v13;
	v34 =	vpop (erf);
	v10 =	vadd.f32 $1.000000000e+00, v32;
	(erf) = vrcp.f32 v31  }
0x697: {  	v35 =	vpop (erf);
	(erf) = vpow2.f32 v5;
	v5 =	vadd.f32 $1.000000000e+00, v8  }
0x698: {  	v4 =	vsub.f32 $0.0e+00, v4;
	v7 =	vmul.f32 $1.442695020e+00, v33;
	(erf) = vrcp.f32 v10;
	v36 =	vpop (erf)  }
0x699: {  	v8 =	vadd.f32 $1.000000000e+00, v36;
	(erf) = vrcp.f32 v5  }
0x69a: {  	v4 =	vmul.f32 $1.442695020e+00, v4;
	v37 =	vpop (erf);
	(erf) = vpow2.f32 v7  }
0x69b: {  	v5 =	vpop (erf);
	(erf) = vrcp.f32 v8  }
0x69c: {  	v38 =	vadd.f32 $1.000000000e+00, v37;
	v39 =	vpop (erf);
	(erf) = vpow2.f32 v4;
	v4 =	vadd.f32 $1.000000000e+00, v5  }
0x69d: {  	v5 =	vmul.f32 $1.442695020e+00, v9;
	v40 =	vpop (erf)  }
0x69e: {  	(erf) = vrcp.f32 v38;
	v41 =	vpop (erf)  }
0x69f: {  	(erf) = vrcp.f32 v4;
	v42 =	vpop (erf)  }
0x6a0: {  	v4 =	vpop (erf);
	(erf) = vpow2.f32 v5  }
0x6a1: {  	v5 =	vpop (erf)  }
0x6a2: {  	v43 =	vpop (erf)  }
0x6a3: {  	v44 =	vpop (erf)  }
0x6a4: {  	v16 =	vpop (erf)  }
0x6a5: {  	[tilespmem:s14+$0xFFFFFFF0] =	vst v6;
	v7 =	vadd.f32 $1.000000000e+00, v41;
	v45 =	vpop (erf)  }
0x6a6: {  	[tilespmem:s14+$0x0] =	vst v30;
	v8 =	vadd.f32 $1.000000000e+00, v40;
	v58 =	vadd.f32 $1.000000000e+00, v16;
	v16 =	vpop (erf)  }
0x6a7: {  	[tilespmem:s16+$0xFFFFFFA0] =	vst v34;
	(erf) = vrcp.f32 v7;
	v59 =	vpop (erf)  }
0x6a8: {  	[tilespmem:s16+$0xFFFFFFD0] =	vst v35;
	(erf) = vrcp.f32 v8;
	v60 =	vadd.f32 $1.000000000e+00, v16;
	v61 =	vpop (erf)  }
0x6a9: {  	[tilespmem:s16+$0xFFFFFFF0] =	vst v39;
	v5 =	vadd.f32 $1.000000000e+00, v5;
	(erf) = vrcp.f32 v58;
	v62 =	vpop (erf)  }
0x6aa: {  	[tilespmem:s16+$0xFFFFFFB0] =	vst v4;
	(erf) = vrcp.f32 v60;
	v4 =	vadd.f32 $1.000000000e+00, v62  }
0x6ab: {  	[tilespmem:s16+$0xFFFFFF90] =	vst v42;
	(erf) = vrcp.f32 v5  }
0x6ac: {  	[tilespmem:s16+$0xFFFFFFE0] =	vst v43;
	(erf) = vrcp.f32 v4  }
0x6ad: {  	[tilespmem:s16+$0xFFFFFFC0] =	vst v44  }
0x6ae: {  	s31 =	sadd.s32 $0x80, s15;
	[tilespmem:s16+$0x0] =	vst v45  }
0x6af: {  	[tilespmem:s31+$0xFFFFFFA0] =	vst v59  }
0x6b0: {  	[tilespmem:s31+$0xFFFFFFD0] =	vst v61;
	v4 =	vpop (erf)  }
0x6b1: {  	v5 =	vpop (erf);
	[tilespmem:s31+$0xFFFFFFF0] =	vst v4  }
0x6b2: {  	[tilespmem:s31+$0xFFFFFF90] =	vst v5;
	v63 =	vpop (erf)  }
0x6b3: {  	[tilespmem:s31+$0xFFFFFFB0] =	vst v63;
	v5 =	vpop (erf)  }
0x6b4: {  	[tilespmem:s31+$0xFFFFFFE0] =	vst v5;
	v5 =	vpop (erf)  }
0x6b5: {  	s13 =	sadd.s32 $0x1, s13;
	[tilespmem:s31+$0xFFFFFFC0] =	vst v5;
	v4 =	vpop (erf)  }
0x6b6: {  	p0 =	sne.s32 s13, s6;
	[tilespmem:s31+$0x0] =	vst v4  }
0x6b7: {  	[hbm4b:s5+s3] =	stream.linear.scatter [tilespmem:s12], [sflag:$0x1], $0x4000, $0x38;
	[tilespmem:$0x10480] =	vst v63  }
.Ltmp18:
0x6b8: {  	_ = 	snop;
	(pc) =	sbr.rel @p0 .LBB2_1-.Ltmp18, $4  }
.Ltmp19:
0x6b9: {  	_ = 	snop;
	(pc) =	sbr.rel @!p0 .LBB2_50-.Ltmp19, $4  }
0x6ba: {  	_ =	swait.ge [sflag:s8], $0x4000  }
0x6bb: {  	[sflag:s8] =	ssyncset.done $0x0  }
0x6bc: {  	v20 =	vld [tilespmem:$0x1FF40];
	[sflag:s8] =	ssyncadd.s32 $0xFFFFC000  }
0x6bd: {  	_ = 	snop  }
.LBB2_17:
0x6be: {  	s14 =	sadd.s32 $0xF, s14  }
0x6bf: {  	s15 =	sshra.s32 s14, $0x1F;
	s16 =	sand.u32 $0xF, s14  }
0x6c0: {  	p0 =	slt.s32 s14, $0x1;
	s15 =	sshrl.u32 s15, $0x1C;
	p1 =	sne.s32 s16, $0x0  }
.Ltmp20:
0x6c1: {  	s16 =	simm.s32 $0x1;
	p0 =	por !p0, !p1;
	(pc) =	sbr.rel .LBB2_18-.Ltmp20, $4  }
0x6c2: {  	s14 =	sadd.s32 s15, s14;
	s15 =	simm.s32 $0xFFFFFFFF;
	p0 =	por !p0, !p0  }
0x6c3: {  	s14 =	sshra.s32 s14, $0x4;
	s15 =	simm.s32 @!p0 $0x0;
	s16 =	simm.s32 @!p0 $0x0  }
0x6c4: {  	s16 =	ssub.s32 s14, s16;
	s14 =	sadd.s32 s15, s14  }
0x6c5: {  	v7 =	vimm.s32 $0x0;
	v9 =	vimm.s32 $0x0;
	s15 =	simm.s32 $0x0;
	s14 =	sadd.s32 $0xFFFFFFFE, s14;
	p0 =	slt.s32 s16, $0x3  }
.LBB2_21:
0x6c6: {  	vm0 =	vlt.s32 v16, v8;
	vm1 =	veq.s32 v15, v11;
	vm2 =	veq.s32 v15, v10  }
0x6c7: {  	vm1 =	vmand vm0, vm1;
	vm0 =	vmand vm0, vm2  }
0x6c8: {  	v14 =	vmpcnt.ones.xlane vm1;
	v15 =	vmpcnt.ones.xlane vm0;
	_ =	sdelay $0x1  }
0x6c9: {  	v12 =	vadd.s32 v12, v14;
	v13 =	vadd.s32 v13, v15  }
.LBB2_22:
0x6ca: {  	s15 =	sadd.s32 $0x1, s15  }
0x6cb: {  	p1 =	sne.s32 s15, $0x20  }
.Ltmp21:
0x6cc: {  	_ = 	snop;
	(pc) =	sbr.rel @!p1 .LBB2_23-.Ltmp21, $4  }
0x6cd: {  	_ = 	snop  }
0x6ce: {  	vm0 =	vlt.s32 v4, v12;
	vm1 =	vlt.s32 v5, v13  }
0x6cf: {  	v9 =	vsel vm0, v11, v9;
	v11 =	vsel vm0, $0x0, v12;
	v63 =	vsel vm1, $0x0, v13  }
0x6d0: {  	v7 =	vsel vm1, v10, v7;
	v4 =	vsub.s32 v4, v11;
	v5 =	vsub.s32 v5, v63  }
.LBB2_18:
0x6d1: {  	v10 =	vmov s15  }
0x6d2: {  	v12 =	vld [tilespmem:$0x4010];
	v10 =	vsub.s32 $0x1F, v10  }
0x6d3: {  	v10 =	vbroadcast v10, $0x0  }
0x6d4: {  	v11 =	vor.u32 $0x10, v0  }
0x6d5: {  	vm0 =	vgt.s32 v8, v11;
	v13 =	vshll.u32 v3, v10;
	v14 =	vshll.u32 v23, v10  }
0x6d6: {  	v11 =	vor.u32 v9, v13;
	v10 =	vor.u32 v7, v13;
	v13 =	vand.u32 v14, v6  }
0x6d7: {  	vm1 =	vgt.s32 v8, v0;
	v12 =	vand.u32 v14, v12;
	vm2 =	veq.s32 v13, v11  }
0x6d8: {  	vm3 =	veq.s32 v13, v10;
	vm13 =	veq.s32 v12, v11;
	vm14 =	veq.s32 v12, v10  }
.Ltmp22:
0x6d9: {  	vm2 =	vmand vm1, vm2;
	vm1 =	vmand vm1, vm3;
	vm15 =	vmand vm0, vm13;
	(pc) =	sbr.rel @p0 .LBB2_22-.Ltmp22, $3  }
0x6da: {  	vm0 =	vmand vm0, vm14;
	v13 =	vmpcnt.ones.xlane vm2;
	v15 =	vmpcnt.ones.xlane vm1  }
0x6db: {  	v12 =	vmpcnt.ones.xlane vm15;
	v16 =	vmpcnt.ones.xlane vm0;
	_ =	sdelay $0x1  }
0x6dc: {  	v12 =	vadd.s32 v13, v12;
	v13 =	vadd.s32 v15, v16  }
0x6dd: {  	s16 =	simm.s32 $0x4020  }
0x6de: {  	p1 =	sne.s32 s14, $0x1;
	v15 =	vld [tilespmem:s16+$0x0]  }
.Ltmp23:
0x6df: {  	_ = 	snop;
	(pc) =	sbr.rel @!p1 .LBB2_21-.Ltmp23, $3  }
0x6e0: {  	_ =	sdelay $0x1  }
0x6e1: {  	s16 =	simm.s32 $0x20  }
0x6e2: {  	s17 =	sadd.s32 $0xFFFFFFFF, s14;
	s18 =	simm.s32 $0x4030;
	v16 =	vor.u32 s16, v0;
	v15 =	vand.u32 v14, v15  }
.LBB2_20:
0x6e3: {  	v17 =	vld [tilespmem:s18+$0x0];
	p1 =	sne.s32 s17, $0x1;
	s17 =	sadd.s32 $0xFFFFFFFF, s17;
	vm0 =	vlt.s32 v16, v8;
	vm1 =	veq.s32 v15, v11;
	vm2 =	veq.s32 v15, v10  }
.Ltmp24:
0x6e4: {  	vm1 =	vmand vm0, vm1;
	vm0 =	vmand vm0, vm2;
	(pc) =	sbr.rel @p1 .LBB2_20-.Ltmp24, $3  }
0x6e5: {  	v15 =	vmpcnt.ones.xlane vm1;
	v16 =	vmpcnt.ones.xlane vm0;
	_ =	sdelay $0x1  }
0x6e6: {  	s16 =	sadd.s32 $0x10, s16;
	v12 =	vadd.s32 v12, v15;
	v13 =	vadd.s32 v13, v16  }
0x6e7: {  	s18 =	sadd.s32 $0x10, s18;
	v16 =	vor.u32 s16, v0;
	v15 =	vand.u32 v14, v17  }
.Ltmp25:
0x6e8: {  	_ = 	snop;
	(pc) =	sbr.rel .LBB2_21-.Ltmp25, $1  }
0x6e9: {  	_ =	sdelay $0x3  }
.LBB2_41:
0x6ea: {  	s14 =	sadd.s32 $0xF, s14  }
0x6eb: {  	s15 =	sshra.s32 s14, $0x1F;
	s16 =	sand.u32 $0xF, s14  }
0x6ec: {  	p0 =	slt.s32 s14, $0x1;
	s15 =	sshrl.u32 s15, $0x1C;
	p1 =	sne.s32 s16, $0x0  }
.Ltmp26:
0x6ed: {  	s16 =	simm.s32 $0x1;
	p0 =	por !p0, !p1;
	(pc) =	sbr.rel .LBB2_42-.Ltmp26, $4  }
0x6ee: {  	s14 =	sadd.s32 s15, s14;
	s15 =	simm.s32 $0xFFFFFFFF;
	p0 =	por !p0, !p0  }
0x6ef: {  	s14 =	sshra.s32 s14, $0x4;
	s15 =	simm.s32 @!p0 $0x0;
	s16 =	simm.s32 @!p0 $0x0  }
0x6f0: {  	s16 =	ssub.s32 s14, s16;
	s14 =	sadd.s32 s15, s14  }
0x6f1: {  	v7 =	vimm.s32 $0x0;
	v8 =	vimm.s32 $0x0;
	s15 =	simm.s32 $0x0;
	s14 =	sadd.s32 $0xFFFFFFFE, s14;
	p0 =	slt.s32 s16, $0x3  }
.LBB2_45:
0x6f2: {  	vm0 =	vlt.s32 v15, v30;
	vm1 =	veq.s32 v14, v10;
	vm2 =	veq.s32 v14, v9  }
0x6f3: {  	vm1 =	vmand vm0, vm1;
	vm0 =	vmand vm0, vm2  }
0x6f4: {  	v13 =	vmpcnt.ones.xlane vm1;
	v14 =	vmpcnt.ones.xlane vm0;
	_ =	sdelay $0x1  }
0x6f5: {  	v11 =	vadd.s32 v11, v13;
	v12 =	vadd.s32 v12, v14  }
.LBB2_46:
0x6f6: {  	s15 =	sadd.s32 $0x1, s15  }
0x6f7: {  	p1 =	sne.s32 s15, $0x20  }
.Ltmp27:
0x6f8: {  	_ = 	snop;
	(pc) =	sbr.rel @!p1 .LBB2_47-.Ltmp27, $4  }
0x6f9: {  	_ = 	snop  }
0x6fa: {  	vm0 =	vlt.s32 v4, v11;
	vm1 =	vlt.s32 v5, v12  }
0x6fb: {  	v8 =	vsel vm0, v10, v8;
	v10 =	vsel vm0, $0x0, v11;
	v11 =	vsel vm1, $0x0, v12  }
0x6fc: {  	v7 =	vsel vm1, v9, v7;
	v4 =	vsub.s32 v4, v10;
	v5 =	vsub.s32 v5, v11  }
.LBB2_42:
0x6fd: {  	v9 =	vmov s15  }
0x6fe: {  	v11 =	vld [tilespmem:$0x4010];
	v9 =	vsub.s32 $0x1F, v9  }
0x6ff: {  	v9 =	vbroadcast v9, $0x0  }
0x700: {  	v10 =	vor.u32 $0x10, v0  }
0x701: {  	vm0 =	vgt.s32 v30, v10;
	v12 =	vshll.u32 v3, v9;
	v13 =	vshll.u32 v23, v9  }
0x702: {  	v10 =	vor.u32 v8, v12;
	v9 =	vor.u32 v7, v12;
	v12 =	vand.u32 v13, v6  }
0x703: {  	vm1 =	vgt.s32 v30, v0;
	v11 =	vand.u32 v13, v11;
	vm2 =	veq.s32 v12, v10  }
0x704: {  	vm3 =	veq.s32 v12, v9;
	vm13 =	veq.s32 v11, v10;
	vm14 =	veq.s32 v11, v9  }
.Ltmp28:
0x705: {  	vm2 =	vmand vm1, vm2;
	vm1 =	vmand vm1, vm3;
	vm15 =	vmand vm0, vm13;
	(pc) =	sbr.rel @p0 .LBB2_46-.Ltmp28, $3  }
0x706: {  	vm0 =	vmand vm0, vm14;
	v12 =	vmpcnt.ones.xlane vm2;
	v14 =	vmpcnt.ones.xlane vm1  }
0x707: {  	v11 =	vmpcnt.ones.xlane vm15;
	v15 =	vmpcnt.ones.xlane vm0;
	_ =	sdelay $0x1  }
0x708: {  	v11 =	vadd.s32 v12, v11;
	v12 =	vadd.s32 v14, v15  }
0x709: {  	s16 =	simm.s32 $0x4020  }
0x70a: {  	p1 =	sne.s32 s14, $0x1;
	v14 =	vld [tilespmem:s16+$0x0]  }
.Ltmp29:
0x70b: {  	_ = 	snop;
	(pc) =	sbr.rel @!p1 .LBB2_45-.Ltmp29, $3  }
0x70c: {  	_ =	sdelay $0x1  }
0x70d: {  	s16 =	simm.s32 $0x20  }
0x70e: {  	s17 =	sadd.s32 $0xFFFFFFFF, s14;
	s18 =	simm.s32 $0x4030;
	v15 =	vor.u32 s16, v0;
	v14 =	vand.u32 v13, v14  }
.LBB2_44:
0x70f: {  	v16 =	vld [tilespmem:s18+$0x0];
	p1 =	sne.s32 s17, $0x1;
	s17 =	sadd.s32 $0xFFFFFFFF, s17;
	vm0 =	vlt.s32 v15, v30;
	vm1 =	veq.s32 v14, v10;
	vm2 =	veq.s32 v14, v9  }
.Ltmp30:
0x710: {  	vm1 =	vmand vm0, vm1;
	vm0 =	vmand vm0, vm2;
	(pc) =	sbr.rel @p1 .LBB2_44-.Ltmp30, $3  }
0x711: {  	v14 =	vmpcnt.ones.xlane vm1;
	v15 =	vmpcnt.ones.xlane vm0;
	_ =	sdelay $0x1  }
0x712: {  	s16 =	sadd.s32 $0x10, s16;
	v11 =	vadd.s32 v11, v14;
	v12 =	vadd.s32 v12, v15  }
0x713: {  	s18 =	sadd.s32 $0x10, s18;
	v15 =	vor.u32 s16, v0;
	v14 =	vand.u32 v13, v16  }
.Ltmp31:
0x714: {  	_ = 	snop;
	(pc) =	sbr.rel .LBB2_45-.Ltmp31, $1  }
0x715: {  	_ =	sdelay $0x3  }
.LBB2_50:
0x716: {  	_ =	sfence.sel $0x180000  }
0x717: {  	[bflag:$0x0] =	sbarrier.arrive $0xFFFF  }
0x718: {  	p0 =	sne.s32 s2, $0x0;
	_ =	strace $0x90000047  }
0x719: {  	s0 =	sadd.s32 @!p0 $0x100000, s0;
	[bflag:$0x2] =	sbarrier.arrive $0xFFFF  }
0x71a: {  	[sflag:s0] =	ssyncadd.tile.s32 @!p0 $0x1;
	_ =	shalt  }
.Lfunc_end2:
_tile_overlayer_lowered:
.L_overlay_start_2:
0x71b: {  	(tag) =	ssettag $0x2  }
0x71c: {  	s0 =	rddreg [dreg:$0x0];
	s2 =	stileid.u32  }
0x71d: {  	s1 =	rddreg [dreg:$0x1];
	p0 =	sne.s32 s2, $0x0  }
0x71e: {  	s3 =	rddreg [dreg:$0x2];
	[bflag:$0x3] =	sbarrier.arrive $0xFFFF;
	s2 =	simm.s32 @!p0 $0x1C01  }
0x71f: {  	[timem:s3], [sflag:s2] =	dma.local @!p0 [hbm:s0], s1  }
0x720: {  	s0 =	simm.s32 @!p0 $0x1  }
0x721: {  	_ =	swait.ge @!p0 [sflag:s0], s1  }
0x722: {  	s1 =	ssub.s32 @!p0 $0x0, s1;
	[sflag:s0] =	ssyncset.done @!p0 $0x0  }
0x723: {  	[sflag:s0] =	ssyncadd.s32 @!p0 s1  }
0x724: {  	[bflag:$0x3] =	sbarrier.arrive $0xFFFF  }
0x725: {  	_ =	shalt  }

</sc_bundles>
